<compile_context>
chip_gen: v7x
topology: tpu7x:2x2x1
jax: 0.10.2.dev20260603
libtpu: 0.0.44.dev20260713+nightly
codegen_flags: <defaults>
</compile_context>

<pallas_src>
import jax
import jax.numpy as jnp
from jax import lax
from jax.experimental import pallas as pl
from jax.experimental.pallas import tpu as pltpu
from jax.experimental.pallas import tpu_sc as plsc

B = 4
L = 8192
D = 128
NC = 2
NS = 16
NW = NC * NS
LPW = L // NW
CHUNK = 32
GROWS = B * CHUNK
NG = LPW // CHUNK
NBG = 5
LANES = D // 16


def _body(ids_hbm, embed_hbm, type_hbm, pos_hbm, out_hbm,
          idx_raw, gidx, type_v, pos_v, gbuf,
          sem_idx, sem_pt, sg0, sg1, sg2, sg3, sg4,
          ss0, ss1, ss2, ss3, ss4):
    wid = lax.axis_index("s") * NC + lax.axis_index("c")
    l_base = wid * LPW

    idx_h = pltpu.async_copy(ids_hbm.at[pl.ds(0, B), pl.ds(l_base, LPW)],
                             idx_raw, sem_idx)
    pos_h = pltpu.async_copy(pos_hbm.at[pl.ds(l_base, LPW)], pos_v, sem_pt)
    typ_h = pltpu.async_copy(type_hbm.at[0], type_v, sem_pt)
    idx_h.wait()

    for g in range(NG):
        for b in range(B):
            for j in range(CHUNK // 16):
                gidx[g, pl.ds(b * CHUNK + j * 16, 16)] = (
                    idx_raw[b, pl.ds(g * CHUNK + j * 16, 16)])

    sg = (sg0, sg1, sg2, sg3, sg4)
    ss = (ss0, ss1, ss2, ss3, ss4)

    def issue_gather(g):
        par = g % NBG
        return pltpu.async_copy(embed_hbm.at[gidx.at[g]], gbuf.at[par],
                                sg[par])

    PF = NBG - 1
    g_handles = [None] * NBG
    s_handles = [None] * NBG
    for g in range(PF):
        g_handles[g] = issue_gather(g)

    pos_h.wait()
    typ_h.wait()
    tvecs = [type_v[pl.ds(j * 16, 16)] for j in range(LANES)]

    for g in range(NG):
        par = g % NBG
        g_handles[par].wait()

        boff = g * CHUNK

        def row_body(r, carry):
            bias = [pos_v[boff + r, pl.ds(j * 16, 16)] + tvecs[j]
                    for j in range(LANES)]
            for b in range(B):
                for j in range(LANES):
                    sl = pl.ds(j * 16, 16)
                    plsc.addupdate(gbuf.at[par, b * CHUNK + r, sl], bias[j])
            return carry

        lax.fori_loop(0, CHUNK, row_body, 0)

        s_handles[par] = pltpu.async_copy(
            gbuf.at[par].reshape(B, CHUNK, D),
            out_hbm.at[pl.ds(0, B), pl.ds(l_base + g * CHUNK, CHUNK)],
            ss[par])

        if g + PF < NG:
            npar = (g + PF) % NBG
            if s_handles[npar] is not None:
                s_handles[npar].wait()
                s_handles[npar] = None
            g_handles[npar] = issue_gather(g + PF)

    for h in s_handles:
        if h is not None:
            h.wait()


_emb_lookup = pl.kernel(
    _body,
    out_type=jax.ShapeDtypeStruct((B, L, D), jnp.float32),
    mesh=plsc.VectorSubcoreMesh(core_axis_name="c", subcore_axis_name="s",
                                num_cores=NC, num_subcores=NS),
    scratch_types=[
        pltpu.VMEM((B, LPW), jnp.int32),
        pltpu.VMEM((NG, GROWS), jnp.int32),
        pltpu.VMEM((D,), jnp.float32),
        pltpu.VMEM((LPW, D), jnp.float32),
        pltpu.VMEM((NBG, GROWS, D), jnp.float32),
        pltpu.SemaphoreType.DMA,
        pltpu.SemaphoreType.DMA,
        pltpu.SemaphoreType.DMA,
        pltpu.SemaphoreType.DMA,
        pltpu.SemaphoreType.DMA,
        pltpu.SemaphoreType.DMA,
        pltpu.SemaphoreType.DMA,
        pltpu.SemaphoreType.DMA,
        pltpu.SemaphoreType.DMA,
        pltpu.SemaphoreType.DMA,
        pltpu.SemaphoreType.DMA,
        pltpu.SemaphoreType.DMA,
    ],
)


@jax.jit
def kernel(input_ids, embed_weight, type_weight, pos_weight):
    return _emb_lookup(input_ids.astype(jnp.int32),
                       embed_weight, type_weight, pos_weight)

# --- scband reference (transcript-rebuilt; emitter-appended) ---
"""Pipeline reference for scband-token-embedding-plus-11699490914638 (READ-ONLY COPY).

The authoritative reference and input builder live on the scoring server;
editing this copy changes nothing except your own understanding.
"""

import jax, jax.numpy as jnp
import numpy as np

N_EMB = 100000
D = 128
N_TYPES = 2
N_POS = 8192
B = 4
L = 8192


def setup_inputs(seed: int = 0) -> dict:
    key = jax.random.key(seed)
    k1, k2, k3, k4 = jax.random.split(key, 4)
    input_ids = jax.random.randint(k1, (B, L), 0, N_EMB, dtype=jnp.int64) if jax.config.jax_enable_x64 else jax.random.randint(k1, (B, L), 0, N_EMB, dtype=jnp.int32)
    embed_weight = jax.random.normal(k2, (N_EMB, D), dtype=jnp.float32) * 0.02
    type_weight = jax.random.normal(k3, (N_TYPES, D), dtype=jnp.float32) * 0.02
    pos_weight = jax.random.normal(k4, (N_POS, D), dtype=jnp.float32) * 0.02
    return {
        "input_ids": input_ids,
        "embed_weight": embed_weight,
        "type_weight": type_weight,
        "pos_weight": pos_weight,
    }


def reference(input_ids, embed_weight, type_weight, pos_weight):
    # x = self.embed(input_ids)
    x = jnp.take(embed_weight, input_ids, axis=0)
    # token_type_ids defaults to zeros_like(input_ids)
    token_type_ids = jnp.zeros_like(input_ids)
    x = x + jnp.take(type_weight, token_type_ids, axis=0)
    # input_pos defaults to arange(L) broadcast to (B, L)
    b, l, d = x.shape
    input_pos = jnp.broadcast_to(jnp.arange(l, dtype=input_ids.dtype)[None, :], (b, l))
    x = x + jnp.take(pos_weight, input_pos, axis=0)
    # norm and dropout are None in this configuration -> identity
    return x

if __name__ == "__main__":
    import jax
    _d = setup_inputs()
    print(jax.jit(kernel)(*tuple(_d.values())))

</pallas_src>

<mosaic_0001>
#map = affine_map<(d0, d1) -> (0, 0)>
#map1 = affine_map<(d0, d1) -> (0, 0, 0)>
module attributes {stable_mosaic.version = 14 : i64} {
  func.func @_body(%arg0: i32, %arg1: i32, %arg2: memref<4x8192xi32, #tpu.memory_space<hbm>>, %arg3: memref<100000x128xf32, #tpu.memory_space<hbm>>, %arg4: memref<2x128xf32, #tpu.memory_space<hbm>>, %arg5: memref<8192x128xf32, #tpu.memory_space<hbm>>, %arg6: memref<4x8192x128xf32, #tpu.memory_space<hbm>>, %arg7: memref<4x256xi32, #tpu.memory_space<vmem>>, %arg8: memref<8x128xi32, #tpu.memory_space<vmem>>, %arg9: memref<128xf32, #tpu.memory_space<vmem>>, %arg10: memref<256x128xf32, #tpu.memory_space<vmem>>, %arg11: memref<5x128x128xf32, #tpu.memory_space<vmem>>, %arg12: memref<!tpu.dma_semaphore, #tpu.memory_space<semaphore_mem>>, %arg13: memref<!tpu.dma_semaphore, #tpu.memory_space<semaphore_mem>>, %arg14: memref<!tpu.dma_semaphore, #tpu.memory_space<semaphore_mem>>, %arg15: memref<!tpu.dma_semaphore, #tpu.memory_space<semaphore_mem>>, %arg16: memref<!tpu.dma_semaphore, #tpu.memory_space<semaphore_mem>>, %arg17: memref<!tpu.dma_semaphore, #tpu.memory_space<semaphore_mem>>, %arg18: memref<!tpu.dma_semaphore, #tpu.memory_space<semaphore_mem>>, %arg19: memref<!tpu.dma_semaphore, #tpu.memory_space<semaphore_mem>>, %arg20: memref<!tpu.dma_semaphore, #tpu.memory_space<semaphore_mem>>, %arg21: memref<!tpu.dma_semaphore, #tpu.memory_space<semaphore_mem>>, %arg22: memref<!tpu.dma_semaphore, #tpu.memory_space<semaphore_mem>>, %arg23: memref<!tpu.dma_semaphore, #tpu.memory_space<semaphore_mem>>) attributes {dimension_semantics = [#tpu.dimension_semantics<core_parallel>, #tpu.dimension_semantics<subcore_parallel>], iteration_bounds = array<i64: 2, 16>, scalar_prefetch = 0 : i64, scratch_operands = 17 : i64, tpu.core_type = #tpu.core_type<sc_vector_subcore>, window_params = [{transform_indices = #map}, {transform_indices = #map}, {transform_indices = #map}, {transform_indices = #map}, {transform_indices = #map1}]} {
    %mul3A = arith.constant 2 : i32
    %mul3A_0 = arith.muli %arg1, %mul3A : i32
    %add3A = arith.addi %mul3A_0, %arg0 : i32
    %mul3A_1 = arith.constant 256 : i32
    %mul3A_2 = arith.muli %add3A, %mul3A_1 : i32
    %dma_start3A = arith.constant 0 : i32
    %dma_start3A_3 = tpu.memref_slice %arg2[%dma_start3A, %mul3A_2] : memref<4x8192xi32, #tpu.memory_space<hbm>> -> memref<4x256xi32, #tpu.memory_space<hbm>>
    %dma_start3A_4 = arith.constant 0 : i32
    %dma_start3A_5 = tpu.memref_slice %arg2[%dma_start3A_4, %mul3A_2] : memref<4x8192xi32, #tpu.memory_space<hbm>> -> memref<4x256xi32, #tpu.memory_space<hbm>>
    tpu.enqueue_dma source(%dma_start3A_5 : memref<4x256xi32, #tpu.memory_space<hbm>>) target(%arg7 : memref<4x256xi32, #tpu.memory_space<vmem>>) target_semaphore(%arg12 : memref<!tpu.dma_semaphore, #tpu.memory_space<semaphore_mem>>)
    %dma_start3A_6 = arith.constant 0 : i32
    %dma_start3A_7 = tpu.memref_slice %arg5[%mul3A_2, %dma_start3A_6] : memref<8192x128xf32, #tpu.memory_space<hbm>> -> memref<256x128xf32, #tpu.memory_space<hbm>>
    %dma_start3A_8 = arith.constant 0 : i32
    %dma_start3A_9 = tpu.memref_slice %arg5[%mul3A_2, %dma_start3A_8] : memref<8192x128xf32, #tpu.memory_space<hbm>> -> memref<256x128xf32, #tpu.memory_space<hbm>>
    tpu.enqueue_dma source(%dma_start3A_9 : memref<256x128xf32, #tpu.memory_space<hbm>>) target(%arg10 : memref<256x128xf32, #tpu.memory_space<vmem>>) target_semaphore(%arg13 : memref<!tpu.dma_semaphore, #tpu.memory_space<semaphore_mem>>)
    %dma_start3A_10 = arith.constant 0 : i32
    %dma_start3A_11 = arith.constant 0 : i32
    %dma_start3A_12 = tpu.memref_slice %arg4[%dma_start3A_10, %dma_start3A_11] : memref<2x128xf32, #tpu.memory_space<hbm>> -> memref<1x128xf32, #tpu.memory_space<hbm>>
    %dma_start3A_13 = tpu.memref_squeeze %dma_start3A_12 : memref<1x128xf32, #tpu.memory_space<hbm>> -> memref<128xf32, #tpu.memory_space<hbm>>
    %dma_start3A_14 = arith.constant 0 : i32
    %dma_start3A_15 = tpu.memref_slice %arg4[%dma_start3A_10, %dma_start3A_14] : memref<2x128xf32, #tpu.memory_space<hbm>> -> memref<1x128xf32, #tpu.memory_space<hbm>>
    %dma_start3A_16 = tpu.memref_squeeze %dma_start3A_15 : memref<1x128xf32, #tpu.memory_space<hbm>> -> memref<128xf32, #tpu.memory_space<hbm>>
    tpu.enqueue_dma source(%dma_start3A_16 : memref<128xf32, #tpu.memory_space<hbm>>) target(%arg9 : memref<128xf32, #tpu.memory_space<vmem>>) target_semaphore(%arg13 : memref<!tpu.dma_semaphore, #tpu.memory_space<semaphore_mem>>)
    %dma_wait3A = arith.constant 0 : i32
    %dma_wait3A_17 = tpu.memref_slice %arg2[%dma_wait3A, %mul3A_2] : memref<4x8192xi32, #tpu.memory_space<hbm>> -> memref<4x256xi32, #tpu.memory_space<hbm>>
    %dma_wait3A_18 = arith.constant 0 : i32
    %dma_wait3A_19 = tpu.memref_slice %arg2[%dma_wait3A_18, %mul3A_2] : memref<4x8192xi32, #tpu.memory_space<hbm>> -> memref<4x256xi32, #tpu.memory_space<hbm>>
    tpu.wait_dma2 semaphore(%arg12 : memref<!tpu.dma_semaphore, #tpu.memory_space<semaphore_mem>>) src(%dma_wait3A_19 : memref<4x256xi32, #tpu.memory_space<hbm>>) dst(%arg7 : memref<4x256xi32, #tpu.memory_space<vmem>>)
    %get3A = arith.constant 0 : i32
    %get3A_20 = arith.index_cast %get3A : i32 to index
    %get3A_21 = arith.constant 0 : index
    %get3A_22 = tpu.vector_load %arg7[%get3A_20, %get3A_21] {strides = array<i32>} : memref<4x256xi32, #tpu.memory_space<vmem>>, vector<1x16xi32>,
    %get3A_23 = vector.shape_cast %get3A_22 : vector<1x16xi32> to vector<16xi32>
    %swap3A = arith.constant 0 : i32
    %swap3A_24 = arith.index_cast %swap3A : i32 to index
    %swap3A_25 = arith.constant 0 : index
    %swap3A_26 = tpu.vector_load %arg8[%swap3A_24, %swap3A_25] {strides = array<i32>} : memref<8x128xi32, #tpu.memory_space<vmem>>, vector<1x16xi32>,
    %swap3A_27 = vector.shape_cast %swap3A_26 : vector<1x16xi32> to vector<16xi32>
    %swap3A_28 = vector.shape_cast %get3A_23 : vector<16xi32> to vector<1x16xi32>
    tpu.vector_store %arg8[%swap3A_24, %swap3A_25], %swap3A_28 {strides = array<i32>} : memref<8x128xi32, #tpu.memory_space<vmem>>, vector<1x16xi32>,
    %get3A_29 = arith.constant 0 : i32
    %get3A_30 = arith.index_cast %get3A_29 : i32 to index
    %get3A_31 = arith.constant 16 : index
    %get3A_32 = tpu.vector_load %arg7[%get3A_30, %get3A_31] {strides = array<i32>} : memref<4x256xi32, #tpu.memory_space<vmem>>, vector<1x16xi32>,
    %get3A_33 = vector.shape_cast %get3A_32 : vector<1x16xi32> to vector<16xi32>
    %swap3A_34 = arith.constant 0 : i32
    %swap3A_35 = arith.index_cast %swap3A_34 : i32 to index
    %swap3A_36 = arith.constant 16 : index
    %swap3A_37 = tpu.vector_load %arg8[%swap3A_35, %swap3A_36] {strides = array<i32>} : memref<8x128xi32, #tpu.memory_space<vmem>>, vector<1x16xi32>,
    %swap3A_38 = vector.shape_cast %swap3A_37 : vector<1x16xi32> to vector<16xi32>
    %swap3A_39 = vector.shape_cast %get3A_33 : vector<16xi32> to vector<1x16xi32>
    tpu.vector_store %arg8[%swap3A_35, %swap3A_36], %swap3A_39 {strides = array<i32>} : memref<8x128xi32, #tpu.memory_space<vmem>>, vector<1x16xi32>,
    %get3A_40 = arith.constant 1 : i32
    %get3A_41 = arith.index_cast %get3A_40 : i32 to index
    %get3A_42 = arith.constant 0 : index
    %get3A_43 = tpu.vector_load %arg7[%get3A_41, %get3A_42] {strides = array<i32>} : memref<4x256xi32, #tpu.memory_space<vmem>>, vector<1x16xi32>,
    %get3A_44 = vector.shape_cast %get3A_43 : vector<1x16xi32> to vector<16xi32>
    %swap3A_45 = arith.constant 0 : i32
    %swap3A_46 = arith.index_cast %swap3A_45 : i32 to index
    %swap3A_47 = arith.constant 32 : index
    %swap3A_48 = tpu.vector_load %arg8[%swap3A_46, %swap3A_47] {strides = array<i32>} : memref<8x128xi32, #tpu.memory_space<vmem>>, vector<1x16xi32>,
    %swap3A_49 = vector.shape_cast %swap3A_48 : vector<1x16xi32> to vector<16xi32>
    %swap3A_50 = vector.shape_cast %get3A_44 : vector<16xi32> to vector<1x16xi32>
    tpu.vector_store %arg8[%swap3A_46, %swap3A_47], %swap3A_50 {strides = array<i32>} : memref<8x128xi32, #tpu.memory_space<vmem>>, vector<1x16xi32>,
    %get3A_51 = arith.constant 1 : i32
    %get3A_52 = arith.index_cast %get3A_51 : i32 to index
    %get3A_53 = arith.constant 16 : index
    %get3A_54 = tpu.vector_load %arg7[%get3A_52, %get3A_53] {strides = array<i32>} : memref<4x256xi32, #tpu.memory_space<vmem>>, vector<1x16xi32>,
    %get3A_55 = vector.shape_cast %get3A_54 : vector<1x16xi32> to vector<16xi32>
    %swap3A_56 = arith.constant 0 : i32
    %swap3A_57 = arith.index_cast %swap3A_56 : i32 to index
    %swap3A_58 = arith.constant 48 : index
    %swap3A_59 = tpu.vector_load %arg8[%swap3A_57, %swap3A_58] {strides = array<i32>} : memref<8x128xi32, #tpu.memory_space<vmem>>, vector<1x16xi32>,
    %swap3A_60 = vector.shape_cast %swap3A_59 : vector<1x16xi32> to vector<16xi32>
    %swap3A_61 = vector.shape_cast %get3A_55 : vector<16xi32> to vector<1x16xi32>
    tpu.vector_store %arg8[%swap3A_57, %swap3A_58], %swap3A_61 {strides = array<i32>} : memref<8x128xi32, #tpu.memory_space<vmem>>, vector<1x16xi32>,
    %get3A_62 = arith.constant 2 : i32
    %get3A_63 = arith.index_cast %get3A_62 : i32 to index
    %get3A_64 = arith.constant 0 : index
    %get3A_65 = tpu.vector_load %arg7[%get3A_63, %get3A_64] {strides = array<i32>} : memref<4x256xi32, #tpu.memory_space<vmem>>, vector<1x16xi32>,
    %get3A_66 = vector.shape_cast %get3A_65 : vector<1x16xi32> to vector<16xi32>
    %swap3A_67 = arith.constant 0 : i32
    %swap3A_68 = arith.index_cast %swap3A_67 : i32 to index
    %swap3A_69 = arith.constant 64 : index
    %swap3A_70 = tpu.vector_load %arg8[%swap3A_68, %swap3A_69] {strides = array<i32>} : memref<8x128xi32, #tpu.memory_space<vmem>>, vector<1x16xi32>,
    %swap3A_71 = vector.shape_cast %swap3A_70 : vector<1x16xi32> to vector<16xi32>
    %swap3A_72 = vector.shape_cast %get3A_66 : vector<16xi32> to vector<1x16xi32>
    tpu.vector_store %arg8[%swap3A_68, %swap3A_69], %swap3A_72 {strides = array<i32>} : memref<8x128xi32, #tpu.memory_space<vmem>>, vector<1x16xi32>,
    %get3A_73 = arith.constant 2 : i32
    %get3A_74 = arith.index_cast %get3A_73 : i32 to index
    %get3A_75 = arith.constant 16 : index
    %get3A_76 = tpu.vector_load %arg7[%get3A_74, %get3A_75] {strides = array<i32>} : memref<4x256xi32, #tpu.memory_space<vmem>>, vector<1x16xi32>,
    %get3A_77 = vector.shape_cast %get3A_76 : vector<1x16xi32> to vector<16xi32>
    %swap3A_78 = arith.constant 0 : i32
    %swap3A_79 = arith.index_cast %swap3A_78 : i32 to index
    %swap3A_80 = arith.constant 80 : index
    %swap3A_81 = tpu.vector_load %arg8[%swap3A_79, %swap3A_80] {strides = array<i32>} : memref<8x128xi32, #tpu.memory_space<vmem>>, vector<1x16xi32>,
    %swap3A_82 = vector.shape_cast %swap3A_81 : vector<1x16xi32> to vector<16xi32>
    %swap3A_83 = vector.shape_cast %get3A_77 : vector<16xi32> to vector<1x16xi32>
    tpu.vector_store %arg8[%swap3A_79, %swap3A_80], %swap3A_83 {strides = array<i32>} : memref<8x128xi32, #tpu.memory_space<vmem>>, vector<1x16xi32>,
    %get3A_84 = arith.constant 3 : i32
    %get3A_85 = arith.index_cast %get3A_84 : i32 to index
    %get3A_86 = arith.constant 0 : index
    %get3A_87 = tpu.vector_load %arg7[%get3A_85, %get3A_86] {strides = array<i32>} : memref<4x256xi32, #tpu.memory_space<vmem>>, vector<1x16xi32>,
    %get3A_88 = vector.shape_cast %get3A_87 : vector<1x16xi32> to vector<16xi32>
    %swap3A_89 = arith.constant 0 : i32
    %swap3A_90 = arith.index_cast %swap3A_89 : i32 to index
    %swap3A_91 = arith.constant 96 : index
    %swap3A_92 = tpu.vector_load %arg8[%swap3A_90, %swap3A_91] {strides = array<i32>} : memref<8x128xi32, #tpu.memory_space<vmem>>, vector<1x16xi32>,
    %swap3A_93 = vector.shape_cast %swap3A_92 : vector<1x16xi32> to vector<16xi32>
    %swap3A_94 = vector.shape_cast %get3A_88 : vector<16xi32> to vector<1x16xi32>
    tpu.vector_store %arg8[%swap3A_90, %swap3A_91], %swap3A_94 {strides = array<i32>} : memref<8x128xi32, #tpu.memory_space<vmem>>, vector<1x16xi32>,
    %get3A_95 = arith.constant 3 : i32
    %get3A_96 = arith.index_cast %get3A_95 : i32 to index
    %get3A_97 = arith.constant 16 : index
    %get3A_98 = tpu.vector_load %arg7[%get3A_96, %get3A_97] {strides = array<i32>} : memref<4x256xi32, #tpu.memory_space<vmem>>, vector<1x16xi32>,
    %get3A_99 = vector.shape_cast %get3A_98 : vector<1x16xi32> to vector<16xi32>
    %swap3A_100 = arith.constant 0 : i32
    %swap3A_101 = arith.index_cast %swap3A_100 : i32 to index
    %swap3A_102 = arith.constant 112 : index
    %swap3A_103 = tpu.vector_load %arg8[%swap3A_101, %swap3A_102] {strides = array<i32>} : memref<8x128xi32, #tpu.memory_space<vmem>>, vector<1x16xi32>,
    %swap3A_104 = vector.shape_cast %swap3A_103 : vector<1x16xi32> to vector<16xi32>
    %swap3A_105 = vector.shape_cast %get3A_99 : vector<16xi32> to vector<1x16xi32>
    tpu.vector_store %arg8[%swap3A_101, %swap3A_102], %swap3A_105 {strides = array<i32>} : memref<8x128xi32, #tpu.memory_space<vmem>>, vector<1x16xi32>,
    %get3A_106 = arith.constant 0 : i32
    %get3A_107 = arith.index_cast %get3A_106 : i32 to index
    %get3A_108 = arith.constant 32 : index
    %get3A_109 = tpu.vector_load %arg7[%get3A_107, %get3A_108] {strides = array<i32>} : memref<4x256xi32, #tpu.memory_space<vmem>>, vector<1x16xi32>,
    %get3A_110 = vector.shape_cast %get3A_109 : vector<1x16xi32> to vector<16xi32>
    %swap3A_111 = arith.constant 1 : i32
    %swap3A_112 = arith.index_cast %swap3A_111 : i32 to index
    %swap3A_113 = arith.constant 0 : index
    %swap3A_114 = tpu.vector_load %arg8[%swap3A_112, %swap3A_113] {strides = array<i32>} : memref<8x128xi32, #tpu.memory_space<vmem>>, vector<1x16xi32>,
    %swap3A_115 = vector.shape_cast %swap3A_114 : vector<1x16xi32> to vector<16xi32>
    %swap3A_116 = vector.shape_cast %get3A_110 : vector<16xi32> to vector<1x16xi32>
    tpu.vector_store %arg8[%swap3A_112, %swap3A_113], %swap3A_116 {strides = array<i32>} : memref<8x128xi32, #tpu.memory_space<vmem>>, vector<1x16xi32>,
    %get3A_117 = arith.constant 0 : i32
    %get3A_118 = arith.index_cast %get3A_117 : i32 to index
    %get3A_119 = arith.constant 48 : index
    %get3A_120 = tpu.vector_load %arg7[%get3A_118, %get3A_119] {strides = array<i32>} : memref<4x256xi32, #tpu.memory_space<vmem>>, vector<1x16xi32>,
    %get3A_121 = vector.shape_cast %get3A_120 : vector<1x16xi32> to vector<16xi32>
    %swap3A_122 = arith.constant 1 : i32
    %swap3A_123 = arith.index_cast %swap3A_122 : i32 to index
    %swap3A_124 = arith.constant 16 : index
    %swap3A_125 = tpu.vector_load %arg8[%swap3A_123, %swap3A_124] {strides = array<i32>} : memref<8x128xi32, #tpu.memory_space<vmem>>, vector<1x16xi32>,
    %swap3A_126 = vector.shape_cast %swap3A_125 : vector<1x16xi32> to vector<16xi32>
    %swap3A_127 = vector.shape_cast %get3A_121 : vector<16xi32> to vector<1x16xi32>
    tpu.vector_store %arg8[%swap3A_123, %swap3A_124], %swap3A_127 {strides = array<i32>} : memref<8x128xi32, #tpu.memory_space<vmem>>, vector<1x16xi32>,
    %get3A_128 = arith.constant 1 : i32
    %get3A_129 = arith.index_cast %get3A_128 : i32 to index
    %get3A_130 = arith.constant 32 : index
    %get3A_131 = tpu.vector_load %arg7[%get3A_129, %get3A_130] {strides = array<i32>} : memref<4x256xi32, #tpu.memory_space<vmem>>, vector<1x16xi32>,
    %get3A_132 = vector.shape_cast %get3A_131 : vector<1x16xi32> to vector<16xi32>
    %swap3A_133 = arith.constant 1 : i32
    %swap3A_134 = arith.index_cast %swap3A_133 : i32 to index
    %swap3A_135 = arith.constant 32 : index
    %swap3A_136 = tpu.vector_load %arg8[%swap3A_134, %swap3A_135] {strides = array<i32>} : memref<8x128xi32, #tpu.memory_space<vmem>>, vector<1x16xi32>,
    %swap3A_137 = vector.shape_cast %swap3A_136 : vector<1x16xi32> to vector<16xi32>
    %swap3A_138 = vector.shape_cast %get3A_132 : vector<16xi32> to vector<1x16xi32>
    tpu.vector_store %arg8[%swap3A_134, %swap3A_135], %swap3A_138 {strides = array<i32>} : memref<8x128xi32, #tpu.memory_space<vmem>>, vector<1x16xi32>,
    %get3A_139 = arith.constant 1 : i32
    %get3A_140 = arith.index_cast %get3A_139 : i32 to index
    %get3A_141 = arith.constant 48 : index
    %get3A_142 = tpu.vector_load %arg7[%get3A_140, %get3A_141] {strides = array<i32>} : memref<4x256xi32, #tpu.memory_space<vmem>>, vector<1x16xi32>,
    %get3A_143 = vector.shape_cast %get3A_142 : vector<1x16xi32> to vector<16xi32>
    %swap3A_144 = arith.constant 1 : i32
    %swap3A_145 = arith.index_cast %swap3A_144 : i32 to index
    %swap3A_146 = arith.constant 48 : index
    %swap3A_147 = tpu.vector_load %arg8[%swap3A_145, %swap3A_146] {strides = array<i32>} : memref<8x128xi32, #tpu.memory_space<vmem>>, vector<1x16xi32>,
    %swap3A_148 = vector.shape_cast %swap3A_147 : vector<1x16xi32> to vector<16xi32>
    %swap3A_149 = vector.shape_cast %get3A_143 : vector<16xi32> to vector<1x16xi32>
    tpu.vector_store %arg8[%swap3A_145, %swap3A_146], %swap3A_149 {strides = array<i32>} : memref<8x128xi32, #tpu.memory_space<vmem>>, vector<1x16xi32>,
    %get3A_150 = arith.constant 2 : i32
    %get3A_151 = arith.index_cast %get3A_150 : i32 to index
    %get3A_152 = arith.constant 32 : index
    %get3A_153 = tpu.vector_load %arg7[%get3A_151, %get3A_152] {strides = array<i32>} : memref<4x256xi32, #tpu.memory_space<vmem>>, vector<1x16xi32>,
    %get3A_154 = vector.shape_cast %get3A_153 : vector<1x16xi32> to vector<16xi32>
    %swap3A_155 = arith.constant 1 : i32
    %swap3A_156 = arith.index_cast %swap3A_155 : i32 to index
    %swap3A_157 = arith.constant 64 : index
    %swap3A_158 = tpu.vector_load %arg8[%swap3A_156, %swap3A_157] {strides = array<i32>} : memref<8x128xi32, #tpu.memory_space<vmem>>, vector<1x16xi32>,
    %swap3A_159 = vector.shape_cast %swap3A_158 : vector<1x16xi32> to vector<16xi32>
    %swap3A_160 = vector.shape_cast %get3A_154 : vector<16xi32> to vector<1x16xi32>
    tpu.vector_store %arg8[%swap3A_156, %swap3A_157], %swap3A_160 {strides = array<i32>} : memref<8x128xi32, #tpu.memory_space<vmem>>, vector<1x16xi32>,
    %get3A_161 = arith.constant 2 : i32
    %get3A_162 = arith.index_cast %get3A_161 : i32 to index
    %get3A_163 = arith.constant 48 : index
    %get3A_164 = tpu.vector_load %arg7[%get3A_162, %get3A_163] {strides = array<i32>} : memref<4x256xi32, #tpu.memory_space<vmem>>, vector<1x16xi32>,
    %get3A_165 = vector.shape_cast %get3A_164 : vector<1x16xi32> to vector<16xi32>
    %swap3A_166 = arith.constant 1 : i32
    %swap3A_167 = arith.index_cast %swap3A_166 : i32 to index
    %swap3A_168 = arith.constant 80 : index
    %swap3A_169 = tpu.vector_load %arg8[%swap3A_167, %swap3A_168] {strides = array<i32>} : memref<8x128xi32, #tpu.memory_space<vmem>>, vector<1x16xi32>,
    %swap3A_170 = vector.shape_cast %swap3A_169 : vector<1x16xi32> to vector<16xi32>
    %swap3A_171 = vector.shape_cast %get3A_165 : vector<16xi32> to vector<1x16xi32>
    tpu.vector_store %arg8[%swap3A_167, %swap3A_168], %swap3A_171 {strides = array<i32>} : memref<8x128xi32, #tpu.memory_space<vmem>>, vector<1x16xi32>,
    %get3A_172 = arith.constant 3 : i32
    %get3A_173 = arith.index_cast %get3A_172 : i32 to index
    %get3A_174 = arith.constant 32 : index
    %get3A_175 = tpu.vector_load %arg7[%get3A_173, %get3A_174] {strides = array<i32>} : memref<4x256xi32, #tpu.memory_space<vmem>>, vector<1x16xi32>,
    %get3A_176 = vector.shape_cast %get3A_175 : vector<1x16xi32> to vector<16xi32>
    %swap3A_177 = arith.constant 1 : i32
    %swap3A_178 = arith.index_cast %swap3A_177 : i32 to index
    %swap3A_179 = arith.constant 96 : index
    %swap3A_180 = tpu.vector_load %arg8[%swap3A_178, %swap3A_179] {strides = array<i32>} : memref<8x128xi32, #tpu.memory_space<vmem>>, vector<1x16xi32>,
    %swap3A_181 = vector.shape_cast %swap3A_180 : vector<1x16xi32> to vector<16xi32>
    %swap3A_182 = vector.shape_cast %get3A_176 : vector<16xi32> to vector<1x16xi32>
    tpu.vector_store %arg8[%swap3A_178, %swap3A_179], %swap3A_182 {strides = array<i32>} : memref<8x128xi32, #tpu.memory_space<vmem>>, vector<1x16xi32>,
    %get3A_183 = arith.constant 3 : i32
    %get3A_184 = arith.index_cast %get3A_183 : i32 to index
    %get3A_185 = arith.constant 48 : index
    %get3A_186 = tpu.vector_load %arg7[%get3A_184, %get3A_185] {strides = array<i32>} : memref<4x256xi32, #tpu.memory_space<vmem>>, vector<1x16xi32>,
    %get3A_187 = vector.shape_cast %get3A_186 : vector<1x16xi32> to vector<16xi32>
    %swap3A_188 = arith.constant 1 : i32
    %swap3A_189 = arith.index_cast %swap3A_188 : i32 to index
    %swap3A_190 = arith.constant 112 : index
    %swap3A_191 = tpu.vector_load %arg8[%swap3A_189, %swap3A_190] {strides = array<i32>} : memref<8x128xi32, #tpu.memory_space<vmem>>, vector<1x16xi32>,
    %swap3A_192 = vector.shape_cast %swap3A_191 : vector<1x16xi32> to vector<16xi32>
    %swap3A_193 = vector.shape_cast %get3A_187 : vector<16xi32> to vector<1x16xi32>
    tpu.vector_store %arg8[%swap3A_189, %swap3A_190], %swap3A_193 {strides = array<i32>} : memref<8x128xi32, #tpu.memory_space<vmem>>, vector<1x16xi32>,
    %get3A_194 = arith.constant 0 : i32
    %get3A_195 = arith.index_cast %get3A_194 : i32 to index
    %get3A_196 = arith.constant 64 : index
    %get3A_197 = tpu.vector_load %arg7[%get3A_195, %get3A_196] {strides = array<i32>} : memref<4x256xi32, #tpu.memory_space<vmem>>, vector<1x16xi32>,
    %get3A_198 = vector.shape_cast %get3A_197 : vector<1x16xi32> to vector<16xi32>
    %swap3A_199 = arith.constant 2 : i32
    %swap3A_200 = arith.index_cast %swap3A_199 : i32 to index
    %swap3A_201 = arith.constant 0 : index
    %swap3A_202 = tpu.vector_load %arg8[%swap3A_200, %swap3A_201] {strides = array<i32>} : memref<8x128xi32, #tpu.memory_space<vmem>>, vector<1x16xi32>,
    %swap3A_203 = vector.shape_cast %swap3A_202 : vector<1x16xi32> to vector<16xi32>
    %swap3A_204 = vector.shape_cast %get3A_198 : vector<16xi32> to vector<1x16xi32>
    tpu.vector_store %arg8[%swap3A_200, %swap3A_201], %swap3A_204 {strides = array<i32>} : memref<8x128xi32, #tpu.memory_space<vmem>>, vector<1x16xi32>,
    %get3A_205 = arith.constant 0 : i32
    %get3A_206 = arith.index_cast %get3A_205 : i32 to index
    %get3A_207 = arith.constant 80 : index
    %get3A_208 = tpu.vector_load %arg7[%get3A_206, %get3A_207] {strides = array<i32>} : memref<4x256xi32, #tpu.memory_space<vmem>>, vector<1x16xi32>,
    %get3A_209 = vector.shape_cast %get3A_208 : vector<1x16xi32> to vector<16xi32>
    %swap3A_210 = arith.constant 2 : i32
    %swap3A_211 = arith.index_cast %swap3A_210 : i32 to index
    %swap3A_212 = arith.constant 16 : index
    %swap3A_213 = tpu.vector_load %arg8[%swap3A_211, %swap3A_212] {strides = array<i32>} : memref<8x128xi32, #tpu.memory_space<vmem>>, vector<1x16xi32>,
    %swap3A_214 = vector.shape_cast %swap3A_213 : vector<1x16xi32> to vector<16xi32>
    %swap3A_215 = vector.shape_cast %get3A_209 : vector<16xi32> to vector<1x16xi32>
    tpu.vector_store %arg8[%swap3A_211, %swap3A_212], %swap3A_215 {strides = array<i32>} : memref<8x128xi32, #tpu.memory_space<vmem>>, vector<1x16xi32>,
    %get3A_216 = arith.constant 1 : i32
    %get3A_217 = arith.index_cast %get3A_216 : i32 to index
    %get3A_218 = arith.constant 64 : index
    %get3A_219 = tpu.vector_load %arg7[%get3A_217, %get3A_218] {strides = array<i32>} : memref<4x256xi32, #tpu.memory_space<vmem>>, vector<1x16xi32>,
    %get3A_220 = vector.shape_cast %get3A_219 : vector<1x16xi32> to vector<16xi32>
    %swap3A_221 = arith.constant 2 : i32
    %swap3A_222 = arith.index_cast %swap3A_221 : i32 to index
    %swap3A_223 = arith.constant 32 : index
    %swap3A_224 = tpu.vector_load %arg8[%swap3A_222, %swap3A_223] {strides = array<i32>} : memref<8x128xi32, #tpu.memory_space<vmem>>, vector<1x16xi32>,
    %swap3A_225 = vector.shape_cast %swap3A_224 : vector<1x16xi32> to vector<16xi32>
    %swap3A_226 = vector.shape_cast %get3A_220 : vector<16xi32> to vector<1x16xi32>
    tpu.vector_store %arg8[%swap3A_222, %swap3A_223], %swap3A_226 {strides = array<i32>} : memref<8x128xi32, #tpu.memory_space<vmem>>, vector<1x16xi32>,
    %get3A_227 = arith.constant 1 : i32
    %get3A_228 = arith.index_cast %get3A_227 : i32 to index
    %get3A_229 = arith.constant 80 : index
    %get3A_230 = tpu.vector_load %arg7[%get3A_228, %get3A_229] {strides = array<i32>} : memref<4x256xi32, #tpu.memory_space<vmem>>, vector<1x16xi32>,
    %get3A_231 = vector.shape_cast %get3A_230 : vector<1x16xi32> to vector<16xi32>
    %swap3A_232 = arith.constant 2 : i32
    %swap3A_233 = arith.index_cast %swap3A_232 : i32 to index
    %swap3A_234 = arith.constant 48 : index
    %swap3A_235 = tpu.vector_load %arg8[%swap3A_233, %swap3A_234] {strides = array<i32>} : memref<8x128xi32, #tpu.memory_space<vmem>>, vector<1x16xi32>,
    %swap3A_236 = vector.shape_cast %swap3A_235 : vector<1x16xi32> to vector<16xi32>
    %swap3A_237 = vector.shape_cast %get3A_231 : vector<16xi32> to vector<1x16xi32>
    tpu.vector_store %arg8[%swap3A_233, %swap3A_234], %swap3A_237 {strides = array<i32>} : memref<8x128xi32, #tpu.memory_space<vmem>>, vector<1x16xi32>,
    %get3A_238 = arith.constant 2 : i32
    %get3A_239 = arith.index_cast %get3A_238 : i32 to index
    %get3A_240 = arith.constant 64 : index
    %get3A_241 = tpu.vector_load %arg7[%get3A_239, %get3A_240] {strides = array<i32>} : memref<4x256xi32, #tpu.memory_space<vmem>>, vector<1x16xi32>,
    %get3A_242 = vector.shape_cast %get3A_241 : vector<1x16xi32> to vector<16xi32>
    %swap3A_243 = arith.constant 2 : i32
    %swap3A_244 = arith.index_cast %swap3A_243 : i32 to index
    %swap3A_245 = arith.constant 64 : index
    %swap3A_246 = tpu.vector_load %arg8[%swap3A_244, %swap3A_245] {strides = array<i32>} : memref<8x128xi32, #tpu.memory_space<vmem>>, vector<1x16xi32>,
    %swap3A_247 = vector.shape_cast %swap3A_246 : vector<1x16xi32> to vector<16xi32>
    %swap3A_248 = vector.shape_cast %get3A_242 : vector<16xi32> to vector<1x16xi32>
    tpu.vector_store %arg8[%swap3A_244, %swap3A_245], %swap3A_248 {strides = array<i32>} : memref<8x128xi32, #tpu.memory_space<vmem>>, vector<1x16xi32>,
    %get3A_249 = arith.constant 2 : i32
    %get3A_250 = arith.index_cast %get3A_249 : i32 to index
    %get3A_251 = arith.constant 80 : index
    %get3A_252 = tpu.vector_load %arg7[%get3A_250, %get3A_251] {strides = array<i32>} : memref<4x256xi32, #tpu.memory_space<vmem>>, vector<1x16xi32>,
    %get3A_253 = vector.shape_cast %get3A_252 : vector<1x16xi32> to vector<16xi32>
    %swap3A_254 = arith.constant 2 : i32
    %swap3A_255 = arith.index_cast %swap3A_254 : i32 to index
    %swap3A_256 = arith.constant 80 : index
    %swap3A_257 = tpu.vector_load %arg8[%swap3A_255, %swap3A_256] {strides = array<i32>} : memref<8x128xi32, #tpu.memory_space<vmem>>, vector<1x16xi32>,
    %swap3A_258 = vector.shape_cast %swap3A_257 : vector<1x16xi32> to vector<16xi32>
    %swap3A_259 = vector.shape_cast %get3A_253 : vector<16xi32> to vector<1x16xi32>
    tpu.vector_store %arg8[%swap3A_255, %swap3A_256], %swap3A_259 {strides = array<i32>} : memref<8x128xi32, #tpu.memory_space<vmem>>, vector<1x16xi32>,
    %get3A_260 = arith.constant 3 : i32
    %get3A_261 = arith.index_cast %get3A_260 : i32 to index
    %get3A_262 = arith.constant 64 : index
    %get3A_263 = tpu.vector_load %arg7[%get3A_261, %get3A_262] {strides = array<i32>} : memref<4x256xi32, #tpu.memory_space<vmem>>, vector<1x16xi32>,
    %get3A_264 = vector.shape_cast %get3A_263 : vector<1x16xi32> to vector<16xi32>
    %swap3A_265 = arith.constant 2 : i32
    %swap3A_266 = arith.index_cast %swap3A_265 : i32 to index
    %swap3A_267 = arith.constant 96 : index
    %swap3A_268 = tpu.vector_load %arg8[%swap3A_266, %swap3A_267] {strides = array<i32>} : memref<8x128xi32, #tpu.memory_space<vmem>>, vector<1x16xi32>,
    %swap3A_269 = vector.shape_cast %swap3A_268 : vector<1x16xi32> to vector<16xi32>
    %swap3A_270 = vector.shape_cast %get3A_264 : vector<16xi32> to vector<1x16xi32>
    tpu.vector_store %arg8[%swap3A_266, %swap3A_267], %swap3A_270 {strides = array<i32>} : memref<8x128xi32, #tpu.memory_space<vmem>>, vector<1x16xi32>,
    %get3A_271 = arith.constant 3 : i32
    %get3A_272 = arith.index_cast %get3A_271 : i32 to index
    %get3A_273 = arith.constant 80 : index
    %get3A_274 = tpu.vector_load %arg7[%get3A_272, %get3A_273] {strides = array<i32>} : memref<4x256xi32, #tpu.memory_space<vmem>>, vector<1x16xi32>,
    %get3A_275 = vector.shape_cast %get3A_274 : vector<1x16xi32> to vector<16xi32>
    %swap3A_276 = arith.constant 2 : i32
    %swap3A_277 = arith.index_cast %swap3A_276 : i32 to index
    %swap3A_278 = arith.constant 112 : index
    %swap3A_279 = tpu.vector_load %arg8[%swap3A_277, %swap3A_278] {strides = array<i32>} : memref<8x128xi32, #tpu.memory_space<vmem>>, vector<1x16xi32>,
    %swap3A_280 = vector.shape_cast %swap3A_279 : vector<1x16xi32> to vector<16xi32>
    %swap3A_281 = vector.shape_cast %get3A_275 : vector<16xi32> to vector<1x16xi32>
    tpu.vector_store %arg8[%swap3A_277, %swap3A_278], %swap3A_281 {strides = array<i32>} : memref<8x128xi32, #tpu.memory_space<vmem>>, vector<1x16xi32>,
    %get3A_282 = arith.constant 0 : i32
    %get3A_283 = arith.index_cast %get3A_282 : i32 to index
    %get3A_284 = arith.constant 96 : index
    %get3A_285 = tpu.vector_load %arg7[%get3A_283, %get3A_284] {strides = array<i32>} : memref<4x256xi32, #tpu.memory_space<vmem>>, vector<1x16xi32>,
    %get3A_286 = vector.shape_cast %get3A_285 : vector<1x16xi32> to vector<16xi32>
    %swap3A_287 = arith.constant 3 : i32
    %swap3A_288 = arith.index_cast %swap3A_287 : i32 to index
    %swap3A_289 = arith.constant 0 : index
    %swap3A_290 = tpu.vector_load %arg8[%swap3A_288, %swap3A_289] {strides = array<i32>} : memref<8x128xi32, #tpu.memory_space<vmem>>, vector<1x16xi32>,
    %swap3A_291 = vector.shape_cast %swap3A_290 : vector<1x16xi32> to vector<16xi32>
    %swap3A_292 = vector.shape_cast %get3A_286 : vector<16xi32> to vector<1x16xi32>
    tpu.vector_store %arg8[%swap3A_288, %swap3A_289], %swap3A_292 {strides = array<i32>} : memref<8x128xi32, #tpu.memory_space<vmem>>, vector<1x16xi32>,
    %get3A_293 = arith.constant 0 : i32
    %get3A_294 = arith.index_cast %get3A_293 : i32 to index
    %get3A_295 = arith.constant 112 : index
    %get3A_296 = tpu.vector_load %arg7[%get3A_294, %get3A_295] {strides = array<i32>} : memref<4x256xi32, #tpu.memory_space<vmem>>, vector<1x16xi32>,
    %get3A_297 = vector.shape_cast %get3A_296 : vector<1x16xi32> to vector<16xi32>
    %swap3A_298 = arith.constant 3 : i32
    %swap3A_299 = arith.index_cast %swap3A_298 : i32 to index
    %swap3A_300 = arith.constant 16 : index
    %swap3A_301 = tpu.vector_load %arg8[%swap3A_299, %swap3A_300] {strides = array<i32>} : memref<8x128xi32, #tpu.memory_space<vmem>>, vector<1x16xi32>,
    %swap3A_302 = vector.shape_cast %swap3A_301 : vector<1x16xi32> to vector<16xi32>
    %swap3A_303 = vector.shape_cast %get3A_297 : vector<16xi32> to vector<1x16xi32>
    tpu.vector_store %arg8[%swap3A_299, %swap3A_300], %swap3A_303 {strides = array<i32>} : memref<8x128xi32, #tpu.memory_space<vmem>>, vector<1x16xi32>,
    %get3A_304 = arith.constant 1 : i32
    %get3A_305 = arith.index_cast %get3A_304 : i32 to index
    %get3A_306 = arith.constant 96 : index
    %get3A_307 = tpu.vector_load %arg7[%get3A_305, %get3A_306] {strides = array<i32>} : memref<4x256xi32, #tpu.memory_space<vmem>>, vector<1x16xi32>,
    %get3A_308 = vector.shape_cast %get3A_307 : vector<1x16xi32> to vector<16xi32>
    %swap3A_309 = arith.constant 3 : i32
    %swap3A_310 = arith.index_cast %swap3A_309 : i32 to index
    %swap3A_311 = arith.constant 32 : index
    %swap3A_312 = tpu.vector_load %arg8[%swap3A_310, %swap3A_311] {strides = array<i32>} : memref<8x128xi32, #tpu.memory_space<vmem>>, vector<1x16xi32>,
    %swap3A_313 = vector.shape_cast %swap3A_312 : vector<1x16xi32> to vector<16xi32>
    %swap3A_314 = vector.shape_cast %get3A_308 : vector<16xi32> to vector<1x16xi32>
    tpu.vector_store %arg8[%swap3A_310, %swap3A_311], %swap3A_314 {strides = array<i32>} : memref<8x128xi32, #tpu.memory_space<vmem>>, vector<1x16xi32>,
    %get3A_315 = arith.constant 1 : i32
    %get3A_316 = arith.index_cast %get3A_315 : i32 to index
    %get3A_317 = arith.constant 112 : index
    %get3A_318 = tpu.vector_load %arg7[%get3A_316, %get3A_317] {strides = array<i32>} : memref<4x256xi32, #tpu.memory_space<vmem>>, vector<1x16xi32>,
    %get3A_319 = vector.shape_cast %get3A_318 : vector<1x16xi32> to vector<16xi32>
    %swap3A_320 = arith.constant 3 : i32
    %swap3A_321 = arith.index_cast %swap3A_320 : i32 to index
    %swap3A_322 = arith.constant 48 : index
    %swap3A_323 = tpu.vector_load %arg8[%swap3A_321, %swap3A_322] {strides = array<i32>} : memref<8x128xi32, #tpu.memory_space<vmem>>, vector<1x16xi32>,
    %swap3A_324 = vector.shape_cast %swap3A_323 : vector<1x16xi32> to vector<16xi32>
    %swap3A_325 = vector.shape_cast %get3A_319 : vector<16xi32> to vector<1x16xi32>
    tpu.vector_store %arg8[%swap3A_321, %swap3A_322], %swap3A_325 {strides = array<i32>} : memref<8x128xi32, #tpu.memory_space<vmem>>, vector<1x16xi32>,
    %get3A_326 = arith.constant 2 : i32
    %get3A_327 = arith.index_cast %get3A_326 : i32 to index
    %get3A_328 = arith.constant 96 : index
    %get3A_329 = tpu.vector_load %arg7[%get3A_327, %get3A_328] {strides = array<i32>} : memref<4x256xi32, #tpu.memory_space<vmem>>, vector<1x16xi32>,
    %get3A_330 = vector.shape_cast %get3A_329 : vector<1x16xi32> to vector<16xi32>
    %swap3A_331 = arith.constant 3 : i32
    %swap3A_332 = arith.index_cast %swap3A_331 : i32 to index
    %swap3A_333 = arith.constant 64 : index
    %swap3A_334 = tpu.vector_load %arg8[%swap3A_332, %swap3A_333] {strides = array<i32>} : memref<8x128xi32, #tpu.memory_space<vmem>>, vector<1x16xi32>,
    %swap3A_335 = vector.shape_cast %swap3A_334 : vector<1x16xi32> to vector<16xi32>
    %swap3A_336 = vector.shape_cast %get3A_330 : vector<16xi32> to vector<1x16xi32>
    tpu.vector_store %arg8[%swap3A_332, %swap3A_333], %swap3A_336 {strides = array<i32>} : memref<8x128xi32, #tpu.memory_space<vmem>>, vector<1x16xi32>,
    %get3A_337 = arith.constant 2 : i32
    %get3A_338 = arith.index_cast %get3A_337 : i32 to index
    %get3A_339 = arith.constant 112 : index
    %get3A_340 = tpu.vector_load %arg7[%get3A_338, %get3A_339] {strides = array<i32>} : memref<4x256xi32, #tpu.memory_space<vmem>>, vector<1x16xi32>,
    %get3A_341 = vector.shape_cast %get3A_340 : vector<1x16xi32> to vector<16xi32>
    %swap3A_342 = arith.constant 3 : i32
    %swap3A_343 = arith.index_cast %swap3A_342 : i32 to index
    %swap3A_344 = arith.constant 80 : index
    %swap3A_345 = tpu.vector_load %arg8[%swap3A_343, %swap3A_344] {strides = array<i32>} : memref<8x128xi32, #tpu.memory_space<vmem>>, vector<1x16xi32>,
    %swap3A_346 = vector.shape_cast %swap3A_345 : vector<1x16xi32> to vector<16xi32>
    %swap3A_347 = vector.shape_cast %get3A_341 : vector<16xi32> to vector<1x16xi32>
    tpu.vector_store %arg8[%swap3A_343, %swap3A_344], %swap3A_347 {strides = array<i32>} : memref<8x128xi32, #tpu.memory_space<vmem>>, vector<1x16xi32>,
    %get3A_348 = arith.constant 3 : i32
    %get3A_349 = arith.index_cast %get3A_348 : i32 to index
    %get3A_350 = arith.constant 96 : index
    %get3A_351 = tpu.vector_load %arg7[%get3A_349, %get3A_350] {strides = array<i32>} : memref<4x256xi32, #tpu.memory_space<vmem>>, vector<1x16xi32>,
    %get3A_352 = vector.shape_cast %get3A_351 : vector<1x16xi32> to vector<16xi32>
    %swap3A_353 = arith.constant 3 : i32
    %swap3A_354 = arith.index_cast %swap3A_353 : i32 to index
    %swap3A_355 = arith.constant 96 : index
    %swap3A_356 = tpu.vector_load %arg8[%swap3A_354, %swap3A_355] {strides = array<i32>} : memref<8x128xi32, #tpu.memory_space<vmem>>, vector<1x16xi32>,
    %swap3A_357 = vector.shape_cast %swap3A_356 : vector<1x16xi32> to vector<16xi32>
    %swap3A_358 = vector.shape_cast %get3A_352 : vector<16xi32> to vector<1x16xi32>
    tpu.vector_store %arg8[%swap3A_354, %swap3A_355], %swap3A_358 {strides = array<i32>} : memref<8x128xi32, #tpu.memory_space<vmem>>, vector<1x16xi32>,
    %get3A_359 = arith.constant 3 : i32
    %get3A_360 = arith.index_cast %get3A_359 : i32 to index
    %get3A_361 = arith.constant 112 : index
    %get3A_362 = tpu.vector_load %arg7[%get3A_360, %get3A_361] {strides = array<i32>} : memref<4x256xi32, #tpu.memory_space<vmem>>, vector<1x16xi32>,
    %get3A_363 = vector.shape_cast %get3A_362 : vector<1x16xi32> to vector<16xi32>
    %swap3A_364 = arith.constant 3 : i32
    %swap3A_365 = arith.index_cast %swap3A_364 : i32 to index
    %swap3A_366 = arith.constant 112 : index
    %swap3A_367 = tpu.vector_load %arg8[%swap3A_365, %swap3A_366] {strides = array<i32>} : memref<8x128xi32, #tpu.memory_space<vmem>>, vector<1x16xi32>,
    %swap3A_368 = vector.shape_cast %swap3A_367 : vector<1x16xi32> to vector<16xi32>
    %swap3A_369 = vector.shape_cast %get3A_363 : vector<16xi32> to vector<1x16xi32>
    tpu.vector_store %arg8[%swap3A_365, %swap3A_366], %swap3A_369 {strides = array<i32>} : memref<8x128xi32, #tpu.memory_space<vmem>>, vector<1x16xi32>,
    %get3A_370 = arith.constant 0 : i32
    %get3A_371 = arith.index_cast %get3A_370 : i32 to index
    %get3A_372 = arith.constant 128 : index
    %get3A_373 = tpu.vector_load %arg7[%get3A_371, %get3A_372] {strides = array<i32>} : memref<4x256xi32, #tpu.memory_space<vmem>>, vector<1x16xi32>,
    %get3A_374 = vector.shape_cast %get3A_373 : vector<1x16xi32> to vector<16xi32>
    %swap3A_375 = arith.constant 4 : i32
    %swap3A_376 = arith.index_cast %swap3A_375 : i32 to index
    %swap3A_377 = arith.constant 0 : index
    %swap3A_378 = tpu.vector_load %arg8[%swap3A_376, %swap3A_377] {strides = array<i32>} : memref<8x128xi32, #tpu.memory_space<vmem>>, vector<1x16xi32>,
    %swap3A_379 = vector.shape_cast %swap3A_378 : vector<1x16xi32> to vector<16xi32>
    %swap3A_380 = vector.shape_cast %get3A_374 : vector<16xi32> to vector<1x16xi32>
    tpu.vector_store %arg8[%swap3A_376, %swap3A_377], %swap3A_380 {strides = array<i32>} : memref<8x128xi32, #tpu.memory_space<vmem>>, vector<1x16xi32>,
    %get3A_381 = arith.constant 0 : i32
    %get3A_382 = arith.index_cast %get3A_381 : i32 to index
    %get3A_383 = arith.constant 144 : index
    %get3A_384 = tpu.vector_load %arg7[%get3A_382, %get3A_383] {strides = array<i32>} : memref<4x256xi32, #tpu.memory_space<vmem>>, vector<1x16xi32>,
    %get3A_385 = vector.shape_cast %get3A_384 : vector<1x16xi32> to vector<16xi32>
    %swap3A_386 = arith.constant 4 : i32
    %swap3A_387 = arith.index_cast %swap3A_386 : i32 to index
    %swap3A_388 = arith.constant 16 : index
    %swap3A_389 = tpu.vector_load %arg8[%swap3A_387, %swap3A_388] {strides = array<i32>} : memref<8x128xi32, #tpu.memory_space<vmem>>, vector<1x16xi32>,
    %swap3A_390 = vector.shape_cast %swap3A_389 : vector<1x16xi32> to vector<16xi32>
    %swap3A_391 = vector.shape_cast %get3A_385 : vector<16xi32> to vector<1x16xi32>
    tpu.vector_store %arg8[%swap3A_387, %swap3A_388], %swap3A_391 {strides = array<i32>} : memref<8x128xi32, #tpu.memory_space<vmem>>, vector<1x16xi32>,
    %get3A_392 = arith.constant 1 : i32
    %get3A_393 = arith.index_cast %get3A_392 : i32 to index
    %get3A_394 = arith.constant 128 : index
    %get3A_395 = tpu.vector_load %arg7[%get3A_393, %get3A_394] {strides = array<i32>} : memref<4x256xi32, #tpu.memory_space<vmem>>, vector<1x16xi32>,
    %get3A_396 = vector.shape_cast %get3A_395 : vector<1x16xi32> to vector<16xi32>
    %swap3A_397 = arith.constant 4 : i32
    %swap3A_398 = arith.index_cast %swap3A_397 : i32 to index
    %swap3A_399 = arith.constant 32 : index
    %swap3A_400 = tpu.vector_load %arg8[%swap3A_398, %swap3A_399] {strides = array<i32>} : memref<8x128xi32, #tpu.memory_space<vmem>>, vector<1x16xi32>,
    %swap3A_401 = vector.shape_cast %swap3A_400 : vector<1x16xi32> to vector<16xi32>
    %swap3A_402 = vector.shape_cast %get3A_396 : vector<16xi32> to vector<1x16xi32>
    tpu.vector_store %arg8[%swap3A_398, %swap3A_399], %swap3A_402 {strides = array<i32>} : memref<8x128xi32, #tpu.memory_space<vmem>>, vector<1x16xi32>,
    %get3A_403 = arith.constant 1 : i32
    %get3A_404 = arith.index_cast %get3A_403 : i32 to index
    %get3A_405 = arith.constant 144 : index
    %get3A_406 = tpu.vector_load %arg7[%get3A_404, %get3A_405] {strides = array<i32>} : memref<4x256xi32, #tpu.memory_space<vmem>>, vector<1x16xi32>,
    %get3A_407 = vector.shape_cast %get3A_406 : vector<1x16xi32> to vector<16xi32>
    %swap3A_408 = arith.constant 4 : i32
    %swap3A_409 = arith.index_cast %swap3A_408 : i32 to index
    %swap3A_410 = arith.constant 48 : index
    %swap3A_411 = tpu.vector_load %arg8[%swap3A_409, %swap3A_410] {strides = array<i32>} : memref<8x128xi32, #tpu.memory_space<vmem>>, vector<1x16xi32>,
    %swap3A_412 = vector.shape_cast %swap3A_411 : vector<1x16xi32> to vector<16xi32>
    %swap3A_413 = vector.shape_cast %get3A_407 : vector<16xi32> to vector<1x16xi32>
    tpu.vector_store %arg8[%swap3A_409, %swap3A_410], %swap3A_413 {strides = array<i32>} : memref<8x128xi32, #tpu.memory_space<vmem>>, vector<1x16xi32>,
    %get3A_414 = arith.constant 2 : i32
    %get3A_415 = arith.index_cast %get3A_414 : i32 to index
    %get3A_416 = arith.constant 128 : index
    %get3A_417 = tpu.vector_load %arg7[%get3A_415, %get3A_416] {strides = array<i32>} : memref<4x256xi32, #tpu.memory_space<vmem>>, vector<1x16xi32>,
    %get3A_418 = vector.shape_cast %get3A_417 : vector<1x16xi32> to vector<16xi32>
    %swap3A_419 = arith.constant 4 : i32
    %swap3A_420 = arith.index_cast %swap3A_419 : i32 to index
    %swap3A_421 = arith.constant 64 : index
    %swap3A_422 = tpu.vector_load %arg8[%swap3A_420, %swap3A_421] {strides = array<i32>} : memref<8x128xi32, #tpu.memory_space<vmem>>, vector<1x16xi32>,
    %swap3A_423 = vector.shape_cast %swap3A_422 : vector<1x16xi32> to vector<16xi32>
    %swap3A_424 = vector.shape_cast %get3A_418 : vector<16xi32> to vector<1x16xi32>
    tpu.vector_store %arg8[%swap3A_420, %swap3A_421], %swap3A_424 {strides = array<i32>} : memref<8x128xi32, #tpu.memory_space<vmem>>, vector<1x16xi32>,
    %get3A_425 = arith.constant 2 : i32
    %get3A_426 = arith.index_cast %get3A_425 : i32 to index
    %get3A_427 = arith.constant 144 : index
    %get3A_428 = tpu.vector_load %arg7[%get3A_426, %get3A_427] {strides = array<i32>} : memref<4x256xi32, #tpu.memory_space<vmem>>, vector<1x16xi32>,
    %get3A_429 = vector.shape_cast %get3A_428 : vector<1x16xi32> to vector<16xi32>
    %swap3A_430 = arith.constant 4 : i32
    %swap3A_431 = arith.index_cast %swap3A_430 : i32 to index
    %swap3A_432 = arith.constant 80 : index
    %swap3A_433 = tpu.vector_load %arg8[%swap3A_431, %swap3A_432] {strides = array<i32>} : memref<8x128xi32, #tpu.memory_space<vmem>>, vector<1x16xi32>,
    %swap3A_434 = vector.shape_cast %swap3A_433 : vector<1x16xi32> to vector<16xi32>
    %swap3A_435 = vector.shape_cast %get3A_429 : vector<16xi32> to vector<1x16xi32>
    tpu.vector_store %arg8[%swap3A_431, %swap3A_432], %swap3A_435 {strides = array<i32>} : memref<8x128xi32, #tpu.memory_space<vmem>>, vector<1x16xi32>,
    %get3A_436 = arith.constant 3 : i32
    %get3A_437 = arith.index_cast %get3A_436 : i32 to index
    %get3A_438 = arith.constant 128 : index
    %get3A_439 = tpu.vector_load %arg7[%get3A_437, %get3A_438] {strides = array<i32>} : memref<4x256xi32, #tpu.memory_space<vmem>>, vector<1x16xi32>,
    %get3A_440 = vector.shape_cast %get3A_439 : vector<1x16xi32> to vector<16xi32>
    %swap3A_441 = arith.constant 4 : i32
    %swap3A_442 = arith.index_cast %swap3A_441 : i32 to index
    %swap3A_443 = arith.constant 96 : index
    %swap3A_444 = tpu.vector_load %arg8[%swap3A_442, %swap3A_443] {strides = array<i32>} : memref<8x128xi32, #tpu.memory_space<vmem>>, vector<1x16xi32>,
    %swap3A_445 = vector.shape_cast %swap3A_444 : vector<1x16xi32> to vector<16xi32>
    %swap3A_446 = vector.shape_cast %get3A_440 : vector<16xi32> to vector<1x16xi32>
    tpu.vector_store %arg8[%swap3A_442, %swap3A_443], %swap3A_446 {strides = array<i32>} : memref<8x128xi32, #tpu.memory_space<vmem>>, vector<1x16xi32>,
    %get3A_447 = arith.constant 3 : i32
    %get3A_448 = arith.index_cast %get3A_447 : i32 to index
    %get3A_449 = arith.constant 144 : index
    %get3A_450 = tpu.vector_load %arg7[%get3A_448, %get3A_449] {strides = array<i32>} : memref<4x256xi32, #tpu.memory_space<vmem>>, vector<1x16xi32>,
    %get3A_451 = vector.shape_cast %get3A_450 : vector<1x16xi32> to vector<16xi32>
    %swap3A_452 = arith.constant 4 : i32
    %swap3A_453 = arith.index_cast %swap3A_452 : i32 to index
    %swap3A_454 = arith.constant 112 : index
    %swap3A_455 = tpu.vector_load %arg8[%swap3A_453, %swap3A_454] {strides = array<i32>} : memref<8x128xi32, #tpu.memory_space<vmem>>, vector<1x16xi32>,
    %swap3A_456 = vector.shape_cast %swap3A_455 : vector<1x16xi32> to vector<16xi32>
    %swap3A_457 = vector.shape_cast %get3A_451 : vector<16xi32> to vector<1x16xi32>
    tpu.vector_store %arg8[%swap3A_453, %swap3A_454], %swap3A_457 {strides = array<i32>} : memref<8x128xi32, #tpu.memory_space<vmem>>, vector<1x16xi32>,
    %get3A_458 = arith.constant 0 : i32
    %get3A_459 = arith.index_cast %get3A_458 : i32 to index
    %get3A_460 = arith.constant 160 : index
    %get3A_461 = tpu.vector_load %arg7[%get3A_459, %get3A_460] {strides = array<i32>} : memref<4x256xi32, #tpu.memory_space<vmem>>, vector<1x16xi32>,
    %get3A_462 = vector.shape_cast %get3A_461 : vector<1x16xi32> to vector<16xi32>
    %swap3A_463 = arith.constant 5 : i32
    %swap3A_464 = arith.index_cast %swap3A_463 : i32 to index
    %swap3A_465 = arith.constant 0 : index
    %swap3A_466 = tpu.vector_load %arg8[%swap3A_464, %swap3A_465] {strides = array<i32>} : memref<8x128xi32, #tpu.memory_space<vmem>>, vector<1x16xi32>,
    %swap3A_467 = vector.shape_cast %swap3A_466 : vector<1x16xi32> to vector<16xi32>
    %swap3A_468 = vector.shape_cast %get3A_462 : vector<16xi32> to vector<1x16xi32>
    tpu.vector_store %arg8[%swap3A_464, %swap3A_465], %swap3A_468 {strides = array<i32>} : memref<8x128xi32, #tpu.memory_space<vmem>>, vector<1x16xi32>,
    %get3A_469 = arith.constant 0 : i32
    %get3A_470 = arith.index_cast %get3A_469 : i32 to index
    %get3A_471 = arith.constant 176 : index
    %get3A_472 = tpu.vector_load %arg7[%get3A_470, %get3A_471] {strides = array<i32>} : memref<4x256xi32, #tpu.memory_space<vmem>>, vector<1x16xi32>,
    %get3A_473 = vector.shape_cast %get3A_472 : vector<1x16xi32> to vector<16xi32>
    %swap3A_474 = arith.constant 5 : i32
    %swap3A_475 = arith.index_cast %swap3A_474 : i32 to index
    %swap3A_476 = arith.constant 16 : index
    %swap3A_477 = tpu.vector_load %arg8[%swap3A_475, %swap3A_476] {strides = array<i32>} : memref<8x128xi32, #tpu.memory_space<vmem>>, vector<1x16xi32>,
    %swap3A_478 = vector.shape_cast %swap3A_477 : vector<1x16xi32> to vector<16xi32>
    %swap3A_479 = vector.shape_cast %get3A_473 : vector<16xi32> to vector<1x16xi32>
    tpu.vector_store %arg8[%swap3A_475, %swap3A_476], %swap3A_479 {strides = array<i32>} : memref<8x128xi32, #tpu.memory_space<vmem>>, vector<1x16xi32>,
    %get3A_480 = arith.constant 1 : i32
    %get3A_481 = arith.index_cast %get3A_480 : i32 to index
    %get3A_482 = arith.constant 160 : index
    %get3A_483 = tpu.vector_load %arg7[%get3A_481, %get3A_482] {strides = array<i32>} : memref<4x256xi32, #tpu.memory_space<vmem>>, vector<1x16xi32>,
    %get3A_484 = vector.shape_cast %get3A_483 : vector<1x16xi32> to vector<16xi32>
    %swap3A_485 = arith.constant 5 : i32
    %swap3A_486 = arith.index_cast %swap3A_485 : i32 to index
    %swap3A_487 = arith.constant 32 : index
    %swap3A_488 = tpu.vector_load %arg8[%swap3A_486, %swap3A_487] {strides = array<i32>} : memref<8x128xi32, #tpu.memory_space<vmem>>, vector<1x16xi32>,
    %swap3A_489 = vector.shape_cast %swap3A_488 : vector<1x16xi32> to vector<16xi32>
    %swap3A_490 = vector.shape_cast %get3A_484 : vector<16xi32> to vector<1x16xi32>
    tpu.vector_store %arg8[%swap3A_486, %swap3A_487], %swap3A_490 {strides = array<i32>} : memref<8x128xi32, #tpu.memory_space<vmem>>, vector<1x16xi32>,
    %get3A_491 = arith.constant 1 : i32
    %get3A_492 = arith.index_cast %get3A_491 : i32 to index
    %get3A_493 = arith.constant 176 : index
    %get3A_494 = tpu.vector_load %arg7[%get3A_492, %get3A_493] {strides = array<i32>} : memref<4x256xi32, #tpu.memory_space<vmem>>, vector<1x16xi32>,
    %get3A_495 = vector.shape_cast %get3A_494 : vector<1x16xi32> to vector<16xi32>
    %swap3A_496 = arith.constant 5 : i32
    %swap3A_497 = arith.index_cast %swap3A_496 : i32 to index
    %swap3A_498 = arith.constant 48 : index
    %swap3A_499 = tpu.vector_load %arg8[%swap3A_497, %swap3A_498] {strides = array<i32>} : memref<8x128xi32, #tpu.memory_space<vmem>>, vector<1x16xi32>,
    %swap3A_500 = vector.shape_cast %swap3A_499 : vector<1x16xi32> to vector<16xi32>
    %swap3A_501 = vector.shape_cast %get3A_495 : vector<16xi32> to vector<1x16xi32>
    tpu.vector_store %arg8[%swap3A_497, %swap3A_498], %swap3A_501 {strides = array<i32>} : memref<8x128xi32, #tpu.memory_space<vmem>>, vector<1x16xi32>,
    %get3A_502 = arith.constant 2 : i32
    %get3A_503 = arith.index_cast %get3A_502 : i32 to index
    %get3A_504 = arith.constant 160 : index
    %get3A_505 = tpu.vector_load %arg7[%get3A_503, %get3A_504] {strides = array<i32>} : memref<4x256xi32, #tpu.memory_space<vmem>>, vector<1x16xi32>,
    %get3A_506 = vector.shape_cast %get3A_505 : vector<1x16xi32> to vector<16xi32>
    %swap3A_507 = arith.constant 5 : i32
    %swap3A_508 = arith.index_cast %swap3A_507 : i32 to index
    %swap3A_509 = arith.constant 64 : index
    %swap3A_510 = tpu.vector_load %arg8[%swap3A_508, %swap3A_509] {strides = array<i32>} : memref<8x128xi32, #tpu.memory_space<vmem>>, vector<1x16xi32>,
    %swap3A_511 = vector.shape_cast %swap3A_510 : vector<1x16xi32> to vector<16xi32>
    %swap3A_512 = vector.shape_cast %get3A_506 : vector<16xi32> to vector<1x16xi32>
    tpu.vector_store %arg8[%swap3A_508, %swap3A_509], %swap3A_512 {strides = array<i32>} : memref<8x128xi32, #tpu.memory_space<vmem>>, vector<1x16xi32>,
    %get3A_513 = arith.constant 2 : i32
    %get3A_514 = arith.index_cast %get3A_513 : i32 to index
    %get3A_515 = arith.constant 176 : index
    %get3A_516 = tpu.vector_load %arg7[%get3A_514, %get3A_515] {strides = array<i32>} : memref<4x256xi32, #tpu.memory_space<vmem>>, vector<1x16xi32>,
    %get3A_517 = vector.shape_cast %get3A_516 : vector<1x16xi32> to vector<16xi32>
    %swap3A_518 = arith.constant 5 : i32
    %swap3A_519 = arith.index_cast %swap3A_518 : i32 to index
    %swap3A_520 = arith.constant 80 : index
    %swap3A_521 = tpu.vector_load %arg8[%swap3A_519, %swap3A_520] {strides = array<i32>} : memref<8x128xi32, #tpu.memory_space<vmem>>, vector<1x16xi32>,
    %swap3A_522 = vector.shape_cast %swap3A_521 : vector<1x16xi32> to vector<16xi32>
    %swap3A_523 = vector.shape_cast %get3A_517 : vector<16xi32> to vector<1x16xi32>
    tpu.vector_store %arg8[%swap3A_519, %swap3A_520], %swap3A_523 {strides = array<i32>} : memref<8x128xi32, #tpu.memory_space<vmem>>, vector<1x16xi32>,
    %get3A_524 = arith.constant 3 : i32
    %get3A_525 = arith.index_cast %get3A_524 : i32 to index
    %get3A_526 = arith.constant 160 : index
    %get3A_527 = tpu.vector_load %arg7[%get3A_525, %get3A_526] {strides = array<i32>} : memref<4x256xi32, #tpu.memory_space<vmem>>, vector<1x16xi32>,
    %get3A_528 = vector.shape_cast %get3A_527 : vector<1x16xi32> to vector<16xi32>
    %swap3A_529 = arith.constant 5 : i32
    %swap3A_530 = arith.index_cast %swap3A_529 : i32 to index
    %swap3A_531 = arith.constant 96 : index
    %swap3A_532 = tpu.vector_load %arg8[%swap3A_530, %swap3A_531] {strides = array<i32>} : memref<8x128xi32, #tpu.memory_space<vmem>>, vector<1x16xi32>,
    %swap3A_533 = vector.shape_cast %swap3A_532 : vector<1x16xi32> to vector<16xi32>
    %swap3A_534 = vector.shape_cast %get3A_528 : vector<16xi32> to vector<1x16xi32>
    tpu.vector_store %arg8[%swap3A_530, %swap3A_531], %swap3A_534 {strides = array<i32>} : memref<8x128xi32, #tpu.memory_space<vmem>>, vector<1x16xi32>,
    %get3A_535 = arith.constant 3 : i32
    %get3A_536 = arith.index_cast %get3A_535 : i32 to index
    %get3A_537 = arith.constant 176 : index
    %get3A_538 = tpu.vector_load %arg7[%get3A_536, %get3A_537] {strides = array<i32>} : memref<4x256xi32, #tpu.memory_space<vmem>>, vector<1x16xi32>,
    %get3A_539 = vector.shape_cast %get3A_538 : vector<1x16xi32> to vector<16xi32>
    %swap3A_540 = arith.constant 5 : i32
    %swap3A_541 = arith.index_cast %swap3A_540 : i32 to index
    %swap3A_542 = arith.constant 112 : index
    %swap3A_543 = tpu.vector_load %arg8[%swap3A_541, %swap3A_542] {strides = array<i32>} : memref<8x128xi32, #tpu.memory_space<vmem>>, vector<1x16xi32>,
    %swap3A_544 = vector.shape_cast %swap3A_543 : vector<1x16xi32> to vector<16xi32>
    %swap3A_545 = vector.shape_cast %get3A_539 : vector<16xi32> to vector<1x16xi32>
    tpu.vector_store %arg8[%swap3A_541, %swap3A_542], %swap3A_545 {strides = array<i32>} : memref<8x128xi32, #tpu.memory_space<vmem>>, vector<1x16xi32>,
    %get3A_546 = arith.constant 0 : i32
    %get3A_547 = arith.index_cast %get3A_546 : i32 to index
    %get3A_548 = arith.constant 192 : index
    %get3A_549 = tpu.vector_load %arg7[%get3A_547, %get3A_548] {strides = array<i32>} : memref<4x256xi32, #tpu.memory_space<vmem>>, vector<1x16xi32>,
    %get3A_550 = vector.shape_cast %get3A_549 : vector<1x16xi32> to vector<16xi32>
    %swap3A_551 = arith.constant 6 : i32
    %swap3A_552 = arith.index_cast %swap3A_551 : i32 to index
    %swap3A_553 = arith.constant 0 : index
    %swap3A_554 = tpu.vector_load %arg8[%swap3A_552, %swap3A_553] {strides = array<i32>} : memref<8x128xi32, #tpu.memory_space<vmem>>, vector<1x16xi32>,
    %swap3A_555 = vector.shape_cast %swap3A_554 : vector<1x16xi32> to vector<16xi32>
    %swap3A_556 = vector.shape_cast %get3A_550 : vector<16xi32> to vector<1x16xi32>
    tpu.vector_store %arg8[%swap3A_552, %swap3A_553], %swap3A_556 {strides = array<i32>} : memref<8x128xi32, #tpu.memory_space<vmem>>, vector<1x16xi32>,
    %get3A_557 = arith.constant 0 : i32
    %get3A_558 = arith.index_cast %get3A_557 : i32 to index
    %get3A_559 = arith.constant 208 : index
    %get3A_560 = tpu.vector_load %arg7[%get3A_558, %get3A_559] {strides = array<i32>} : memref<4x256xi32, #tpu.memory_space<vmem>>, vector<1x16xi32>,
    %get3A_561 = vector.shape_cast %get3A_560 : vector<1x16xi32> to vector<16xi32>
    %swap3A_562 = arith.constant 6 : i32
    %swap3A_563 = arith.index_cast %swap3A_562 : i32 to index
    %swap3A_564 = arith.constant 16 : index
    %swap3A_565 = tpu.vector_load %arg8[%swap3A_563, %swap3A_564] {strides = array<i32>} : memref<8x128xi32, #tpu.memory_space<vmem>>, vector<1x16xi32>,
    %swap3A_566 = vector.shape_cast %swap3A_565 : vector<1x16xi32> to vector<16xi32>
    %swap3A_567 = vector.shape_cast %get3A_561 : vector<16xi32> to vector<1x16xi32>
    tpu.vector_store %arg8[%swap3A_563, %swap3A_564], %swap3A_567 {strides = array<i32>} : memref<8x128xi32, #tpu.memory_space<vmem>>, vector<1x16xi32>,
    %get3A_568 = arith.constant 1 : i32
    %get3A_569 = arith.index_cast %get3A_568 : i32 to index
    %get3A_570 = arith.constant 192 : index
    %get3A_571 = tpu.vector_load %arg7[%get3A_569, %get3A_570] {strides = array<i32>} : memref<4x256xi32, #tpu.memory_space<vmem>>, vector<1x16xi32>,
    %get3A_572 = vector.shape_cast %get3A_571 : vector<1x16xi32> to vector<16xi32>
    %swap3A_573 = arith.constant 6 : i32
    %swap3A_574 = arith.index_cast %swap3A_573 : i32 to index
    %swap3A_575 = arith.constant 32 : index
    %swap3A_576 = tpu.vector_load %arg8[%swap3A_574, %swap3A_575] {strides = array<i32>} : memref<8x128xi32, #tpu.memory_space<vmem>>, vector<1x16xi32>,
    %swap3A_577 = vector.shape_cast %swap3A_576 : vector<1x16xi32> to vector<16xi32>
    %swap3A_578 = vector.shape_cast %get3A_572 : vector<16xi32> to vector<1x16xi32>
    tpu.vector_store %arg8[%swap3A_574, %swap3A_575], %swap3A_578 {strides = array<i32>} : memref<8x128xi32, #tpu.memory_space<vmem>>, vector<1x16xi32>,
    %get3A_579 = arith.constant 1 : i32
    %get3A_580 = arith.index_cast %get3A_579 : i32 to index
    %get3A_581 = arith.constant 208 : index
    %get3A_582 = tpu.vector_load %arg7[%get3A_580, %get3A_581] {strides = array<i32>} : memref<4x256xi32, #tpu.memory_space<vmem>>, vector<1x16xi32>,
    %get3A_583 = vector.shape_cast %get3A_582 : vector<1x16xi32> to vector<16xi32>
    %swap3A_584 = arith.constant 6 : i32
    %swap3A_585 = arith.index_cast %swap3A_584 : i32 to index
    %swap3A_586 = arith.constant 48 : index
    %swap3A_587 = tpu.vector_load %arg8[%swap3A_585, %swap3A_586] {strides = array<i32>} : memref<8x128xi32, #tpu.memory_space<vmem>>, vector<1x16xi32>,
    %swap3A_588 = vector.shape_cast %swap3A_587 : vector<1x16xi32> to vector<16xi32>
    %swap3A_589 = vector.shape_cast %get3A_583 : vector<16xi32> to vector<1x16xi32>
    tpu.vector_store %arg8[%swap3A_585, %swap3A_586], %swap3A_589 {strides = array<i32>} : memref<8x128xi32, #tpu.memory_space<vmem>>, vector<1x16xi32>,
    %get3A_590 = arith.constant 2 : i32
    %get3A_591 = arith.index_cast %get3A_590 : i32 to index
    %get3A_592 = arith.constant 192 : index
    %get3A_593 = tpu.vector_load %arg7[%get3A_591, %get3A_592] {strides = array<i32>} : memref<4x256xi32, #tpu.memory_space<vmem>>, vector<1x16xi32>,
    %get3A_594 = vector.shape_cast %get3A_593 : vector<1x16xi32> to vector<16xi32>
    %swap3A_595 = arith.constant 6 : i32
    %swap3A_596 = arith.index_cast %swap3A_595 : i32 to index
    %swap3A_597 = arith.constant 64 : index
    %swap3A_598 = tpu.vector_load %arg8[%swap3A_596, %swap3A_597] {strides = array<i32>} : memref<8x128xi32, #tpu.memory_space<vmem>>, vector<1x16xi32>,
    %swap3A_599 = vector.shape_cast %swap3A_598 : vector<1x16xi32> to vector<16xi32>
    %swap3A_600 = vector.shape_cast %get3A_594 : vector<16xi32> to vector<1x16xi32>
    tpu.vector_store %arg8[%swap3A_596, %swap3A_597], %swap3A_600 {strides = array<i32>} : memref<8x128xi32, #tpu.memory_space<vmem>>, vector<1x16xi32>,
    %get3A_601 = arith.constant 2 : i32
    %get3A_602 = arith.index_cast %get3A_601 : i32 to index
    %get3A_603 = arith.constant 208 : index
    %get3A_604 = tpu.vector_load %arg7[%get3A_602, %get3A_603] {strides = array<i32>} : memref<4x256xi32, #tpu.memory_space<vmem>>, vector<1x16xi32>,
    %get3A_605 = vector.shape_cast %get3A_604 : vector<1x16xi32> to vector<16xi32>
    %swap3A_606 = arith.constant 6 : i32
    %swap3A_607 = arith.index_cast %swap3A_606 : i32 to index
    %swap3A_608 = arith.constant 80 : index
    %swap3A_609 = tpu.vector_load %arg8[%swap3A_607, %swap3A_608] {strides = array<i32>} : memref<8x128xi32, #tpu.memory_space<vmem>>, vector<1x16xi32>,
    %swap3A_610 = vector.shape_cast %swap3A_609 : vector<1x16xi32> to vector<16xi32>
    %swap3A_611 = vector.shape_cast %get3A_605 : vector<16xi32> to vector<1x16xi32>
    tpu.vector_store %arg8[%swap3A_607, %swap3A_608], %swap3A_611 {strides = array<i32>} : memref<8x128xi32, #tpu.memory_space<vmem>>, vector<1x16xi32>,
    %get3A_612 = arith.constant 3 : i32
    %get3A_613 = arith.index_cast %get3A_612 : i32 to index
    %get3A_614 = arith.constant 192 : index
    %get3A_615 = tpu.vector_load %arg7[%get3A_613, %get3A_614] {strides = array<i32>} : memref<4x256xi32, #tpu.memory_space<vmem>>, vector<1x16xi32>,
    %get3A_616 = vector.shape_cast %get3A_615 : vector<1x16xi32> to vector<16xi32>
    %swap3A_617 = arith.constant 6 : i32
    %swap3A_618 = arith.index_cast %swap3A_617 : i32 to index
    %swap3A_619 = arith.constant 96 : index
    %swap3A_620 = tpu.vector_load %arg8[%swap3A_618, %swap3A_619] {strides = array<i32>} : memref<8x128xi32, #tpu.memory_space<vmem>>, vector<1x16xi32>,
    %swap3A_621 = vector.shape_cast %swap3A_620 : vector<1x16xi32> to vector<16xi32>
    %swap3A_622 = vector.shape_cast %get3A_616 : vector<16xi32> to vector<1x16xi32>
    tpu.vector_store %arg8[%swap3A_618, %swap3A_619], %swap3A_622 {strides = array<i32>} : memref<8x128xi32, #tpu.memory_space<vmem>>, vector<1x16xi32>,
    %get3A_623 = arith.constant 3 : i32
    %get3A_624 = arith.index_cast %get3A_623 : i32 to index
    %get3A_625 = arith.constant 208 : index
    %get3A_626 = tpu.vector_load %arg7[%get3A_624, %get3A_625] {strides = array<i32>} : memref<4x256xi32, #tpu.memory_space<vmem>>, vector<1x16xi32>,
    %get3A_627 = vector.shape_cast %get3A_626 : vector<1x16xi32> to vector<16xi32>
    %swap3A_628 = arith.constant 6 : i32
    %swap3A_629 = arith.index_cast %swap3A_628 : i32 to index
    %swap3A_630 = arith.constant 112 : index
    %swap3A_631 = tpu.vector_load %arg8[%swap3A_629, %swap3A_630] {strides = array<i32>} : memref<8x128xi32, #tpu.memory_space<vmem>>, vector<1x16xi32>,
    %swap3A_632 = vector.shape_cast %swap3A_631 : vector<1x16xi32> to vector<16xi32>
    %swap3A_633 = vector.shape_cast %get3A_627 : vector<16xi32> to vector<1x16xi32>
    tpu.vector_store %arg8[%swap3A_629, %swap3A_630], %swap3A_633 {strides = array<i32>} : memref<8x128xi32, #tpu.memory_space<vmem>>, vector<1x16xi32>,
    %get3A_634 = arith.constant 0 : i32
    %get3A_635 = arith.index_cast %get3A_634 : i32 to index
    %get3A_636 = arith.constant 224 : index
    %get3A_637 = tpu.vector_load %arg7[%get3A_635, %get3A_636] {strides = array<i32>} : memref<4x256xi32, #tpu.memory_space<vmem>>, vector<1x16xi32>,
    %get3A_638 = vector.shape_cast %get3A_637 : vector<1x16xi32> to vector<16xi32>
    %swap3A_639 = arith.constant 7 : i32
    %swap3A_640 = arith.index_cast %swap3A_639 : i32 to index
    %swap3A_641 = arith.constant 0 : index
    %swap3A_642 = tpu.vector_load %arg8[%swap3A_640, %swap3A_641] {strides = array<i32>} : memref<8x128xi32, #tpu.memory_space<vmem>>, vector<1x16xi32>,
    %swap3A_643 = vector.shape_cast %swap3A_642 : vector<1x16xi32> to vector<16xi32>
    %swap3A_644 = vector.shape_cast %get3A_638 : vector<16xi32> to vector<1x16xi32>
    tpu.vector_store %arg8[%swap3A_640, %swap3A_641], %swap3A_644 {strides = array<i32>} : memref<8x128xi32, #tpu.memory_space<vmem>>, vector<1x16xi32>,
    %get3A_645 = arith.constant 0 : i32
    %get3A_646 = arith.index_cast %get3A_645 : i32 to index
    %get3A_647 = arith.constant 240 : index
    %get3A_648 = tpu.vector_load %arg7[%get3A_646, %get3A_647] {strides = array<i32>} : memref<4x256xi32, #tpu.memory_space<vmem>>, vector<1x16xi32>,
    %get3A_649 = vector.shape_cast %get3A_648 : vector<1x16xi32> to vector<16xi32>
    %swap3A_650 = arith.constant 7 : i32
    %swap3A_651 = arith.index_cast %swap3A_650 : i32 to index
    %swap3A_652 = arith.constant 16 : index
    %swap3A_653 = tpu.vector_load %arg8[%swap3A_651, %swap3A_652] {strides = array<i32>} : memref<8x128xi32, #tpu.memory_space<vmem>>, vector<1x16xi32>,
    %swap3A_654 = vector.shape_cast %swap3A_653 : vector<1x16xi32> to vector<16xi32>
    %swap3A_655 = vector.shape_cast %get3A_649 : vector<16xi32> to vector<1x16xi32>
    tpu.vector_store %arg8[%swap3A_651, %swap3A_652], %swap3A_655 {strides = array<i32>} : memref<8x128xi32, #tpu.memory_space<vmem>>, vector<1x16xi32>,
    %get3A_656 = arith.constant 1 : i32
    %get3A_657 = arith.index_cast %get3A_656 : i32 to index
    %get3A_658 = arith.constant 224 : index
    %get3A_659 = tpu.vector_load %arg7[%get3A_657, %get3A_658] {strides = array<i32>} : memref<4x256xi32, #tpu.memory_space<vmem>>, vector<1x16xi32>,
    %get3A_660 = vector.shape_cast %get3A_659 : vector<1x16xi32> to vector<16xi32>
    %swap3A_661 = arith.constant 7 : i32
    %swap3A_662 = arith.index_cast %swap3A_661 : i32 to index
    %swap3A_663 = arith.constant 32 : index
    %swap3A_664 = tpu.vector_load %arg8[%swap3A_662, %swap3A_663] {strides = array<i32>} : memref<8x128xi32, #tpu.memory_space<vmem>>, vector<1x16xi32>,
    %swap3A_665 = vector.shape_cast %swap3A_664 : vector<1x16xi32> to vector<16xi32>
    %swap3A_666 = vector.shape_cast %get3A_660 : vector<16xi32> to vector<1x16xi32>
    tpu.vector_store %arg8[%swap3A_662, %swap3A_663], %swap3A_666 {strides = array<i32>} : memref<8x128xi32, #tpu.memory_space<vmem>>, vector<1x16xi32>,
    %get3A_667 = arith.constant 1 : i32
    %get3A_668 = arith.index_cast %get3A_667 : i32 to index
    %get3A_669 = arith.constant 240 : index
    %get3A_670 = tpu.vector_load %arg7[%get3A_668, %get3A_669] {strides = array<i32>} : memref<4x256xi32, #tpu.memory_space<vmem>>, vector<1x16xi32>,
    %get3A_671 = vector.shape_cast %get3A_670 : vector<1x16xi32> to vector<16xi32>
    %swap3A_672 = arith.constant 7 : i32
    %swap3A_673 = arith.index_cast %swap3A_672 : i32 to index
    %swap3A_674 = arith.constant 48 : index
    %swap3A_675 = tpu.vector_load %arg8[%swap3A_673, %swap3A_674] {strides = array<i32>} : memref<8x128xi32, #tpu.memory_space<vmem>>, vector<1x16xi32>,
    %swap3A_676 = vector.shape_cast %swap3A_675 : vector<1x16xi32> to vector<16xi32>
    %swap3A_677 = vector.shape_cast %get3A_671 : vector<16xi32> to vector<1x16xi32>
    tpu.vector_store %arg8[%swap3A_673, %swap3A_674], %swap3A_677 {strides = array<i32>} : memref<8x128xi32, #tpu.memory_space<vmem>>, vector<1x16xi32>,
    %get3A_678 = arith.constant 2 : i32
    %get3A_679 = arith.index_cast %get3A_678 : i32 to index
    %get3A_680 = arith.constant 224 : index
    %get3A_681 = tpu.vector_load %arg7[%get3A_679, %get3A_680] {strides = array<i32>} : memref<4x256xi32, #tpu.memory_space<vmem>>, vector<1x16xi32>,
    %get3A_682 = vector.shape_cast %get3A_681 : vector<1x16xi32> to vector<16xi32>
    %swap3A_683 = arith.constant 7 : i32
    %swap3A_684 = arith.index_cast %swap3A_683 : i32 to index
    %swap3A_685 = arith.constant 64 : index
    %swap3A_686 = tpu.vector_load %arg8[%swap3A_684, %swap3A_685] {strides = array<i32>} : memref<8x128xi32, #tpu.memory_space<vmem>>, vector<1x16xi32>,
    %swap3A_687 = vector.shape_cast %swap3A_686 : vector<1x16xi32> to vector<16xi32>
    %swap3A_688 = vector.shape_cast %get3A_682 : vector<16xi32> to vector<1x16xi32>
    tpu.vector_store %arg8[%swap3A_684, %swap3A_685], %swap3A_688 {strides = array<i32>} : memref<8x128xi32, #tpu.memory_space<vmem>>, vector<1x16xi32>,
    %get3A_689 = arith.constant 2 : i32
    %get3A_690 = arith.index_cast %get3A_689 : i32 to index
    %get3A_691 = arith.constant 240 : index
    %get3A_692 = tpu.vector_load %arg7[%get3A_690, %get3A_691] {strides = array<i32>} : memref<4x256xi32, #tpu.memory_space<vmem>>, vector<1x16xi32>,
    %get3A_693 = vector.shape_cast %get3A_692 : vector<1x16xi32> to vector<16xi32>
    %swap3A_694 = arith.constant 7 : i32
    %swap3A_695 = arith.index_cast %swap3A_694 : i32 to index
    %swap3A_696 = arith.constant 80 : index
    %swap3A_697 = tpu.vector_load %arg8[%swap3A_695, %swap3A_696] {strides = array<i32>} : memref<8x128xi32, #tpu.memory_space<vmem>>, vector<1x16xi32>,
    %swap3A_698 = vector.shape_cast %swap3A_697 : vector<1x16xi32> to vector<16xi32>
    %swap3A_699 = vector.shape_cast %get3A_693 : vector<16xi32> to vector<1x16xi32>
    tpu.vector_store %arg8[%swap3A_695, %swap3A_696], %swap3A_699 {strides = array<i32>} : memref<8x128xi32, #tpu.memory_space<vmem>>, vector<1x16xi32>,
    %get3A_700 = arith.constant 3 : i32
    %get3A_701 = arith.index_cast %get3A_700 : i32 to index
    %get3A_702 = arith.constant 224 : index
    %get3A_703 = tpu.vector_load %arg7[%get3A_701, %get3A_702] {strides = array<i32>} : memref<4x256xi32, #tpu.memory_space<vmem>>, vector<1x16xi32>,
    %get3A_704 = vector.shape_cast %get3A_703 : vector<1x16xi32> to vector<16xi32>
    %swap3A_705 = arith.constant 7 : i32
    %swap3A_706 = arith.index_cast %swap3A_705 : i32 to index
    %swap3A_707 = arith.constant 96 : index
    %swap3A_708 = tpu.vector_load %arg8[%swap3A_706, %swap3A_707] {strides = array<i32>} : memref<8x128xi32, #tpu.memory_space<vmem>>, vector<1x16xi32>,
    %swap3A_709 = vector.shape_cast %swap3A_708 : vector<1x16xi32> to vector<16xi32>
    %swap3A_710 = vector.shape_cast %get3A_704 : vector<16xi32> to vector<1x16xi32>
    tpu.vector_store %arg8[%swap3A_706, %swap3A_707], %swap3A_710 {strides = array<i32>} : memref<8x128xi32, #tpu.memory_space<vmem>>, vector<1x16xi32>,
    %get3A_711 = arith.constant 3 : i32
    %get3A_712 = arith.index_cast %get3A_711 : i32 to index
    %get3A_713 = arith.constant 240 : index
    %get3A_714 = tpu.vector_load %arg7[%get3A_712, %get3A_713] {strides = array<i32>} : memref<4x256xi32, #tpu.memory_space<vmem>>, vector<1x16xi32>,
    %get3A_715 = vector.shape_cast %get3A_714 : vector<1x16xi32> to vector<16xi32>
    %swap3A_716 = arith.constant 7 : i32
    %swap3A_717 = arith.index_cast %swap3A_716 : i32 to index
    %swap3A_718 = arith.constant 112 : index
    %swap3A_719 = tpu.vector_load %arg8[%swap3A_717, %swap3A_718] {strides = array<i32>} : memref<8x128xi32, #tpu.memory_space<vmem>>, vector<1x16xi32>,
    %swap3A_720 = vector.shape_cast %swap3A_719 : vector<1x16xi32> to vector<16xi32>
    %swap3A_721 = vector.shape_cast %get3A_715 : vector<16xi32> to vector<1x16xi32>
    tpu.vector_store %arg8[%swap3A_717, %swap3A_718], %swap3A_721 {strides = array<i32>} : memref<8x128xi32, #tpu.memory_space<vmem>>, vector<1x16xi32>,
    %dma_start3A_722 = arith.constant 0 : i32
    %dma_start3A_723 = arith.constant 0 : i32
    %dma_start3A_724 = arith.constant 0 : i32
    %dma_start3A_725 = arith.constant 0 : i32
    %dma_start3A_726 = tpu.memref_slice %arg11[%dma_start3A_723, %dma_start3A_724, %dma_start3A_725] : memref<5x128x128xf32, #tpu.memory_space<vmem>> -> memref<1x128x128xf32, #tpu.memory_space<vmem>>
    %dma_start3A_727 = tpu.memref_squeeze %dma_start3A_726 : memref<1x128x128xf32, #tpu.memory_space<vmem>> -> memref<128x128xf32, #tpu.memory_space<vmem>>
    %dma_start3A_728 = arith.constant 0 : i32
    %dma_start3A_729 = tpu.memref_slice %arg8[%dma_start3A_722, %dma_start3A_728] : memref<8x128xi32, #tpu.memory_space<vmem>> -> memref<1x128xi32, #tpu.memory_space<vmem>>
    %dma_start3A_730 = tpu.memref_squeeze %dma_start3A_729 : memref<1x128xi32, #tpu.memory_space<vmem>> -> memref<128xi32, #tpu.memory_space<vmem>>
    %dma_start3A_731 = arith.constant 0 : i32
    %dma_start3A_732 = arith.constant 0 : i32
    %dma_start3A_733 = tpu.memref_slice %arg3[%dma_start3A_731, %dma_start3A_732] : memref<100000x128xf32, #tpu.memory_space<hbm>> -> memref<100000x128xf32, #tpu.memory_space<hbm>>
    tpu.enqueue_indirect_dma source(%dma_start3A_733 : memref<100000x128xf32, #tpu.memory_space<hbm>>) target(%dma_start3A_727 : memref<128x128xf32, #tpu.memory_space<vmem>>) offsets(%dma_start3A_730 : memref<128xi32, #tpu.memory_space<vmem>>) semaphore(%arg14 : memref<!tpu.dma_semaphore, #tpu.memory_space<semaphore_mem>>)
    %dma_start3A_734 = arith.constant 1 : i32
    %dma_start3A_735 = arith.constant 1 : i32
    %dma_start3A_736 = arith.constant 0 : i32
    %dma_start3A_737 = arith.constant 0 : i32
    %dma_start3A_738 = tpu.memref_slice %arg11[%dma_start3A_735, %dma_start3A_736, %dma_start3A_737] : memref<5x128x128xf32, #tpu.memory_space<vmem>> -> memref<1x128x128xf32, #tpu.memory_space<vmem>>
    %dma_start3A_739 = tpu.memref_squeeze %dma_start3A_738 : memref<1x128x128xf32, #tpu.memory_space<vmem>> -> memref<128x128xf32, #tpu.memory_space<vmem>>
    %dma_start3A_740 = arith.constant 0 : i32
    %dma_start3A_741 = tpu.memref_slice %arg8[%dma_start3A_734, %dma_start3A_740] : memref<8x128xi32, #tpu.memory_space<vmem>> -> memref<1x128xi32, #tpu.memory_space<vmem>>
    %dma_start3A_742 = tpu.memref_squeeze %dma_start3A_741 : memref<1x128xi32, #tpu.memory_space<vmem>> -> memref<128xi32, #tpu.memory_space<vmem>>
    %dma_start3A_743 = arith.constant 0 : i32
    %dma_start3A_744 = arith.constant 0 : i32
    %dma_start3A_745 = tpu.memref_slice %arg3[%dma_start3A_743, %dma_start3A_744] : memref<100000x128xf32, #tpu.memory_space<hbm>> -> memref<100000x128xf32, #tpu.memory_space<hbm>>
    tpu.enqueue_indirect_dma source(%dma_start3A_745 : memref<100000x128xf32, #tpu.memory_space<hbm>>) target(%dma_start3A_739 : memref<128x128xf32, #tpu.memory_space<vmem>>) offsets(%dma_start3A_742 : memref<128xi32, #tpu.memory_space<vmem>>) semaphore(%arg15 : memref<!tpu.dma_semaphore, #tpu.memory_space<semaphore_mem>>)
    %dma_start3A_746 = arith.constant 2 : i32
    %dma_start3A_747 = arith.constant 2 : i32
    %dma_start3A_748 = arith.constant 0 : i32
    %dma_start3A_749 = arith.constant 0 : i32
    %dma_start3A_750 = tpu.memref_slice %arg11[%dma_start3A_747, %dma_start3A_748, %dma_start3A_749] : memref<5x128x128xf32, #tpu.memory_space<vmem>> -> memref<1x128x128xf32, #tpu.memory_space<vmem>>
    %dma_start3A_751 = tpu.memref_squeeze %dma_start3A_750 : memref<1x128x128xf32, #tpu.memory_space<vmem>> -> memref<128x128xf32, #tpu.memory_space<vmem>>
    %dma_start3A_752 = arith.constant 0 : i32
    %dma_start3A_753 = tpu.memref_slice %arg8[%dma_start3A_746, %dma_start3A_752] : memref<8x128xi32, #tpu.memory_space<vmem>> -> memref<1x128xi32, #tpu.memory_space<vmem>>
    %dma_start3A_754 = tpu.memref_squeeze %dma_start3A_753 : memref<1x128xi32, #tpu.memory_space<vmem>> -> memref<128xi32, #tpu.memory_space<vmem>>
    %dma_start3A_755 = arith.constant 0 : i32
    %dma_start3A_756 = arith.constant 0 : i32
    %dma_start3A_757 = tpu.memref_slice %arg3[%dma_start3A_755, %dma_start3A_756] : memref<100000x128xf32, #tpu.memory_space<hbm>> -> memref<100000x128xf32, #tpu.memory_space<hbm>>
    tpu.enqueue_indirect_dma source(%dma_start3A_757 : memref<100000x128xf32, #tpu.memory_space<hbm>>) target(%dma_start3A_751 : memref<128x128xf32, #tpu.memory_space<vmem>>) offsets(%dma_start3A_754 : memref<128xi32, #tpu.memory_space<vmem>>) semaphore(%arg16 : memref<!tpu.dma_semaphore, #tpu.memory_space<semaphore_mem>>)
    %dma_start3A_758 = arith.constant 3 : i32
    %dma_start3A_759 = arith.constant 3 : i32
    %dma_start3A_760 = arith.constant 0 : i32
    %dma_start3A_761 = arith.constant 0 : i32
    %dma_start3A_762 = tpu.memref_slice %arg11[%dma_start3A_759, %dma_start3A_760, %dma_start3A_761] : memref<5x128x128xf32, #tpu.memory_space<vmem>> -> memref<1x128x128xf32, #tpu.memory_space<vmem>>
    %dma_start3A_763 = tpu.memref_squeeze %dma_start3A_762 : memref<1x128x128xf32, #tpu.memory_space<vmem>> -> memref<128x128xf32, #tpu.memory_space<vmem>>
    %dma_start3A_764 = arith.constant 0 : i32
    %dma_start3A_765 = tpu.memref_slice %arg8[%dma_start3A_758, %dma_start3A_764] : memref<8x128xi32, #tpu.memory_space<vmem>> -> memref<1x128xi32, #tpu.memory_space<vmem>>
    %dma_start3A_766 = tpu.memref_squeeze %dma_start3A_765 : memref<1x128xi32, #tpu.memory_space<vmem>> -> memref<128xi32, #tpu.memory_space<vmem>>
    %dma_start3A_767 = arith.constant 0 : i32
    %dma_start3A_768 = arith.constant 0 : i32
    %dma_start3A_769 = tpu.memref_slice %arg3[%dma_start3A_767, %dma_start3A_768] : memref<100000x128xf32, #tpu.memory_space<hbm>> -> memref<100000x128xf32, #tpu.memory_space<hbm>>
    tpu.enqueue_indirect_dma source(%dma_start3A_769 : memref<100000x128xf32, #tpu.memory_space<hbm>>) target(%dma_start3A_763 : memref<128x128xf32, #tpu.memory_space<vmem>>) offsets(%dma_start3A_766 : memref<128xi32, #tpu.memory_space<vmem>>) semaphore(%arg17 : memref<!tpu.dma_semaphore, #tpu.memory_space<semaphore_mem>>)
    %dma_wait3A_770 = arith.constant 0 : i32
    %dma_wait3A_771 = tpu.memref_slice %arg5[%mul3A_2, %dma_wait3A_770] : memref<8192x128xf32, #tpu.memory_space<hbm>> -> memref<256x128xf32, #tpu.memory_space<hbm>>
    %dma_wait3A_772 = arith.constant 0 : i32
    %dma_wait3A_773 = tpu.memref_slice %arg5[%mul3A_2, %dma_wait3A_772] : memref<8192x128xf32, #tpu.memory_space<hbm>> -> memref<256x128xf32, #tpu.memory_space<hbm>>
    tpu.wait_dma2 semaphore(%arg13 : memref<!tpu.dma_semaphore, #tpu.memory_space<semaphore_mem>>) src(%dma_wait3A_773 : memref<256x128xf32, #tpu.memory_space<hbm>>) dst(%arg10 : memref<256x128xf32, #tpu.memory_space<vmem>>)
    %dma_wait3A_774 = arith.constant 0 : i32
    %dma_wait3A_775 = arith.constant 0 : i32
    %dma_wait3A_776 = tpu.memref_slice %arg4[%dma_wait3A_774, %dma_wait3A_775] : memref<2x128xf32, #tpu.memory_space<hbm>> -> memref<1x128xf32, #tpu.memory_space<hbm>>
    %dma_wait3A_777 = tpu.memref_squeeze %dma_wait3A_776 : memref<1x128xf32, #tpu.memory_space<hbm>> -> memref<128xf32, #tpu.memory_space<hbm>>
    %dma_wait3A_778 = arith.constant 0 : i32
    %dma_wait3A_779 = tpu.memref_slice %arg4[%dma_wait3A_774, %dma_wait3A_778] : memref<2x128xf32, #tpu.memory_space<hbm>> -> memref<1x128xf32, #tpu.memory_space<hbm>>
    %dma_wait3A_780 = tpu.memref_squeeze %dma_wait3A_779 : memref<1x128xf32, #tpu.memory_space<hbm>> -> memref<128xf32, #tpu.memory_space<hbm>>
    tpu.wait_dma2 semaphore(%arg13 : memref<!tpu.dma_semaphore, #tpu.memory_space<semaphore_mem>>) src(%dma_wait3A_780 : memref<128xf32, #tpu.memory_space<hbm>>) dst(%arg9 : memref<128xf32, #tpu.memory_space<vmem>>)
    %get3A_781 = arith.constant 0 : index
    %get3A_782 = tpu.vector_load %arg9[%get3A_781] {strides = array<i32>} : memref<128xf32, #tpu.memory_space<vmem>>, vector<16xf32>,
    %get3A_783 = vector.shape_cast %get3A_782 : vector<16xf32> to vector<16xf32>
    %get3A_784 = arith.constant 16 : index
    %get3A_785 = tpu.vector_load %arg9[%get3A_784] {strides = array<i32>} : memref<128xf32, #tpu.memory_space<vmem>>, vector<16xf32>,
    %get3A_786 = vector.shape_cast %get3A_785 : vector<16xf32> to vector<16xf32>
    %get3A_787 = arith.constant 32 : index
    %get3A_788 = tpu.vector_load %arg9[%get3A_787] {strides = array<i32>} : memref<128xf32, #tpu.memory_space<vmem>>, vector<16xf32>,
    %get3A_789 = vector.shape_cast %get3A_788 : vector<16xf32> to vector<16xf32>
    %get3A_790 = arith.constant 48 : index
    %get3A_791 = tpu.vector_load %arg9[%get3A_790] {strides = array<i32>} : memref<128xf32, #tpu.memory_space<vmem>>, vector<16xf32>,
    %get3A_792 = vector.shape_cast %get3A_791 : vector<16xf32> to vector<16xf32>
    %get3A_793 = arith.constant 64 : index
    %get3A_794 = tpu.vector_load %arg9[%get3A_793] {strides = array<i32>} : memref<128xf32, #tpu.memory_space<vmem>>, vector<16xf32>,
    %get3A_795 = vector.shape_cast %get3A_794 : vector<16xf32> to vector<16xf32>
    %get3A_796 = arith.constant 80 : index
    %get3A_797 = tpu.vector_load %arg9[%get3A_796] {strides = array<i32>} : memref<128xf32, #tpu.memory_space<vmem>>, vector<16xf32>,
    %get3A_798 = vector.shape_cast %get3A_797 : vector<16xf32> to vector<16xf32>
    %get3A_799 = arith.constant 96 : index
    %get3A_800 = tpu.vector_load %arg9[%get3A_799] {strides = array<i32>} : memref<128xf32, #tpu.memory_space<vmem>>, vector<16xf32>,
    %get3A_801 = vector.shape_cast %get3A_800 : vector<16xf32> to vector<16xf32>
    %get3A_802 = arith.constant 112 : index
    %get3A_803 = tpu.vector_load %arg9[%get3A_802] {strides = array<i32>} : memref<128xf32, #tpu.memory_space<vmem>>, vector<16xf32>,
    %get3A_804 = vector.shape_cast %get3A_803 : vector<16xf32> to vector<16xf32>
    %dma_wait3A_805 = arith.constant 0 : i32
    %dma_wait3A_806 = arith.constant 0 : i32
    %dma_wait3A_807 = arith.constant 0 : i32
    %dma_wait3A_808 = arith.constant 0 : i32
    %dma_wait3A_809 = tpu.memref_slice %arg11[%dma_wait3A_806, %dma_wait3A_807, %dma_wait3A_808] : memref<5x128x128xf32, #tpu.memory_space<vmem>> -> memref<1x128x128xf32, #tpu.memory_space<vmem>>
    %dma_wait3A_810 = tpu.memref_squeeze %dma_wait3A_809 : memref<1x128x128xf32, #tpu.memory_space<vmem>> -> memref<128x128xf32, #tpu.memory_space<vmem>>
    %dma_wait3A_811 = arith.constant 0 : i32
    %dma_wait3A_812 = tpu.memref_slice %arg8[%dma_wait3A_805, %dma_wait3A_811] : memref<8x128xi32, #tpu.memory_space<vmem>> -> memref<1x128xi32, #tpu.memory_space<vmem>>
    %dma_wait3A_813 = tpu.memref_squeeze %dma_wait3A_812 : memref<1x128xi32, #tpu.memory_space<vmem>> -> memref<128xi32, #tpu.memory_space<vmem>>
    %dma_wait3A_814 = arith.constant 0 : i32
    %dma_wait3A_815 = arith.constant 0 : i32
    %dma_wait3A_816 = tpu.memref_slice %arg3[%dma_wait3A_814, %dma_wait3A_815] : memref<100000x128xf32, #tpu.memory_space<hbm>> -> memref<100000x128xf32, #tpu.memory_space<hbm>>
    tpu.wait_indirect_dma semaphore(%arg14 : memref<!tpu.dma_semaphore, #tpu.memory_space<semaphore_mem>>) src(%dma_wait3A_816 : memref<100000x128xf32, #tpu.memory_space<hbm>>) dst(%dma_wait3A_810 : memref<128x128xf32, #tpu.memory_space<vmem>>)
    %scan3A = arith.constant 0 : i32
    %scan3A_817 = arith.constant 0 : i32
    %scan3A_818 = arith.constant 32 : i32
    %scan3A_819 = arith.addi %scan3A_817, %scan3A_818 : i32
    %scan3A_820 = arith.constant 1 : i32
    scf.for %scan3A_1284 = %scan3A_817 to %scan3A_819 step %scan3A_820  : i32 {
      %add3A_1285 = arith.constant 0 : i32
      %add3A_1286 = arith.addi %add3A_1285, %scan3A_1284 : i32
      %get3A_1287 = arith.index_cast %add3A_1286 : i32 to index
      %get3A_1288 = arith.constant 0 : index
      %get3A_1289 = tpu.vector_load %arg10[%get3A_1287, %get3A_1288] {strides = array<i32>} : memref<256x128xf32, #tpu.memory_space<vmem>>, vector<1x16xf32>,
      %get3A_1290 = vector.shape_cast %get3A_1289 : vector<1x16xf32> to vector<16xf32>
      %add3A_1291 = arith.addf %get3A_1290, %get3A_783 : vector<16xf32>
      %add3A_1292 = arith.constant 0 : i32
      %add3A_1293 = arith.addi %add3A_1292, %scan3A_1284 : i32
      %get3A_1294 = arith.index_cast %add3A_1293 : i32 to index
      %get3A_1295 = arith.constant 16 : index
      %get3A_1296 = tpu.vector_load %arg10[%get3A_1294, %get3A_1295] {strides = array<i32>} : memref<256x128xf32, #tpu.memory_space<vmem>>, vector<1x16xf32>,
      %get3A_1297 = vector.shape_cast %get3A_1296 : vector<1x16xf32> to vector<16xf32>
      %add3A_1298 = arith.addf %get3A_1297, %get3A_786 : vector<16xf32>
      %add3A_1299 = arith.constant 0 : i32
      %add3A_1300 = arith.addi %add3A_1299, %scan3A_1284 : i32
      %get3A_1301 = arith.index_cast %add3A_1300 : i32 to index
      %get3A_1302 = arith.constant 32 : index
      %get3A_1303 = tpu.vector_load %arg10[%get3A_1301, %get3A_1302] {strides = array<i32>} : memref<256x128xf32, #tpu.memory_space<vmem>>, vector<1x16xf32>,
      %get3A_1304 = vector.shape_cast %get3A_1303 : vector<1x16xf32> to vector<16xf32>
      %add3A_1305 = arith.addf %get3A_1304, %get3A_789 : vector<16xf32>
      %add3A_1306 = arith.constant 0 : i32
      %add3A_1307 = arith.addi %add3A_1306, %scan3A_1284 : i32
      %get3A_1308 = arith.index_cast %add3A_1307 : i32 to index
      %get3A_1309 = arith.constant 48 : index
      %get3A_1310 = tpu.vector_load %arg10[%get3A_1308, %get3A_1309] {strides = array<i32>} : memref<256x128xf32, #tpu.memory_space<vmem>>, vector<1x16xf32>,
      %get3A_1311 = vector.shape_cast %get3A_1310 : vector<1x16xf32> to vector<16xf32>
      %add3A_1312 = arith.addf %get3A_1311, %get3A_792 : vector<16xf32>
      %add3A_1313 = arith.constant 0 : i32
      %add3A_1314 = arith.addi %add3A_1313, %scan3A_1284 : i32
      %get3A_1315 = arith.index_cast %add3A_1314 : i32 to index
      %get3A_1316 = arith.constant 64 : index
      %get3A_1317 = tpu.vector_load %arg10[%get3A_1315, %get3A_1316] {strides = array<i32>} : memref<256x128xf32, #tpu.memory_space<vmem>>, vector<1x16xf32>,
      %get3A_1318 = vector.shape_cast %get3A_1317 : vector<1x16xf32> to vector<16xf32>
      %add3A_1319 = arith.addf %get3A_1318, %get3A_795 : vector<16xf32>
      %add3A_1320 = arith.constant 0 : i32
      %add3A_1321 = arith.addi %add3A_1320, %scan3A_1284 : i32
      %get3A_1322 = arith.index_cast %add3A_1321 : i32 to index
      %get3A_1323 = arith.constant 80 : index
      %get3A_1324 = tpu.vector_load %arg10[%get3A_1322, %get3A_1323] {strides = array<i32>} : memref<256x128xf32, #tpu.memory_space<vmem>>, vector<1x16xf32>,
      %get3A_1325 = vector.shape_cast %get3A_1324 : vector<1x16xf32> to vector<16xf32>
      %add3A_1326 = arith.addf %get3A_1325, %get3A_798 : vector<16xf32>
      %add3A_1327 = arith.constant 0 : i32
      %add3A_1328 = arith.addi %add3A_1327, %scan3A_1284 : i32
      %get3A_1329 = arith.index_cast %add3A_1328 : i32 to index
      %get3A_1330 = arith.constant 96 : index
      %get3A_1331 = tpu.vector_load %arg10[%get3A_1329, %get3A_1330] {strides = array<i32>} : memref<256x128xf32, #tpu.memory_space<vmem>>, vector<1x16xf32>,
      %get3A_1332 = vector.shape_cast %get3A_1331 : vector<1x16xf32> to vector<16xf32>
      %add3A_1333 = arith.addf %get3A_1332, %get3A_801 : vector<16xf32>
      %add3A_1334 = arith.constant 0 : i32
      %add3A_1335 = arith.addi %add3A_1334, %scan3A_1284 : i32
      %get3A_1336 = arith.index_cast %add3A_1335 : i32 to index
      %get3A_1337 = arith.constant 112 : index
      %get3A_1338 = tpu.vector_load %arg10[%get3A_1336, %get3A_1337] {strides = array<i32>} : memref<256x128xf32, #tpu.memory_space<vmem>>, vector<1x16xf32>,
      %get3A_1339 = vector.shape_cast %get3A_1338 : vector<1x16xf32> to vector<16xf32>
      %add3A_1340 = arith.addf %get3A_1339, %get3A_804 : vector<16xf32>
      %add3A_1341 = arith.constant 0 : i32
      %add3A_1342 = arith.addi %add3A_1341, %scan3A_1284 : i32
      %swap3A_1343 = arith.constant 0 : i32
      %swap3A_1344 = arith.index_cast %swap3A_1343 : i32 to index
      %swap3A_1345 = arith.index_cast %add3A_1342 : i32 to index
      %swap3A_1346 = arith.constant 0 : index
      %swap3A_1347 = tpu.vector_load %arg11[%swap3A_1344, %swap3A_1345, %swap3A_1346] {strides = array<i32>} : memref<5x128x128xf32, #tpu.memory_space<vmem>>, vector<1x1x16xf32>,
      %swap3A_1348 = vector.shape_cast %swap3A_1347 : vector<1x1x16xf32> to vector<16xf32>
      %swap3A_1349 = vector.shape_cast %add3A_1291 : vector<16xf32> to vector<1x1x16xf32>
      tpu.vector_store %arg11[%swap3A_1344, %swap3A_1345, %swap3A_1346], %swap3A_1349 {add = true, strides = array<i32>} : memref<5x128x128xf32, #tpu.memory_space<vmem>>, vector<1x1x16xf32>,
      %add3A_1350 = arith.constant 0 : i32
      %add3A_1351 = arith.addi %add3A_1350, %scan3A_1284 : i32
      %swap3A_1352 = arith.constant 0 : i32
      %swap3A_1353 = arith.index_cast %swap3A_1352 : i32 to index
      %swap3A_1354 = arith.index_cast %add3A_1351 : i32 to index
      %swap3A_1355 = arith.constant 16 : index
      %swap3A_1356 = tpu.vector_load %arg11[%swap3A_1353, %swap3A_1354, %swap3A_1355] {strides = array<i32>} : memref<5x128x128xf32, #tpu.memory_space<vmem>>, vector<1x1x16xf32>,
      %swap3A_1357 = vector.shape_cast %swap3A_1356 : vector<1x1x16xf32> to vector<16xf32>
      %swap3A_1358 = vector.shape_cast %add3A_1298 : vector<16xf32> to vector<1x1x16xf32>
      tpu.vector_store %arg11[%swap3A_1353, %swap3A_1354, %swap3A_1355], %swap3A_1358 {add = true, strides = array<i32>} : memref<5x128x128xf32, #tpu.memory_space<vmem>>, vector<1x1x16xf32>,
      %add3A_1359 = arith.constant 0 : i32
      %add3A_1360 = arith.addi %add3A_1359, %scan3A_1284 : i32
      %swap3A_1361 = arith.constant 0 : i32
      %swap3A_1362 = arith.index_cast %swap3A_1361 : i32 to index
      %swap3A_1363 = arith.index_cast %add3A_1360 : i32 to index
      %swap3A_1364 = arith.constant 32 : index
      %swap3A_1365 = tpu.vector_load %arg11[%swap3A_1362, %swap3A_1363, %swap3A_1364] {strides = array<i32>} : memref<5x128x128xf32, #tpu.memory_space<vmem>>, vector<1x1x16xf32>,
      %swap3A_1366 = vector.shape_cast %swap3A_1365 : vector<1x1x16xf32> to vector<16xf32>
      %swap3A_1367 = vector.shape_cast %add3A_1305 : vector<16xf32> to vector<1x1x16xf32>
      tpu.vector_store %arg11[%swap3A_1362, %swap3A_1363, %swap3A_1364], %swap3A_1367 {add = true, strides = array<i32>} : memref<5x128x128xf32, #tpu.memory_space<vmem>>, vector<1x1x16xf32>,
      %add3A_1368 = arith.constant 0 : i32
      %add3A_1369 = arith.addi %add3A_1368, %scan3A_1284 : i32
      %swap3A_1370 = arith.constant 0 : i32
      %swap3A_1371 = arith.index_cast %swap3A_1370 : i32 to index
      %swap3A_1372 = arith.index_cast %add3A_1369 : i32 to index
      %swap3A_1373 = arith.constant 48 : index
      %swap3A_1374 = tpu.vector_load %arg11[%swap3A_1371, %swap3A_1372, %swap3A_1373] {strides = array<i32>} : memref<5x128x128xf32, #tpu.memory_space<vmem>>, vector<1x1x16xf32>,
      %swap3A_1375 = vector.shape_cast %swap3A_1374 : vector<1x1x16xf32> to vector<16xf32>
      %swap3A_1376 = vector.shape_cast %add3A_1312 : vector<16xf32> to vector<1x1x16xf32>
      tpu.vector_store %arg11[%swap3A_1371, %swap3A_1372, %swap3A_1373], %swap3A_1376 {add = true, strides = array<i32>} : memref<5x128x128xf32, #tpu.memory_space<vmem>>, vector<1x1x16xf32>,
      %add3A_1377 = arith.constant 0 : i32
      %add3A_1378 = arith.addi %add3A_1377, %scan3A_1284 : i32
      %swap3A_1379 = arith.constant 0 : i32
      %swap3A_1380 = arith.index_cast %swap3A_1379 : i32 to index
      %swap3A_1381 = arith.index_cast %add3A_1378 : i32 to index
      %swap3A_1382 = arith.constant 64 : index
      %swap3A_1383 = tpu.vector_load %arg11[%swap3A_1380, %swap3A_1381, %swap3A_1382] {strides = array<i32>} : memref<5x128x128xf32, #tpu.memory_space<vmem>>, vector<1x1x16xf32>,
      %swap3A_1384 = vector.shape_cast %swap3A_1383 : vector<1x1x16xf32> to vector<16xf32>
      %swap3A_1385 = vector.shape_cast %add3A_1319 : vector<16xf32> to vector<1x1x16xf32>
      tpu.vector_store %arg11[%swap3A_1380, %swap3A_1381, %swap3A_1382], %swap3A_1385 {add = true, strides = array<i32>} : memref<5x128x128xf32, #tpu.memory_space<vmem>>, vector<1x1x16xf32>,
      %add3A_1386 = arith.constant 0 : i32
      %add3A_1387 = arith.addi %add3A_1386, %scan3A_1284 : i32
      %swap3A_1388 = arith.constant 0 : i32
      %swap3A_1389 = arith.index_cast %swap3A_1388 : i32 to index
      %swap3A_1390 = arith.index_cast %add3A_1387 : i32 to index
      %swap3A_1391 = arith.constant 80 : index
      %swap3A_1392 = tpu.vector_load %arg11[%swap3A_1389, %swap3A_1390, %swap3A_1391] {strides = array<i32>} : memref<5x128x128xf32, #tpu.memory_space<vmem>>, vector<1x1x16xf32>,
      %swap3A_1393 = vector.shape_cast %swap3A_1392 : vector<1x1x16xf32> to vector<16xf32>
      %swap3A_1394 = vector.shape_cast %add3A_1326 : vector<16xf32> to vector<1x1x16xf32>
      tpu.vector_store %arg11[%swap3A_1389, %swap3A_1390, %swap3A_1391], %swap3A_1394 {add = true, strides = array<i32>} : memref<5x128x128xf32, #tpu.memory_space<vmem>>, vector<1x1x16xf32>,
      %add3A_1395 = arith.constant 0 : i32
      %add3A_1396 = arith.addi %add3A_1395, %scan3A_1284 : i32
      %swap3A_1397 = arith.constant 0 : i32
      %swap3A_1398 = arith.index_cast %swap3A_1397 : i32 to index
      %swap3A_1399 = arith.index_cast %add3A_1396 : i32 to index
      %swap3A_1400 = arith.constant 96 : index
      %swap3A_1401 = tpu.vector_load %arg11[%swap3A_1398, %swap3A_1399, %swap3A_1400] {strides = array<i32>} : memref<5x128x128xf32, #tpu.memory_space<vmem>>, vector<1x1x16xf32>,
      %swap3A_1402 = vector.shape_cast %swap3A_1401 : vector<1x1x16xf32> to vector<16xf32>
      %swap3A_1403 = vector.shape_cast %add3A_1333 : vector<16xf32> to vector<1x1x16xf32>
      tpu.vector_store %arg11[%swap3A_1398, %swap3A_1399, %swap3A_1400], %swap3A_1403 {add = true, strides = array<i32>} : memref<5x128x128xf32, #tpu.memory_space<vmem>>, vector<1x1x16xf32>,
      %add3A_1404 = arith.constant 0 : i32
      %add3A_1405 = arith.addi %add3A_1404, %scan3A_1284 : i32
      %swap3A_1406 = arith.constant 0 : i32
      %swap3A_1407 = arith.index_cast %swap3A_1406 : i32 to index
      %swap3A_1408 = arith.index_cast %add3A_1405 : i32 to index
      %swap3A_1409 = arith.constant 112 : index
      %swap3A_1410 = tpu.vector_load %arg11[%swap3A_1407, %swap3A_1408, %swap3A_1409] {strides = array<i32>} : memref<5x128x128xf32, #tpu.memory_space<vmem>>, vector<1x1x16xf32>,
      %swap3A_1411 = vector.shape_cast %swap3A_1410 : vector<1x1x16xf32> to vector<16xf32>
      %swap3A_1412 = vector.shape_cast %add3A_1340 : vector<16xf32> to vector<1x1x16xf32>
      tpu.vector_store %arg11[%swap3A_1407, %swap3A_1408, %swap3A_1409], %swap3A_1412 {add = true, strides = array<i32>} : memref<5x128x128xf32, #tpu.memory_space<vmem>>, vector<1x1x16xf32>,
      %add3A_1413 = arith.constant 32 : i32
      %add3A_1414 = arith.addi %add3A_1413, %scan3A_1284 : i32
      %swap3A_1415 = arith.constant 0 : i32
      %swap3A_1416 = arith.index_cast %swap3A_1415 : i32 to index
      %swap3A_1417 = arith.index_cast %add3A_1414 : i32 to index
      %swap3A_1418 = arith.constant 0 : index
      %swap3A_1419 = tpu.vector_load %arg11[%swap3A_1416, %swap3A_1417, %swap3A_1418] {strides = array<i32>} : memref<5x128x128xf32, #tpu.memory_space<vmem>>, vector<1x1x16xf32>,
      %swap3A_1420 = vector.shape_cast %swap3A_1419 : vector<1x1x16xf32> to vector<16xf32>
      %swap3A_1421 = vector.shape_cast %add3A_1291 : vector<16xf32> to vector<1x1x16xf32>
      tpu.vector_store %arg11[%swap3A_1416, %swap3A_1417, %swap3A_1418], %swap3A_1421 {add = true, strides = array<i32>} : memref<5x128x128xf32, #tpu.memory_space<vmem>>, vector<1x1x16xf32>,
      %add3A_1422 = arith.constant 32 : i32
      %add3A_1423 = arith.addi %add3A_1422, %scan3A_1284 : i32
      %swap3A_1424 = arith.constant 0 : i32
      %swap3A_1425 = arith.index_cast %swap3A_1424 : i32 to index
      %swap3A_1426 = arith.index_cast %add3A_1423 : i32 to index
      %swap3A_1427 = arith.constant 16 : index
      %swap3A_1428 = tpu.vector_load %arg11[%swap3A_1425, %swap3A_1426, %swap3A_1427] {strides = array<i32>} : memref<5x128x128xf32, #tpu.memory_space<vmem>>, vector<1x1x16xf32>,
      %swap3A_1429 = vector.shape_cast %swap3A_1428 : vector<1x1x16xf32> to vector<16xf32>
      %swap3A_1430 = vector.shape_cast %add3A_1298 : vector<16xf32> to vector<1x1x16xf32>
      tpu.vector_store %arg11[%swap3A_1425, %swap3A_1426, %swap3A_1427], %swap3A_1430 {add = true, strides = array<i32>} : memref<5x128x128xf32, #tpu.memory_space<vmem>>, vector<1x1x16xf32>,
      %add3A_1431 = arith.constant 32 : i32
      %add3A_1432 = arith.addi %add3A_1431, %scan3A_1284 : i32
      %swap3A_1433 = arith.constant 0 : i32
      %swap3A_1434 = arith.index_cast %swap3A_1433 : i32 to index
      %swap3A_1435 = arith.index_cast %add3A_1432 : i32 to index
      %swap3A_1436 = arith.constant 32 : index
      %swap3A_1437 = tpu.vector_load %arg11[%swap3A_1434, %swap3A_1435, %swap3A_1436] {strides = array<i32>} : memref<5x128x128xf32, #tpu.memory_space<vmem>>, vector<1x1x16xf32>,
      %swap3A_1438 = vector.shape_cast %swap3A_1437 : vector<1x1x16xf32> to vector<16xf32>
      %swap3A_1439 = vector.shape_cast %add3A_1305 : vector<16xf32> to vector<1x1x16xf32>
      tpu.vector_store %arg11[%swap3A_1434, %swap3A_1435, %swap3A_1436], %swap3A_1439 {add = true, strides = array<i32>} : memref<5x128x128xf32, #tpu.memory_space<vmem>>, vector<1x1x16xf32>,
      %add3A_1440 = arith.constant 32 : i32
      %add3A_1441 = arith.addi %add3A_1440, %scan3A_1284 : i32
      %swap3A_1442 = arith.constant 0 : i32
      %swap3A_1443 = arith.index_cast %swap3A_1442 : i32 to index
      %swap3A_1444 = arith.index_cast %add3A_1441 : i32 to index
      %swap3A_1445 = arith.constant 48 : index
      %swap3A_1446 = tpu.vector_load %arg11[%swap3A_1443, %swap3A_1444, %swap3A_1445] {strides = array<i32>} : memref<5x128x128xf32, #tpu.memory_space<vmem>>, vector<1x1x16xf32>,
      %swap3A_1447 = vector.shape_cast %swap3A_1446 : vector<1x1x16xf32> to vector<16xf32>
      %swap3A_1448 = vector.shape_cast %add3A_1312 : vector<16xf32> to vector<1x1x16xf32>
      tpu.vector_store %arg11[%swap3A_1443, %swap3A_1444, %swap3A_1445], %swap3A_1448 {add = true, strides = array<i32>} : memref<5x128x128xf32, #tpu.memory_space<vmem>>, vector<1x1x16xf32>,
      %add3A_1449 = arith.constant 32 : i32
      %add3A_1450 = arith.addi %add3A_1449, %scan3A_1284 : i32
      %swap3A_1451 = arith.constant 0 : i32
      %swap3A_1452 = arith.index_cast %swap3A_1451 : i32 to index
      %swap3A_1453 = arith.index_cast %add3A_1450 : i32 to index
      %swap3A_1454 = arith.constant 64 : index
      %swap3A_1455 = tpu.vector_load %arg11[%swap3A_1452, %swap3A_1453, %swap3A_1454] {strides = array<i32>} : memref<5x128x128xf32, #tpu.memory_space<vmem>>, vector<1x1x16xf32>,
      %swap3A_1456 = vector.shape_cast %swap3A_1455 : vector<1x1x16xf32> to vector<16xf32>
      %swap3A_1457 = vector.shape_cast %add3A_1319 : vector<16xf32> to vector<1x1x16xf32>
      tpu.vector_store %arg11[%swap3A_1452, %swap3A_1453, %swap3A_1454], %swap3A_1457 {add = true, strides = array<i32>} : memref<5x128x128xf32, #tpu.memory_space<vmem>>, vector<1x1x16xf32>,
      %add3A_1458 = arith.constant 32 : i32
      %add3A_1459 = arith.addi %add3A_1458, %scan3A_1284 : i32
      %swap3A_1460 = arith.constant 0 : i32
      %swap3A_1461 = arith.index_cast %swap3A_1460 : i32 to index
      %swap3A_1462 = arith.index_cast %add3A_1459 : i32 to index
      %swap3A_1463 = arith.constant 80 : index
      %swap3A_1464 = tpu.vector_load %arg11[%swap3A_1461, %swap3A_1462, %swap3A_1463] {strides = array<i32>} : memref<5x128x128xf32, #tpu.memory_space<vmem>>, vector<1x1x16xf32>,
      %swap3A_1465 = vector.shape_cast %swap3A_1464 : vector<1x1x16xf32> to vector<16xf32>
      %swap3A_1466 = vector.shape_cast %add3A_1326 : vector<16xf32> to vector<1x1x16xf32>
      tpu.vector_store %arg11[%swap3A_1461, %swap3A_1462, %swap3A_1463], %swap3A_1466 {add = true, strides = array<i32>} : memref<5x128x128xf32, #tpu.memory_space<vmem>>, vector<1x1x16xf32>,
      %add3A_1467 = arith.constant 32 : i32
      %add3A_1468 = arith.addi %add3A_1467, %scan3A_1284 : i32
      %swap3A_1469 = arith.constant 0 : i32
      %swap3A_1470 = arith.index_cast %swap3A_1469 : i32 to index
      %swap3A_1471 = arith.index_cast %add3A_1468 : i32 to index
      %swap3A_1472 = arith.constant 96 : index
      %swap3A_1473 = tpu.vector_load %arg11[%swap3A_1470, %swap3A_1471, %swap3A_1472] {strides = array<i32>} : memref<5x128x128xf32, #tpu.memory_space<vmem>>, vector<1x1x16xf32>,
      %swap3A_1474 = vector.shape_cast %swap3A_1473 : vector<1x1x16xf32> to vector<16xf32>
      %swap3A_1475 = vector.shape_cast %add3A_1333 : vector<16xf32> to vector<1x1x16xf32>
      tpu.vector_store %arg11[%swap3A_1470, %swap3A_1471, %swap3A_1472], %swap3A_1475 {add = true, strides = array<i32>} : memref<5x128x128xf32, #tpu.memory_space<vmem>>, vector<1x1x16xf32>,
      %add3A_1476 = arith.constant 32 : i32
      %add3A_1477 = arith.addi %add3A_1476, %scan3A_1284 : i32
      %swap3A_1478 = arith.constant 0 : i32
      %swap3A_1479 = arith.index_cast %swap3A_1478 : i32 to index
      %swap3A_1480 = arith.index_cast %add3A_1477 : i32 to index
      %swap3A_1481 = arith.constant 112 : index
      %swap3A_1482 = tpu.vector_load %arg11[%swap3A_1479, %swap3A_1480, %swap3A_1481] {strides = array<i32>} : memref<5x128x128xf32, #tpu.memory_space<vmem>>, vector<1x1x16xf32>,
      %swap3A_1483 = vector.shape_cast %swap3A_1482 : vector<1x1x16xf32> to vector<16xf32>
      %swap3A_1484 = vector.shape_cast %add3A_1340 : vector<16xf32> to vector<1x1x16xf32>
      tpu.vector_store %arg11[%swap3A_1479, %swap3A_1480, %swap3A_1481], %swap3A_1484 {add = true, strides = array<i32>} : memref<5x128x128xf32, #tpu.memory_space<vmem>>, vector<1x1x16xf32>,
      %add3A_1485 = arith.constant 64 : i32
      %add3A_1486 = arith.addi %add3A_1485, %scan3A_1284 : i32
      %swap3A_1487 = arith.constant 0 : i32
      %swap3A_1488 = arith.index_cast %swap3A_1487 : i32 to index
      %swap3A_1489 = arith.index_cast %add3A_1486 : i32 to index
      %swap3A_1490 = arith.constant 0 : index
      %swap3A_1491 = tpu.vector_load %arg11[%swap3A_1488, %swap3A_1489, %swap3A_1490] {strides = array<i32>} : memref<5x128x128xf32, #tpu.memory_space<vmem>>, vector<1x1x16xf32>,
      %swap3A_1492 = vector.shape_cast %swap3A_1491 : vector<1x1x16xf32> to vector<16xf32>
      %swap3A_1493 = vector.shape_cast %add3A_1291 : vector<16xf32> to vector<1x1x16xf32>
      tpu.vector_store %arg11[%swap3A_1488, %swap3A_1489, %swap3A_1490], %swap3A_1493 {add = true, strides = array<i32>} : memref<5x128x128xf32, #tpu.memory_space<vmem>>, vector<1x1x16xf32>,
      %add3A_1494 = arith.constant 64 : i32
      %add3A_1495 = arith.addi %add3A_1494, %scan3A_1284 : i32
      %swap3A_1496 = arith.constant 0 : i32
      %swap3A_1497 = arith.index_cast %swap3A_1496 : i32 to index
      %swap3A_1498 = arith.index_cast %add3A_1495 : i32 to index
      %swap3A_1499 = arith.constant 16 : index
      %swap3A_1500 = tpu.vector_load %arg11[%swap3A_1497, %swap3A_1498, %swap3A_1499] {strides = array<i32>} : memref<5x128x128xf32, #tpu.memory_space<vmem>>, vector<1x1x16xf32>,
      %swap3A_1501 = vector.shape_cast %swap3A_1500 : vector<1x1x16xf32> to vector<16xf32>
      %swap3A_1502 = vector.shape_cast %add3A_1298 : vector<16xf32> to vector<1x1x16xf32>
      tpu.vector_store %arg11[%swap3A_1497, %swap3A_1498, %swap3A_1499], %swap3A_1502 {add = true, strides = array<i32>} : memref<5x128x128xf32, #tpu.memory_space<vmem>>, vector<1x1x16xf32>,
      %add3A_1503 = arith.constant 64 : i32
      %add3A_1504 = arith.addi %add3A_1503, %scan3A_1284 : i32
      %swap3A_1505 = arith.constant 0 : i32
      %swap3A_1506 = arith.index_cast %swap3A_1505 : i32 to index
      %swap3A_1507 = arith.index_cast %add3A_1504 : i32 to index
      %swap3A_1508 = arith.constant 32 : index
      %swap3A_1509 = tpu.vector_load %arg11[%swap3A_1506, %swap3A_1507, %swap3A_1508] {strides = array<i32>} : memref<5x128x128xf32, #tpu.memory_space<vmem>>, vector<1x1x16xf32>,
      %swap3A_1510 = vector.shape_cast %swap3A_1509 : vector<1x1x16xf32> to vector<16xf32>
      %swap3A_1511 = vector.shape_cast %add3A_1305 : vector<16xf32> to vector<1x1x16xf32>
      tpu.vector_store %arg11[%swap3A_1506, %swap3A_1507, %swap3A_1508], %swap3A_1511 {add = true, strides = array<i32>} : memref<5x128x128xf32, #tpu.memory_space<vmem>>, vector<1x1x16xf32>,
      %add3A_1512 = arith.constant 64 : i32
      %add3A_1513 = arith.addi %add3A_1512, %scan3A_1284 : i32
      %swap3A_1514 = arith.constant 0 : i32
      %swap3A_1515 = arith.index_cast %swap3A_1514 : i32 to index
      %swap3A_1516 = arith.index_cast %add3A_1513 : i32 to index
      %swap3A_1517 = arith.constant 48 : index
      %swap3A_1518 = tpu.vector_load %arg11[%swap3A_1515, %swap3A_1516, %swap3A_1517] {strides = array<i32>} : memref<5x128x128xf32, #tpu.memory_space<vmem>>, vector<1x1x16xf32>,
      %swap3A_1519 = vector.shape_cast %swap3A_1518 : vector<1x1x16xf32> to vector<16xf32>
      %swap3A_1520 = vector.shape_cast %add3A_1312 : vector<16xf32> to vector<1x1x16xf32>
      tpu.vector_store %arg11[%swap3A_1515, %swap3A_1516, %swap3A_1517], %swap3A_1520 {add = true, strides = array<i32>} : memref<5x128x128xf32, #tpu.memory_space<vmem>>, vector<1x1x16xf32>,
      %add3A_1521 = arith.constant 64 : i32
      %add3A_1522 = arith.addi %add3A_1521, %scan3A_1284 : i32
      %swap3A_1523 = arith.constant 0 : i32
      %swap3A_1524 = arith.index_cast %swap3A_1523 : i32 to index
      %swap3A_1525 = arith.index_cast %add3A_1522 : i32 to index
      %swap3A_1526 = arith.constant 64 : index
      %swap3A_1527 = tpu.vector_load %arg11[%swap3A_1524, %swap3A_1525, %swap3A_1526] {strides = array<i32>} : memref<5x128x128xf32, #tpu.memory_space<vmem>>, vector<1x1x16xf32>,
      %swap3A_1528 = vector.shape_cast %swap3A_1527 : vector<1x1x16xf32> to vector<16xf32>
      %swap3A_1529 = vector.shape_cast %add3A_1319 : vector<16xf32> to vector<1x1x16xf32>
      tpu.vector_store %arg11[%swap3A_1524, %swap3A_1525, %swap3A_1526], %swap3A_1529 {add = true, strides = array<i32>} : memref<5x128x128xf32, #tpu.memory_space<vmem>>, vector<1x1x16xf32>,
      %add3A_1530 = arith.constant 64 : i32
      %add3A_1531 = arith.addi %add3A_1530, %scan3A_1284 : i32
      %swap3A_1532 = arith.constant 0 : i32
      %swap3A_1533 = arith.index_cast %swap3A_1532 : i32 to index
      %swap3A_1534 = arith.index_cast %add3A_1531 : i32 to index
      %swap3A_1535 = arith.constant 80 : index
      %swap3A_1536 = tpu.vector_load %arg11[%swap3A_1533, %swap3A_1534, %swap3A_1535] {strides = array<i32>} : memref<5x128x128xf32, #tpu.memory_space<vmem>>, vector<1x1x16xf32>,
      %swap3A_1537 = vector.shape_cast %swap3A_1536 : vector<1x1x16xf32> to vector<16xf32>
      %swap3A_1538 = vector.shape_cast %add3A_1326 : vector<16xf32> to vector<1x1x16xf32>
      tpu.vector_store %arg11[%swap3A_1533, %swap3A_1534, %swap3A_1535], %swap3A_1538 {add = true, strides = array<i32>} : memref<5x128x128xf32, #tpu.memory_space<vmem>>, vector<1x1x16xf32>,
      %add3A_1539 = arith.constant 64 : i32
      %add3A_1540 = arith.addi %add3A_1539, %scan3A_1284 : i32
      %swap3A_1541 = arith.constant 0 : i32
      %swap3A_1542 = arith.index_cast %swap3A_1541 : i32 to index
      %swap3A_1543 = arith.index_cast %add3A_1540 : i32 to index
      %swap3A_1544 = arith.constant 96 : index
      %swap3A_1545 = tpu.vector_load %arg11[%swap3A_1542, %swap3A_1543, %swap3A_1544] {strides = array<i32>} : memref<5x128x128xf32, #tpu.memory_space<vmem>>, vector<1x1x16xf32>,
      %swap3A_1546 = vector.shape_cast %swap3A_1545 : vector<1x1x16xf32> to vector<16xf32>
      %swap3A_1547 = vector.shape_cast %add3A_1333 : vector<16xf32> to vector<1x1x16xf32>
      tpu.vector_store %arg11[%swap3A_1542, %swap3A_1543, %swap3A_1544], %swap3A_1547 {add = true, strides = array<i32>} : memref<5x128x128xf32, #tpu.memory_space<vmem>>, vector<1x1x16xf32>,
      %add3A_1548 = arith.constant 64 : i32
      %add3A_1549 = arith.addi %add3A_1548, %scan3A_1284 : i32
      %swap3A_1550 = arith.constant 0 : i32
      %swap3A_1551 = arith.index_cast %swap3A_1550 : i32 to index
      %swap3A_1552 = arith.index_cast %add3A_1549 : i32 to index
      %swap3A_1553 = arith.constant 112 : index
      %swap3A_1554 = tpu.vector_load %arg11[%swap3A_1551, %swap3A_1552, %swap3A_1553] {strides = array<i32>} : memref<5x128x128xf32, #tpu.memory_space<vmem>>, vector<1x1x16xf32>,
      %swap3A_1555 = vector.shape_cast %swap3A_1554 : vector<1x1x16xf32> to vector<16xf32>
      %swap3A_1556 = vector.shape_cast %add3A_1340 : vector<16xf32> to vector<1x1x16xf32>
      tpu.vector_store %arg11[%swap3A_1551, %swap3A_1552, %swap3A_1553], %swap3A_1556 {add = true, strides = array<i32>} : memref<5x128x128xf32, #tpu.memory_space<vmem>>, vector<1x1x16xf32>,
      %add3A_1557 = arith.constant 96 : i32
      %add3A_1558 = arith.addi %add3A_1557, %scan3A_1284 : i32
      %swap3A_1559 = arith.constant 0 : i32
      %swap3A_1560 = arith.index_cast %swap3A_1559 : i32 to index
      %swap3A_1561 = arith.index_cast %add3A_1558 : i32 to index
      %swap3A_1562 = arith.constant 0 : index
      %swap3A_1563 = tpu.vector_load %arg11[%swap3A_1560, %swap3A_1561, %swap3A_1562] {strides = array<i32>} : memref<5x128x128xf32, #tpu.memory_space<vmem>>, vector<1x1x16xf32>,
      %swap3A_1564 = vector.shape_cast %swap3A_1563 : vector<1x1x16xf32> to vector<16xf32>
      %swap3A_1565 = vector.shape_cast %add3A_1291 : vector<16xf32> to vector<1x1x16xf32>
      tpu.vector_store %arg11[%swap3A_1560, %swap3A_1561, %swap3A_1562], %swap3A_1565 {add = true, strides = array<i32>} : memref<5x128x128xf32, #tpu.memory_space<vmem>>, vector<1x1x16xf32>,
      %add3A_1566 = arith.constant 96 : i32
      %add3A_1567 = arith.addi %add3A_1566, %scan3A_1284 : i32
      %swap3A_1568 = arith.constant 0 : i32
      %swap3A_1569 = arith.index_cast %swap3A_1568 : i32 to index
      %swap3A_1570 = arith.index_cast %add3A_1567 : i32 to index
      %swap3A_1571 = arith.constant 16 : index
      %swap3A_1572 = tpu.vector_load %arg11[%swap3A_1569, %swap3A_1570, %swap3A_1571] {strides = array<i32>} : memref<5x128x128xf32, #tpu.memory_space<vmem>>, vector<1x1x16xf32>,
      %swap3A_1573 = vector.shape_cast %swap3A_1572 : vector<1x1x16xf32> to vector<16xf32>
      %swap3A_1574 = vector.shape_cast %add3A_1298 : vector<16xf32> to vector<1x1x16xf32>
      tpu.vector_store %arg11[%swap3A_1569, %swap3A_1570, %swap3A_1571], %swap3A_1574 {add = true, strides = array<i32>} : memref<5x128x128xf32, #tpu.memory_space<vmem>>, vector<1x1x16xf32>,
      %add3A_1575 = arith.constant 96 : i32
      %add3A_1576 = arith.addi %add3A_1575, %scan3A_1284 : i32
      %swap3A_1577 = arith.constant 0 : i32
      %swap3A_1578 = arith.index_cast %swap3A_1577 : i32 to index
      %swap3A_1579 = arith.index_cast %add3A_1576 : i32 to index
      %swap3A_1580 = arith.constant 32 : index
      %swap3A_1581 = tpu.vector_load %arg11[%swap3A_1578, %swap3A_1579, %swap3A_1580] {strides = array<i32>} : memref<5x128x128xf32, #tpu.memory_space<vmem>>, vector<1x1x16xf32>,
      %swap3A_1582 = vector.shape_cast %swap3A_1581 : vector<1x1x16xf32> to vector<16xf32>
      %swap3A_1583 = vector.shape_cast %add3A_1305 : vector<16xf32> to vector<1x1x16xf32>
      tpu.vector_store %arg11[%swap3A_1578, %swap3A_1579, %swap3A_1580], %swap3A_1583 {add = true, strides = array<i32>} : memref<5x128x128xf32, #tpu.memory_space<vmem>>, vector<1x1x16xf32>,
      %add3A_1584 = arith.constant 96 : i32
      %add3A_1585 = arith.addi %add3A_1584, %scan3A_1284 : i32
      %swap3A_1586 = arith.constant 0 : i32
      %swap3A_1587 = arith.index_cast %swap3A_1586 : i32 to index
      %swap3A_1588 = arith.index_cast %add3A_1585 : i32 to index
      %swap3A_1589 = arith.constant 48 : index
      %swap3A_1590 = tpu.vector_load %arg11[%swap3A_1587, %swap3A_1588, %swap3A_1589] {strides = array<i32>} : memref<5x128x128xf32, #tpu.memory_space<vmem>>, vector<1x1x16xf32>,
      %swap3A_1591 = vector.shape_cast %swap3A_1590 : vector<1x1x16xf32> to vector<16xf32>
      %swap3A_1592 = vector.shape_cast %add3A_1312 : vector<16xf32> to vector<1x1x16xf32>
      tpu.vector_store %arg11[%swap3A_1587, %swap3A_1588, %swap3A_1589], %swap3A_1592 {add = true, strides = array<i32>} : memref<5x128x128xf32, #tpu.memory_space<vmem>>, vector<1x1x16xf32>,
      %add3A_1593 = arith.constant 96 : i32
      %add3A_1594 = arith.addi %add3A_1593, %scan3A_1284 : i32
      %swap3A_1595 = arith.constant 0 : i32
      %swap3A_1596 = arith.index_cast %swap3A_1595 : i32 to index
      %swap3A_1597 = arith.index_cast %add3A_1594 : i32 to index
      %swap3A_1598 = arith.constant 64 : index
      %swap3A_1599 = tpu.vector_load %arg11[%swap3A_1596, %swap3A_1597, %swap3A_1598] {strides = array<i32>} : memref<5x128x128xf32, #tpu.memory_space<vmem>>, vector<1x1x16xf32>,
      %swap3A_1600 = vector.shape_cast %swap3A_1599 : vector<1x1x16xf32> to vector<16xf32>
      %swap3A_1601 = vector.shape_cast %add3A_1319 : vector<16xf32> to vector<1x1x16xf32>
      tpu.vector_store %arg11[%swap3A_1596, %swap3A_1597, %swap3A_1598], %swap3A_1601 {add = true, strides = array<i32>} : memref<5x128x128xf32, #tpu.memory_space<vmem>>, vector<1x1x16xf32>,
      %add3A_1602 = arith.constant 96 : i32
      %add3A_1603 = arith.addi %add3A_1602, %scan3A_1284 : i32
      %swap3A_1604 = arith.constant 0 : i32
      %swap3A_1605 = arith.index_cast %swap3A_1604 : i32 to index
      %swap3A_1606 = arith.index_cast %add3A_1603 : i32 to index
      %swap3A_1607 = arith.constant 80 : index
      %swap3A_1608 = tpu.vector_load %arg11[%swap3A_1605, %swap3A_1606, %swap3A_1607] {strides = array<i32>} : memref<5x128x128xf32, #tpu.memory_space<vmem>>, vector<1x1x16xf32>,
      %swap3A_1609 = vector.shape_cast %swap3A_1608 : vector<1x1x16xf32> to vector<16xf32>
      %swap3A_1610 = vector.shape_cast %add3A_1326 : vector<16xf32> to vector<1x1x16xf32>
      tpu.vector_store %arg11[%swap3A_1605, %swap3A_1606, %swap3A_1607], %swap3A_1610 {add = true, strides = array<i32>} : memref<5x128x128xf32, #tpu.memory_space<vmem>>, vector<1x1x16xf32>,
      %add3A_1611 = arith.constant 96 : i32
      %add3A_1612 = arith.addi %add3A_1611, %scan3A_1284 : i32
      %swap3A_1613 = arith.constant 0 : i32
      %swap3A_1614 = arith.index_cast %swap3A_1613 : i32 to index
      %swap3A_1615 = arith.index_cast %add3A_1612 : i32 to index
      %swap3A_1616 = arith.constant 96 : index
      %swap3A_1617 = tpu.vector_load %arg11[%swap3A_1614, %swap3A_1615, %swap3A_1616] {strides = array<i32>} : memref<5x128x128xf32, #tpu.memory_space<vmem>>, vector<1x1x16xf32>,
      %swap3A_1618 = vector.shape_cast %swap3A_1617 : vector<1x1x16xf32> to vector<16xf32>
      %swap3A_1619 = vector.shape_cast %add3A_1333 : vector<16xf32> to vector<1x1x16xf32>
      tpu.vector_store %arg11[%swap3A_1614, %swap3A_1615, %swap3A_1616], %swap3A_1619 {add = true, strides = array<i32>} : memref<5x128x128xf32, #tpu.memory_space<vmem>>, vector<1x1x16xf32>,
      %add3A_1620 = arith.constant 96 : i32
      %add3A_1621 = arith.addi %add3A_1620, %scan3A_1284 : i32
      %swap3A_1622 = arith.constant 0 : i32
      %swap3A_1623 = arith.index_cast %swap3A_1622 : i32 to index
      %swap3A_1624 = arith.index_cast %add3A_1621 : i32 to index
      %swap3A_1625 = arith.constant 112 : index
      %swap3A_1626 = tpu.vector_load %arg11[%swap3A_1623, %swap3A_1624, %swap3A_1625] {strides = array<i32>} : memref<5x128x128xf32, #tpu.memory_space<vmem>>, vector<1x1x16xf32>,
      %swap3A_1627 = vector.shape_cast %swap3A_1626 : vector<1x1x16xf32> to vector<16xf32>
      %swap3A_1628 = vector.shape_cast %add3A_1340 : vector<16xf32> to vector<1x1x16xf32>
      tpu.vector_store %arg11[%swap3A_1623, %swap3A_1624, %swap3A_1625], %swap3A_1628 {add = true, strides = array<i32>} : memref<5x128x128xf32, #tpu.memory_space<vmem>>, vector<1x1x16xf32>,
    }
    %scan3A_821 = arith.constant 32 : i32
    %add3A_822 = arith.constant 0 : i32
    %add3A_823 = arith.addi %mul3A_2, %add3A_822 : i32
    %dma_start3A_824 = arith.constant 0 : i32
    %dma_start3A_825 = arith.constant 0 : i32
    %dma_start3A_826 = arith.constant 0 : i32
    %dma_start3A_827 = tpu.memref_slice %arg11[%dma_start3A_824, %dma_start3A_825, %dma_start3A_826] : memref<5x128x128xf32, #tpu.memory_space<vmem>> -> memref<1x128x128xf32, #tpu.memory_space<vmem>>
    %dma_start3A_828 = tpu.memref_squeeze %dma_start3A_827 : memref<1x128x128xf32, #tpu.memory_space<vmem>> -> memref<128x128xf32, #tpu.memory_space<vmem>>
    %dma_start3A_829 = tpu.memref_reshape %dma_start3A_828 : memref<128x128xf32, #tpu.memory_space<vmem>> -> memref<4x32x128xf32, #tpu.memory_space<vmem>>
    %dma_start3A_830 = arith.constant 0 : i32
    %dma_start3A_831 = arith.constant 0 : i32
    %dma_start3A_832 = tpu.memref_slice %arg6[%dma_start3A_830, %add3A_823, %dma_start3A_831] : memref<4x8192x128xf32, #tpu.memory_space<hbm>> -> memref<4x32x128xf32, #tpu.memory_space<hbm>>
    %dma_start3A_833 = arith.constant 0 : i32
    %dma_start3A_834 = arith.constant 0 : i32
    %dma_start3A_835 = tpu.memref_slice %arg6[%dma_start3A_833, %add3A_823, %dma_start3A_834] : memref<4x8192x128xf32, #tpu.memory_space<hbm>> -> memref<4x32x128xf32, #tpu.memory_space<hbm>>
    %dma_start3A_836 = arith.constant 0 : i32
    %dma_start3A_837 = arith.constant 0 : i32
    %dma_start3A_838 = tpu.memref_slice %arg11[%dma_start3A_824, %dma_start3A_836, %dma_start3A_837] : memref<5x128x128xf32, #tpu.memory_space<vmem>> -> memref<1x128x128xf32, #tpu.memory_space<vmem>>
    %dma_start3A_839 = tpu.memref_squeeze %dma_start3A_838 : memref<1x128x128xf32, #tpu.memory_space<vmem>> -> memref<128x128xf32, #tpu.memory_space<vmem>>
    %dma_start3A_840 = tpu.memref_reshape %dma_start3A_839 : memref<128x128xf32, #tpu.memory_space<vmem>> -> memref<4x32x128xf32, #tpu.memory_space<vmem>>
    tpu.enqueue_dma source(%dma_start3A_840 : memref<4x32x128xf32, #tpu.memory_space<vmem>>) target(%dma_start3A_835 : memref<4x32x128xf32, #tpu.memory_space<hbm>>) target_semaphore(%arg19 : memref<!tpu.dma_semaphore, #tpu.memory_space<semaphore_mem>>)
    %dma_start3A_841 = arith.constant 4 : i32
    %dma_start3A_842 = arith.constant 4 : i32
    %dma_start3A_843 = arith.constant 0 : i32
    %dma_start3A_844 = arith.constant 0 : i32
    %dma_start3A_845 = tpu.memref_slice %arg11[%dma_start3A_842, %dma_start3A_843, %dma_start3A_844] : memref<5x128x128xf32, #tpu.memory_space<vmem>> -> memref<1x128x128xf32, #tpu.memory_space<vmem>>
    %dma_start3A_846 = tpu.memref_squeeze %dma_start3A_845 : memref<1x128x128xf32, #tpu.memory_space<vmem>> -> memref<128x128xf32, #tpu.memory_space<vmem>>
    %dma_start3A_847 = arith.constant 0 : i32
    %dma_start3A_848 = tpu.memref_slice %arg8[%dma_start3A_841, %dma_start3A_847] : memref<8x128xi32, #tpu.memory_space<vmem>> -> memref<1x128xi32, #tpu.memory_space<vmem>>
    %dma_start3A_849 = tpu.memref_squeeze %dma_start3A_848 : memref<1x128xi32, #tpu.memory_space<vmem>> -> memref<128xi32, #tpu.memory_space<vmem>>
    %dma_start3A_850 = arith.constant 0 : i32
    %dma_start3A_851 = arith.constant 0 : i32
    %dma_start3A_852 = tpu.memref_slice %arg3[%dma_start3A_850, %dma_start3A_851] : memref<100000x128xf32, #tpu.memory_space<hbm>> -> memref<100000x128xf32, #tpu.memory_space<hbm>>
    tpu.enqueue_indirect_dma source(%dma_start3A_852 : memref<100000x128xf32, #tpu.memory_space<hbm>>) target(%dma_start3A_846 : memref<128x128xf32, #tpu.memory_space<vmem>>) offsets(%dma_start3A_849 : memref<128xi32, #tpu.memory_space<vmem>>) semaphore(%arg18 : memref<!tpu.dma_semaphore, #tpu.memory_space<semaphore_mem>>)
    %dma_wait3A_853 = arith.constant 1 : i32
    %dma_wait3A_854 = arith.constant 1 : i32
    %dma_wait3A_855 = arith.constant 0 : i32
    %dma_wait3A_856 = arith.constant 0 : i32
    %dma_wait3A_857 = tpu.memref_slice %arg11[%dma_wait3A_854, %dma_wait3A_855, %dma_wait3A_856] : memref<5x128x128xf32, #tpu.memory_space<vmem>> -> memref<1x128x128xf32, #tpu.memory_space<vmem>>
    %dma_wait3A_858 = tpu.memref_squeeze %dma_wait3A_857 : memref<1x128x128xf32, #tpu.memory_space<vmem>> -> memref<128x128xf32, #tpu.memory_space<vmem>>
    %dma_wait3A_859 = arith.constant 0 : i32
    %dma_wait3A_860 = tpu.memref_slice %arg8[%dma_wait3A_853, %dma_wait3A_859] : memref<8x128xi32, #tpu.memory_space<vmem>> -> memref<1x128xi32, #tpu.memory_space<vmem>>
    %dma_wait3A_861 = tpu.memref_squeeze %dma_wait3A_860 : memref<1x128xi32, #tpu.memory_space<vmem>> -> memref<128xi32, #tpu.memory_space<vmem>>
    %dma_wait3A_862 = arith.constant 0 : i32
    %dma_wait3A_863 = arith.constant 0 : i32
    %dma_wait3A_864 = tpu.memref_slice %arg3[%dma_wait3A_862, %dma_wait3A_863] : memref<100000x128xf32, #tpu.memory_space<hbm>> -> memref<100000x128xf32, #tpu.memory_space<hbm>>
    tpu.wait_indirect_dma semaphore(%arg15 : memref<!tpu.dma_semaphore, #tpu.memory_space<semaphore_mem>>) src(%dma_wait3A_864 : memref<100000x128xf32, #tpu.memory_space<hbm>>) dst(%dma_wait3A_858 : memref<128x128xf32, #tpu.memory_space<vmem>>)
    %scan3A_865 = arith.constant 0 : i32
    %scan3A_866 = arith.constant 0 : i32
    %scan3A_867 = arith.constant 32 : i32
    %scan3A_868 = arith.addi %scan3A_866, %scan3A_867 : i32
    %scan3A_869 = arith.constant 1 : i32
    scf.for %scan3A_1284 = %scan3A_866 to %scan3A_868 step %scan3A_869  : i32 {
      %add3A_1285 = arith.constant 32 : i32
      %add3A_1286 = arith.addi %add3A_1285, %scan3A_1284 : i32
      %get3A_1287 = arith.index_cast %add3A_1286 : i32 to index
      %get3A_1288 = arith.constant 0 : index
      %get3A_1289 = tpu.vector_load %arg10[%get3A_1287, %get3A_1288] {strides = array<i32>} : memref<256x128xf32, #tpu.memory_space<vmem>>, vector<1x16xf32>,
      %get3A_1290 = vector.shape_cast %get3A_1289 : vector<1x16xf32> to vector<16xf32>
      %add3A_1291 = arith.addf %get3A_1290, %get3A_783 : vector<16xf32>
      %add3A_1292 = arith.constant 32 : i32
      %add3A_1293 = arith.addi %add3A_1292, %scan3A_1284 : i32
      %get3A_1294 = arith.index_cast %add3A_1293 : i32 to index
      %get3A_1295 = arith.constant 16 : index
      %get3A_1296 = tpu.vector_load %arg10[%get3A_1294, %get3A_1295] {strides = array<i32>} : memref<256x128xf32, #tpu.memory_space<vmem>>, vector<1x16xf32>,
      %get3A_1297 = vector.shape_cast %get3A_1296 : vector<1x16xf32> to vector<16xf32>
      %add3A_1298 = arith.addf %get3A_1297, %get3A_786 : vector<16xf32>
      %add3A_1299 = arith.constant 32 : i32
      %add3A_1300 = arith.addi %add3A_1299, %scan3A_1284 : i32
      %get3A_1301 = arith.index_cast %add3A_1300 : i32 to index
      %get3A_1302 = arith.constant 32 : index
      %get3A_1303 = tpu.vector_load %arg10[%get3A_1301, %get3A_1302] {strides = array<i32>} : memref<256x128xf32, #tpu.memory_space<vmem>>, vector<1x16xf32>,
      %get3A_1304 = vector.shape_cast %get3A_1303 : vector<1x16xf32> to vector<16xf32>
      %add3A_1305 = arith.addf %get3A_1304, %get3A_789 : vector<16xf32>
      %add3A_1306 = arith.constant 32 : i32
      %add3A_1307 = arith.addi %add3A_1306, %scan3A_1284 : i32
      %get3A_1308 = arith.index_cast %add3A_1307 : i32 to index
      %get3A_1309 = arith.constant 48 : index
      %get3A_1310 = tpu.vector_load %arg10[%get3A_1308, %get3A_1309] {strides = array<i32>} : memref<256x128xf32, #tpu.memory_space<vmem>>, vector<1x16xf32>,
      %get3A_1311 = vector.shape_cast %get3A_1310 : vector<1x16xf32> to vector<16xf32>
      %add3A_1312 = arith.addf %get3A_1311, %get3A_792 : vector<16xf32>
      %add3A_1313 = arith.constant 32 : i32
      %add3A_1314 = arith.addi %add3A_1313, %scan3A_1284 : i32
      %get3A_1315 = arith.index_cast %add3A_1314 : i32 to index
      %get3A_1316 = arith.constant 64 : index
      %get3A_1317 = tpu.vector_load %arg10[%get3A_1315, %get3A_1316] {strides = array<i32>} : memref<256x128xf32, #tpu.memory_space<vmem>>, vector<1x16xf32>,
      %get3A_1318 = vector.shape_cast %get3A_1317 : vector<1x16xf32> to vector<16xf32>
      %add3A_1319 = arith.addf %get3A_1318, %get3A_795 : vector<16xf32>
      %add3A_1320 = arith.constant 32 : i32
      %add3A_1321 = arith.addi %add3A_1320, %scan3A_1284 : i32
      %get3A_1322 = arith.index_cast %add3A_1321 : i32 to index
      %get3A_1323 = arith.constant 80 : index
      %get3A_1324 = tpu.vector_load %arg10[%get3A_1322, %get3A_1323] {strides = array<i32>} : memref<256x128xf32, #tpu.memory_space<vmem>>, vector<1x16xf32>,
      %get3A_1325 = vector.shape_cast %get3A_1324 : vector<1x16xf32> to vector<16xf32>
      %add3A_1326 = arith.addf %get3A_1325, %get3A_798 : vector<16xf32>
      %add3A_1327 = arith.constant 32 : i32
      %add3A_1328 = arith.addi %add3A_1327, %scan3A_1284 : i32
      %get3A_1329 = arith.index_cast %add3A_1328 : i32 to index
      %get3A_1330 = arith.constant 96 : index
      %get3A_1331 = tpu.vector_load %arg10[%get3A_1329, %get3A_1330] {strides = array<i32>} : memref<256x128xf32, #tpu.memory_space<vmem>>, vector<1x16xf32>,
      %get3A_1332 = vector.shape_cast %get3A_1331 : vector<1x16xf32> to vector<16xf32>
      %add3A_1333 = arith.addf %get3A_1332, %get3A_801 : vector<16xf32>
      %add3A_1334 = arith.constant 32 : i32
      %add3A_1335 = arith.addi %add3A_1334, %scan3A_1284 : i32
      %get3A_1336 = arith.index_cast %add3A_1335 : i32 to index
      %get3A_1337 = arith.constant 112 : index
      %get3A_1338 = tpu.vector_load %arg10[%get3A_1336, %get3A_1337] {strides = array<i32>} : memref<256x128xf32, #tpu.memory_space<vmem>>, vector<1x16xf32>,
      %get3A_1339 = vector.shape_cast %get3A_1338 : vector<1x16xf32> to vector<16xf32>
      %add3A_1340 = arith.addf %get3A_1339, %get3A_804 : vector<16xf32>
      %add3A_1341 = arith.constant 0 : i32
      %add3A_1342 = arith.addi %add3A_1341, %scan3A_1284 : i32
      %swap3A_1343 = arith.constant 1 : i32
      %swap3A_1344 = arith.index_cast %swap3A_1343 : i32 to index
      %swap3A_1345 = arith.index_cast %add3A_1342 : i32 to index
      %swap3A_1346 = arith.constant 0 : index
      %swap3A_1347 = tpu.vector_load %arg11[%swap3A_1344, %swap3A_1345, %swap3A_1346] {strides = array<i32>} : memref<5x128x128xf32, #tpu.memory_space<vmem>>, vector<1x1x16xf32>,
      %swap3A_1348 = vector.shape_cast %swap3A_1347 : vector<1x1x16xf32> to vector<16xf32>
      %swap3A_1349 = vector.shape_cast %add3A_1291 : vector<16xf32> to vector<1x1x16xf32>
      tpu.vector_store %arg11[%swap3A_1344, %swap3A_1345, %swap3A_1346], %swap3A_1349 {add = true, strides = array<i32>} : memref<5x128x128xf32, #tpu.memory_space<vmem>>, vector<1x1x16xf32>,
      %add3A_1350 = arith.constant 0 : i32
      %add3A_1351 = arith.addi %add3A_1350, %scan3A_1284 : i32
      %swap3A_1352 = arith.constant 1 : i32
      %swap3A_1353 = arith.index_cast %swap3A_1352 : i32 to index
      %swap3A_1354 = arith.index_cast %add3A_1351 : i32 to index
      %swap3A_1355 = arith.constant 16 : index
      %swap3A_1356 = tpu.vector_load %arg11[%swap3A_1353, %swap3A_1354, %swap3A_1355] {strides = array<i32>} : memref<5x128x128xf32, #tpu.memory_space<vmem>>, vector<1x1x16xf32>,
      %swap3A_1357 = vector.shape_cast %swap3A_1356 : vector<1x1x16xf32> to vector<16xf32>
      %swap3A_1358 = vector.shape_cast %add3A_1298 : vector<16xf32> to vector<1x1x16xf32>
      tpu.vector_store %arg11[%swap3A_1353, %swap3A_1354, %swap3A_1355], %swap3A_1358 {add = true, strides = array<i32>} : memref<5x128x128xf32, #tpu.memory_space<vmem>>, vector<1x1x16xf32>,
      %add3A_1359 = arith.constant 0 : i32
      %add3A_1360 = arith.addi %add3A_1359, %scan3A_1284 : i32
      %swap3A_1361 = arith.constant 1 : i32
      %swap3A_1362 = arith.index_cast %swap3A_1361 : i32 to index
      %swap3A_1363 = arith.index_cast %add3A_1360 : i32 to index
      %swap3A_1364 = arith.constant 32 : index
      %swap3A_1365 = tpu.vector_load %arg11[%swap3A_1362, %swap3A_1363, %swap3A_1364] {strides = array<i32>} : memref<5x128x128xf32, #tpu.memory_space<vmem>>, vector<1x1x16xf32>,
      %swap3A_1366 = vector.shape_cast %swap3A_1365 : vector<1x1x16xf32> to vector<16xf32>
      %swap3A_1367 = vector.shape_cast %add3A_1305 : vector<16xf32> to vector<1x1x16xf32>
      tpu.vector_store %arg11[%swap3A_1362, %swap3A_1363, %swap3A_1364], %swap3A_1367 {add = true, strides = array<i32>} : memref<5x128x128xf32, #tpu.memory_space<vmem>>, vector<1x1x16xf32>,
      %add3A_1368 = arith.constant 0 : i32
      %add3A_1369 = arith.addi %add3A_1368, %scan3A_1284 : i32
      %swap3A_1370 = arith.constant 1 : i32
      %swap3A_1371 = arith.index_cast %swap3A_1370 : i32 to index
      %swap3A_1372 = arith.index_cast %add3A_1369 : i32 to index
      %swap3A_1373 = arith.constant 48 : index
      %swap3A_1374 = tpu.vector_load %arg11[%swap3A_1371, %swap3A_1372, %swap3A_1373] {strides = array<i32>} : memref<5x128x128xf32, #tpu.memory_space<vmem>>, vector<1x1x16xf32>,
      %swap3A_1375 = vector.shape_cast %swap3A_1374 : vector<1x1x16xf32> to vector<16xf32>
      %swap3A_1376 = vector.shape_cast %add3A_1312 : vector<16xf32> to vector<1x1x16xf32>
      tpu.vector_store %arg11[%swap3A_1371, %swap3A_1372, %swap3A_1373], %swap3A_1376 {add = true, strides = array<i32>} : memref<5x128x128xf32, #tpu.memory_space<vmem>>, vector<1x1x16xf32>,
      %add3A_1377 = arith.constant 0 : i32
      %add3A_1378 = arith.addi %add3A_1377, %scan3A_1284 : i32
      %swap3A_1379 = arith.constant 1 : i32
      %swap3A_1380 = arith.index_cast %swap3A_1379 : i32 to index
      %swap3A_1381 = arith.index_cast %add3A_1378 : i32 to index
      %swap3A_1382 = arith.constant 64 : index
      %swap3A_1383 = tpu.vector_load %arg11[%swap3A_1380, %swap3A_1381, %swap3A_1382] {strides = array<i32>} : memref<5x128x128xf32, #tpu.memory_space<vmem>>, vector<1x1x16xf32>,
      %swap3A_1384 = vector.shape_cast %swap3A_1383 : vector<1x1x16xf32> to vector<16xf32>
      %swap3A_1385 = vector.shape_cast %add3A_1319 : vector<16xf32> to vector<1x1x16xf32>
      tpu.vector_store %arg11[%swap3A_1380, %swap3A_1381, %swap3A_1382], %swap3A_1385 {add = true, strides = array<i32>} : memref<5x128x128xf32, #tpu.memory_space<vmem>>, vector<1x1x16xf32>,
      %add3A_1386 = arith.constant 0 : i32
      %add3A_1387 = arith.addi %add3A_1386, %scan3A_1284 : i32
      %swap3A_1388 = arith.constant 1 : i32
      %swap3A_1389 = arith.index_cast %swap3A_1388 : i32 to index
      %swap3A_1390 = arith.index_cast %add3A_1387 : i32 to index
      %swap3A_1391 = arith.constant 80 : index
      %swap3A_1392 = tpu.vector_load %arg11[%swap3A_1389, %swap3A_1390, %swap3A_1391] {strides = array<i32>} : memref<5x128x128xf32, #tpu.memory_space<vmem>>, vector<1x1x16xf32>,
      %swap3A_1393 = vector.shape_cast %swap3A_1392 : vector<1x1x16xf32> to vector<16xf32>
      %swap3A_1394 = vector.shape_cast %add3A_1326 : vector<16xf32> to vector<1x1x16xf32>
      tpu.vector_store %arg11[%swap3A_1389, %swap3A_1390, %swap3A_1391], %swap3A_1394 {add = true, strides = array<i32>} : memref<5x128x128xf32, #tpu.memory_space<vmem>>, vector<1x1x16xf32>,
      %add3A_1395 = arith.constant 0 : i32
      %add3A_1396 = arith.addi %add3A_1395, %scan3A_1284 : i32
      %swap3A_1397 = arith.constant 1 : i32
      %swap3A_1398 = arith.index_cast %swap3A_1397 : i32 to index
      %swap3A_1399 = arith.index_cast %add3A_1396 : i32 to index
      %swap3A_1400 = arith.constant 96 : index
      %swap3A_1401 = tpu.vector_load %arg11[%swap3A_1398, %swap3A_1399, %swap3A_1400] {strides = array<i32>} : memref<5x128x128xf32, #tpu.memory_space<vmem>>, vector<1x1x16xf32>,
      %swap3A_1402 = vector.shape_cast %swap3A_1401 : vector<1x1x16xf32> to vector<16xf32>
      %swap3A_1403 = vector.shape_cast %add3A_1333 : vector<16xf32> to vector<1x1x16xf32>
      tpu.vector_store %arg11[%swap3A_1398, %swap3A_1399, %swap3A_1400], %swap3A_1403 {add = true, strides = array<i32>} : memref<5x128x128xf32, #tpu.memory_space<vmem>>, vector<1x1x16xf32>,
      %add3A_1404 = arith.constant 0 : i32
      %add3A_1405 = arith.addi %add3A_1404, %scan3A_1284 : i32
      %swap3A_1406 = arith.constant 1 : i32
      %swap3A_1407 = arith.index_cast %swap3A_1406 : i32 to index
      %swap3A_1408 = arith.index_cast %add3A_1405 : i32 to index
      %swap3A_1409 = arith.constant 112 : index
      %swap3A_1410 = tpu.vector_load %arg11[%swap3A_1407, %swap3A_1408, %swap3A_1409] {strides = array<i32>} : memref<5x128x128xf32, #tpu.memory_space<vmem>>, vector<1x1x16xf32>,
      %swap3A_1411 = vector.shape_cast %swap3A_1410 : vector<1x1x16xf32> to vector<16xf32>
      %swap3A_1412 = vector.shape_cast %add3A_1340 : vector<16xf32> to vector<1x1x16xf32>
      tpu.vector_store %arg11[%swap3A_1407, %swap3A_1408, %swap3A_1409], %swap3A_1412 {add = true, strides = array<i32>} : memref<5x128x128xf32, #tpu.memory_space<vmem>>, vector<1x1x16xf32>,
      %add3A_1413 = arith.constant 32 : i32
      %add3A_1414 = arith.addi %add3A_1413, %scan3A_1284 : i32
      %swap3A_1415 = arith.constant 1 : i32
      %swap3A_1416 = arith.index_cast %swap3A_1415 : i32 to index
      %swap3A_1417 = arith.index_cast %add3A_1414 : i32 to index
      %swap3A_1418 = arith.constant 0 : index
      %swap3A_1419 = tpu.vector_load %arg11[%swap3A_1416, %swap3A_1417, %swap3A_1418] {strides = array<i32>} : memref<5x128x128xf32, #tpu.memory_space<vmem>>, vector<1x1x16xf32>,
      %swap3A_1420 = vector.shape_cast %swap3A_1419 : vector<1x1x16xf32> to vector<16xf32>
      %swap3A_1421 = vector.shape_cast %add3A_1291 : vector<16xf32> to vector<1x1x16xf32>
      tpu.vector_store %arg11[%swap3A_1416, %swap3A_1417, %swap3A_1418], %swap3A_1421 {add = true, strides = array<i32>} : memref<5x128x128xf32, #tpu.memory_space<vmem>>, vector<1x1x16xf32>,
      %add3A_1422 = arith.constant 32 : i32
      %add3A_1423 = arith.addi %add3A_1422, %scan3A_1284 : i32
      %swap3A_1424 = arith.constant 1 : i32
      %swap3A_1425 = arith.index_cast %swap3A_1424 : i32 to index
      %swap3A_1426 = arith.index_cast %add3A_1423 : i32 to index
      %swap3A_1427 = arith.constant 16 : index
      %swap3A_1428 = tpu.vector_load %arg11[%swap3A_1425, %swap3A_1426, %swap3A_1427] {strides = array<i32>} : memref<5x128x128xf32, #tpu.memory_space<vmem>>, vector<1x1x16xf32>,
      %swap3A_1429 = vector.shape_cast %swap3A_1428 : vector<1x1x16xf32> to vector<16xf32>
      %swap3A_1430 = vector.shape_cast %add3A_1298 : vector<16xf32> to vector<1x1x16xf32>
      tpu.vector_store %arg11[%swap3A_1425, %swap3A_1426, %swap3A_1427], %swap3A_1430 {add = true, strides = array<i32>} : memref<5x128x128xf32, #tpu.memory_space<vmem>>, vector<1x1x16xf32>,
      %add3A_1431 = arith.constant 32 : i32
      %add3A_1432 = arith.addi %add3A_1431, %scan3A_1284 : i32
      %swap3A_1433 = arith.constant 1 : i32
      %swap3A_1434 = arith.index_cast %swap3A_1433 : i32 to index
      %swap3A_1435 = arith.index_cast %add3A_1432 : i32 to index
      %swap3A_1436 = arith.constant 32 : index
      %swap3A_1437 = tpu.vector_load %arg11[%swap3A_1434, %swap3A_1435, %swap3A_1436] {strides = array<i32>} : memref<5x128x128xf32, #tpu.memory_space<vmem>>, vector<1x1x16xf32>,
      %swap3A_1438 = vector.shape_cast %swap3A_1437 : vector<1x1x16xf32> to vector<16xf32>
      %swap3A_1439 = vector.shape_cast %add3A_1305 : vector<16xf32> to vector<1x1x16xf32>
      tpu.vector_store %arg11[%swap3A_1434, %swap3A_1435, %swap3A_1436], %swap3A_1439 {add = true, strides = array<i32>} : memref<5x128x128xf32, #tpu.memory_space<vmem>>, vector<1x1x16xf32>,
      %add3A_1440 = arith.constant 32 : i32
      %add3A_1441 = arith.addi %add3A_1440, %scan3A_1284 : i32
      %swap3A_1442 = arith.constant 1 : i32
      %swap3A_1443 = arith.index_cast %swap3A_1442 : i32 to index
      %swap3A_1444 = arith.index_cast %add3A_1441 : i32 to index
      %swap3A_1445 = arith.constant 48 : index
      %swap3A_1446 = tpu.vector_load %arg11[%swap3A_1443, %swap3A_1444, %swap3A_1445] {strides = array<i32>} : memref<5x128x128xf32, #tpu.memory_space<vmem>>, vector<1x1x16xf32>,
      %swap3A_1447 = vector.shape_cast %swap3A_1446 : vector<1x1x16xf32> to vector<16xf32>
      %swap3A_1448 = vector.shape_cast %add3A_1312 : vector<16xf32> to vector<1x1x16xf32>
      tpu.vector_store %arg11[%swap3A_1443, %swap3A_1444, %swap3A_1445], %swap3A_1448 {add = true, strides = array<i32>} : memref<5x128x128xf32, #tpu.memory_space<vmem>>, vector<1x1x16xf32>,
      %add3A_1449 = arith.constant 32 : i32
      %add3A_1450 = arith.addi %add3A_1449, %scan3A_1284 : i32
      %swap3A_1451 = arith.constant 1 : i32
      %swap3A_1452 = arith.index_cast %swap3A_1451 : i32 to index
      %swap3A_1453 = arith.index_cast %add3A_1450 : i32 to index
      %swap3A_1454 = arith.constant 64 : index
      %swap3A_1455 = tpu.vector_load %arg11[%swap3A_1452, %swap3A_1453, %swap3A_1454] {strides = array<i32>} : memref<5x128x128xf32, #tpu.memory_space<vmem>>, vector<1x1x16xf32>,
      %swap3A_1456 = vector.shape_cast %swap3A_1455 : vector<1x1x16xf32> to vector<16xf32>
      %swap3A_1457 = vector.shape_cast %add3A_1319 : vector<16xf32> to vector<1x1x16xf32>
      tpu.vector_store %arg11[%swap3A_1452, %swap3A_1453, %swap3A_1454], %swap3A_1457 {add = true, strides = array<i32>} : memref<5x128x128xf32, #tpu.memory_space<vmem>>, vector<1x1x16xf32>,
      %add3A_1458 = arith.constant 32 : i32
      %add3A_1459 = arith.addi %add3A_1458, %scan3A_1284 : i32
      %swap3A_1460 = arith.constant 1 : i32
      %swap3A_1461 = arith.index_cast %swap3A_1460 : i32 to index
      %swap3A_1462 = arith.index_cast %add3A_1459 : i32 to index
      %swap3A_1463 = arith.constant 80 : index
      %swap3A_1464 = tpu.vector_load %arg11[%swap3A_1461, %swap3A_1462, %swap3A_1463] {strides = array<i32>} : memref<5x128x128xf32, #tpu.memory_space<vmem>>, vector<1x1x16xf32>,
      %swap3A_1465 = vector.shape_cast %swap3A_1464 : vector<1x1x16xf32> to vector<16xf32>
      %swap3A_1466 = vector.shape_cast %add3A_1326 : vector<16xf32> to vector<1x1x16xf32>
      tpu.vector_store %arg11[%swap3A_1461, %swap3A_1462, %swap3A_1463], %swap3A_1466 {add = true, strides = array<i32>} : memref<5x128x128xf32, #tpu.memory_space<vmem>>, vector<1x1x16xf32>,
      %add3A_1467 = arith.constant 32 : i32
      %add3A_1468 = arith.addi %add3A_1467, %scan3A_1284 : i32
      %swap3A_1469 = arith.constant 1 : i32
      %swap3A_1470 = arith.index_cast %swap3A_1469 : i32 to index
      %swap3A_1471 = arith.index_cast %add3A_1468 : i32 to index
      %swap3A_1472 = arith.constant 96 : index
      %swap3A_1473 = tpu.vector_load %arg11[%swap3A_1470, %swap3A_1471, %swap3A_1472] {strides = array<i32>} : memref<5x128x128xf32, #tpu.memory_space<vmem>>, vector<1x1x16xf32>,
      %swap3A_1474 = vector.shape_cast %swap3A_1473 : vector<1x1x16xf32> to vector<16xf32>
      %swap3A_1475 = vector.shape_cast %add3A_1333 : vector<16xf32> to vector<1x1x16xf32>
      tpu.vector_store %arg11[%swap3A_1470, %swap3A_1471, %swap3A_1472], %swap3A_1475 {add = true, strides = array<i32>} : memref<5x128x128xf32, #tpu.memory_space<vmem>>, vector<1x1x16xf32>,
      %add3A_1476 = arith.constant 32 : i32
      %add3A_1477 = arith.addi %add3A_1476, %scan3A_1284 : i32
      %swap3A_1478 = arith.constant 1 : i32
      %swap3A_1479 = arith.index_cast %swap3A_1478 : i32 to index
      %swap3A_1480 = arith.index_cast %add3A_1477 : i32 to index
      %swap3A_1481 = arith.constant 112 : index
      %swap3A_1482 = tpu.vector_load %arg11[%swap3A_1479, %swap3A_1480, %swap3A_1481] {strides = array<i32>} : memref<5x128x128xf32, #tpu.memory_space<vmem>>, vector<1x1x16xf32>,
      %swap3A_1483 = vector.shape_cast %swap3A_1482 : vector<1x1x16xf32> to vector<16xf32>
      %swap3A_1484 = vector.shape_cast %add3A_1340 : vector<16xf32> to vector<1x1x16xf32>
      tpu.vector_store %arg11[%swap3A_1479, %swap3A_1480, %swap3A_1481], %swap3A_1484 {add = true, strides = array<i32>} : memref<5x128x128xf32, #tpu.memory_space<vmem>>, vector<1x1x16xf32>,
      %add3A_1485 = arith.constant 64 : i32
      %add3A_1486 = arith.addi %add3A_1485, %scan3A_1284 : i32
      %swap3A_1487 = arith.constant 1 : i32
      %swap3A_1488 = arith.index_cast %swap3A_1487 : i32 to index
      %swap3A_1489 = arith.index_cast %add3A_1486 : i32 to index
      %swap3A_1490 = arith.constant 0 : index
      %swap3A_1491 = tpu.vector_load %arg11[%swap3A_1488, %swap3A_1489, %swap3A_1490] {strides = array<i32>} : memref<5x128x128xf32, #tpu.memory_space<vmem>>, vector<1x1x16xf32>,
      %swap3A_1492 = vector.shape_cast %swap3A_1491 : vector<1x1x16xf32> to vector<16xf32>
      %swap3A_1493 = vector.shape_cast %add3A_1291 : vector<16xf32> to vector<1x1x16xf32>
      tpu.vector_store %arg11[%swap3A_1488, %swap3A_1489, %swap3A_1490], %swap3A_1493 {add = true, strides = array<i32>} : memref<5x128x128xf32, #tpu.memory_space<vmem>>, vector<1x1x16xf32>,
      %add3A_1494 = arith.constant 64 : i32
      %add3A_1495 = arith.addi %add3A_1494, %scan3A_1284 : i32
      %swap3A_1496 = arith.constant 1 : i32
      %swap3A_1497 = arith.index_cast %swap3A_1496 : i32 to index
      %swap3A_1498 = arith.index_cast %add3A_1495 : i32 to index
      %swap3A_1499 = arith.constant 16 : index
      %swap3A_1500 = tpu.vector_load %arg11[%swap3A_1497, %swap3A_1498, %swap3A_1499] {strides = array<i32>} : memref<5x128x128xf32, #tpu.memory_space<vmem>>, vector<1x1x16xf32>,
      %swap3A_1501 = vector.shape_cast %swap3A_1500 : vector<1x1x16xf32> to vector<16xf32>
      %swap3A_1502 = vector.shape_cast %add3A_1298 : vector<16xf32> to vector<1x1x16xf32>
      tpu.vector_store %arg11[%swap3A_1497, %swap3A_1498, %swap3A_1499], %swap3A_1502 {add = true, strides = array<i32>} : memref<5x128x128xf32, #tpu.memory_space<vmem>>, vector<1x1x16xf32>,
      %add3A_1503 = arith.constant 64 : i32
      %add3A_1504 = arith.addi %add3A_1503, %scan3A_1284 : i32
      %swap3A_1505 = arith.constant 1 : i32
      %swap3A_1506 = arith.index_cast %swap3A_1505 : i32 to index
      %swap3A_1507 = arith.index_cast %add3A_1504 : i32 to index
      %swap3A_1508 = arith.constant 32 : index
      %swap3A_1509 = tpu.vector_load %arg11[%swap3A_1506, %swap3A_1507, %swap3A_1508] {strides = array<i32>} : memref<5x128x128xf32, #tpu.memory_space<vmem>>, vector<1x1x16xf32>,
      %swap3A_1510 = vector.shape_cast %swap3A_1509 : vector<1x1x16xf32> to vector<16xf32>
      %swap3A_1511 = vector.shape_cast %add3A_1305 : vector<16xf32> to vector<1x1x16xf32>
      tpu.vector_store %arg11[%swap3A_1506, %swap3A_1507, %swap3A_1508], %swap3A_1511 {add = true, strides = array<i32>} : memref<5x128x128xf32, #tpu.memory_space<vmem>>, vector<1x1x16xf32>,
      %add3A_1512 = arith.constant 64 : i32
      %add3A_1513 = arith.addi %add3A_1512, %scan3A_1284 : i32
      %swap3A_1514 = arith.constant 1 : i32
      %swap3A_1515 = arith.index_cast %swap3A_1514 : i32 to index
      %swap3A_1516 = arith.index_cast %add3A_1513 : i32 to index
      %swap3A_1517 = arith.constant 48 : index
      %swap3A_1518 = tpu.vector_load %arg11[%swap3A_1515, %swap3A_1516, %swap3A_1517] {strides = array<i32>} : memref<5x128x128xf32, #tpu.memory_space<vmem>>, vector<1x1x16xf32>,
      %swap3A_1519 = vector.shape_cast %swap3A_1518 : vector<1x1x16xf32> to vector<16xf32>
      %swap3A_1520 = vector.shape_cast %add3A_1312 : vector<16xf32> to vector<1x1x16xf32>
      tpu.vector_store %arg11[%swap3A_1515, %swap3A_1516, %swap3A_1517], %swap3A_1520 {add = true, strides = array<i32>} : memref<5x128x128xf32, #tpu.memory_space<vmem>>, vector<1x1x16xf32>,
      %add3A_1521 = arith.constant 64 : i32
      %add3A_1522 = arith.addi %add3A_1521, %scan3A_1284 : i32
      %swap3A_1523 = arith.constant 1 : i32
      %swap3A_1524 = arith.index_cast %swap3A_1523 : i32 to index
      %swap3A_1525 = arith.index_cast %add3A_1522 : i32 to index
      %swap3A_1526 = arith.constant 64 : index
      %swap3A_1527 = tpu.vector_load %arg11[%swap3A_1524, %swap3A_1525, %swap3A_1526] {strides = array<i32>} : memref<5x128x128xf32, #tpu.memory_space<vmem>>, vector<1x1x16xf32>,
      %swap3A_1528 = vector.shape_cast %swap3A_1527 : vector<1x1x16xf32> to vector<16xf32>
      %swap3A_1529 = vector.shape_cast %add3A_1319 : vector<16xf32> to vector<1x1x16xf32>
      tpu.vector_store %arg11[%swap3A_1524, %swap3A_1525, %swap3A_1526], %swap3A_1529 {add = true, strides = array<i32>} : memref<5x128x128xf32, #tpu.memory_space<vmem>>, vector<1x1x16xf32>,
      %add3A_1530 = arith.constant 64 : i32
      %add3A_1531 = arith.addi %add3A_1530, %scan3A_1284 : i32
      %swap3A_1532 = arith.constant 1 : i32
      %swap3A_1533 = arith.index_cast %swap3A_1532 : i32 to index
      %swap3A_1534 = arith.index_cast %add3A_1531 : i32 to index
      %swap3A_1535 = arith.constant 80 : index
      %swap3A_1536 = tpu.vector_load %arg11[%swap3A_1533, %swap3A_1534, %swap3A_1535] {strides = array<i32>} : memref<5x128x128xf32, #tpu.memory_space<vmem>>, vector<1x1x16xf32>,
      %swap3A_1537 = vector.shape_cast %swap3A_1536 : vector<1x1x16xf32> to vector<16xf32>
      %swap3A_1538 = vector.shape_cast %add3A_1326 : vector<16xf32> to vector<1x1x16xf32>
      tpu.vector_store %arg11[%swap3A_1533, %swap3A_1534, %swap3A_1535], %swap3A_1538 {add = true, strides = array<i32>} : memref<5x128x128xf32, #tpu.memory_space<vmem>>, vector<1x1x16xf32>,
      %add3A_1539 = arith.constant 64 : i32
      %add3A_1540 = arith.addi %add3A_1539, %scan3A_1284 : i32
      %swap3A_1541 = arith.constant 1 : i32
      %swap3A_1542 = arith.index_cast %swap3A_1541 : i32 to index
      %swap3A_1543 = arith.index_cast %add3A_1540 : i32 to index
      %swap3A_1544 = arith.constant 96 : index
      %swap3A_1545 = tpu.vector_load %arg11[%swap3A_1542, %swap3A_1543, %swap3A_1544] {strides = array<i32>} : memref<5x128x128xf32, #tpu.memory_space<vmem>>, vector<1x1x16xf32>,
      %swap3A_1546 = vector.shape_cast %swap3A_1545 : vector<1x1x16xf32> to vector<16xf32>
      %swap3A_1547 = vector.shape_cast %add3A_1333 : vector<16xf32> to vector<1x1x16xf32>
      tpu.vector_store %arg11[%swap3A_1542, %swap3A_1543, %swap3A_1544], %swap3A_1547 {add = true, strides = array<i32>} : memref<5x128x128xf32, #tpu.memory_space<vmem>>, vector<1x1x16xf32>,
      %add3A_1548 = arith.constant 64 : i32
      %add3A_1549 = arith.addi %add3A_1548, %scan3A_1284 : i32
      %swap3A_1550 = arith.constant 1 : i32
      %swap3A_1551 = arith.index_cast %swap3A_1550 : i32 to index
      %swap3A_1552 = arith.index_cast %add3A_1549 : i32 to index
      %swap3A_1553 = arith.constant 112 : index
      %swap3A_1554 = tpu.vector_load %arg11[%swap3A_1551, %swap3A_1552, %swap3A_1553] {strides = array<i32>} : memref<5x128x128xf32, #tpu.memory_space<vmem>>, vector<1x1x16xf32>,
      %swap3A_1555 = vector.shape_cast %swap3A_1554 : vector<1x1x16xf32> to vector<16xf32>
      %swap3A_1556 = vector.shape_cast %add3A_1340 : vector<16xf32> to vector<1x1x16xf32>
      tpu.vector_store %arg11[%swap3A_1551, %swap3A_1552, %swap3A_1553], %swap3A_1556 {add = true, strides = array<i32>} : memref<5x128x128xf32, #tpu.memory_space<vmem>>, vector<1x1x16xf32>,
      %add3A_1557 = arith.constant 96 : i32
      %add3A_1558 = arith.addi %add3A_1557, %scan3A_1284 : i32
      %swap3A_1559 = arith.constant 1 : i32
      %swap3A_1560 = arith.index_cast %swap3A_1559 : i32 to index
      %swap3A_1561 = arith.index_cast %add3A_1558 : i32 to index
      %swap3A_1562 = arith.constant 0 : index
      %swap3A_1563 = tpu.vector_load %arg11[%swap3A_1560, %swap3A_1561, %swap3A_1562] {strides = array<i32>} : memref<5x128x128xf32, #tpu.memory_space<vmem>>, vector<1x1x16xf32>,
      %swap3A_1564 = vector.shape_cast %swap3A_1563 : vector<1x1x16xf32> to vector<16xf32>
      %swap3A_1565 = vector.shape_cast %add3A_1291 : vector<16xf32> to vector<1x1x16xf32>
      tpu.vector_store %arg11[%swap3A_1560, %swap3A_1561, %swap3A_1562], %swap3A_1565 {add = true, strides = array<i32>} : memref<5x128x128xf32, #tpu.memory_space<vmem>>, vector<1x1x16xf32>,
      %add3A_1566 = arith.constant 96 : i32
      %add3A_1567 = arith.addi %add3A_1566, %scan3A_1284 : i32
      %swap3A_1568 = arith.constant 1 : i32
      %swap3A_1569 = arith.index_cast %swap3A_1568 : i32 to index
      %swap3A_1570 = arith.index_cast %add3A_1567 : i32 to index
      %swap3A_1571 = arith.constant 16 : index
      %swap3A_1572 = tpu.vector_load %arg11[%swap3A_1569, %swap3A_1570, %swap3A_1571] {strides = array<i32>} : memref<5x128x128xf32, #tpu.memory_space<vmem>>, vector<1x1x16xf32>,
      %swap3A_1573 = vector.shape_cast %swap3A_1572 : vector<1x1x16xf32> to vector<16xf32>
      %swap3A_1574 = vector.shape_cast %add3A_1298 : vector<16xf32> to vector<1x1x16xf32>
      tpu.vector_store %arg11[%swap3A_1569, %swap3A_1570, %swap3A_1571], %swap3A_1574 {add = true, strides = array<i32>} : memref<5x128x128xf32, #tpu.memory_space<vmem>>, vector<1x1x16xf32>,
      %add3A_1575 = arith.constant 96 : i32
      %add3A_1576 = arith.addi %add3A_1575, %scan3A_1284 : i32
      %swap3A_1577 = arith.constant 1 : i32
      %swap3A_1578 = arith.index_cast %swap3A_1577 : i32 to index
      %swap3A_1579 = arith.index_cast %add3A_1576 : i32 to index
      %swap3A_1580 = arith.constant 32 : index
      %swap3A_1581 = tpu.vector_load %arg11[%swap3A_1578, %swap3A_1579, %swap3A_1580] {strides = array<i32>} : memref<5x128x128xf32, #tpu.memory_space<vmem>>, vector<1x1x16xf32>,
      %swap3A_1582 = vector.shape_cast %swap3A_1581 : vector<1x1x16xf32> to vector<16xf32>
      %swap3A_1583 = vector.shape_cast %add3A_1305 : vector<16xf32> to vector<1x1x16xf32>
      tpu.vector_store %arg11[%swap3A_1578, %swap3A_1579, %swap3A_1580], %swap3A_1583 {add = true, strides = array<i32>} : memref<5x128x128xf32, #tpu.memory_space<vmem>>, vector<1x1x16xf32>,
      %add3A_1584 = arith.constant 96 : i32
      %add3A_1585 = arith.addi %add3A_1584, %scan3A_1284 : i32
      %swap3A_1586 = arith.constant 1 : i32
      %swap3A_1587 = arith.index_cast %swap3A_1586 : i32 to index
      %swap3A_1588 = arith.index_cast %add3A_1585 : i32 to index
      %swap3A_1589 = arith.constant 48 : index
      %swap3A_1590 = tpu.vector_load %arg11[%swap3A_1587, %swap3A_1588, %swap3A_1589] {strides = array<i32>} : memref<5x128x128xf32, #tpu.memory_space<vmem>>, vector<1x1x16xf32>,
      %swap3A_1591 = vector.shape_cast %swap3A_1590 : vector<1x1x16xf32> to vector<16xf32>
      %swap3A_1592 = vector.shape_cast %add3A_1312 : vector<16xf32> to vector<1x1x16xf32>
      tpu.vector_store %arg11[%swap3A_1587, %swap3A_1588, %swap3A_1589], %swap3A_1592 {add = true, strides = array<i32>} : memref<5x128x128xf32, #tpu.memory_space<vmem>>, vector<1x1x16xf32>,
      %add3A_1593 = arith.constant 96 : i32
      %add3A_1594 = arith.addi %add3A_1593, %scan3A_1284 : i32
      %swap3A_1595 = arith.constant 1 : i32
      %swap3A_1596 = arith.index_cast %swap3A_1595 : i32 to index
      %swap3A_1597 = arith.index_cast %add3A_1594 : i32 to index
      %swap3A_1598 = arith.constant 64 : index
      %swap3A_1599 = tpu.vector_load %arg11[%swap3A_1596, %swap3A_1597, %swap3A_1598] {strides = array<i32>} : memref<5x128x128xf32, #tpu.memory_space<vmem>>, vector<1x1x16xf32>,
      %swap3A_1600 = vector.shape_cast %swap3A_1599 : vector<1x1x16xf32> to vector<16xf32>
      %swap3A_1601 = vector.shape_cast %add3A_1319 : vector<16xf32> to vector<1x1x16xf32>
      tpu.vector_store %arg11[%swap3A_1596, %swap3A_1597, %swap3A_1598], %swap3A_1601 {add = true, strides = array<i32>} : memref<5x128x128xf32, #tpu.memory_space<vmem>>, vector<1x1x16xf32>,
      %add3A_1602 = arith.constant 96 : i32
      %add3A_1603 = arith.addi %add3A_1602, %scan3A_1284 : i32
      %swap3A_1604 = arith.constant 1 : i32
      %swap3A_1605 = arith.index_cast %swap3A_1604 : i32 to index
      %swap3A_1606 = arith.index_cast %add3A_1603 : i32 to index
      %swap3A_1607 = arith.constant 80 : index
      %swap3A_1608 = tpu.vector_load %arg11[%swap3A_1605, %swap3A_1606, %swap3A_1607] {strides = array<i32>} : memref<5x128x128xf32, #tpu.memory_space<vmem>>, vector<1x1x16xf32>,
      %swap3A_1609 = vector.shape_cast %swap3A_1608 : vector<1x1x16xf32> to vector<16xf32>
      %swap3A_1610 = vector.shape_cast %add3A_1326 : vector<16xf32> to vector<1x1x16xf32>
      tpu.vector_store %arg11[%swap3A_1605, %swap3A_1606, %swap3A_1607], %swap3A_1610 {add = true, strides = array<i32>} : memref<5x128x128xf32, #tpu.memory_space<vmem>>, vector<1x1x16xf32>,
      %add3A_1611 = arith.constant 96 : i32
      %add3A_1612 = arith.addi %add3A_1611, %scan3A_1284 : i32
      %swap3A_1613 = arith.constant 1 : i32
      %swap3A_1614 = arith.index_cast %swap3A_1613 : i32 to index
      %swap3A_1615 = arith.index_cast %add3A_1612 : i32 to index
      %swap3A_1616 = arith.constant 96 : index
      %swap3A_1617 = tpu.vector_load %arg11[%swap3A_1614, %swap3A_1615, %swap3A_1616] {strides = array<i32>} : memref<5x128x128xf32, #tpu.memory_space<vmem>>, vector<1x1x16xf32>,
      %swap3A_1618 = vector.shape_cast %swap3A_1617 : vector<1x1x16xf32> to vector<16xf32>
      %swap3A_1619 = vector.shape_cast %add3A_1333 : vector<16xf32> to vector<1x1x16xf32>
      tpu.vector_store %arg11[%swap3A_1614, %swap3A_1615, %swap3A_1616], %swap3A_1619 {add = true, strides = array<i32>} : memref<5x128x128xf32, #tpu.memory_space<vmem>>, vector<1x1x16xf32>,
      %add3A_1620 = arith.constant 96 : i32
      %add3A_1621 = arith.addi %add3A_1620, %scan3A_1284 : i32
      %swap3A_1622 = arith.constant 1 : i32
      %swap3A_1623 = arith.index_cast %swap3A_1622 : i32 to index
      %swap3A_1624 = arith.index_cast %add3A_1621 : i32 to index
      %swap3A_1625 = arith.constant 112 : index
      %swap3A_1626 = tpu.vector_load %arg11[%swap3A_1623, %swap3A_1624, %swap3A_1625] {strides = array<i32>} : memref<5x128x128xf32, #tpu.memory_space<vmem>>, vector<1x1x16xf32>,
      %swap3A_1627 = vector.shape_cast %swap3A_1626 : vector<1x1x16xf32> to vector<16xf32>
      %swap3A_1628 = vector.shape_cast %add3A_1340 : vector<16xf32> to vector<1x1x16xf32>
      tpu.vector_store %arg11[%swap3A_1623, %swap3A_1624, %swap3A_1625], %swap3A_1628 {add = true, strides = array<i32>} : memref<5x128x128xf32, #tpu.memory_space<vmem>>, vector<1x1x16xf32>,
    }
    %scan3A_870 = arith.constant 32 : i32
    %add3A_871 = arith.constant 32 : i32
    %add3A_872 = arith.addi %mul3A_2, %add3A_871 : i32
    %dma_start3A_873 = arith.constant 1 : i32
    %dma_start3A_874 = arith.constant 0 : i32
    %dma_start3A_875 = arith.constant 0 : i32
    %dma_start3A_876 = tpu.memref_slice %arg11[%dma_start3A_873, %dma_start3A_874, %dma_start3A_875] : memref<5x128x128xf32, #tpu.memory_space<vmem>> -> memref<1x128x128xf32, #tpu.memory_space<vmem>>
    %dma_start3A_877 = tpu.memref_squeeze %dma_start3A_876 : memref<1x128x128xf32, #tpu.memory_space<vmem>> -> memref<128x128xf32, #tpu.memory_space<vmem>>
    %dma_start3A_878 = tpu.memref_reshape %dma_start3A_877 : memref<128x128xf32, #tpu.memory_space<vmem>> -> memref<4x32x128xf32, #tpu.memory_space<vmem>>
    %dma_start3A_879 = arith.constant 0 : i32
    %dma_start3A_880 = arith.constant 0 : i32
    %dma_start3A_881 = tpu.memref_slice %arg6[%dma_start3A_879, %add3A_872, %dma_start3A_880] : memref<4x8192x128xf32, #tpu.memory_space<hbm>> -> memref<4x32x128xf32, #tpu.memory_space<hbm>>
    %dma_start3A_882 = arith.constant 0 : i32
    %dma_start3A_883 = arith.constant 0 : i32
    %dma_start3A_884 = tpu.memref_slice %arg6[%dma_start3A_882, %add3A_872, %dma_start3A_883] : memref<4x8192x128xf32, #tpu.memory_space<hbm>> -> memref<4x32x128xf32, #tpu.memory_space<hbm>>
    %dma_start3A_885 = arith.constant 0 : i32
    %dma_start3A_886 = arith.constant 0 : i32
    %dma_start3A_887 = tpu.memref_slice %arg11[%dma_start3A_873, %dma_start3A_885, %dma_start3A_886] : memref<5x128x128xf32, #tpu.memory_space<vmem>> -> memref<1x128x128xf32, #tpu.memory_space<vmem>>
    %dma_start3A_888 = tpu.memref_squeeze %dma_start3A_887 : memref<1x128x128xf32, #tpu.memory_space<vmem>> -> memref<128x128xf32, #tpu.memory_space<vmem>>
    %dma_start3A_889 = tpu.memref_reshape %dma_start3A_888 : memref<128x128xf32, #tpu.memory_space<vmem>> -> memref<4x32x128xf32, #tpu.memory_space<vmem>>
    tpu.enqueue_dma source(%dma_start3A_889 : memref<4x32x128xf32, #tpu.memory_space<vmem>>) target(%dma_start3A_884 : memref<4x32x128xf32, #tpu.memory_space<hbm>>) target_semaphore(%arg20 : memref<!tpu.dma_semaphore, #tpu.memory_space<semaphore_mem>>)
    %dma_wait3A_890 = arith.constant 0 : i32
    %dma_wait3A_891 = arith.constant 0 : i32
    %dma_wait3A_892 = arith.constant 0 : i32
    %dma_wait3A_893 = tpu.memref_slice %arg11[%dma_wait3A_890, %dma_wait3A_891, %dma_wait3A_892] : memref<5x128x128xf32, #tpu.memory_space<vmem>> -> memref<1x128x128xf32, #tpu.memory_space<vmem>>
    %dma_wait3A_894 = tpu.memref_squeeze %dma_wait3A_893 : memref<1x128x128xf32, #tpu.memory_space<vmem>> -> memref<128x128xf32, #tpu.memory_space<vmem>>
    %dma_wait3A_895 = tpu.memref_reshape %dma_wait3A_894 : memref<128x128xf32, #tpu.memory_space<vmem>> -> memref<4x32x128xf32, #tpu.memory_space<vmem>>
    %dma_wait3A_896 = arith.constant 0 : i32
    %dma_wait3A_897 = arith.constant 0 : i32
    %dma_wait3A_898 = tpu.memref_slice %arg6[%dma_wait3A_896, %add3A_823, %dma_wait3A_897] : memref<4x8192x128xf32, #tpu.memory_space<hbm>> -> memref<4x32x128xf32, #tpu.memory_space<hbm>>
    %dma_wait3A_899 = arith.constant 0 : i32
    %dma_wait3A_900 = arith.constant 0 : i32
    %dma_wait3A_901 = tpu.memref_slice %arg6[%dma_wait3A_899, %add3A_823, %dma_wait3A_900] : memref<4x8192x128xf32, #tpu.memory_space<hbm>> -> memref<4x32x128xf32, #tpu.memory_space<hbm>>
    %dma_wait3A_902 = arith.constant 0 : i32
    %dma_wait3A_903 = arith.constant 0 : i32
    %dma_wait3A_904 = tpu.memref_slice %arg11[%dma_wait3A_890, %dma_wait3A_902, %dma_wait3A_903] : memref<5x128x128xf32, #tpu.memory_space<vmem>> -> memref<1x128x128xf32, #tpu.memory_space<vmem>>
    %dma_wait3A_905 = tpu.memref_squeeze %dma_wait3A_904 : memref<1x128x128xf32, #tpu.memory_space<vmem>> -> memref<128x128xf32, #tpu.memory_space<vmem>>
    %dma_wait3A_906 = tpu.memref_reshape %dma_wait3A_905 : memref<128x128xf32, #tpu.memory_space<vmem>> -> memref<4x32x128xf32, #tpu.memory_space<vmem>>
    tpu.wait_dma2 semaphore(%arg19 : memref<!tpu.dma_semaphore, #tpu.memory_space<semaphore_mem>>) src(%dma_wait3A_906 : memref<4x32x128xf32, #tpu.memory_space<vmem>>) dst(%dma_wait3A_901 : memref<4x32x128xf32, #tpu.memory_space<hbm>>)
    %dma_start3A_907 = arith.constant 5 : i32
    %dma_start3A_908 = arith.constant 0 : i32
    %dma_start3A_909 = arith.constant 0 : i32
    %dma_start3A_910 = arith.constant 0 : i32
    %dma_start3A_911 = tpu.memref_slice %arg11[%dma_start3A_908, %dma_start3A_909, %dma_start3A_910] : memref<5x128x128xf32, #tpu.memory_space<vmem>> -> memref<1x128x128xf32, #tpu.memory_space<vmem>>
    %dma_start3A_912 = tpu.memref_squeeze %dma_start3A_911 : memref<1x128x128xf32, #tpu.memory_space<vmem>> -> memref<128x128xf32, #tpu.memory_space<vmem>>
    %dma_start3A_913 = arith.constant 0 : i32
    %dma_start3A_914 = tpu.memref_slice %arg8[%dma_start3A_907, %dma_start3A_913] : memref<8x128xi32, #tpu.memory_space<vmem>> -> memref<1x128xi32, #tpu.memory_space<vmem>>
    %dma_start3A_915 = tpu.memref_squeeze %dma_start3A_914 : memref<1x128xi32, #tpu.memory_space<vmem>> -> memref<128xi32, #tpu.memory_space<vmem>>
    %dma_start3A_916 = arith.constant 0 : i32
    %dma_start3A_917 = arith.constant 0 : i32
    %dma_start3A_918 = tpu.memref_slice %arg3[%dma_start3A_916, %dma_start3A_917] : memref<100000x128xf32, #tpu.memory_space<hbm>> -> memref<100000x128xf32, #tpu.memory_space<hbm>>
    tpu.enqueue_indirect_dma source(%dma_start3A_918 : memref<100000x128xf32, #tpu.memory_space<hbm>>) target(%dma_start3A_912 : memref<128x128xf32, #tpu.memory_space<vmem>>) offsets(%dma_start3A_915 : memref<128xi32, #tpu.memory_space<vmem>>) semaphore(%arg14 : memref<!tpu.dma_semaphore, #tpu.memory_space<semaphore_mem>>)
    %dma_wait3A_919 = arith.constant 2 : i32
    %dma_wait3A_920 = arith.constant 2 : i32
    %dma_wait3A_921 = arith.constant 0 : i32
    %dma_wait3A_922 = arith.constant 0 : i32
    %dma_wait3A_923 = tpu.memref_slice %arg11[%dma_wait3A_920, %dma_wait3A_921, %dma_wait3A_922] : memref<5x128x128xf32, #tpu.memory_space<vmem>> -> memref<1x128x128xf32, #tpu.memory_space<vmem>>
    %dma_wait3A_924 = tpu.memref_squeeze %dma_wait3A_923 : memref<1x128x128xf32, #tpu.memory_space<vmem>> -> memref<128x128xf32, #tpu.memory_space<vmem>>
    %dma_wait3A_925 = arith.constant 0 : i32
    %dma_wait3A_926 = tpu.memref_slice %arg8[%dma_wait3A_919, %dma_wait3A_925] : memref<8x128xi32, #tpu.memory_space<vmem>> -> memref<1x128xi32, #tpu.memory_space<vmem>>
    %dma_wait3A_927 = tpu.memref_squeeze %dma_wait3A_926 : memref<1x128xi32, #tpu.memory_space<vmem>> -> memref<128xi32, #tpu.memory_space<vmem>>
    %dma_wait3A_928 = arith.constant 0 : i32
    %dma_wait3A_929 = arith.constant 0 : i32
    %dma_wait3A_930 = tpu.memref_slice %arg3[%dma_wait3A_928, %dma_wait3A_929] : memref<100000x128xf32, #tpu.memory_space<hbm>> -> memref<100000x128xf32, #tpu.memory_space<hbm>>
    tpu.wait_indirect_dma semaphore(%arg16 : memref<!tpu.dma_semaphore, #tpu.memory_space<semaphore_mem>>) src(%dma_wait3A_930 : memref<100000x128xf32, #tpu.memory_space<hbm>>) dst(%dma_wait3A_924 : memref<128x128xf32, #tpu.memory_space<vmem>>)
    %scan3A_931 = arith.constant 0 : i32
    %scan3A_932 = arith.constant 0 : i32
    %scan3A_933 = arith.constant 32 : i32
    %scan3A_934 = arith.addi %scan3A_932, %scan3A_933 : i32
    %scan3A_935 = arith.constant 1 : i32
    scf.for %scan3A_1284 = %scan3A_932 to %scan3A_934 step %scan3A_935  : i32 {
      %add3A_1285 = arith.constant 64 : i32
      %add3A_1286 = arith.addi %add3A_1285, %scan3A_1284 : i32
      %get3A_1287 = arith.index_cast %add3A_1286 : i32 to index
      %get3A_1288 = arith.constant 0 : index
      %get3A_1289 = tpu.vector_load %arg10[%get3A_1287, %get3A_1288] {strides = array<i32>} : memref<256x128xf32, #tpu.memory_space<vmem>>, vector<1x16xf32>,
      %get3A_1290 = vector.shape_cast %get3A_1289 : vector<1x16xf32> to vector<16xf32>
      %add3A_1291 = arith.addf %get3A_1290, %get3A_783 : vector<16xf32>
      %add3A_1292 = arith.constant 64 : i32
      %add3A_1293 = arith.addi %add3A_1292, %scan3A_1284 : i32
      %get3A_1294 = arith.index_cast %add3A_1293 : i32 to index
      %get3A_1295 = arith.constant 16 : index
      %get3A_1296 = tpu.vector_load %arg10[%get3A_1294, %get3A_1295] {strides = array<i32>} : memref<256x128xf32, #tpu.memory_space<vmem>>, vector<1x16xf32>,
      %get3A_1297 = vector.shape_cast %get3A_1296 : vector<1x16xf32> to vector<16xf32>
      %add3A_1298 = arith.addf %get3A_1297, %get3A_786 : vector<16xf32>
      %add3A_1299 = arith.constant 64 : i32
      %add3A_1300 = arith.addi %add3A_1299, %scan3A_1284 : i32
      %get3A_1301 = arith.index_cast %add3A_1300 : i32 to index
      %get3A_1302 = arith.constant 32 : index
      %get3A_1303 = tpu.vector_load %arg10[%get3A_1301, %get3A_1302] {strides = array<i32>} : memref<256x128xf32, #tpu.memory_space<vmem>>, vector<1x16xf32>,
      %get3A_1304 = vector.shape_cast %get3A_1303 : vector<1x16xf32> to vector<16xf32>
      %add3A_1305 = arith.addf %get3A_1304, %get3A_789 : vector<16xf32>
      %add3A_1306 = arith.constant 64 : i32
      %add3A_1307 = arith.addi %add3A_1306, %scan3A_1284 : i32
      %get3A_1308 = arith.index_cast %add3A_1307 : i32 to index
      %get3A_1309 = arith.constant 48 : index
      %get3A_1310 = tpu.vector_load %arg10[%get3A_1308, %get3A_1309] {strides = array<i32>} : memref<256x128xf32, #tpu.memory_space<vmem>>, vector<1x16xf32>,
      %get3A_1311 = vector.shape_cast %get3A_1310 : vector<1x16xf32> to vector<16xf32>
      %add3A_1312 = arith.addf %get3A_1311, %get3A_792 : vector<16xf32>
      %add3A_1313 = arith.constant 64 : i32
      %add3A_1314 = arith.addi %add3A_1313, %scan3A_1284 : i32
      %get3A_1315 = arith.index_cast %add3A_1314 : i32 to index
      %get3A_1316 = arith.constant 64 : index
      %get3A_1317 = tpu.vector_load %arg10[%get3A_1315, %get3A_1316] {strides = array<i32>} : memref<256x128xf32, #tpu.memory_space<vmem>>, vector<1x16xf32>,
      %get3A_1318 = vector.shape_cast %get3A_1317 : vector<1x16xf32> to vector<16xf32>
      %add3A_1319 = arith.addf %get3A_1318, %get3A_795 : vector<16xf32>
      %add3A_1320 = arith.constant 64 : i32
      %add3A_1321 = arith.addi %add3A_1320, %scan3A_1284 : i32
      %get3A_1322 = arith.index_cast %add3A_1321 : i32 to index
      %get3A_1323 = arith.constant 80 : index
      %get3A_1324 = tpu.vector_load %arg10[%get3A_1322, %get3A_1323] {strides = array<i32>} : memref<256x128xf32, #tpu.memory_space<vmem>>, vector<1x16xf32>,
      %get3A_1325 = vector.shape_cast %get3A_1324 : vector<1x16xf32> to vector<16xf32>
      %add3A_1326 = arith.addf %get3A_1325, %get3A_798 : vector<16xf32>
      %add3A_1327 = arith.constant 64 : i32
      %add3A_1328 = arith.addi %add3A_1327, %scan3A_1284 : i32
      %get3A_1329 = arith.index_cast %add3A_1328 : i32 to index
      %get3A_1330 = arith.constant 96 : index
      %get3A_1331 = tpu.vector_load %arg10[%get3A_1329, %get3A_1330] {strides = array<i32>} : memref<256x128xf32, #tpu.memory_space<vmem>>, vector<1x16xf32>,
      %get3A_1332 = vector.shape_cast %get3A_1331 : vector<1x16xf32> to vector<16xf32>
      %add3A_1333 = arith.addf %get3A_1332, %get3A_801 : vector<16xf32>
      %add3A_1334 = arith.constant 64 : i32
      %add3A_1335 = arith.addi %add3A_1334, %scan3A_1284 : i32
      %get3A_1336 = arith.index_cast %add3A_1335 : i32 to index
      %get3A_1337 = arith.constant 112 : index
      %get3A_1338 = tpu.vector_load %arg10[%get3A_1336, %get3A_1337] {strides = array<i32>} : memref<256x128xf32, #tpu.memory_space<vmem>>, vector<1x16xf32>,
      %get3A_1339 = vector.shape_cast %get3A_1338 : vector<1x16xf32> to vector<16xf32>
      %add3A_1340 = arith.addf %get3A_1339, %get3A_804 : vector<16xf32>
      %add3A_1341 = arith.constant 0 : i32
      %add3A_1342 = arith.addi %add3A_1341, %scan3A_1284 : i32
      %swap3A_1343 = arith.constant 2 : i32
      %swap3A_1344 = arith.index_cast %swap3A_1343 : i32 to index
      %swap3A_1345 = arith.index_cast %add3A_1342 : i32 to index
      %swap3A_1346 = arith.constant 0 : index
      %swap3A_1347 = tpu.vector_load %arg11[%swap3A_1344, %swap3A_1345, %swap3A_1346] {strides = array<i32>} : memref<5x128x128xf32, #tpu.memory_space<vmem>>, vector<1x1x16xf32>,
      %swap3A_1348 = vector.shape_cast %swap3A_1347 : vector<1x1x16xf32> to vector<16xf32>
      %swap3A_1349 = vector.shape_cast %add3A_1291 : vector<16xf32> to vector<1x1x16xf32>
      tpu.vector_store %arg11[%swap3A_1344, %swap3A_1345, %swap3A_1346], %swap3A_1349 {add = true, strides = array<i32>} : memref<5x128x128xf32, #tpu.memory_space<vmem>>, vector<1x1x16xf32>,
      %add3A_1350 = arith.constant 0 : i32
      %add3A_1351 = arith.addi %add3A_1350, %scan3A_1284 : i32
      %swap3A_1352 = arith.constant 2 : i32
      %swap3A_1353 = arith.index_cast %swap3A_1352 : i32 to index
      %swap3A_1354 = arith.index_cast %add3A_1351 : i32 to index
      %swap3A_1355 = arith.constant 16 : index
      %swap3A_1356 = tpu.vector_load %arg11[%swap3A_1353, %swap3A_1354, %swap3A_1355] {strides = array<i32>} : memref<5x128x128xf32, #tpu.memory_space<vmem>>, vector<1x1x16xf32>,
      %swap3A_1357 = vector.shape_cast %swap3A_1356 : vector<1x1x16xf32> to vector<16xf32>
      %swap3A_1358 = vector.shape_cast %add3A_1298 : vector<16xf32> to vector<1x1x16xf32>
      tpu.vector_store %arg11[%swap3A_1353, %swap3A_1354, %swap3A_1355], %swap3A_1358 {add = true, strides = array<i32>} : memref<5x128x128xf32, #tpu.memory_space<vmem>>, vector<1x1x16xf32>,
      %add3A_1359 = arith.constant 0 : i32
      %add3A_1360 = arith.addi %add3A_1359, %scan3A_1284 : i32
      %swap3A_1361 = arith.constant 2 : i32
      %swap3A_1362 = arith.index_cast %swap3A_1361 : i32 to index
      %swap3A_1363 = arith.index_cast %add3A_1360 : i32 to index
      %swap3A_1364 = arith.constant 32 : index
      %swap3A_1365 = tpu.vector_load %arg11[%swap3A_1362, %swap3A_1363, %swap3A_1364] {strides = array<i32>} : memref<5x128x128xf32, #tpu.memory_space<vmem>>, vector<1x1x16xf32>,
      %swap3A_1366 = vector.shape_cast %swap3A_1365 : vector<1x1x16xf32> to vector<16xf32>
      %swap3A_1367 = vector.shape_cast %add3A_1305 : vector<16xf32> to vector<1x1x16xf32>
      tpu.vector_store %arg11[%swap3A_1362, %swap3A_1363, %swap3A_1364], %swap3A_1367 {add = true, strides = array<i32>} : memref<5x128x128xf32, #tpu.memory_space<vmem>>, vector<1x1x16xf32>,
      %add3A_1368 = arith.constant 0 : i32
      %add3A_1369 = arith.addi %add3A_1368, %scan3A_1284 : i32
      %swap3A_1370 = arith.constant 2 : i32
      %swap3A_1371 = arith.index_cast %swap3A_1370 : i32 to index
      %swap3A_1372 = arith.index_cast %add3A_1369 : i32 to index
      %swap3A_1373 = arith.constant 48 : index
      %swap3A_1374 = tpu.vector_load %arg11[%swap3A_1371, %swap3A_1372, %swap3A_1373] {strides = array<i32>} : memref<5x128x128xf32, #tpu.memory_space<vmem>>, vector<1x1x16xf32>,
      %swap3A_1375 = vector.shape_cast %swap3A_1374 : vector<1x1x16xf32> to vector<16xf32>
      %swap3A_1376 = vector.shape_cast %add3A_1312 : vector<16xf32> to vector<1x1x16xf32>
      tpu.vector_store %arg11[%swap3A_1371, %swap3A_1372, %swap3A_1373], %swap3A_1376 {add = true, strides = array<i32>} : memref<5x128x128xf32, #tpu.memory_space<vmem>>, vector<1x1x16xf32>,
      %add3A_1377 = arith.constant 0 : i32
      %add3A_1378 = arith.addi %add3A_1377, %scan3A_1284 : i32
      %swap3A_1379 = arith.constant 2 : i32
      %swap3A_1380 = arith.index_cast %swap3A_1379 : i32 to index
      %swap3A_1381 = arith.index_cast %add3A_1378 : i32 to index
      %swap3A_1382 = arith.constant 64 : index
      %swap3A_1383 = tpu.vector_load %arg11[%swap3A_1380, %swap3A_1381, %swap3A_1382] {strides = array<i32>} : memref<5x128x128xf32, #tpu.memory_space<vmem>>, vector<1x1x16xf32>,
      %swap3A_1384 = vector.shape_cast %swap3A_1383 : vector<1x1x16xf32> to vector<16xf32>
      %swap3A_1385 = vector.shape_cast %add3A_1319 : vector<16xf32> to vector<1x1x16xf32>
      tpu.vector_store %arg11[%swap3A_1380, %swap3A_1381, %swap3A_1382], %swap3A_1385 {add = true, strides = array<i32>} : memref<5x128x128xf32, #tpu.memory_space<vmem>>, vector<1x1x16xf32>,
      %add3A_1386 = arith.constant 0 : i32
      %add3A_1387 = arith.addi %add3A_1386, %scan3A_1284 : i32
      %swap3A_1388 = arith.constant 2 : i32
      %swap3A_1389 = arith.index_cast %swap3A_1388 : i32 to index
      %swap3A_1390 = arith.index_cast %add3A_1387 : i32 to index
      %swap3A_1391 = arith.constant 80 : index
      %swap3A_1392 = tpu.vector_load %arg11[%swap3A_1389, %swap3A_1390, %swap3A_1391] {strides = array<i32>} : memref<5x128x128xf32, #tpu.memory_space<vmem>>, vector<1x1x16xf32>,
      %swap3A_1393 = vector.shape_cast %swap3A_1392 : vector<1x1x16xf32> to vector<16xf32>
      %swap3A_1394 = vector.shape_cast %add3A_1326 : vector<16xf32> to vector<1x1x16xf32>
      tpu.vector_store %arg11[%swap3A_1389, %swap3A_1390, %swap3A_1391], %swap3A_1394 {add = true, strides = array<i32>} : memref<5x128x128xf32, #tpu.memory_space<vmem>>, vector<1x1x16xf32>,
      %add3A_1395 = arith.constant 0 : i32
      %add3A_1396 = arith.addi %add3A_1395, %scan3A_1284 : i32
      %swap3A_1397 = arith.constant 2 : i32
      %swap3A_1398 = arith.index_cast %swap3A_1397 : i32 to index
      %swap3A_1399 = arith.index_cast %add3A_1396 : i32 to index
      %swap3A_1400 = arith.constant 96 : index
      %swap3A_1401 = tpu.vector_load %arg11[%swap3A_1398, %swap3A_1399, %swap3A_1400] {strides = array<i32>} : memref<5x128x128xf32, #tpu.memory_space<vmem>>, vector<1x1x16xf32>,
      %swap3A_1402 = vector.shape_cast %swap3A_1401 : vector<1x1x16xf32> to vector<16xf32>
      %swap3A_1403 = vector.shape_cast %add3A_1333 : vector<16xf32> to vector<1x1x16xf32>
      tpu.vector_store %arg11[%swap3A_1398, %swap3A_1399, %swap3A_1400], %swap3A_1403 {add = true, strides = array<i32>} : memref<5x128x128xf32, #tpu.memory_space<vmem>>, vector<1x1x16xf32>,
      %add3A_1404 = arith.constant 0 : i32
      %add3A_1405 = arith.addi %add3A_1404, %scan3A_1284 : i32
      %swap3A_1406 = arith.constant 2 : i32
      %swap3A_1407 = arith.index_cast %swap3A_1406 : i32 to index
      %swap3A_1408 = arith.index_cast %add3A_1405 : i32 to index
      %swap3A_1409 = arith.constant 112 : index
      %swap3A_1410 = tpu.vector_load %arg11[%swap3A_1407, %swap3A_1408, %swap3A_1409] {strides = array<i32>} : memref<5x128x128xf32, #tpu.memory_space<vmem>>, vector<1x1x16xf32>,
      %swap3A_1411 = vector.shape_cast %swap3A_1410 : vector<1x1x16xf32> to vector<16xf32>
      %swap3A_1412 = vector.shape_cast %add3A_1340 : vector<16xf32> to vector<1x1x16xf32>
      tpu.vector_store %arg11[%swap3A_1407, %swap3A_1408, %swap3A_1409], %swap3A_1412 {add = true, strides = array<i32>} : memref<5x128x128xf32, #tpu.memory_space<vmem>>, vector<1x1x16xf32>,
      %add3A_1413 = arith.constant 32 : i32
      %add3A_1414 = arith.addi %add3A_1413, %scan3A_1284 : i32
      %swap3A_1415 = arith.constant 2 : i32
      %swap3A_1416 = arith.index_cast %swap3A_1415 : i32 to index
      %swap3A_1417 = arith.index_cast %add3A_1414 : i32 to index
      %swap3A_1418 = arith.constant 0 : index
      %swap3A_1419 = tpu.vector_load %arg11[%swap3A_1416, %swap3A_1417, %swap3A_1418] {strides = array<i32>} : memref<5x128x128xf32, #tpu.memory_space<vmem>>, vector<1x1x16xf32>,
      %swap3A_1420 = vector.shape_cast %swap3A_1419 : vector<1x1x16xf32> to vector<16xf32>
      %swap3A_1421 = vector.shape_cast %add3A_1291 : vector<16xf32> to vector<1x1x16xf32>
      tpu.vector_store %arg11[%swap3A_1416, %swap3A_1417, %swap3A_1418], %swap3A_1421 {add = true, strides = array<i32>} : memref<5x128x128xf32, #tpu.memory_space<vmem>>, vector<1x1x16xf32>,
      %add3A_1422 = arith.constant 32 : i32
      %add3A_1423 = arith.addi %add3A_1422, %scan3A_1284 : i32
      %swap3A_1424 = arith.constant 2 : i32
      %swap3A_1425 = arith.index_cast %swap3A_1424 : i32 to index
      %swap3A_1426 = arith.index_cast %add3A_1423 : i32 to index
      %swap3A_1427 = arith.constant 16 : index
      %swap3A_1428 = tpu.vector_load %arg11[%swap3A_1425, %swap3A_1426, %swap3A_1427] {strides = array<i32>} : memref<5x128x128xf32, #tpu.memory_space<vmem>>, vector<1x1x16xf32>,
      %swap3A_1429 = vector.shape_cast %swap3A_1428 : vector<1x1x16xf32> to vector<16xf32>
      %swap3A_1430 = vector.shape_cast %add3A_1298 : vector<16xf32> to vector<1x1x16xf32>
      tpu.vector_store %arg11[%swap3A_1425, %swap3A_1426, %swap3A_1427], %swap3A_1430 {add = true, strides = array<i32>} : memref<5x128x128xf32, #tpu.memory_space<vmem>>, vector<1x1x16xf32>,
      %add3A_1431 = arith.constant 32 : i32
      %add3A_1432 = arith.addi %add3A_1431, %scan3A_1284 : i32
      %swap3A_1433 = arith.constant 2 : i32
      %swap3A_1434 = arith.index_cast %swap3A_1433 : i32 to index
      %swap3A_1435 = arith.index_cast %add3A_1432 : i32 to index
      %swap3A_1436 = arith.constant 32 : index
      %swap3A_1437 = tpu.vector_load %arg11[%swap3A_1434, %swap3A_1435, %swap3A_1436] {strides = array<i32>} : memref<5x128x128xf32, #tpu.memory_space<vmem>>, vector<1x1x16xf32>,
      %swap3A_1438 = vector.shape_cast %swap3A_1437 : vector<1x1x16xf32> to vector<16xf32>
      %swap3A_1439 = vector.shape_cast %add3A_1305 : vector<16xf32> to vector<1x1x16xf32>
      tpu.vector_store %arg11[%swap3A_1434, %swap3A_1435, %swap3A_1436], %swap3A_1439 {add = true, strides = array<i32>} : memref<5x128x128xf32, #tpu.memory_space<vmem>>, vector<1x1x16xf32>,
      %add3A_1440 = arith.constant 32 : i32
      %add3A_1441 = arith.addi %add3A_1440, %scan3A_1284 : i32
      %swap3A_1442 = arith.constant 2 : i32
      %swap3A_1443 = arith.index_cast %swap3A_1442 : i32 to index
      %swap3A_1444 = arith.index_cast %add3A_1441 : i32 to index
      %swap3A_1445 = arith.constant 48 : index
      %swap3A_1446 = tpu.vector_load %arg11[%swap3A_1443, %swap3A_1444, %swap3A_1445] {strides = array<i32>} : memref<5x128x128xf32, #tpu.memory_space<vmem>>, vector<1x1x16xf32>,
      %swap3A_1447 = vector.shape_cast %swap3A_1446 : vector<1x1x16xf32> to vector<16xf32>
      %swap3A_1448 = vector.shape_cast %add3A_1312 : vector<16xf32> to vector<1x1x16xf32>
      tpu.vector_store %arg11[%swap3A_1443, %swap3A_1444, %swap3A_1445], %swap3A_1448 {add = true, strides = array<i32>} : memref<5x128x128xf32, #tpu.memory_space<vmem>>, vector<1x1x16xf32>,
      %add3A_1449 = arith.constant 32 : i32
      %add3A_1450 = arith.addi %add3A_1449, %scan3A_1284 : i32
      %swap3A_1451 = arith.constant 2 : i32
      %swap3A_1452 = arith.index_cast %swap3A_1451 : i32 to index
      %swap3A_1453 = arith.index_cast %add3A_1450 : i32 to index
      %swap3A_1454 = arith.constant 64 : index
      %swap3A_1455 = tpu.vector_load %arg11[%swap3A_1452, %swap3A_1453, %swap3A_1454] {strides = array<i32>} : memref<5x128x128xf32, #tpu.memory_space<vmem>>, vector<1x1x16xf32>,
      %swap3A_1456 = vector.shape_cast %swap3A_1455 : vector<1x1x16xf32> to vector<16xf32>
      %swap3A_1457 = vector.shape_cast %add3A_1319 : vector<16xf32> to vector<1x1x16xf32>
      tpu.vector_store %arg11[%swap3A_1452, %swap3A_1453, %swap3A_1454], %swap3A_1457 {add = true, strides = array<i32>} : memref<5x128x128xf32, #tpu.memory_space<vmem>>, vector<1x1x16xf32>,
      %add3A_1458 = arith.constant 32 : i32
      %add3A_1459 = arith.addi %add3A_1458, %scan3A_1284 : i32
      %swap3A_1460 = arith.constant 2 : i32
      %swap3A_1461 = arith.index_cast %swap3A_1460 : i32 to index
      %swap3A_1462 = arith.index_cast %add3A_1459 : i32 to index
      %swap3A_1463 = arith.constant 80 : index
      %swap3A_1464 = tpu.vector_load %arg11[%swap3A_1461, %swap3A_1462, %swap3A_1463] {strides = array<i32>} : memref<5x128x128xf32, #tpu.memory_space<vmem>>, vector<1x1x16xf32>,
      %swap3A_1465 = vector.shape_cast %swap3A_1464 : vector<1x1x16xf32> to vector<16xf32>
      %swap3A_1466 = vector.shape_cast %add3A_1326 : vector<16xf32> to vector<1x1x16xf32>
      tpu.vector_store %arg11[%swap3A_1461, %swap3A_1462, %swap3A_1463], %swap3A_1466 {add = true, strides = array<i32>} : memref<5x128x128xf32, #tpu.memory_space<vmem>>, vector<1x1x16xf32>,
      %add3A_1467 = arith.constant 32 : i32
      %add3A_1468 = arith.addi %add3A_1467, %scan3A_1284 : i32
      %swap3A_1469 = arith.constant 2 : i32
      %swap3A_1470 = arith.index_cast %swap3A_1469 : i32 to index
      %swap3A_1471 = arith.index_cast %add3A_1468 : i32 to index
      %swap3A_1472 = arith.constant 96 : index
      %swap3A_1473 = tpu.vector_load %arg11[%swap3A_1470, %swap3A_1471, %swap3A_1472] {strides = array<i32>} : memref<5x128x128xf32, #tpu.memory_space<vmem>>, vector<1x1x16xf32>,
      %swap3A_1474 = vector.shape_cast %swap3A_1473 : vector<1x1x16xf32> to vector<16xf32>
      %swap3A_1475 = vector.shape_cast %add3A_1333 : vector<16xf32> to vector<1x1x16xf32>
      tpu.vector_store %arg11[%swap3A_1470, %swap3A_1471, %swap3A_1472], %swap3A_1475 {add = true, strides = array<i32>} : memref<5x128x128xf32, #tpu.memory_space<vmem>>, vector<1x1x16xf32>,
      %add3A_1476 = arith.constant 32 : i32
      %add3A_1477 = arith.addi %add3A_1476, %scan3A_1284 : i32
      %swap3A_1478 = arith.constant 2 : i32
      %swap3A_1479 = arith.index_cast %swap3A_1478 : i32 to index
      %swap3A_1480 = arith.index_cast %add3A_1477 : i32 to index
      %swap3A_1481 = arith.constant 112 : index
      %swap3A_1482 = tpu.vector_load %arg11[%swap3A_1479, %swap3A_1480, %swap3A_1481] {strides = array<i32>} : memref<5x128x128xf32, #tpu.memory_space<vmem>>, vector<1x1x16xf32>,
      %swap3A_1483 = vector.shape_cast %swap3A_1482 : vector<1x1x16xf32> to vector<16xf32>
      %swap3A_1484 = vector.shape_cast %add3A_1340 : vector<16xf32> to vector<1x1x16xf32>
      tpu.vector_store %arg11[%swap3A_1479, %swap3A_1480, %swap3A_1481], %swap3A_1484 {add = true, strides = array<i32>} : memref<5x128x128xf32, #tpu.memory_space<vmem>>, vector<1x1x16xf32>,
      %add3A_1485 = arith.constant 64 : i32
      %add3A_1486 = arith.addi %add3A_1485, %scan3A_1284 : i32
      %swap3A_1487 = arith.constant 2 : i32
      %swap3A_1488 = arith.index_cast %swap3A_1487 : i32 to index
      %swap3A_1489 = arith.index_cast %add3A_1486 : i32 to index
      %swap3A_1490 = arith.constant 0 : index
      %swap3A_1491 = tpu.vector_load %arg11[%swap3A_1488, %swap3A_1489, %swap3A_1490] {strides = array<i32>} : memref<5x128x128xf32, #tpu.memory_space<vmem>>, vector<1x1x16xf32>,
      %swap3A_1492 = vector.shape_cast %swap3A_1491 : vector<1x1x16xf32> to vector<16xf32>
      %swap3A_1493 = vector.shape_cast %add3A_1291 : vector<16xf32> to vector<1x1x16xf32>
      tpu.vector_store %arg11[%swap3A_1488, %swap3A_1489, %swap3A_1490], %swap3A_1493 {add = true, strides = array<i32>} : memref<5x128x128xf32, #tpu.memory_space<vmem>>, vector<1x1x16xf32>,
      %add3A_1494 = arith.constant 64 : i32
      %add3A_1495 = arith.addi %add3A_1494, %scan3A_1284 : i32
      %swap3A_1496 = arith.constant 2 : i32
      %swap3A_1497 = arith.index_cast %swap3A_1496 : i32 to index
      %swap3A_1498 = arith.index_cast %add3A_1495 : i32 to index
      %swap3A_1499 = arith.constant 16 : index
      %swap3A_1500 = tpu.vector_load %arg11[%swap3A_1497, %swap3A_1498, %swap3A_1499] {strides = array<i32>} : memref<5x128x128xf32, #tpu.memory_space<vmem>>, vector<1x1x16xf32>,
      %swap3A_1501 = vector.shape_cast %swap3A_1500 : vector<1x1x16xf32> to vector<16xf32>
      %swap3A_1502 = vector.shape_cast %add3A_1298 : vector<16xf32> to vector<1x1x16xf32>
      tpu.vector_store %arg11[%swap3A_1497, %swap3A_1498, %swap3A_1499], %swap3A_1502 {add = true, strides = array<i32>} : memref<5x128x128xf32, #tpu.memory_space<vmem>>, vector<1x1x16xf32>,
      %add3A_1503 = arith.constant 64 : i32
      %add3A_1504 = arith.addi %add3A_1503, %scan3A_1284 : i32
      %swap3A_1505 = arith.constant 2 : i32
      %swap3A_1506 = arith.index_cast %swap3A_1505 : i32 to index
      %swap3A_1507 = arith.index_cast %add3A_1504 : i32 to index
      %swap3A_1508 = arith.constant 32 : index
      %swap3A_1509 = tpu.vector_load %arg11[%swap3A_1506, %swap3A_1507, %swap3A_1508] {strides = array<i32>} : memref<5x128x128xf32, #tpu.memory_space<vmem>>, vector<1x1x16xf32>,
      %swap3A_1510 = vector.shape_cast %swap3A_1509 : vector<1x1x16xf32> to vector<16xf32>
      %swap3A_1511 = vector.shape_cast %add3A_1305 : vector<16xf32> to vector<1x1x16xf32>
      tpu.vector_store %arg11[%swap3A_1506, %swap3A_1507, %swap3A_1508], %swap3A_1511 {add = true, strides = array<i32>} : memref<5x128x128xf32, #tpu.memory_space<vmem>>, vector<1x1x16xf32>,
      %add3A_1512 = arith.constant 64 : i32
      %add3A_1513 = arith.addi %add3A_1512, %scan3A_1284 : i32
      %swap3A_1514 = arith.constant 2 : i32
      %swap3A_1515 = arith.index_cast %swap3A_1514 : i32 to index
      %swap3A_1516 = arith.index_cast %add3A_1513 : i32 to index
      %swap3A_1517 = arith.constant 48 : index
      %swap3A_1518 = tpu.vector_load %arg11[%swap3A_1515, %swap3A_1516, %swap3A_1517] {strides = array<i32>} : memref<5x128x128xf32, #tpu.memory_space<vmem>>, vector<1x1x16xf32>,
      %swap3A_1519 = vector.shape_cast %swap3A_1518 : vector<1x1x16xf32> to vector<16xf32>
      %swap3A_1520 = vector.shape_cast %add3A_1312 : vector<16xf32> to vector<1x1x16xf32>
      tpu.vector_store %arg11[%swap3A_1515, %swap3A_1516, %swap3A_1517], %swap3A_1520 {add = true, strides = array<i32>} : memref<5x128x128xf32, #tpu.memory_space<vmem>>, vector<1x1x16xf32>,
      %add3A_1521 = arith.constant 64 : i32
      %add3A_1522 = arith.addi %add3A_1521, %scan3A_1284 : i32
      %swap3A_1523 = arith.constant 2 : i32
      %swap3A_1524 = arith.index_cast %swap3A_1523 : i32 to index
      %swap3A_1525 = arith.index_cast %add3A_1522 : i32 to index
      %swap3A_1526 = arith.constant 64 : index
      %swap3A_1527 = tpu.vector_load %arg11[%swap3A_1524, %swap3A_1525, %swap3A_1526] {strides = array<i32>} : memref<5x128x128xf32, #tpu.memory_space<vmem>>, vector<1x1x16xf32>,
      %swap3A_1528 = vector.shape_cast %swap3A_1527 : vector<1x1x16xf32> to vector<16xf32>
      %swap3A_1529 = vector.shape_cast %add3A_1319 : vector<16xf32> to vector<1x1x16xf32>
      tpu.vector_store %arg11[%swap3A_1524, %swap3A_1525, %swap3A_1526], %swap3A_1529 {add = true, strides = array<i32>} : memref<5x128x128xf32, #tpu.memory_space<vmem>>, vector<1x1x16xf32>,
      %add3A_1530 = arith.constant 64 : i32
      %add3A_1531 = arith.addi %add3A_1530, %scan3A_1284 : i32
      %swap3A_1532 = arith.constant 2 : i32
      %swap3A_1533 = arith.index_cast %swap3A_1532 : i32 to index
      %swap3A_1534 = arith.index_cast %add3A_1531 : i32 to index
      %swap3A_1535 = arith.constant 80 : index
      %swap3A_1536 = tpu.vector_load %arg11[%swap3A_1533, %swap3A_1534, %swap3A_1535] {strides = array<i32>} : memref<5x128x128xf32, #tpu.memory_space<vmem>>, vector<1x1x16xf32>,
      %swap3A_1537 = vector.shape_cast %swap3A_1536 : vector<1x1x16xf32> to vector<16xf32>
      %swap3A_1538 = vector.shape_cast %add3A_1326 : vector<16xf32> to vector<1x1x16xf32>
      tpu.vector_store %arg11[%swap3A_1533, %swap3A_1534, %swap3A_1535], %swap3A_1538 {add = true, strides = array<i32>} : memref<5x128x128xf32, #tpu.memory_space<vmem>>, vector<1x1x16xf32>,
      %add3A_1539 = arith.constant 64 : i32
      %add3A_1540 = arith.addi %add3A_1539, %scan3A_1284 : i32
      %swap3A_1541 = arith.constant 2 : i32
      %swap3A_1542 = arith.index_cast %swap3A_1541 : i32 to index
      %swap3A_1543 = arith.index_cast %add3A_1540 : i32 to index
      %swap3A_1544 = arith.constant 96 : index
      %swap3A_1545 = tpu.vector_load %arg11[%swap3A_1542, %swap3A_1543, %swap3A_1544] {strides = array<i32>} : memref<5x128x128xf32, #tpu.memory_space<vmem>>, vector<1x1x16xf32>,
      %swap3A_1546 = vector.shape_cast %swap3A_1545 : vector<1x1x16xf32> to vector<16xf32>
      %swap3A_1547 = vector.shape_cast %add3A_1333 : vector<16xf32> to vector<1x1x16xf32>
      tpu.vector_store %arg11[%swap3A_1542, %swap3A_1543, %swap3A_1544], %swap3A_1547 {add = true, strides = array<i32>} : memref<5x128x128xf32, #tpu.memory_space<vmem>>, vector<1x1x16xf32>,
      %add3A_1548 = arith.constant 64 : i32
      %add3A_1549 = arith.addi %add3A_1548, %scan3A_1284 : i32
      %swap3A_1550 = arith.constant 2 : i32
      %swap3A_1551 = arith.index_cast %swap3A_1550 : i32 to index
      %swap3A_1552 = arith.index_cast %add3A_1549 : i32 to index
      %swap3A_1553 = arith.constant 112 : index
      %swap3A_1554 = tpu.vector_load %arg11[%swap3A_1551, %swap3A_1552, %swap3A_1553] {strides = array<i32>} : memref<5x128x128xf32, #tpu.memory_space<vmem>>, vector<1x1x16xf32>,
      %swap3A_1555 = vector.shape_cast %swap3A_1554 : vector<1x1x16xf32> to vector<16xf32>
      %swap3A_1556 = vector.shape_cast %add3A_1340 : vector<16xf32> to vector<1x1x16xf32>
      tpu.vector_store %arg11[%swap3A_1551, %swap3A_1552, %swap3A_1553], %swap3A_1556 {add = true, strides = array<i32>} : memref<5x128x128xf32, #tpu.memory_space<vmem>>, vector<1x1x16xf32>,
      %add3A_1557 = arith.constant 96 : i32
      %add3A_1558 = arith.addi %add3A_1557, %scan3A_1284 : i32
      %swap3A_1559 = arith.constant 2 : i32
      %swap3A_1560 = arith.index_cast %swap3A_1559 : i32 to index
      %swap3A_1561 = arith.index_cast %add3A_1558 : i32 to index
      %swap3A_1562 = arith.constant 0 : index
      %swap3A_1563 = tpu.vector_load %arg11[%swap3A_1560, %swap3A_1561, %swap3A_1562] {strides = array<i32>} : memref<5x128x128xf32, #tpu.memory_space<vmem>>, vector<1x1x16xf32>,
      %swap3A_1564 = vector.shape_cast %swap3A_1563 : vector<1x1x16xf32> to vector<16xf32>
      %swap3A_1565 = vector.shape_cast %add3A_1291 : vector<16xf32> to vector<1x1x16xf32>
      tpu.vector_store %arg11[%swap3A_1560, %swap3A_1561, %swap3A_1562], %swap3A_1565 {add = true, strides = array<i32>} : memref<5x128x128xf32, #tpu.memory_space<vmem>>, vector<1x1x16xf32>,
      %add3A_1566 = arith.constant 96 : i32
      %add3A_1567 = arith.addi %add3A_1566, %scan3A_1284 : i32
      %swap3A_1568 = arith.constant 2 : i32
      %swap3A_1569 = arith.index_cast %swap3A_1568 : i32 to index
      %swap3A_1570 = arith.index_cast %add3A_1567 : i32 to index
      %swap3A_1571 = arith.constant 16 : index
      %swap3A_1572 = tpu.vector_load %arg11[%swap3A_1569, %swap3A_1570, %swap3A_1571] {strides = array<i32>} : memref<5x128x128xf32, #tpu.memory_space<vmem>>, vector<1x1x16xf32>,
      %swap3A_1573 = vector.shape_cast %swap3A_1572 : vector<1x1x16xf32> to vector<16xf32>
      %swap3A_1574 = vector.shape_cast %add3A_1298 : vector<16xf32> to vector<1x1x16xf32>
      tpu.vector_store %arg11[%swap3A_1569, %swap3A_1570, %swap3A_1571], %swap3A_1574 {add = true, strides = array<i32>} : memref<5x128x128xf32, #tpu.memory_space<vmem>>, vector<1x1x16xf32>,
      %add3A_1575 = arith.constant 96 : i32
      %add3A_1576 = arith.addi %add3A_1575, %scan3A_1284 : i32
      %swap3A_1577 = arith.constant 2 : i32
      %swap3A_1578 = arith.index_cast %swap3A_1577 : i32 to index
      %swap3A_1579 = arith.index_cast %add3A_1576 : i32 to index
      %swap3A_1580 = arith.constant 32 : index
      %swap3A_1581 = tpu.vector_load %arg11[%swap3A_1578, %swap3A_1579, %swap3A_1580] {strides = array<i32>} : memref<5x128x128xf32, #tpu.memory_space<vmem>>, vector<1x1x16xf32>,
      %swap3A_1582 = vector.shape_cast %swap3A_1581 : vector<1x1x16xf32> to vector<16xf32>
      %swap3A_1583 = vector.shape_cast %add3A_1305 : vector<16xf32> to vector<1x1x16xf32>
      tpu.vector_store %arg11[%swap3A_1578, %swap3A_1579, %swap3A_1580], %swap3A_1583 {add = true, strides = array<i32>} : memref<5x128x128xf32, #tpu.memory_space<vmem>>, vector<1x1x16xf32>,
      %add3A_1584 = arith.constant 96 : i32
      %add3A_1585 = arith.addi %add3A_1584, %scan3A_1284 : i32
      %swap3A_1586 = arith.constant 2 : i32
      %swap3A_1587 = arith.index_cast %swap3A_1586 : i32 to index
      %swap3A_1588 = arith.index_cast %add3A_1585 : i32 to index
      %swap3A_1589 = arith.constant 48 : index
      %swap3A_1590 = tpu.vector_load %arg11[%swap3A_1587, %swap3A_1588, %swap3A_1589] {strides = array<i32>} : memref<5x128x128xf32, #tpu.memory_space<vmem>>, vector<1x1x16xf32>,
      %swap3A_1591 = vector.shape_cast %swap3A_1590 : vector<1x1x16xf32> to vector<16xf32>
      %swap3A_1592 = vector.shape_cast %add3A_1312 : vector<16xf32> to vector<1x1x16xf32>
      tpu.vector_store %arg11[%swap3A_1587, %swap3A_1588, %swap3A_1589], %swap3A_1592 {add = true, strides = array<i32>} : memref<5x128x128xf32, #tpu.memory_space<vmem>>, vector<1x1x16xf32>,
      %add3A_1593 = arith.constant 96 : i32
      %add3A_1594 = arith.addi %add3A_1593, %scan3A_1284 : i32
      %swap3A_1595 = arith.constant 2 : i32
      %swap3A_1596 = arith.index_cast %swap3A_1595 : i32 to index
      %swap3A_1597 = arith.index_cast %add3A_1594 : i32 to index
      %swap3A_1598 = arith.constant 64 : index
      %swap3A_1599 = tpu.vector_load %arg11[%swap3A_1596, %swap3A_1597, %swap3A_1598] {strides = array<i32>} : memref<5x128x128xf32, #tpu.memory_space<vmem>>, vector<1x1x16xf32>,
      %swap3A_1600 = vector.shape_cast %swap3A_1599 : vector<1x1x16xf32> to vector<16xf32>
      %swap3A_1601 = vector.shape_cast %add3A_1319 : vector<16xf32> to vector<1x1x16xf32>
      tpu.vector_store %arg11[%swap3A_1596, %swap3A_1597, %swap3A_1598], %swap3A_1601 {add = true, strides = array<i32>} : memref<5x128x128xf32, #tpu.memory_space<vmem>>, vector<1x1x16xf32>,
      %add3A_1602 = arith.constant 96 : i32
      %add3A_1603 = arith.addi %add3A_1602, %scan3A_1284 : i32
      %swap3A_1604 = arith.constant 2 : i32
      %swap3A_1605 = arith.index_cast %swap3A_1604 : i32 to index
      %swap3A_1606 = arith.index_cast %add3A_1603 : i32 to index
      %swap3A_1607 = arith.constant 80 : index
      %swap3A_1608 = tpu.vector_load %arg11[%swap3A_1605, %swap3A_1606, %swap3A_1607] {strides = array<i32>} : memref<5x128x128xf32, #tpu.memory_space<vmem>>, vector<1x1x16xf32>,
      %swap3A_1609 = vector.shape_cast %swap3A_1608 : vector<1x1x16xf32> to vector<16xf32>
      %swap3A_1610 = vector.shape_cast %add3A_1326 : vector<16xf32> to vector<1x1x16xf32>
      tpu.vector_store %arg11[%swap3A_1605, %swap3A_1606, %swap3A_1607], %swap3A_1610 {add = true, strides = array<i32>} : memref<5x128x128xf32, #tpu.memory_space<vmem>>, vector<1x1x16xf32>,
      %add3A_1611 = arith.constant 96 : i32
      %add3A_1612 = arith.addi %add3A_1611, %scan3A_1284 : i32
      %swap3A_1613 = arith.constant 2 : i32
      %swap3A_1614 = arith.index_cast %swap3A_1613 : i32 to index
      %swap3A_1615 = arith.index_cast %add3A_1612 : i32 to index
      %swap3A_1616 = arith.constant 96 : index
      %swap3A_1617 = tpu.vector_load %arg11[%swap3A_1614, %swap3A_1615, %swap3A_1616] {strides = array<i32>} : memref<5x128x128xf32, #tpu.memory_space<vmem>>, vector<1x1x16xf32>,
      %swap3A_1618 = vector.shape_cast %swap3A_1617 : vector<1x1x16xf32> to vector<16xf32>
      %swap3A_1619 = vector.shape_cast %add3A_1333 : vector<16xf32> to vector<1x1x16xf32>
      tpu.vector_store %arg11[%swap3A_1614, %swap3A_1615, %swap3A_1616], %swap3A_1619 {add = true, strides = array<i32>} : memref<5x128x128xf32, #tpu.memory_space<vmem>>, vector<1x1x16xf32>,
      %add3A_1620 = arith.constant 96 : i32
      %add3A_1621 = arith.addi %add3A_1620, %scan3A_1284 : i32
      %swap3A_1622 = arith.constant 2 : i32
      %swap3A_1623 = arith.index_cast %swap3A_1622 : i32 to index
      %swap3A_1624 = arith.index_cast %add3A_1621 : i32 to index
      %swap3A_1625 = arith.constant 112 : index
      %swap3A_1626 = tpu.vector_load %arg11[%swap3A_1623, %swap3A_1624, %swap3A_1625] {strides = array<i32>} : memref<5x128x128xf32, #tpu.memory_space<vmem>>, vector<1x1x16xf32>,
      %swap3A_1627 = vector.shape_cast %swap3A_1626 : vector<1x1x16xf32> to vector<16xf32>
      %swap3A_1628 = vector.shape_cast %add3A_1340 : vector<16xf32> to vector<1x1x16xf32>
      tpu.vector_store %arg11[%swap3A_1623, %swap3A_1624, %swap3A_1625], %swap3A_1628 {add = true, strides = array<i32>} : memref<5x128x128xf32, #tpu.memory_space<vmem>>, vector<1x1x16xf32>,
    }
    %scan3A_936 = arith.constant 32 : i32
    %add3A_937 = arith.constant 64 : i32
    %add3A_938 = arith.addi %mul3A_2, %add3A_937 : i32
    %dma_start3A_939 = arith.constant 2 : i32
    %dma_start3A_940 = arith.constant 0 : i32
    %dma_start3A_941 = arith.constant 0 : i32
    %dma_start3A_942 = tpu.memref_slice %arg11[%dma_start3A_939, %dma_start3A_940, %dma_start3A_941] : memref<5x128x128xf32, #tpu.memory_space<vmem>> -> memref<1x128x128xf32, #tpu.memory_space<vmem>>
    %dma_start3A_943 = tpu.memref_squeeze %dma_start3A_942 : memref<1x128x128xf32, #tpu.memory_space<vmem>> -> memref<128x128xf32, #tpu.memory_space<vmem>>
    %dma_start3A_944 = tpu.memref_reshape %dma_start3A_943 : memref<128x128xf32, #tpu.memory_space<vmem>> -> memref<4x32x128xf32, #tpu.memory_space<vmem>>
    %dma_start3A_945 = arith.constant 0 : i32
    %dma_start3A_946 = arith.constant 0 : i32
    %dma_start3A_947 = tpu.memref_slice %arg6[%dma_start3A_945, %add3A_938, %dma_start3A_946] : memref<4x8192x128xf32, #tpu.memory_space<hbm>> -> memref<4x32x128xf32, #tpu.memory_space<hbm>>
    %dma_start3A_948 = arith.constant 0 : i32
    %dma_start3A_949 = arith.constant 0 : i32
    %dma_start3A_950 = tpu.memref_slice %arg6[%dma_start3A_948, %add3A_938, %dma_start3A_949] : memref<4x8192x128xf32, #tpu.memory_space<hbm>> -> memref<4x32x128xf32, #tpu.memory_space<hbm>>
    %dma_start3A_951 = arith.constant 0 : i32
    %dma_start3A_952 = arith.constant 0 : i32
    %dma_start3A_953 = tpu.memref_slice %arg11[%dma_start3A_939, %dma_start3A_951, %dma_start3A_952] : memref<5x128x128xf32, #tpu.memory_space<vmem>> -> memref<1x128x128xf32, #tpu.memory_space<vmem>>
    %dma_start3A_954 = tpu.memref_squeeze %dma_start3A_953 : memref<1x128x128xf32, #tpu.memory_space<vmem>> -> memref<128x128xf32, #tpu.memory_space<vmem>>
    %dma_start3A_955 = tpu.memref_reshape %dma_start3A_954 : memref<128x128xf32, #tpu.memory_space<vmem>> -> memref<4x32x128xf32, #tpu.memory_space<vmem>>
    tpu.enqueue_dma source(%dma_start3A_955 : memref<4x32x128xf32, #tpu.memory_space<vmem>>) target(%dma_start3A_950 : memref<4x32x128xf32, #tpu.memory_space<hbm>>) target_semaphore(%arg21 : memref<!tpu.dma_semaphore, #tpu.memory_space<semaphore_mem>>)
    %dma_wait3A_956 = arith.constant 1 : i32
    %dma_wait3A_957 = arith.constant 0 : i32
    %dma_wait3A_958 = arith.constant 0 : i32
    %dma_wait3A_959 = tpu.memref_slice %arg11[%dma_wait3A_956, %dma_wait3A_957, %dma_wait3A_958] : memref<5x128x128xf32, #tpu.memory_space<vmem>> -> memref<1x128x128xf32, #tpu.memory_space<vmem>>
    %dma_wait3A_960 = tpu.memref_squeeze %dma_wait3A_959 : memref<1x128x128xf32, #tpu.memory_space<vmem>> -> memref<128x128xf32, #tpu.memory_space<vmem>>
    %dma_wait3A_961 = tpu.memref_reshape %dma_wait3A_960 : memref<128x128xf32, #tpu.memory_space<vmem>> -> memref<4x32x128xf32, #tpu.memory_space<vmem>>
    %dma_wait3A_962 = arith.constant 0 : i32
    %dma_wait3A_963 = arith.constant 0 : i32
    %dma_wait3A_964 = tpu.memref_slice %arg6[%dma_wait3A_962, %add3A_872, %dma_wait3A_963] : memref<4x8192x128xf32, #tpu.memory_space<hbm>> -> memref<4x32x128xf32, #tpu.memory_space<hbm>>
    %dma_wait3A_965 = arith.constant 0 : i32
    %dma_wait3A_966 = arith.constant 0 : i32
    %dma_wait3A_967 = tpu.memref_slice %arg6[%dma_wait3A_965, %add3A_872, %dma_wait3A_966] : memref<4x8192x128xf32, #tpu.memory_space<hbm>> -> memref<4x32x128xf32, #tpu.memory_space<hbm>>
    %dma_wait3A_968 = arith.constant 0 : i32
    %dma_wait3A_969 = arith.constant 0 : i32
    %dma_wait3A_970 = tpu.memref_slice %arg11[%dma_wait3A_956, %dma_wait3A_968, %dma_wait3A_969] : memref<5x128x128xf32, #tpu.memory_space<vmem>> -> memref<1x128x128xf32, #tpu.memory_space<vmem>>
    %dma_wait3A_971 = tpu.memref_squeeze %dma_wait3A_970 : memref<1x128x128xf32, #tpu.memory_space<vmem>> -> memref<128x128xf32, #tpu.memory_space<vmem>>
    %dma_wait3A_972 = tpu.memref_reshape %dma_wait3A_971 : memref<128x128xf32, #tpu.memory_space<vmem>> -> memref<4x32x128xf32, #tpu.memory_space<vmem>>
    tpu.wait_dma2 semaphore(%arg20 : memref<!tpu.dma_semaphore, #tpu.memory_space<semaphore_mem>>) src(%dma_wait3A_972 : memref<4x32x128xf32, #tpu.memory_space<vmem>>) dst(%dma_wait3A_967 : memref<4x32x128xf32, #tpu.memory_space<hbm>>)
    %dma_start3A_973 = arith.constant 6 : i32
    %dma_start3A_974 = arith.constant 1 : i32
    %dma_start3A_975 = arith.constant 0 : i32
    %dma_start3A_976 = arith.constant 0 : i32
    %dma_start3A_977 = tpu.memref_slice %arg11[%dma_start3A_974, %dma_start3A_975, %dma_start3A_976] : memref<5x128x128xf32, #tpu.memory_space<vmem>> -> memref<1x128x128xf32, #tpu.memory_space<vmem>>
    %dma_start3A_978 = tpu.memref_squeeze %dma_start3A_977 : memref<1x128x128xf32, #tpu.memory_space<vmem>> -> memref<128x128xf32, #tpu.memory_space<vmem>>
    %dma_start3A_979 = arith.constant 0 : i32
    %dma_start3A_980 = tpu.memref_slice %arg8[%dma_start3A_973, %dma_start3A_979] : memref<8x128xi32, #tpu.memory_space<vmem>> -> memref<1x128xi32, #tpu.memory_space<vmem>>
    %dma_start3A_981 = tpu.memref_squeeze %dma_start3A_980 : memref<1x128xi32, #tpu.memory_space<vmem>> -> memref<128xi32, #tpu.memory_space<vmem>>
    %dma_start3A_982 = arith.constant 0 : i32
    %dma_start3A_983 = arith.constant 0 : i32
    %dma_start3A_984 = tpu.memref_slice %arg3[%dma_start3A_982, %dma_start3A_983] : memref<100000x128xf32, #tpu.memory_space<hbm>> -> memref<100000x128xf32, #tpu.memory_space<hbm>>
    tpu.enqueue_indirect_dma source(%dma_start3A_984 : memref<100000x128xf32, #tpu.memory_space<hbm>>) target(%dma_start3A_978 : memref<128x128xf32, #tpu.memory_space<vmem>>) offsets(%dma_start3A_981 : memref<128xi32, #tpu.memory_space<vmem>>) semaphore(%arg15 : memref<!tpu.dma_semaphore, #tpu.memory_space<semaphore_mem>>)
    %dma_wait3A_985 = arith.constant 3 : i32
    %dma_wait3A_986 = arith.constant 3 : i32
    %dma_wait3A_987 = arith.constant 0 : i32
    %dma_wait3A_988 = arith.constant 0 : i32
    %dma_wait3A_989 = tpu.memref_slice %arg11[%dma_wait3A_986, %dma_wait3A_987, %dma_wait3A_988] : memref<5x128x128xf32, #tpu.memory_space<vmem>> -> memref<1x128x128xf32, #tpu.memory_space<vmem>>
    %dma_wait3A_990 = tpu.memref_squeeze %dma_wait3A_989 : memref<1x128x128xf32, #tpu.memory_space<vmem>> -> memref<128x128xf32, #tpu.memory_space<vmem>>
    %dma_wait3A_991 = arith.constant 0 : i32
    %dma_wait3A_992 = tpu.memref_slice %arg8[%dma_wait3A_985, %dma_wait3A_991] : memref<8x128xi32, #tpu.memory_space<vmem>> -> memref<1x128xi32, #tpu.memory_space<vmem>>
    %dma_wait3A_993 = tpu.memref_squeeze %dma_wait3A_992 : memref<1x128xi32, #tpu.memory_space<vmem>> -> memref<128xi32, #tpu.memory_space<vmem>>
    %dma_wait3A_994 = arith.constant 0 : i32
    %dma_wait3A_995 = arith.constant 0 : i32
    %dma_wait3A_996 = tpu.memref_slice %arg3[%dma_wait3A_994, %dma_wait3A_995] : memref<100000x128xf32, #tpu.memory_space<hbm>> -> memref<100000x128xf32, #tpu.memory_space<hbm>>
    tpu.wait_indirect_dma semaphore(%arg17 : memref<!tpu.dma_semaphore, #tpu.memory_space<semaphore_mem>>) src(%dma_wait3A_996 : memref<100000x128xf32, #tpu.memory_space<hbm>>) dst(%dma_wait3A_990 : memref<128x128xf32, #tpu.memory_space<vmem>>)
    %scan3A_997 = arith.constant 0 : i32
    %scan3A_998 = arith.constant 0 : i32
    %scan3A_999 = arith.constant 32 : i32
    %scan3A_1000 = arith.addi %scan3A_998, %scan3A_999 : i32
    %scan3A_1001 = arith.constant 1 : i32
    scf.for %scan3A_1284 = %scan3A_998 to %scan3A_1000 step %scan3A_1001  : i32 {
      %add3A_1285 = arith.constant 96 : i32
      %add3A_1286 = arith.addi %add3A_1285, %scan3A_1284 : i32
      %get3A_1287 = arith.index_cast %add3A_1286 : i32 to index
      %get3A_1288 = arith.constant 0 : index
      %get3A_1289 = tpu.vector_load %arg10[%get3A_1287, %get3A_1288] {strides = array<i32>} : memref<256x128xf32, #tpu.memory_space<vmem>>, vector<1x16xf32>,
      %get3A_1290 = vector.shape_cast %get3A_1289 : vector<1x16xf32> to vector<16xf32>
      %add3A_1291 = arith.addf %get3A_1290, %get3A_783 : vector<16xf32>
      %add3A_1292 = arith.constant 96 : i32
      %add3A_1293 = arith.addi %add3A_1292, %scan3A_1284 : i32
      %get3A_1294 = arith.index_cast %add3A_1293 : i32 to index
      %get3A_1295 = arith.constant 16 : index
      %get3A_1296 = tpu.vector_load %arg10[%get3A_1294, %get3A_1295] {strides = array<i32>} : memref<256x128xf32, #tpu.memory_space<vmem>>, vector<1x16xf32>,
      %get3A_1297 = vector.shape_cast %get3A_1296 : vector<1x16xf32> to vector<16xf32>
      %add3A_1298 = arith.addf %get3A_1297, %get3A_786 : vector<16xf32>
      %add3A_1299 = arith.constant 96 : i32
      %add3A_1300 = arith.addi %add3A_1299, %scan3A_1284 : i32
      %get3A_1301 = arith.index_cast %add3A_1300 : i32 to index
      %get3A_1302 = arith.constant 32 : index
      %get3A_1303 = tpu.vector_load %arg10[%get3A_1301, %get3A_1302] {strides = array<i32>} : memref<256x128xf32, #tpu.memory_space<vmem>>, vector<1x16xf32>,
      %get3A_1304 = vector.shape_cast %get3A_1303 : vector<1x16xf32> to vector<16xf32>
      %add3A_1305 = arith.addf %get3A_1304, %get3A_789 : vector<16xf32>
      %add3A_1306 = arith.constant 96 : i32
      %add3A_1307 = arith.addi %add3A_1306, %scan3A_1284 : i32
      %get3A_1308 = arith.index_cast %add3A_1307 : i32 to index
      %get3A_1309 = arith.constant 48 : index
      %get3A_1310 = tpu.vector_load %arg10[%get3A_1308, %get3A_1309] {strides = array<i32>} : memref<256x128xf32, #tpu.memory_space<vmem>>, vector<1x16xf32>,
      %get3A_1311 = vector.shape_cast %get3A_1310 : vector<1x16xf32> to vector<16xf32>
      %add3A_1312 = arith.addf %get3A_1311, %get3A_792 : vector<16xf32>
      %add3A_1313 = arith.constant 96 : i32
      %add3A_1314 = arith.addi %add3A_1313, %scan3A_1284 : i32
      %get3A_1315 = arith.index_cast %add3A_1314 : i32 to index
      %get3A_1316 = arith.constant 64 : index
      %get3A_1317 = tpu.vector_load %arg10[%get3A_1315, %get3A_1316] {strides = array<i32>} : memref<256x128xf32, #tpu.memory_space<vmem>>, vector<1x16xf32>,
      %get3A_1318 = vector.shape_cast %get3A_1317 : vector<1x16xf32> to vector<16xf32>
      %add3A_1319 = arith.addf %get3A_1318, %get3A_795 : vector<16xf32>
      %add3A_1320 = arith.constant 96 : i32
      %add3A_1321 = arith.addi %add3A_1320, %scan3A_1284 : i32
      %get3A_1322 = arith.index_cast %add3A_1321 : i32 to index
      %get3A_1323 = arith.constant 80 : index
      %get3A_1324 = tpu.vector_load %arg10[%get3A_1322, %get3A_1323] {strides = array<i32>} : memref<256x128xf32, #tpu.memory_space<vmem>>, vector<1x16xf32>,
      %get3A_1325 = vector.shape_cast %get3A_1324 : vector<1x16xf32> to vector<16xf32>
      %add3A_1326 = arith.addf %get3A_1325, %get3A_798 : vector<16xf32>
      %add3A_1327 = arith.constant 96 : i32
      %add3A_1328 = arith.addi %add3A_1327, %scan3A_1284 : i32
      %get3A_1329 = arith.index_cast %add3A_1328 : i32 to index
      %get3A_1330 = arith.constant 96 : index
      %get3A_1331 = tpu.vector_load %arg10[%get3A_1329, %get3A_1330] {strides = array<i32>} : memref<256x128xf32, #tpu.memory_space<vmem>>, vector<1x16xf32>,
      %get3A_1332 = vector.shape_cast %get3A_1331 : vector<1x16xf32> to vector<16xf32>
      %add3A_1333 = arith.addf %get3A_1332, %get3A_801 : vector<16xf32>
      %add3A_1334 = arith.constant 96 : i32
      %add3A_1335 = arith.addi %add3A_1334, %scan3A_1284 : i32
      %get3A_1336 = arith.index_cast %add3A_1335 : i32 to index
      %get3A_1337 = arith.constant 112 : index
      %get3A_1338 = tpu.vector_load %arg10[%get3A_1336, %get3A_1337] {strides = array<i32>} : memref<256x128xf32, #tpu.memory_space<vmem>>, vector<1x16xf32>,
      %get3A_1339 = vector.shape_cast %get3A_1338 : vector<1x16xf32> to vector<16xf32>
      %add3A_1340 = arith.addf %get3A_1339, %get3A_804 : vector<16xf32>
      %add3A_1341 = arith.constant 0 : i32
      %add3A_1342 = arith.addi %add3A_1341, %scan3A_1284 : i32
      %swap3A_1343 = arith.constant 3 : i32
      %swap3A_1344 = arith.index_cast %swap3A_1343 : i32 to index
      %swap3A_1345 = arith.index_cast %add3A_1342 : i32 to index
      %swap3A_1346 = arith.constant 0 : index
      %swap3A_1347 = tpu.vector_load %arg11[%swap3A_1344, %swap3A_1345, %swap3A_1346] {strides = array<i32>} : memref<5x128x128xf32, #tpu.memory_space<vmem>>, vector<1x1x16xf32>,
      %swap3A_1348 = vector.shape_cast %swap3A_1347 : vector<1x1x16xf32> to vector<16xf32>
      %swap3A_1349 = vector.shape_cast %add3A_1291 : vector<16xf32> to vector<1x1x16xf32>
      tpu.vector_store %arg11[%swap3A_1344, %swap3A_1345, %swap3A_1346], %swap3A_1349 {add = true, strides = array<i32>} : memref<5x128x128xf32, #tpu.memory_space<vmem>>, vector<1x1x16xf32>,
      %add3A_1350 = arith.constant 0 : i32
      %add3A_1351 = arith.addi %add3A_1350, %scan3A_1284 : i32
      %swap3A_1352 = arith.constant 3 : i32
      %swap3A_1353 = arith.index_cast %swap3A_1352 : i32 to index
      %swap3A_1354 = arith.index_cast %add3A_1351 : i32 to index
      %swap3A_1355 = arith.constant 16 : index
      %swap3A_1356 = tpu.vector_load %arg11[%swap3A_1353, %swap3A_1354, %swap3A_1355] {strides = array<i32>} : memref<5x128x128xf32, #tpu.memory_space<vmem>>, vector<1x1x16xf32>,
      %swap3A_1357 = vector.shape_cast %swap3A_1356 : vector<1x1x16xf32> to vector<16xf32>
      %swap3A_1358 = vector.shape_cast %add3A_1298 : vector<16xf32> to vector<1x1x16xf32>
      tpu.vector_store %arg11[%swap3A_1353, %swap3A_1354, %swap3A_1355], %swap3A_1358 {add = true, strides = array<i32>} : memref<5x128x128xf32, #tpu.memory_space<vmem>>, vector<1x1x16xf32>,
      %add3A_1359 = arith.constant 0 : i32
      %add3A_1360 = arith.addi %add3A_1359, %scan3A_1284 : i32
      %swap3A_1361 = arith.constant 3 : i32
      %swap3A_1362 = arith.index_cast %swap3A_1361 : i32 to index
      %swap3A_1363 = arith.index_cast %add3A_1360 : i32 to index
      %swap3A_1364 = arith.constant 32 : index
      %swap3A_1365 = tpu.vector_load %arg11[%swap3A_1362, %swap3A_1363, %swap3A_1364] {strides = array<i32>} : memref<5x128x128xf32, #tpu.memory_space<vmem>>, vector<1x1x16xf32>,
      %swap3A_1366 = vector.shape_cast %swap3A_1365 : vector<1x1x16xf32> to vector<16xf32>
      %swap3A_1367 = vector.shape_cast %add3A_1305 : vector<16xf32> to vector<1x1x16xf32>
      tpu.vector_store %arg11[%swap3A_1362, %swap3A_1363, %swap3A_1364], %swap3A_1367 {add = true, strides = array<i32>} : memref<5x128x128xf32, #tpu.memory_space<vmem>>, vector<1x1x16xf32>,
      %add3A_1368 = arith.constant 0 : i32
      %add3A_1369 = arith.addi %add3A_1368, %scan3A_1284 : i32
      %swap3A_1370 = arith.constant 3 : i32
      %swap3A_1371 = arith.index_cast %swap3A_1370 : i32 to index
      %swap3A_1372 = arith.index_cast %add3A_1369 : i32 to index
      %swap3A_1373 = arith.constant 48 : index
      %swap3A_1374 = tpu.vector_load %arg11[%swap3A_1371, %swap3A_1372, %swap3A_1373] {strides = array<i32>} : memref<5x128x128xf32, #tpu.memory_space<vmem>>, vector<1x1x16xf32>,
      %swap3A_1375 = vector.shape_cast %swap3A_1374 : vector<1x1x16xf32> to vector<16xf32>
      %swap3A_1376 = vector.shape_cast %add3A_1312 : vector<16xf32> to vector<1x1x16xf32>
      tpu.vector_store %arg11[%swap3A_1371, %swap3A_1372, %swap3A_1373], %swap3A_1376 {add = true, strides = array<i32>} : memref<5x128x128xf32, #tpu.memory_space<vmem>>, vector<1x1x16xf32>,
      %add3A_1377 = arith.constant 0 : i32
      %add3A_1378 = arith.addi %add3A_1377, %scan3A_1284 : i32
      %swap3A_1379 = arith.constant 3 : i32
      %swap3A_1380 = arith.index_cast %swap3A_1379 : i32 to index
      %swap3A_1381 = arith.index_cast %add3A_1378 : i32 to index
      %swap3A_1382 = arith.constant 64 : index
      %swap3A_1383 = tpu.vector_load %arg11[%swap3A_1380, %swap3A_1381, %swap3A_1382] {strides = array<i32>} : memref<5x128x128xf32, #tpu.memory_space<vmem>>, vector<1x1x16xf32>,
      %swap3A_1384 = vector.shape_cast %swap3A_1383 : vector<1x1x16xf32> to vector<16xf32>
      %swap3A_1385 = vector.shape_cast %add3A_1319 : vector<16xf32> to vector<1x1x16xf32>
      tpu.vector_store %arg11[%swap3A_1380, %swap3A_1381, %swap3A_1382], %swap3A_1385 {add = true, strides = array<i32>} : memref<5x128x128xf32, #tpu.memory_space<vmem>>, vector<1x1x16xf32>,
      %add3A_1386 = arith.constant 0 : i32
      %add3A_1387 = arith.addi %add3A_1386, %scan3A_1284 : i32
      %swap3A_1388 = arith.constant 3 : i32
      %swap3A_1389 = arith.index_cast %swap3A_1388 : i32 to index
      %swap3A_1390 = arith.index_cast %add3A_1387 : i32 to index
      %swap3A_1391 = arith.constant 80 : index
      %swap3A_1392 = tpu.vector_load %arg11[%swap3A_1389, %swap3A_1390, %swap3A_1391] {strides = array<i32>} : memref<5x128x128xf32, #tpu.memory_space<vmem>>, vector<1x1x16xf32>,
      %swap3A_1393 = vector.shape_cast %swap3A_1392 : vector<1x1x16xf32> to vector<16xf32>
      %swap3A_1394 = vector.shape_cast %add3A_1326 : vector<16xf32> to vector<1x1x16xf32>
      tpu.vector_store %arg11[%swap3A_1389, %swap3A_1390, %swap3A_1391], %swap3A_1394 {add = true, strides = array<i32>} : memref<5x128x128xf32, #tpu.memory_space<vmem>>, vector<1x1x16xf32>,
      %add3A_1395 = arith.constant 0 : i32
      %add3A_1396 = arith.addi %add3A_1395, %scan3A_1284 : i32
      %swap3A_1397 = arith.constant 3 : i32
      %swap3A_1398 = arith.index_cast %swap3A_1397 : i32 to index
      %swap3A_1399 = arith.index_cast %add3A_1396 : i32 to index
      %swap3A_1400 = arith.constant 96 : index
      %swap3A_1401 = tpu.vector_load %arg11[%swap3A_1398, %swap3A_1399, %swap3A_1400] {strides = array<i32>} : memref<5x128x128xf32, #tpu.memory_space<vmem>>, vector<1x1x16xf32>,
      %swap3A_1402 = vector.shape_cast %swap3A_1401 : vector<1x1x16xf32> to vector<16xf32>
      %swap3A_1403 = vector.shape_cast %add3A_1333 : vector<16xf32> to vector<1x1x16xf32>
      tpu.vector_store %arg11[%swap3A_1398, %swap3A_1399, %swap3A_1400], %swap3A_1403 {add = true, strides = array<i32>} : memref<5x128x128xf32, #tpu.memory_space<vmem>>, vector<1x1x16xf32>,
      %add3A_1404 = arith.constant 0 : i32
      %add3A_1405 = arith.addi %add3A_1404, %scan3A_1284 : i32
      %swap3A_1406 = arith.constant 3 : i32
      %swap3A_1407 = arith.index_cast %swap3A_1406 : i32 to index
      %swap3A_1408 = arith.index_cast %add3A_1405 : i32 to index
      %swap3A_1409 = arith.constant 112 : index
      %swap3A_1410 = tpu.vector_load %arg11[%swap3A_1407, %swap3A_1408, %swap3A_1409] {strides = array<i32>} : memref<5x128x128xf32, #tpu.memory_space<vmem>>, vector<1x1x16xf32>,
      %swap3A_1411 = vector.shape_cast %swap3A_1410 : vector<1x1x16xf32> to vector<16xf32>
      %swap3A_1412 = vector.shape_cast %add3A_1340 : vector<16xf32> to vector<1x1x16xf32>
      tpu.vector_store %arg11[%swap3A_1407, %swap3A_1408, %swap3A_1409], %swap3A_1412 {add = true, strides = array<i32>} : memref<5x128x128xf32, #tpu.memory_space<vmem>>, vector<1x1x16xf32>,
      %add3A_1413 = arith.constant 32 : i32
      %add3A_1414 = arith.addi %add3A_1413, %scan3A_1284 : i32
      %swap3A_1415 = arith.constant 3 : i32
      %swap3A_1416 = arith.index_cast %swap3A_1415 : i32 to index
      %swap3A_1417 = arith.index_cast %add3A_1414 : i32 to index
      %swap3A_1418 = arith.constant 0 : index
      %swap3A_1419 = tpu.vector_load %arg11[%swap3A_1416, %swap3A_1417, %swap3A_1418] {strides = array<i32>} : memref<5x128x128xf32, #tpu.memory_space<vmem>>, vector<1x1x16xf32>,
      %swap3A_1420 = vector.shape_cast %swap3A_1419 : vector<1x1x16xf32> to vector<16xf32>
      %swap3A_1421 = vector.shape_cast %add3A_1291 : vector<16xf32> to vector<1x1x16xf32>
      tpu.vector_store %arg11[%swap3A_1416, %swap3A_1417, %swap3A_1418], %swap3A_1421 {add = true, strides = array<i32>} : memref<5x128x128xf32, #tpu.memory_space<vmem>>, vector<1x1x16xf32>,
      %add3A_1422 = arith.constant 32 : i32
      %add3A_1423 = arith.addi %add3A_1422, %scan3A_1284 : i32
      %swap3A_1424 = arith.constant 3 : i32
      %swap3A_1425 = arith.index_cast %swap3A_1424 : i32 to index
      %swap3A_1426 = arith.index_cast %add3A_1423 : i32 to index
      %swap3A_1427 = arith.constant 16 : index
      %swap3A_1428 = tpu.vector_load %arg11[%swap3A_1425, %swap3A_1426, %swap3A_1427] {strides = array<i32>} : memref<5x128x128xf32, #tpu.memory_space<vmem>>, vector<1x1x16xf32>,
      %swap3A_1429 = vector.shape_cast %swap3A_1428 : vector<1x1x16xf32> to vector<16xf32>
      %swap3A_1430 = vector.shape_cast %add3A_1298 : vector<16xf32> to vector<1x1x16xf32>
      tpu.vector_store %arg11[%swap3A_1425, %swap3A_1426, %swap3A_1427], %swap3A_1430 {add = true, strides = array<i32>} : memref<5x128x128xf32, #tpu.memory_space<vmem>>, vector<1x1x16xf32>,
      %add3A_1431 = arith.constant 32 : i32
      %add3A_1432 = arith.addi %add3A_1431, %scan3A_1284 : i32
      %swap3A_1433 = arith.constant 3 : i32
      %swap3A_1434 = arith.index_cast %swap3A_1433 : i32 to index
      %swap3A_1435 = arith.index_cast %add3A_1432 : i32 to index
      %swap3A_1436 = arith.constant 32 : index
      %swap3A_1437 = tpu.vector_load %arg11[%swap3A_1434, %swap3A_1435, %swap3A_1436] {strides = array<i32>} : memref<5x128x128xf32, #tpu.memory_space<vmem>>, vector<1x1x16xf32>,
      %swap3A_1438 = vector.shape_cast %swap3A_1437 : vector<1x1x16xf32> to vector<16xf32>
      %swap3A_1439 = vector.shape_cast %add3A_1305 : vector<16xf32> to vector<1x1x16xf32>
      tpu.vector_store %arg11[%swap3A_1434, %swap3A_1435, %swap3A_1436], %swap3A_1439 {add = true, strides = array<i32>} : memref<5x128x128xf32, #tpu.memory_space<vmem>>, vector<1x1x16xf32>,
      %add3A_1440 = arith.constant 32 : i32
      %add3A_1441 = arith.addi %add3A_1440, %scan3A_1284 : i32
      %swap3A_1442 = arith.constant 3 : i32
      %swap3A_1443 = arith.index_cast %swap3A_1442 : i32 to index
      %swap3A_1444 = arith.index_cast %add3A_1441 : i32 to index
      %swap3A_1445 = arith.constant 48 : index
      %swap3A_1446 = tpu.vector_load %arg11[%swap3A_1443, %swap3A_1444, %swap3A_1445] {strides = array<i32>} : memref<5x128x128xf32, #tpu.memory_space<vmem>>, vector<1x1x16xf32>,
      %swap3A_1447 = vector.shape_cast %swap3A_1446 : vector<1x1x16xf32> to vector<16xf32>
      %swap3A_1448 = vector.shape_cast %add3A_1312 : vector<16xf32> to vector<1x1x16xf32>
      tpu.vector_store %arg11[%swap3A_1443, %swap3A_1444, %swap3A_1445], %swap3A_1448 {add = true, strides = array<i32>} : memref<5x128x128xf32, #tpu.memory_space<vmem>>, vector<1x1x16xf32>,
      %add3A_1449 = arith.constant 32 : i32
      %add3A_1450 = arith.addi %add3A_1449, %scan3A_1284 : i32
      %swap3A_1451 = arith.constant 3 : i32
      %swap3A_1452 = arith.index_cast %swap3A_1451 : i32 to index
      %swap3A_1453 = arith.index_cast %add3A_1450 : i32 to index
      %swap3A_1454 = arith.constant 64 : index
      %swap3A_1455 = tpu.vector_load %arg11[%swap3A_1452, %swap3A_1453, %swap3A_1454] {strides = array<i32>} : memref<5x128x128xf32, #tpu.memory_space<vmem>>, vector<1x1x16xf32>,
      %swap3A_1456 = vector.shape_cast %swap3A_1455 : vector<1x1x16xf32> to vector<16xf32>
      %swap3A_1457 = vector.shape_cast %add3A_1319 : vector<16xf32> to vector<1x1x16xf32>
      tpu.vector_store %arg11[%swap3A_1452, %swap3A_1453, %swap3A_1454], %swap3A_1457 {add = true, strides = array<i32>} : memref<5x128x128xf32, #tpu.memory_space<vmem>>, vector<1x1x16xf32>,
      %add3A_1458 = arith.constant 32 : i32
      %add3A_1459 = arith.addi %add3A_1458, %scan3A_1284 : i32
      %swap3A_1460 = arith.constant 3 : i32
      %swap3A_1461 = arith.index_cast %swap3A_1460 : i32 to index
      %swap3A_1462 = arith.index_cast %add3A_1459 : i32 to index
      %swap3A_1463 = arith.constant 80 : index
      %swap3A_1464 = tpu.vector_load %arg11[%swap3A_1461, %swap3A_1462, %swap3A_1463] {strides = array<i32>} : memref<5x128x128xf32, #tpu.memory_space<vmem>>, vector<1x1x16xf32>,
      %swap3A_1465 = vector.shape_cast %swap3A_1464 : vector<1x1x16xf32> to vector<16xf32>
      %swap3A_1466 = vector.shape_cast %add3A_1326 : vector<16xf32> to vector<1x1x16xf32>
      tpu.vector_store %arg11[%swap3A_1461, %swap3A_1462, %swap3A_1463], %swap3A_1466 {add = true, strides = array<i32>} : memref<5x128x128xf32, #tpu.memory_space<vmem>>, vector<1x1x16xf32>,
      %add3A_1467 = arith.constant 32 : i32
      %add3A_1468 = arith.addi %add3A_1467, %scan3A_1284 : i32
      %swap3A_1469 = arith.constant 3 : i32
      %swap3A_1470 = arith.index_cast %swap3A_1469 : i32 to index
      %swap3A_1471 = arith.index_cast %add3A_1468 : i32 to index
      %swap3A_1472 = arith.constant 96 : index
      %swap3A_1473 = tpu.vector_load %arg11[%swap3A_1470, %swap3A_1471, %swap3A_1472] {strides = array<i32>} : memref<5x128x128xf32, #tpu.memory_space<vmem>>, vector<1x1x16xf32>,
      %swap3A_1474 = vector.shape_cast %swap3A_1473 : vector<1x1x16xf32> to vector<16xf32>
      %swap3A_1475 = vector.shape_cast %add3A_1333 : vector<16xf32> to vector<1x1x16xf32>
      tpu.vector_store %arg11[%swap3A_1470, %swap3A_1471, %swap3A_1472], %swap3A_1475 {add = true, strides = array<i32>} : memref<5x128x128xf32, #tpu.memory_space<vmem>>, vector<1x1x16xf32>,
      %add3A_1476 = arith.constant 32 : i32
      %add3A_1477 = arith.addi %add3A_1476, %scan3A_1284 : i32
      %swap3A_1478 = arith.constant 3 : i32
      %swap3A_1479 = arith.index_cast %swap3A_1478 : i32 to index
      %swap3A_1480 = arith.index_cast %add3A_1477 : i32 to index
      %swap3A_1481 = arith.constant 112 : index
      %swap3A_1482 = tpu.vector_load %arg11[%swap3A_1479, %swap3A_1480, %swap3A_1481] {strides = array<i32>} : memref<5x128x128xf32, #tpu.memory_space<vmem>>, vector<1x1x16xf32>,
      %swap3A_1483 = vector.shape_cast %swap3A_1482 : vector<1x1x16xf32> to vector<16xf32>
      %swap3A_1484 = vector.shape_cast %add3A_1340 : vector<16xf32> to vector<1x1x16xf32>
      tpu.vector_store %arg11[%swap3A_1479, %swap3A_1480, %swap3A_1481], %swap3A_1484 {add = true, strides = array<i32>} : memref<5x128x128xf32, #tpu.memory_space<vmem>>, vector<1x1x16xf32>,
      %add3A_1485 = arith.constant 64 : i32
      %add3A_1486 = arith.addi %add3A_1485, %scan3A_1284 : i32
      %swap3A_1487 = arith.constant 3 : i32
      %swap3A_1488 = arith.index_cast %swap3A_1487 : i32 to index
      %swap3A_1489 = arith.index_cast %add3A_1486 : i32 to index
      %swap3A_1490 = arith.constant 0 : index
      %swap3A_1491 = tpu.vector_load %arg11[%swap3A_1488, %swap3A_1489, %swap3A_1490] {strides = array<i32>} : memref<5x128x128xf32, #tpu.memory_space<vmem>>, vector<1x1x16xf32>,
      %swap3A_1492 = vector.shape_cast %swap3A_1491 : vector<1x1x16xf32> to vector<16xf32>
      %swap3A_1493 = vector.shape_cast %add3A_1291 : vector<16xf32> to vector<1x1x16xf32>
      tpu.vector_store %arg11[%swap3A_1488, %swap3A_1489, %swap3A_1490], %swap3A_1493 {add = true, strides = array<i32>} : memref<5x128x128xf32, #tpu.memory_space<vmem>>, vector<1x1x16xf32>,
      %add3A_1494 = arith.constant 64 : i32
      %add3A_1495 = arith.addi %add3A_1494, %scan3A_1284 : i32
      %swap3A_1496 = arith.constant 3 : i32
      %swap3A_1497 = arith.index_cast %swap3A_1496 : i32 to index
      %swap3A_1498 = arith.index_cast %add3A_1495 : i32 to index
      %swap3A_1499 = arith.constant 16 : index
      %swap3A_1500 = tpu.vector_load %arg11[%swap3A_1497, %swap3A_1498, %swap3A_1499] {strides = array<i32>} : memref<5x128x128xf32, #tpu.memory_space<vmem>>, vector<1x1x16xf32>,
      %swap3A_1501 = vector.shape_cast %swap3A_1500 : vector<1x1x16xf32> to vector<16xf32>
      %swap3A_1502 = vector.shape_cast %add3A_1298 : vector<16xf32> to vector<1x1x16xf32>
      tpu.vector_store %arg11[%swap3A_1497, %swap3A_1498, %swap3A_1499], %swap3A_1502 {add = true, strides = array<i32>} : memref<5x128x128xf32, #tpu.memory_space<vmem>>, vector<1x1x16xf32>,
      %add3A_1503 = arith.constant 64 : i32
      %add3A_1504 = arith.addi %add3A_1503, %scan3A_1284 : i32
      %swap3A_1505 = arith.constant 3 : i32
      %swap3A_1506 = arith.index_cast %swap3A_1505 : i32 to index
      %swap3A_1507 = arith.index_cast %add3A_1504 : i32 to index
      %swap3A_1508 = arith.constant 32 : index
      %swap3A_1509 = tpu.vector_load %arg11[%swap3A_1506, %swap3A_1507, %swap3A_1508] {strides = array<i32>} : memref<5x128x128xf32, #tpu.memory_space<vmem>>, vector<1x1x16xf32>,
      %swap3A_1510 = vector.shape_cast %swap3A_1509 : vector<1x1x16xf32> to vector<16xf32>
      %swap3A_1511 = vector.shape_cast %add3A_1305 : vector<16xf32> to vector<1x1x16xf32>
      tpu.vector_store %arg11[%swap3A_1506, %swap3A_1507, %swap3A_1508], %swap3A_1511 {add = true, strides = array<i32>} : memref<5x128x128xf32, #tpu.memory_space<vmem>>, vector<1x1x16xf32>,
      %add3A_1512 = arith.constant 64 : i32
      %add3A_1513 = arith.addi %add3A_1512, %scan3A_1284 : i32
      %swap3A_1514 = arith.constant 3 : i32
      %swap3A_1515 = arith.index_cast %swap3A_1514 : i32 to index
      %swap3A_1516 = arith.index_cast %add3A_1513 : i32 to index
      %swap3A_1517 = arith.constant 48 : index
      %swap3A_1518 = tpu.vector_load %arg11[%swap3A_1515, %swap3A_1516, %swap3A_1517] {strides = array<i32>} : memref<5x128x128xf32, #tpu.memory_space<vmem>>, vector<1x1x16xf32>,
      %swap3A_1519 = vector.shape_cast %swap3A_1518 : vector<1x1x16xf32> to vector<16xf32>
      %swap3A_1520 = vector.shape_cast %add3A_1312 : vector<16xf32> to vector<1x1x16xf32>
      tpu.vector_store %arg11[%swap3A_1515, %swap3A_1516, %swap3A_1517], %swap3A_1520 {add = true, strides = array<i32>} : memref<5x128x128xf32, #tpu.memory_space<vmem>>, vector<1x1x16xf32>,
      %add3A_1521 = arith.constant 64 : i32
      %add3A_1522 = arith.addi %add3A_1521, %scan3A_1284 : i32
      %swap3A_1523 = arith.constant 3 : i32
      %swap3A_1524 = arith.index_cast %swap3A_1523 : i32 to index
      %swap3A_1525 = arith.index_cast %add3A_1522 : i32 to index
      %swap3A_1526 = arith.constant 64 : index
      %swap3A_1527 = tpu.vector_load %arg11[%swap3A_1524, %swap3A_1525, %swap3A_1526] {strides = array<i32>} : memref<5x128x128xf32, #tpu.memory_space<vmem>>, vector<1x1x16xf32>,
      %swap3A_1528 = vector.shape_cast %swap3A_1527 : vector<1x1x16xf32> to vector<16xf32>
      %swap3A_1529 = vector.shape_cast %add3A_1319 : vector<16xf32> to vector<1x1x16xf32>
      tpu.vector_store %arg11[%swap3A_1524, %swap3A_1525, %swap3A_1526], %swap3A_1529 {add = true, strides = array<i32>} : memref<5x128x128xf32, #tpu.memory_space<vmem>>, vector<1x1x16xf32>,
      %add3A_1530 = arith.constant 64 : i32
      %add3A_1531 = arith.addi %add3A_1530, %scan3A_1284 : i32
      %swap3A_1532 = arith.constant 3 : i32
      %swap3A_1533 = arith.index_cast %swap3A_1532 : i32 to index
      %swap3A_1534 = arith.index_cast %add3A_1531 : i32 to index
      %swap3A_1535 = arith.constant 80 : index
      %swap3A_1536 = tpu.vector_load %arg11[%swap3A_1533, %swap3A_1534, %swap3A_1535] {strides = array<i32>} : memref<5x128x128xf32, #tpu.memory_space<vmem>>, vector<1x1x16xf32>,
      %swap3A_1537 = vector.shape_cast %swap3A_1536 : vector<1x1x16xf32> to vector<16xf32>
      %swap3A_1538 = vector.shape_cast %add3A_1326 : vector<16xf32> to vector<1x1x16xf32>
      tpu.vector_store %arg11[%swap3A_1533, %swap3A_1534, %swap3A_1535], %swap3A_1538 {add = true, strides = array<i32>} : memref<5x128x128xf32, #tpu.memory_space<vmem>>, vector<1x1x16xf32>,
      %add3A_1539 = arith.constant 64 : i32
      %add3A_1540 = arith.addi %add3A_1539, %scan3A_1284 : i32
      %swap3A_1541 = arith.constant 3 : i32
      %swap3A_1542 = arith.index_cast %swap3A_1541 : i32 to index
      %swap3A_1543 = arith.index_cast %add3A_1540 : i32 to index
      %swap3A_1544 = arith.constant 96 : index
      %swap3A_1545 = tpu.vector_load %arg11[%swap3A_1542, %swap3A_1543, %swap3A_1544] {strides = array<i32>} : memref<5x128x128xf32, #tpu.memory_space<vmem>>, vector<1x1x16xf32>,
      %swap3A_1546 = vector.shape_cast %swap3A_1545 : vector<1x1x16xf32> to vector<16xf32>
      %swap3A_1547 = vector.shape_cast %add3A_1333 : vector<16xf32> to vector<1x1x16xf32>
      tpu.vector_store %arg11[%swap3A_1542, %swap3A_1543, %swap3A_1544], %swap3A_1547 {add = true, strides = array<i32>} : memref<5x128x128xf32, #tpu.memory_space<vmem>>, vector<1x1x16xf32>,
      %add3A_1548 = arith.constant 64 : i32
      %add3A_1549 = arith.addi %add3A_1548, %scan3A_1284 : i32
      %swap3A_1550 = arith.constant 3 : i32
      %swap3A_1551 = arith.index_cast %swap3A_1550 : i32 to index
      %swap3A_1552 = arith.index_cast %add3A_1549 : i32 to index
      %swap3A_1553 = arith.constant 112 : index
      %swap3A_1554 = tpu.vector_load %arg11[%swap3A_1551, %swap3A_1552, %swap3A_1553] {strides = array<i32>} : memref<5x128x128xf32, #tpu.memory_space<vmem>>, vector<1x1x16xf32>,
      %swap3A_1555 = vector.shape_cast %swap3A_1554 : vector<1x1x16xf32> to vector<16xf32>
      %swap3A_1556 = vector.shape_cast %add3A_1340 : vector<16xf32> to vector<1x1x16xf32>
      tpu.vector_store %arg11[%swap3A_1551, %swap3A_1552, %swap3A_1553], %swap3A_1556 {add = true, strides = array<i32>} : memref<5x128x128xf32, #tpu.memory_space<vmem>>, vector<1x1x16xf32>,
      %add3A_1557 = arith.constant 96 : i32
      %add3A_1558 = arith.addi %add3A_1557, %scan3A_1284 : i32
      %swap3A_1559 = arith.constant 3 : i32
      %swap3A_1560 = arith.index_cast %swap3A_1559 : i32 to index
      %swap3A_1561 = arith.index_cast %add3A_1558 : i32 to index
      %swap3A_1562 = arith.constant 0 : index
      %swap3A_1563 = tpu.vector_load %arg11[%swap3A_1560, %swap3A_1561, %swap3A_1562] {strides = array<i32>} : memref<5x128x128xf32, #tpu.memory_space<vmem>>, vector<1x1x16xf32>,
      %swap3A_1564 = vector.shape_cast %swap3A_1563 : vector<1x1x16xf32> to vector<16xf32>
      %swap3A_1565 = vector.shape_cast %add3A_1291 : vector<16xf32> to vector<1x1x16xf32>
      tpu.vector_store %arg11[%swap3A_1560, %swap3A_1561, %swap3A_1562], %swap3A_1565 {add = true, strides = array<i32>} : memref<5x128x128xf32, #tpu.memory_space<vmem>>, vector<1x1x16xf32>,
      %add3A_1566 = arith.constant 96 : i32
      %add3A_1567 = arith.addi %add3A_1566, %scan3A_1284 : i32
      %swap3A_1568 = arith.constant 3 : i32
      %swap3A_1569 = arith.index_cast %swap3A_1568 : i32 to index
      %swap3A_1570 = arith.index_cast %add3A_1567 : i32 to index
      %swap3A_1571 = arith.constant 16 : index
      %swap3A_1572 = tpu.vector_load %arg11[%swap3A_1569, %swap3A_1570, %swap3A_1571] {strides = array<i32>} : memref<5x128x128xf32, #tpu.memory_space<vmem>>, vector<1x1x16xf32>,
      %swap3A_1573 = vector.shape_cast %swap3A_1572 : vector<1x1x16xf32> to vector<16xf32>
      %swap3A_1574 = vector.shape_cast %add3A_1298 : vector<16xf32> to vector<1x1x16xf32>
      tpu.vector_store %arg11[%swap3A_1569, %swap3A_1570, %swap3A_1571], %swap3A_1574 {add = true, strides = array<i32>} : memref<5x128x128xf32, #tpu.memory_space<vmem>>, vector<1x1x16xf32>,
      %add3A_1575 = arith.constant 96 : i32
      %add3A_1576 = arith.addi %add3A_1575, %scan3A_1284 : i32
      %swap3A_1577 = arith.constant 3 : i32
      %swap3A_1578 = arith.index_cast %swap3A_1577 : i32 to index
      %swap3A_1579 = arith.index_cast %add3A_1576 : i32 to index
      %swap3A_1580 = arith.constant 32 : index
      %swap3A_1581 = tpu.vector_load %arg11[%swap3A_1578, %swap3A_1579, %swap3A_1580] {strides = array<i32>} : memref<5x128x128xf32, #tpu.memory_space<vmem>>, vector<1x1x16xf32>,
      %swap3A_1582 = vector.shape_cast %swap3A_1581 : vector<1x1x16xf32> to vector<16xf32>
      %swap3A_1583 = vector.shape_cast %add3A_1305 : vector<16xf32> to vector<1x1x16xf32>
      tpu.vector_store %arg11[%swap3A_1578, %swap3A_1579, %swap3A_1580], %swap3A_1583 {add = true, strides = array<i32>} : memref<5x128x128xf32, #tpu.memory_space<vmem>>, vector<1x1x16xf32>,
      %add3A_1584 = arith.constant 96 : i32
      %add3A_1585 = arith.addi %add3A_1584, %scan3A_1284 : i32
      %swap3A_1586 = arith.constant 3 : i32
      %swap3A_1587 = arith.index_cast %swap3A_1586 : i32 to index
      %swap3A_1588 = arith.index_cast %add3A_1585 : i32 to index
      %swap3A_1589 = arith.constant 48 : index
      %swap3A_1590 = tpu.vector_load %arg11[%swap3A_1587, %swap3A_1588, %swap3A_1589] {strides = array<i32>} : memref<5x128x128xf32, #tpu.memory_space<vmem>>, vector<1x1x16xf32>,
      %swap3A_1591 = vector.shape_cast %swap3A_1590 : vector<1x1x16xf32> to vector<16xf32>
      %swap3A_1592 = vector.shape_cast %add3A_1312 : vector<16xf32> to vector<1x1x16xf32>
      tpu.vector_store %arg11[%swap3A_1587, %swap3A_1588, %swap3A_1589], %swap3A_1592 {add = true, strides = array<i32>} : memref<5x128x128xf32, #tpu.memory_space<vmem>>, vector<1x1x16xf32>,
      %add3A_1593 = arith.constant 96 : i32
      %add3A_1594 = arith.addi %add3A_1593, %scan3A_1284 : i32
      %swap3A_1595 = arith.constant 3 : i32
      %swap3A_1596 = arith.index_cast %swap3A_1595 : i32 to index
      %swap3A_1597 = arith.index_cast %add3A_1594 : i32 to index
      %swap3A_1598 = arith.constant 64 : index
      %swap3A_1599 = tpu.vector_load %arg11[%swap3A_1596, %swap3A_1597, %swap3A_1598] {strides = array<i32>} : memref<5x128x128xf32, #tpu.memory_space<vmem>>, vector<1x1x16xf32>,
      %swap3A_1600 = vector.shape_cast %swap3A_1599 : vector<1x1x16xf32> to vector<16xf32>
      %swap3A_1601 = vector.shape_cast %add3A_1319 : vector<16xf32> to vector<1x1x16xf32>
      tpu.vector_store %arg11[%swap3A_1596, %swap3A_1597, %swap3A_1598], %swap3A_1601 {add = true, strides = array<i32>} : memref<5x128x128xf32, #tpu.memory_space<vmem>>, vector<1x1x16xf32>,
      %add3A_1602 = arith.constant 96 : i32
      %add3A_1603 = arith.addi %add3A_1602, %scan3A_1284 : i32
      %swap3A_1604 = arith.constant 3 : i32
      %swap3A_1605 = arith.index_cast %swap3A_1604 : i32 to index
      %swap3A_1606 = arith.index_cast %add3A_1603 : i32 to index
      %swap3A_1607 = arith.constant 80 : index
      %swap3A_1608 = tpu.vector_load %arg11[%swap3A_1605, %swap3A_1606, %swap3A_1607] {strides = array<i32>} : memref<5x128x128xf32, #tpu.memory_space<vmem>>, vector<1x1x16xf32>,
      %swap3A_1609 = vector.shape_cast %swap3A_1608 : vector<1x1x16xf32> to vector<16xf32>
      %swap3A_1610 = vector.shape_cast %add3A_1326 : vector<16xf32> to vector<1x1x16xf32>
      tpu.vector_store %arg11[%swap3A_1605, %swap3A_1606, %swap3A_1607], %swap3A_1610 {add = true, strides = array<i32>} : memref<5x128x128xf32, #tpu.memory_space<vmem>>, vector<1x1x16xf32>,
      %add3A_1611 = arith.constant 96 : i32
      %add3A_1612 = arith.addi %add3A_1611, %scan3A_1284 : i32
      %swap3A_1613 = arith.constant 3 : i32
      %swap3A_1614 = arith.index_cast %swap3A_1613 : i32 to index
      %swap3A_1615 = arith.index_cast %add3A_1612 : i32 to index
      %swap3A_1616 = arith.constant 96 : index
      %swap3A_1617 = tpu.vector_load %arg11[%swap3A_1614, %swap3A_1615, %swap3A_1616] {strides = array<i32>} : memref<5x128x128xf32, #tpu.memory_space<vmem>>, vector<1x1x16xf32>,
      %swap3A_1618 = vector.shape_cast %swap3A_1617 : vector<1x1x16xf32> to vector<16xf32>
      %swap3A_1619 = vector.shape_cast %add3A_1333 : vector<16xf32> to vector<1x1x16xf32>
      tpu.vector_store %arg11[%swap3A_1614, %swap3A_1615, %swap3A_1616], %swap3A_1619 {add = true, strides = array<i32>} : memref<5x128x128xf32, #tpu.memory_space<vmem>>, vector<1x1x16xf32>,
      %add3A_1620 = arith.constant 96 : i32
      %add3A_1621 = arith.addi %add3A_1620, %scan3A_1284 : i32
      %swap3A_1622 = arith.constant 3 : i32
      %swap3A_1623 = arith.index_cast %swap3A_1622 : i32 to index
      %swap3A_1624 = arith.index_cast %add3A_1621 : i32 to index
      %swap3A_1625 = arith.constant 112 : index
      %swap3A_1626 = tpu.vector_load %arg11[%swap3A_1623, %swap3A_1624, %swap3A_1625] {strides = array<i32>} : memref<5x128x128xf32, #tpu.memory_space<vmem>>, vector<1x1x16xf32>,
      %swap3A_1627 = vector.shape_cast %swap3A_1626 : vector<1x1x16xf32> to vector<16xf32>
      %swap3A_1628 = vector.shape_cast %add3A_1340 : vector<16xf32> to vector<1x1x16xf32>
      tpu.vector_store %arg11[%swap3A_1623, %swap3A_1624, %swap3A_1625], %swap3A_1628 {add = true, strides = array<i32>} : memref<5x128x128xf32, #tpu.memory_space<vmem>>, vector<1x1x16xf32>,
    }
    %scan3A_1002 = arith.constant 32 : i32
    %add3A_1003 = arith.constant 96 : i32
    %add3A_1004 = arith.addi %mul3A_2, %add3A_1003 : i32
    %dma_start3A_1005 = arith.constant 3 : i32
    %dma_start3A_1006 = arith.constant 0 : i32
    %dma_start3A_1007 = arith.constant 0 : i32
    %dma_start3A_1008 = tpu.memref_slice %arg11[%dma_start3A_1005, %dma_start3A_1006, %dma_start3A_1007] : memref<5x128x128xf32, #tpu.memory_space<vmem>> -> memref<1x128x128xf32, #tpu.memory_space<vmem>>
    %dma_start3A_1009 = tpu.memref_squeeze %dma_start3A_1008 : memref<1x128x128xf32, #tpu.memory_space<vmem>> -> memref<128x128xf32, #tpu.memory_space<vmem>>
    %dma_start3A_1010 = tpu.memref_reshape %dma_start3A_1009 : memref<128x128xf32, #tpu.memory_space<vmem>> -> memref<4x32x128xf32, #tpu.memory_space<vmem>>
    %dma_start3A_1011 = arith.constant 0 : i32
    %dma_start3A_1012 = arith.constant 0 : i32
    %dma_start3A_1013 = tpu.memref_slice %arg6[%dma_start3A_1011, %add3A_1004, %dma_start3A_1012] : memref<4x8192x128xf32, #tpu.memory_space<hbm>> -> memref<4x32x128xf32, #tpu.memory_space<hbm>>
    %dma_start3A_1014 = arith.constant 0 : i32
    %dma_start3A_1015 = arith.constant 0 : i32
    %dma_start3A_1016 = tpu.memref_slice %arg6[%dma_start3A_1014, %add3A_1004, %dma_start3A_1015] : memref<4x8192x128xf32, #tpu.memory_space<hbm>> -> memref<4x32x128xf32, #tpu.memory_space<hbm>>
    %dma_start3A_1017 = arith.constant 0 : i32
    %dma_start3A_1018 = arith.constant 0 : i32
    %dma_start3A_1019 = tpu.memref_slice %arg11[%dma_start3A_1005, %dma_start3A_1017, %dma_start3A_1018] : memref<5x128x128xf32, #tpu.memory_space<vmem>> -> memref<1x128x128xf32, #tpu.memory_space<vmem>>
    %dma_start3A_1020 = tpu.memref_squeeze %dma_start3A_1019 : memref<1x128x128xf32, #tpu.memory_space<vmem>> -> memref<128x128xf32, #tpu.memory_space<vmem>>
    %dma_start3A_1021 = tpu.memref_reshape %dma_start3A_1020 : memref<128x128xf32, #tpu.memory_space<vmem>> -> memref<4x32x128xf32, #tpu.memory_space<vmem>>
    tpu.enqueue_dma source(%dma_start3A_1021 : memref<4x32x128xf32, #tpu.memory_space<vmem>>) target(%dma_start3A_1016 : memref<4x32x128xf32, #tpu.memory_space<hbm>>) target_semaphore(%arg22 : memref<!tpu.dma_semaphore, #tpu.memory_space<semaphore_mem>>)
    %dma_wait3A_1022 = arith.constant 2 : i32
    %dma_wait3A_1023 = arith.constant 0 : i32
    %dma_wait3A_1024 = arith.constant 0 : i32
    %dma_wait3A_1025 = tpu.memref_slice %arg11[%dma_wait3A_1022, %dma_wait3A_1023, %dma_wait3A_1024] : memref<5x128x128xf32, #tpu.memory_space<vmem>> -> memref<1x128x128xf32, #tpu.memory_space<vmem>>
    %dma_wait3A_1026 = tpu.memref_squeeze %dma_wait3A_1025 : memref<1x128x128xf32, #tpu.memory_space<vmem>> -> memref<128x128xf32, #tpu.memory_space<vmem>>
    %dma_wait3A_1027 = tpu.memref_reshape %dma_wait3A_1026 : memref<128x128xf32, #tpu.memory_space<vmem>> -> memref<4x32x128xf32, #tpu.memory_space<vmem>>
    %dma_wait3A_1028 = arith.constant 0 : i32
    %dma_wait3A_1029 = arith.constant 0 : i32
    %dma_wait3A_1030 = tpu.memref_slice %arg6[%dma_wait3A_1028, %add3A_938, %dma_wait3A_1029] : memref<4x8192x128xf32, #tpu.memory_space<hbm>> -> memref<4x32x128xf32, #tpu.memory_space<hbm>>
    %dma_wait3A_1031 = arith.constant 0 : i32
    %dma_wait3A_1032 = arith.constant 0 : i32
    %dma_wait3A_1033 = tpu.memref_slice %arg6[%dma_wait3A_1031, %add3A_938, %dma_wait3A_1032] : memref<4x8192x128xf32, #tpu.memory_space<hbm>> -> memref<4x32x128xf32, #tpu.memory_space<hbm>>
    %dma_wait3A_1034 = arith.constant 0 : i32
    %dma_wait3A_1035 = arith.constant 0 : i32
    %dma_wait3A_1036 = tpu.memref_slice %arg11[%dma_wait3A_1022, %dma_wait3A_1034, %dma_wait3A_1035] : memref<5x128x128xf32, #tpu.memory_space<vmem>> -> memref<1x128x128xf32, #tpu.memory_space<vmem>>
    %dma_wait3A_1037 = tpu.memref_squeeze %dma_wait3A_1036 : memref<1x128x128xf32, #tpu.memory_space<vmem>> -> memref<128x128xf32, #tpu.memory_space<vmem>>
    %dma_wait3A_1038 = tpu.memref_reshape %dma_wait3A_1037 : memref<128x128xf32, #tpu.memory_space<vmem>> -> memref<4x32x128xf32, #tpu.memory_space<vmem>>
    tpu.wait_dma2 semaphore(%arg21 : memref<!tpu.dma_semaphore, #tpu.memory_space<semaphore_mem>>) src(%dma_wait3A_1038 : memref<4x32x128xf32, #tpu.memory_space<vmem>>) dst(%dma_wait3A_1033 : memref<4x32x128xf32, #tpu.memory_space<hbm>>)
    %dma_start3A_1039 = arith.constant 7 : i32
    %dma_start3A_1040 = arith.constant 2 : i32
    %dma_start3A_1041 = arith.constant 0 : i32
    %dma_start3A_1042 = arith.constant 0 : i32
    %dma_start3A_1043 = tpu.memref_slice %arg11[%dma_start3A_1040, %dma_start3A_1041, %dma_start3A_1042] : memref<5x128x128xf32, #tpu.memory_space<vmem>> -> memref<1x128x128xf32, #tpu.memory_space<vmem>>
    %dma_start3A_1044 = tpu.memref_squeeze %dma_start3A_1043 : memref<1x128x128xf32, #tpu.memory_space<vmem>> -> memref<128x128xf32, #tpu.memory_space<vmem>>
    %dma_start3A_1045 = arith.constant 0 : i32
    %dma_start3A_1046 = tpu.memref_slice %arg8[%dma_start3A_1039, %dma_start3A_1045] : memref<8x128xi32, #tpu.memory_space<vmem>> -> memref<1x128xi32, #tpu.memory_space<vmem>>
    %dma_start3A_1047 = tpu.memref_squeeze %dma_start3A_1046 : memref<1x128xi32, #tpu.memory_space<vmem>> -> memref<128xi32, #tpu.memory_space<vmem>>
    %dma_start3A_1048 = arith.constant 0 : i32
    %dma_start3A_1049 = arith.constant 0 : i32
    %dma_start3A_1050 = tpu.memref_slice %arg3[%dma_start3A_1048, %dma_start3A_1049] : memref<100000x128xf32, #tpu.memory_space<hbm>> -> memref<100000x128xf32, #tpu.memory_space<hbm>>
    tpu.enqueue_indirect_dma source(%dma_start3A_1050 : memref<100000x128xf32, #tpu.memory_space<hbm>>) target(%dma_start3A_1044 : memref<128x128xf32, #tpu.memory_space<vmem>>) offsets(%dma_start3A_1047 : memref<128xi32, #tpu.memory_space<vmem>>) semaphore(%arg16 : memref<!tpu.dma_semaphore, #tpu.memory_space<semaphore_mem>>)
    %dma_wait3A_1051 = arith.constant 4 : i32
    %dma_wait3A_1052 = arith.constant 4 : i32
    %dma_wait3A_1053 = arith.constant 0 : i32
    %dma_wait3A_1054 = arith.constant 0 : i32
    %dma_wait3A_1055 = tpu.memref_slice %arg11[%dma_wait3A_1052, %dma_wait3A_1053, %dma_wait3A_1054] : memref<5x128x128xf32, #tpu.memory_space<vmem>> -> memref<1x128x128xf32, #tpu.memory_space<vmem>>
    %dma_wait3A_1056 = tpu.memref_squeeze %dma_wait3A_1055 : memref<1x128x128xf32, #tpu.memory_space<vmem>> -> memref<128x128xf32, #tpu.memory_space<vmem>>
    %dma_wait3A_1057 = arith.constant 0 : i32
    %dma_wait3A_1058 = tpu.memref_slice %arg8[%dma_wait3A_1051, %dma_wait3A_1057] : memref<8x128xi32, #tpu.memory_space<vmem>> -> memref<1x128xi32, #tpu.memory_space<vmem>>
    %dma_wait3A_1059 = tpu.memref_squeeze %dma_wait3A_1058 : memref<1x128xi32, #tpu.memory_space<vmem>> -> memref<128xi32, #tpu.memory_space<vmem>>
    %dma_wait3A_1060 = arith.constant 0 : i32
    %dma_wait3A_1061 = arith.constant 0 : i32
    %dma_wait3A_1062 = tpu.memref_slice %arg3[%dma_wait3A_1060, %dma_wait3A_1061] : memref<100000x128xf32, #tpu.memory_space<hbm>> -> memref<100000x128xf32, #tpu.memory_space<hbm>>
    tpu.wait_indirect_dma semaphore(%arg18 : memref<!tpu.dma_semaphore, #tpu.memory_space<semaphore_mem>>) src(%dma_wait3A_1062 : memref<100000x128xf32, #tpu.memory_space<hbm>>) dst(%dma_wait3A_1056 : memref<128x128xf32, #tpu.memory_space<vmem>>)
    %scan3A_1063 = arith.constant 0 : i32
    %scan3A_1064 = arith.constant 0 : i32
    %scan3A_1065 = arith.constant 32 : i32
    %scan3A_1066 = arith.addi %scan3A_1064, %scan3A_1065 : i32
    %scan3A_1067 = arith.constant 1 : i32
    scf.for %scan3A_1284 = %scan3A_1064 to %scan3A_1066 step %scan3A_1067  : i32 {
      %add3A_1285 = arith.constant 128 : i32
      %add3A_1286 = arith.addi %add3A_1285, %scan3A_1284 : i32
      %get3A_1287 = arith.index_cast %add3A_1286 : i32 to index
      %get3A_1288 = arith.constant 0 : index
      %get3A_1289 = tpu.vector_load %arg10[%get3A_1287, %get3A_1288] {strides = array<i32>} : memref<256x128xf32, #tpu.memory_space<vmem>>, vector<1x16xf32>,
      %get3A_1290 = vector.shape_cast %get3A_1289 : vector<1x16xf32> to vector<16xf32>
      %add3A_1291 = arith.addf %get3A_1290, %get3A_783 : vector<16xf32>
      %add3A_1292 = arith.constant 128 : i32
      %add3A_1293 = arith.addi %add3A_1292, %scan3A_1284 : i32
      %get3A_1294 = arith.index_cast %add3A_1293 : i32 to index
      %get3A_1295 = arith.constant 16 : index
      %get3A_1296 = tpu.vector_load %arg10[%get3A_1294, %get3A_1295] {strides = array<i32>} : memref<256x128xf32, #tpu.memory_space<vmem>>, vector<1x16xf32>,
      %get3A_1297 = vector.shape_cast %get3A_1296 : vector<1x16xf32> to vector<16xf32>
      %add3A_1298 = arith.addf %get3A_1297, %get3A_786 : vector<16xf32>
      %add3A_1299 = arith.constant 128 : i32
      %add3A_1300 = arith.addi %add3A_1299, %scan3A_1284 : i32
      %get3A_1301 = arith.index_cast %add3A_1300 : i32 to index
      %get3A_1302 = arith.constant 32 : index
      %get3A_1303 = tpu.vector_load %arg10[%get3A_1301, %get3A_1302] {strides = array<i32>} : memref<256x128xf32, #tpu.memory_space<vmem>>, vector<1x16xf32>,
      %get3A_1304 = vector.shape_cast %get3A_1303 : vector<1x16xf32> to vector<16xf32>
      %add3A_1305 = arith.addf %get3A_1304, %get3A_789 : vector<16xf32>
      %add3A_1306 = arith.constant 128 : i32
      %add3A_1307 = arith.addi %add3A_1306, %scan3A_1284 : i32
      %get3A_1308 = arith.index_cast %add3A_1307 : i32 to index
      %get3A_1309 = arith.constant 48 : index
      %get3A_1310 = tpu.vector_load %arg10[%get3A_1308, %get3A_1309] {strides = array<i32>} : memref<256x128xf32, #tpu.memory_space<vmem>>, vector<1x16xf32>,
      %get3A_1311 = vector.shape_cast %get3A_1310 : vector<1x16xf32> to vector<16xf32>
      %add3A_1312 = arith.addf %get3A_1311, %get3A_792 : vector<16xf32>
      %add3A_1313 = arith.constant 128 : i32
      %add3A_1314 = arith.addi %add3A_1313, %scan3A_1284 : i32
      %get3A_1315 = arith.index_cast %add3A_1314 : i32 to index
      %get3A_1316 = arith.constant 64 : index
      %get3A_1317 = tpu.vector_load %arg10[%get3A_1315, %get3A_1316] {strides = array<i32>} : memref<256x128xf32, #tpu.memory_space<vmem>>, vector<1x16xf32>,
      %get3A_1318 = vector.shape_cast %get3A_1317 : vector<1x16xf32> to vector<16xf32>
      %add3A_1319 = arith.addf %get3A_1318, %get3A_795 : vector<16xf32>
      %add3A_1320 = arith.constant 128 : i32
      %add3A_1321 = arith.addi %add3A_1320, %scan3A_1284 : i32
      %get3A_1322 = arith.index_cast %add3A_1321 : i32 to index
      %get3A_1323 = arith.constant 80 : index
      %get3A_1324 = tpu.vector_load %arg10[%get3A_1322, %get3A_1323] {strides = array<i32>} : memref<256x128xf32, #tpu.memory_space<vmem>>, vector<1x16xf32>,
      %get3A_1325 = vector.shape_cast %get3A_1324 : vector<1x16xf32> to vector<16xf32>
      %add3A_1326 = arith.addf %get3A_1325, %get3A_798 : vector<16xf32>
      %add3A_1327 = arith.constant 128 : i32
      %add3A_1328 = arith.addi %add3A_1327, %scan3A_1284 : i32
      %get3A_1329 = arith.index_cast %add3A_1328 : i32 to index
      %get3A_1330 = arith.constant 96 : index
      %get3A_1331 = tpu.vector_load %arg10[%get3A_1329, %get3A_1330] {strides = array<i32>} : memref<256x128xf32, #tpu.memory_space<vmem>>, vector<1x16xf32>,
      %get3A_1332 = vector.shape_cast %get3A_1331 : vector<1x16xf32> to vector<16xf32>
      %add3A_1333 = arith.addf %get3A_1332, %get3A_801 : vector<16xf32>
      %add3A_1334 = arith.constant 128 : i32
      %add3A_1335 = arith.addi %add3A_1334, %scan3A_1284 : i32
      %get3A_1336 = arith.index_cast %add3A_1335 : i32 to index
      %get3A_1337 = arith.constant 112 : index
      %get3A_1338 = tpu.vector_load %arg10[%get3A_1336, %get3A_1337] {strides = array<i32>} : memref<256x128xf32, #tpu.memory_space<vmem>>, vector<1x16xf32>,
      %get3A_1339 = vector.shape_cast %get3A_1338 : vector<1x16xf32> to vector<16xf32>
      %add3A_1340 = arith.addf %get3A_1339, %get3A_804 : vector<16xf32>
      %add3A_1341 = arith.constant 0 : i32
      %add3A_1342 = arith.addi %add3A_1341, %scan3A_1284 : i32
      %swap3A_1343 = arith.constant 4 : i32
      %swap3A_1344 = arith.index_cast %swap3A_1343 : i32 to index
      %swap3A_1345 = arith.index_cast %add3A_1342 : i32 to index
      %swap3A_1346 = arith.constant 0 : index
      %swap3A_1347 = tpu.vector_load %arg11[%swap3A_1344, %swap3A_1345, %swap3A_1346] {strides = array<i32>} : memref<5x128x128xf32, #tpu.memory_space<vmem>>, vector<1x1x16xf32>,
      %swap3A_1348 = vector.shape_cast %swap3A_1347 : vector<1x1x16xf32> to vector<16xf32>
      %swap3A_1349 = vector.shape_cast %add3A_1291 : vector<16xf32> to vector<1x1x16xf32>
      tpu.vector_store %arg11[%swap3A_1344, %swap3A_1345, %swap3A_1346], %swap3A_1349 {add = true, strides = array<i32>} : memref<5x128x128xf32, #tpu.memory_space<vmem>>, vector<1x1x16xf32>,
      %add3A_1350 = arith.constant 0 : i32
      %add3A_1351 = arith.addi %add3A_1350, %scan3A_1284 : i32
      %swap3A_1352 = arith.constant 4 : i32
      %swap3A_1353 = arith.index_cast %swap3A_1352 : i32 to index
      %swap3A_1354 = arith.index_cast %add3A_1351 : i32 to index
      %swap3A_1355 = arith.constant 16 : index
      %swap3A_1356 = tpu.vector_load %arg11[%swap3A_1353, %swap3A_1354, %swap3A_1355] {strides = array<i32>} : memref<5x128x128xf32, #tpu.memory_space<vmem>>, vector<1x1x16xf32>,
      %swap3A_1357 = vector.shape_cast %swap3A_1356 : vector<1x1x16xf32> to vector<16xf32>
      %swap3A_1358 = vector.shape_cast %add3A_1298 : vector<16xf32> to vector<1x1x16xf32>
      tpu.vector_store %arg11[%swap3A_1353, %swap3A_1354, %swap3A_1355], %swap3A_1358 {add = true, strides = array<i32>} : memref<5x128x128xf32, #tpu.memory_space<vmem>>, vector<1x1x16xf32>,
      %add3A_1359 = arith.constant 0 : i32
      %add3A_1360 = arith.addi %add3A_1359, %scan3A_1284 : i32
      %swap3A_1361 = arith.constant 4 : i32
      %swap3A_1362 = arith.index_cast %swap3A_1361 : i32 to index
      %swap3A_1363 = arith.index_cast %add3A_1360 : i32 to index
      %swap3A_1364 = arith.constant 32 : index
      %swap3A_1365 = tpu.vector_load %arg11[%swap3A_1362, %swap3A_1363, %swap3A_1364] {strides = array<i32>} : memref<5x128x128xf32, #tpu.memory_space<vmem>>, vector<1x1x16xf32>,
      %swap3A_1366 = vector.shape_cast %swap3A_1365 : vector<1x1x16xf32> to vector<16xf32>
      %swap3A_1367 = vector.shape_cast %add3A_1305 : vector<16xf32> to vector<1x1x16xf32>
      tpu.vector_store %arg11[%swap3A_1362, %swap3A_1363, %swap3A_1364], %swap3A_1367 {add = true, strides = array<i32>} : memref<5x128x128xf32, #tpu.memory_space<vmem>>, vector<1x1x16xf32>,
      %add3A_1368 = arith.constant 0 : i32
      %add3A_1369 = arith.addi %add3A_1368, %scan3A_1284 : i32
      %swap3A_1370 = arith.constant 4 : i32
      %swap3A_1371 = arith.index_cast %swap3A_1370 : i32 to index
      %swap3A_1372 = arith.index_cast %add3A_1369 : i32 to index
      %swap3A_1373 = arith.constant 48 : index
      %swap3A_1374 = tpu.vector_load %arg11[%swap3A_1371, %swap3A_1372, %swap3A_1373] {strides = array<i32>} : memref<5x128x128xf32, #tpu.memory_space<vmem>>, vector<1x1x16xf32>,
      %swap3A_1375 = vector.shape_cast %swap3A_1374 : vector<1x1x16xf32> to vector<16xf32>
      %swap3A_1376 = vector.shape_cast %add3A_1312 : vector<16xf32> to vector<1x1x16xf32>
      tpu.vector_store %arg11[%swap3A_1371, %swap3A_1372, %swap3A_1373], %swap3A_1376 {add = true, strides = array<i32>} : memref<5x128x128xf32, #tpu.memory_space<vmem>>, vector<1x1x16xf32>,
      %add3A_1377 = arith.constant 0 : i32
      %add3A_1378 = arith.addi %add3A_1377, %scan3A_1284 : i32
      %swap3A_1379 = arith.constant 4 : i32
      %swap3A_1380 = arith.index_cast %swap3A_1379 : i32 to index
      %swap3A_1381 = arith.index_cast %add3A_1378 : i32 to index
      %swap3A_1382 = arith.constant 64 : index
      %swap3A_1383 = tpu.vector_load %arg11[%swap3A_1380, %swap3A_1381, %swap3A_1382] {strides = array<i32>} : memref<5x128x128xf32, #tpu.memory_space<vmem>>, vector<1x1x16xf32>,
      %swap3A_1384 = vector.shape_cast %swap3A_1383 : vector<1x1x16xf32> to vector<16xf32>
      %swap3A_1385 = vector.shape_cast %add3A_1319 : vector<16xf32> to vector<1x1x16xf32>
      tpu.vector_store %arg11[%swap3A_1380, %swap3A_1381, %swap3A_1382], %swap3A_1385 {add = true, strides = array<i32>} : memref<5x128x128xf32, #tpu.memory_space<vmem>>, vector<1x1x16xf32>,
      %add3A_1386 = arith.constant 0 : i32
      %add3A_1387 = arith.addi %add3A_1386, %scan3A_1284 : i32
      %swap3A_1388 = arith.constant 4 : i32
      %swap3A_1389 = arith.index_cast %swap3A_1388 : i32 to index
      %swap3A_1390 = arith.index_cast %add3A_1387 : i32 to index
      %swap3A_1391 = arith.constant 80 : index
      %swap3A_1392 = tpu.vector_load %arg11[%swap3A_1389, %swap3A_1390, %swap3A_1391] {strides = array<i32>} : memref<5x128x128xf32, #tpu.memory_space<vmem>>, vector<1x1x16xf32>,
      %swap3A_1393 = vector.shape_cast %swap3A_1392 : vector<1x1x16xf32> to vector<16xf32>
      %swap3A_1394 = vector.shape_cast %add3A_1326 : vector<16xf32> to vector<1x1x16xf32>
      tpu.vector_store %arg11[%swap3A_1389, %swap3A_1390, %swap3A_1391], %swap3A_1394 {add = true, strides = array<i32>} : memref<5x128x128xf32, #tpu.memory_space<vmem>>, vector<1x1x16xf32>,
      %add3A_1395 = arith.constant 0 : i32
      %add3A_1396 = arith.addi %add3A_1395, %scan3A_1284 : i32
      %swap3A_1397 = arith.constant 4 : i32
      %swap3A_1398 = arith.index_cast %swap3A_1397 : i32 to index
      %swap3A_1399 = arith.index_cast %add3A_1396 : i32 to index
      %swap3A_1400 = arith.constant 96 : index
      %swap3A_1401 = tpu.vector_load %arg11[%swap3A_1398, %swap3A_1399, %swap3A_1400] {strides = array<i32>} : memref<5x128x128xf32, #tpu.memory_space<vmem>>, vector<1x1x16xf32>,
      %swap3A_1402 = vector.shape_cast %swap3A_1401 : vector<1x1x16xf32> to vector<16xf32>
      %swap3A_1403 = vector.shape_cast %add3A_1333 : vector<16xf32> to vector<1x1x16xf32>
      tpu.vector_store %arg11[%swap3A_1398, %swap3A_1399, %swap3A_1400], %swap3A_1403 {add = true, strides = array<i32>} : memref<5x128x128xf32, #tpu.memory_space<vmem>>, vector<1x1x16xf32>,
      %add3A_1404 = arith.constant 0 : i32
      %add3A_1405 = arith.addi %add3A_1404, %scan3A_1284 : i32
      %swap3A_1406 = arith.constant 4 : i32
      %swap3A_1407 = arith.index_cast %swap3A_1406 : i32 to index
      %swap3A_1408 = arith.index_cast %add3A_1405 : i32 to index
      %swap3A_1409 = arith.constant 112 : index
      %swap3A_1410 = tpu.vector_load %arg11[%swap3A_1407, %swap3A_1408, %swap3A_1409] {strides = array<i32>} : memref<5x128x128xf32, #tpu.memory_space<vmem>>, vector<1x1x16xf32>,
      %swap3A_1411 = vector.shape_cast %swap3A_1410 : vector<1x1x16xf32> to vector<16xf32>
      %swap3A_1412 = vector.shape_cast %add3A_1340 : vector<16xf32> to vector<1x1x16xf32>
      tpu.vector_store %arg11[%swap3A_1407, %swap3A_1408, %swap3A_1409], %swap3A_1412 {add = true, strides = array<i32>} : memref<5x128x128xf32, #tpu.memory_space<vmem>>, vector<1x1x16xf32>,
      %add3A_1413 = arith.constant 32 : i32
      %add3A_1414 = arith.addi %add3A_1413, %scan3A_1284 : i32
      %swap3A_1415 = arith.constant 4 : i32
      %swap3A_1416 = arith.index_cast %swap3A_1415 : i32 to index
      %swap3A_1417 = arith.index_cast %add3A_1414 : i32 to index
      %swap3A_1418 = arith.constant 0 : index
      %swap3A_1419 = tpu.vector_load %arg11[%swap3A_1416, %swap3A_1417, %swap3A_1418] {strides = array<i32>} : memref<5x128x128xf32, #tpu.memory_space<vmem>>, vector<1x1x16xf32>,
      %swap3A_1420 = vector.shape_cast %swap3A_1419 : vector<1x1x16xf32> to vector<16xf32>
      %swap3A_1421 = vector.shape_cast %add3A_1291 : vector<16xf32> to vector<1x1x16xf32>
      tpu.vector_store %arg11[%swap3A_1416, %swap3A_1417, %swap3A_1418], %swap3A_1421 {add = true, strides = array<i32>} : memref<5x128x128xf32, #tpu.memory_space<vmem>>, vector<1x1x16xf32>,
      %add3A_1422 = arith.constant 32 : i32
      %add3A_1423 = arith.addi %add3A_1422, %scan3A_1284 : i32
      %swap3A_1424 = arith.constant 4 : i32
      %swap3A_1425 = arith.index_cast %swap3A_1424 : i32 to index
      %swap3A_1426 = arith.index_cast %add3A_1423 : i32 to index
      %swap3A_1427 = arith.constant 16 : index
      %swap3A_1428 = tpu.vector_load %arg11[%swap3A_1425, %swap3A_1426, %swap3A_1427] {strides = array<i32>} : memref<5x128x128xf32, #tpu.memory_space<vmem>>, vector<1x1x16xf32>,
      %swap3A_1429 = vector.shape_cast %swap3A_1428 : vector<1x1x16xf32> to vector<16xf32>
      %swap3A_1430 = vector.shape_cast %add3A_1298 : vector<16xf32> to vector<1x1x16xf32>
      tpu.vector_store %arg11[%swap3A_1425, %swap3A_1426, %swap3A_1427], %swap3A_1430 {add = true, strides = array<i32>} : memref<5x128x128xf32, #tpu.memory_space<vmem>>, vector<1x1x16xf32>,
      %add3A_1431 = arith.constant 32 : i32
      %add3A_1432 = arith.addi %add3A_1431, %scan3A_1284 : i32
      %swap3A_1433 = arith.constant 4 : i32
      %swap3A_1434 = arith.index_cast %swap3A_1433 : i32 to index
      %swap3A_1435 = arith.index_cast %add3A_1432 : i32 to index
      %swap3A_1436 = arith.constant 32 : index
      %swap3A_1437 = tpu.vector_load %arg11[%swap3A_1434, %swap3A_1435, %swap3A_1436] {strides = array<i32>} : memref<5x128x128xf32, #tpu.memory_space<vmem>>, vector<1x1x16xf32>,
      %swap3A_1438 = vector.shape_cast %swap3A_1437 : vector<1x1x16xf32> to vector<16xf32>
      %swap3A_1439 = vector.shape_cast %add3A_1305 : vector<16xf32> to vector<1x1x16xf32>
      tpu.vector_store %arg11[%swap3A_1434, %swap3A_1435, %swap3A_1436], %swap3A_1439 {add = true, strides = array<i32>} : memref<5x128x128xf32, #tpu.memory_space<vmem>>, vector<1x1x16xf32>,
      %add3A_1440 = arith.constant 32 : i32
      %add3A_1441 = arith.addi %add3A_1440, %scan3A_1284 : i32
      %swap3A_1442 = arith.constant 4 : i32
      %swap3A_1443 = arith.index_cast %swap3A_1442 : i32 to index
      %swap3A_1444 = arith.index_cast %add3A_1441 : i32 to index
      %swap3A_1445 = arith.constant 48 : index
      %swap3A_1446 = tpu.vector_load %arg11[%swap3A_1443, %swap3A_1444, %swap3A_1445] {strides = array<i32>} : memref<5x128x128xf32, #tpu.memory_space<vmem>>, vector<1x1x16xf32>,
      %swap3A_1447 = vector.shape_cast %swap3A_1446 : vector<1x1x16xf32> to vector<16xf32>
      %swap3A_1448 = vector.shape_cast %add3A_1312 : vector<16xf32> to vector<1x1x16xf32>
      tpu.vector_store %arg11[%swap3A_1443, %swap3A_1444, %swap3A_1445], %swap3A_1448 {add = true, strides = array<i32>} : memref<5x128x128xf32, #tpu.memory_space<vmem>>, vector<1x1x16xf32>,
      %add3A_1449 = arith.constant 32 : i32
      %add3A_1450 = arith.addi %add3A_1449, %scan3A_1284 : i32
      %swap3A_1451 = arith.constant 4 : i32
      %swap3A_1452 = arith.index_cast %swap3A_1451 : i32 to index
      %swap3A_1453 = arith.index_cast %add3A_1450 : i32 to index
      %swap3A_1454 = arith.constant 64 : index
      %swap3A_1455 = tpu.vector_load %arg11[%swap3A_1452, %swap3A_1453, %swap3A_1454] {strides = array<i32>} : memref<5x128x128xf32, #tpu.memory_space<vmem>>, vector<1x1x16xf32>,
      %swap3A_1456 = vector.shape_cast %swap3A_1455 : vector<1x1x16xf32> to vector<16xf32>
      %swap3A_1457 = vector.shape_cast %add3A_1319 : vector<16xf32> to vector<1x1x16xf32>
      tpu.vector_store %arg11[%swap3A_1452, %swap3A_1453, %swap3A_1454], %swap3A_1457 {add = true, strides = array<i32>} : memref<5x128x128xf32, #tpu.memory_space<vmem>>, vector<1x1x16xf32>,
      %add3A_1458 = arith.constant 32 : i32
      %add3A_1459 = arith.addi %add3A_1458, %scan3A_1284 : i32
      %swap3A_1460 = arith.constant 4 : i32
      %swap3A_1461 = arith.index_cast %swap3A_1460 : i32 to index
      %swap3A_1462 = arith.index_cast %add3A_1459 : i32 to index
      %swap3A_1463 = arith.constant 80 : index
      %swap3A_1464 = tpu.vector_load %arg11[%swap3A_1461, %swap3A_1462, %swap3A_1463] {strides = array<i32>} : memref<5x128x128xf32, #tpu.memory_space<vmem>>, vector<1x1x16xf32>,
      %swap3A_1465 = vector.shape_cast %swap3A_1464 : vector<1x1x16xf32> to vector<16xf32>
      %swap3A_1466 = vector.shape_cast %add3A_1326 : vector<16xf32> to vector<1x1x16xf32>
      tpu.vector_store %arg11[%swap3A_1461, %swap3A_1462, %swap3A_1463], %swap3A_1466 {add = true, strides = array<i32>} : memref<5x128x128xf32, #tpu.memory_space<vmem>>, vector<1x1x16xf32>,
      %add3A_1467 = arith.constant 32 : i32
      %add3A_1468 = arith.addi %add3A_1467, %scan3A_1284 : i32
      %swap3A_1469 = arith.constant 4 : i32
      %swap3A_1470 = arith.index_cast %swap3A_1469 : i32 to index
      %swap3A_1471 = arith.index_cast %add3A_1468 : i32 to index
      %swap3A_1472 = arith.constant 96 : index
      %swap3A_1473 = tpu.vector_load %arg11[%swap3A_1470, %swap3A_1471, %swap3A_1472] {strides = array<i32>} : memref<5x128x128xf32, #tpu.memory_space<vmem>>, vector<1x1x16xf32>,
      %swap3A_1474 = vector.shape_cast %swap3A_1473 : vector<1x1x16xf32> to vector<16xf32>
      %swap3A_1475 = vector.shape_cast %add3A_1333 : vector<16xf32> to vector<1x1x16xf32>
      tpu.vector_store %arg11[%swap3A_1470, %swap3A_1471, %swap3A_1472], %swap3A_1475 {add = true, strides = array<i32>} : memref<5x128x128xf32, #tpu.memory_space<vmem>>, vector<1x1x16xf32>,
      %add3A_1476 = arith.constant 32 : i32
      %add3A_1477 = arith.addi %add3A_1476, %scan3A_1284 : i32
      %swap3A_1478 = arith.constant 4 : i32
      %swap3A_1479 = arith.index_cast %swap3A_1478 : i32 to index
      %swap3A_1480 = arith.index_cast %add3A_1477 : i32 to index
      %swap3A_1481 = arith.constant 112 : index
      %swap3A_1482 = tpu.vector_load %arg11[%swap3A_1479, %swap3A_1480, %swap3A_1481] {strides = array<i32>} : memref<5x128x128xf32, #tpu.memory_space<vmem>>, vector<1x1x16xf32>,
      %swap3A_1483 = vector.shape_cast %swap3A_1482 : vector<1x1x16xf32> to vector<16xf32>
      %swap3A_1484 = vector.shape_cast %add3A_1340 : vector<16xf32> to vector<1x1x16xf32>
      tpu.vector_store %arg11[%swap3A_1479, %swap3A_1480, %swap3A_1481], %swap3A_1484 {add = true, strides = array<i32>} : memref<5x128x128xf32, #tpu.memory_space<vmem>>, vector<1x1x16xf32>,
      %add3A_1485 = arith.constant 64 : i32
      %add3A_1486 = arith.addi %add3A_1485, %scan3A_1284 : i32
      %swap3A_1487 = arith.constant 4 : i32
      %swap3A_1488 = arith.index_cast %swap3A_1487 : i32 to index
      %swap3A_1489 = arith.index_cast %add3A_1486 : i32 to index
      %swap3A_1490 = arith.constant 0 : index
      %swap3A_1491 = tpu.vector_load %arg11[%swap3A_1488, %swap3A_1489, %swap3A_1490] {strides = array<i32>} : memref<5x128x128xf32, #tpu.memory_space<vmem>>, vector<1x1x16xf32>,
      %swap3A_1492 = vector.shape_cast %swap3A_1491 : vector<1x1x16xf32> to vector<16xf32>
      %swap3A_1493 = vector.shape_cast %add3A_1291 : vector<16xf32> to vector<1x1x16xf32>
      tpu.vector_store %arg11[%swap3A_1488, %swap3A_1489, %swap3A_1490], %swap3A_1493 {add = true, strides = array<i32>} : memref<5x128x128xf32, #tpu.memory_space<vmem>>, vector<1x1x16xf32>,
      %add3A_1494 = arith.constant 64 : i32
      %add3A_1495 = arith.addi %add3A_1494, %scan3A_1284 : i32
      %swap3A_1496 = arith.constant 4 : i32
      %swap3A_1497 = arith.index_cast %swap3A_1496 : i32 to index
      %swap3A_1498 = arith.index_cast %add3A_1495 : i32 to index
      %swap3A_1499 = arith.constant 16 : index
      %swap3A_1500 = tpu.vector_load %arg11[%swap3A_1497, %swap3A_1498, %swap3A_1499] {strides = array<i32>} : memref<5x128x128xf32, #tpu.memory_space<vmem>>, vector<1x1x16xf32>,
      %swap3A_1501 = vector.shape_cast %swap3A_1500 : vector<1x1x16xf32> to vector<16xf32>
      %swap3A_1502 = vector.shape_cast %add3A_1298 : vector<16xf32> to vector<1x1x16xf32>
      tpu.vector_store %arg11[%swap3A_1497, %swap3A_1498, %swap3A_1499], %swap3A_1502 {add = true, strides = array<i32>} : memref<5x128x128xf32, #tpu.memory_space<vmem>>, vector<1x1x16xf32>,
      %add3A_1503 = arith.constant 64 : i32
      %add3A_1504 = arith.addi %add3A_1503, %scan3A_1284 : i32
      %swap3A_1505 = arith.constant 4 : i32
      %swap3A_1506 = arith.index_cast %swap3A_1505 : i32 to index
      %swap3A_1507 = arith.index_cast %add3A_1504 : i32 to index
      %swap3A_1508 = arith.constant 32 : index
      %swap3A_1509 = tpu.vector_load %arg11[%swap3A_1506, %swap3A_1507, %swap3A_1508] {strides = array<i32>} : memref<5x128x128xf32, #tpu.memory_space<vmem>>, vector<1x1x16xf32>,
      %swap3A_1510 = vector.shape_cast %swap3A_1509 : vector<1x1x16xf32> to vector<16xf32>
      %swap3A_1511 = vector.shape_cast %add3A_1305 : vector<16xf32> to vector<1x1x16xf32>
      tpu.vector_store %arg11[%swap3A_1506, %swap3A_1507, %swap3A_1508], %swap3A_1511 {add = true, strides = array<i32>} : memref<5x128x128xf32, #tpu.memory_space<vmem>>, vector<1x1x16xf32>,
      %add3A_1512 = arith.constant 64 : i32
      %add3A_1513 = arith.addi %add3A_1512, %scan3A_1284 : i32
      %swap3A_1514 = arith.constant 4 : i32
      %swap3A_1515 = arith.index_cast %swap3A_1514 : i32 to index
      %swap3A_1516 = arith.index_cast %add3A_1513 : i32 to index
      %swap3A_1517 = arith.constant 48 : index
      %swap3A_1518 = tpu.vector_load %arg11[%swap3A_1515, %swap3A_1516, %swap3A_1517] {strides = array<i32>} : memref<5x128x128xf32, #tpu.memory_space<vmem>>, vector<1x1x16xf32>,
      %swap3A_1519 = vector.shape_cast %swap3A_1518 : vector<1x1x16xf32> to vector<16xf32>
      %swap3A_1520 = vector.shape_cast %add3A_1312 : vector<16xf32> to vector<1x1x16xf32>
      tpu.vector_store %arg11[%swap3A_1515, %swap3A_1516, %swap3A_1517], %swap3A_1520 {add = true, strides = array<i32>} : memref<5x128x128xf32, #tpu.memory_space<vmem>>, vector<1x1x16xf32>,
      %add3A_1521 = arith.constant 64 : i32
      %add3A_1522 = arith.addi %add3A_1521, %scan3A_1284 : i32
      %swap3A_1523 = arith.constant 4 : i32
      %swap3A_1524 = arith.index_cast %swap3A_1523 : i32 to index
      %swap3A_1525 = arith.index_cast %add3A_1522 : i32 to index
      %swap3A_1526 = arith.constant 64 : index
      %swap3A_1527 = tpu.vector_load %arg11[%swap3A_1524, %swap3A_1525, %swap3A_1526] {strides = array<i32>} : memref<5x128x128xf32, #tpu.memory_space<vmem>>, vector<1x1x16xf32>,
      %swap3A_1528 = vector.shape_cast %swap3A_1527 : vector<1x1x16xf32> to vector<16xf32>
      %swap3A_1529 = vector.shape_cast %add3A_1319 : vector<16xf32> to vector<1x1x16xf32>
      tpu.vector_store %arg11[%swap3A_1524, %swap3A_1525, %swap3A_1526], %swap3A_1529 {add = true, strides = array<i32>} : memref<5x128x128xf32, #tpu.memory_space<vmem>>, vector<1x1x16xf32>,
      %add3A_1530 = arith.constant 64 : i32
      %add3A_1531 = arith.addi %add3A_1530, %scan3A_1284 : i32
      %swap3A_1532 = arith.constant 4 : i32
      %swap3A_1533 = arith.index_cast %swap3A_1532 : i32 to index
      %swap3A_1534 = arith.index_cast %add3A_1531 : i32 to index
      %swap3A_1535 = arith.constant 80 : index
      %swap3A_1536 = tpu.vector_load %arg11[%swap3A_1533, %swap3A_1534, %swap3A_1535] {strides = array<i32>} : memref<5x128x128xf32, #tpu.memory_space<vmem>>, vector<1x1x16xf32>,
      %swap3A_1537 = vector.shape_cast %swap3A_1536 : vector<1x1x16xf32> to vector<16xf32>
      %swap3A_1538 = vector.shape_cast %add3A_1326 : vector<16xf32> to vector<1x1x16xf32>
      tpu.vector_store %arg11[%swap3A_1533, %swap3A_1534, %swap3A_1535], %swap3A_1538 {add = true, strides = array<i32>} : memref<5x128x128xf32, #tpu.memory_space<vmem>>, vector<1x1x16xf32>,
      %add3A_1539 = arith.constant 64 : i32
      %add3A_1540 = arith.addi %add3A_1539, %scan3A_1284 : i32
      %swap3A_1541 = arith.constant 4 : i32
      %swap3A_1542 = arith.index_cast %swap3A_1541 : i32 to index
      %swap3A_1543 = arith.index_cast %add3A_1540 : i32 to index
      %swap3A_1544 = arith.constant 96 : index
      %swap3A_1545 = tpu.vector_load %arg11[%swap3A_1542, %swap3A_1543, %swap3A_1544] {strides = array<i32>} : memref<5x128x128xf32, #tpu.memory_space<vmem>>, vector<1x1x16xf32>,
      %swap3A_1546 = vector.shape_cast %swap3A_1545 : vector<1x1x16xf32> to vector<16xf32>
      %swap3A_1547 = vector.shape_cast %add3A_1333 : vector<16xf32> to vector<1x1x16xf32>
      tpu.vector_store %arg11[%swap3A_1542, %swap3A_1543, %swap3A_1544], %swap3A_1547 {add = true, strides = array<i32>} : memref<5x128x128xf32, #tpu.memory_space<vmem>>, vector<1x1x16xf32>,
      %add3A_1548 = arith.constant 64 : i32
      %add3A_1549 = arith.addi %add3A_1548, %scan3A_1284 : i32
      %swap3A_1550 = arith.constant 4 : i32
      %swap3A_1551 = arith.index_cast %swap3A_1550 : i32 to index
      %swap3A_1552 = arith.index_cast %add3A_1549 : i32 to index
      %swap3A_1553 = arith.constant 112 : index
      %swap3A_1554 = tpu.vector_load %arg11[%swap3A_1551, %swap3A_1552, %swap3A_1553] {strides = array<i32>} : memref<5x128x128xf32, #tpu.memory_space<vmem>>, vector<1x1x16xf32>,
      %swap3A_1555 = vector.shape_cast %swap3A_1554 : vector<1x1x16xf32> to vector<16xf32>
      %swap3A_1556 = vector.shape_cast %add3A_1340 : vector<16xf32> to vector<1x1x16xf32>
      tpu.vector_store %arg11[%swap3A_1551, %swap3A_1552, %swap3A_1553], %swap3A_1556 {add = true, strides = array<i32>} : memref<5x128x128xf32, #tpu.memory_space<vmem>>, vector<1x1x16xf32>,
      %add3A_1557 = arith.constant 96 : i32
      %add3A_1558 = arith.addi %add3A_1557, %scan3A_1284 : i32
      %swap3A_1559 = arith.constant 4 : i32
      %swap3A_1560 = arith.index_cast %swap3A_1559 : i32 to index
      %swap3A_1561 = arith.index_cast %add3A_1558 : i32 to index
      %swap3A_1562 = arith.constant 0 : index
      %swap3A_1563 = tpu.vector_load %arg11[%swap3A_1560, %swap3A_1561, %swap3A_1562] {strides = array<i32>} : memref<5x128x128xf32, #tpu.memory_space<vmem>>, vector<1x1x16xf32>,
      %swap3A_1564 = vector.shape_cast %swap3A_1563 : vector<1x1x16xf32> to vector<16xf32>
      %swap3A_1565 = vector.shape_cast %add3A_1291 : vector<16xf32> to vector<1x1x16xf32>
      tpu.vector_store %arg11[%swap3A_1560, %swap3A_1561, %swap3A_1562], %swap3A_1565 {add = true, strides = array<i32>} : memref<5x128x128xf32, #tpu.memory_space<vmem>>, vector<1x1x16xf32>,
      %add3A_1566 = arith.constant 96 : i32
      %add3A_1567 = arith.addi %add3A_1566, %scan3A_1284 : i32
      %swap3A_1568 = arith.constant 4 : i32
      %swap3A_1569 = arith.index_cast %swap3A_1568 : i32 to index
      %swap3A_1570 = arith.index_cast %add3A_1567 : i32 to index
      %swap3A_1571 = arith.constant 16 : index
      %swap3A_1572 = tpu.vector_load %arg11[%swap3A_1569, %swap3A_1570, %swap3A_1571] {strides = array<i32>} : memref<5x128x128xf32, #tpu.memory_space<vmem>>, vector<1x1x16xf32>,
      %swap3A_1573 = vector.shape_cast %swap3A_1572 : vector<1x1x16xf32> to vector<16xf32>
      %swap3A_1574 = vector.shape_cast %add3A_1298 : vector<16xf32> to vector<1x1x16xf32>
      tpu.vector_store %arg11[%swap3A_1569, %swap3A_1570, %swap3A_1571], %swap3A_1574 {add = true, strides = array<i32>} : memref<5x128x128xf32, #tpu.memory_space<vmem>>, vector<1x1x16xf32>,
      %add3A_1575 = arith.constant 96 : i32
      %add3A_1576 = arith.addi %add3A_1575, %scan3A_1284 : i32
      %swap3A_1577 = arith.constant 4 : i32
      %swap3A_1578 = arith.index_cast %swap3A_1577 : i32 to index
      %swap3A_1579 = arith.index_cast %add3A_1576 : i32 to index
      %swap3A_1580 = arith.constant 32 : index
      %swap3A_1581 = tpu.vector_load %arg11[%swap3A_1578, %swap3A_1579, %swap3A_1580] {strides = array<i32>} : memref<5x128x128xf32, #tpu.memory_space<vmem>>, vector<1x1x16xf32>,
      %swap3A_1582 = vector.shape_cast %swap3A_1581 : vector<1x1x16xf32> to vector<16xf32>
      %swap3A_1583 = vector.shape_cast %add3A_1305 : vector<16xf32> to vector<1x1x16xf32>
      tpu.vector_store %arg11[%swap3A_1578, %swap3A_1579, %swap3A_1580], %swap3A_1583 {add = true, strides = array<i32>} : memref<5x128x128xf32, #tpu.memory_space<vmem>>, vector<1x1x16xf32>,
      %add3A_1584 = arith.constant 96 : i32
      %add3A_1585 = arith.addi %add3A_1584, %scan3A_1284 : i32
      %swap3A_1586 = arith.constant 4 : i32
      %swap3A_1587 = arith.index_cast %swap3A_1586 : i32 to index
      %swap3A_1588 = arith.index_cast %add3A_1585 : i32 to index
      %swap3A_1589 = arith.constant 48 : index
      %swap3A_1590 = tpu.vector_load %arg11[%swap3A_1587, %swap3A_1588, %swap3A_1589] {strides = array<i32>} : memref<5x128x128xf32, #tpu.memory_space<vmem>>, vector<1x1x16xf32>,
      %swap3A_1591 = vector.shape_cast %swap3A_1590 : vector<1x1x16xf32> to vector<16xf32>
      %swap3A_1592 = vector.shape_cast %add3A_1312 : vector<16xf32> to vector<1x1x16xf32>
      tpu.vector_store %arg11[%swap3A_1587, %swap3A_1588, %swap3A_1589], %swap3A_1592 {add = true, strides = array<i32>} : memref<5x128x128xf32, #tpu.memory_space<vmem>>, vector<1x1x16xf32>,
      %add3A_1593 = arith.constant 96 : i32
      %add3A_1594 = arith.addi %add3A_1593, %scan3A_1284 : i32
      %swap3A_1595 = arith.constant 4 : i32
      %swap3A_1596 = arith.index_cast %swap3A_1595 : i32 to index
      %swap3A_1597 = arith.index_cast %add3A_1594 : i32 to index
      %swap3A_1598 = arith.constant 64 : index
      %swap3A_1599 = tpu.vector_load %arg11[%swap3A_1596, %swap3A_1597, %swap3A_1598] {strides = array<i32>} : memref<5x128x128xf32, #tpu.memory_space<vmem>>, vector<1x1x16xf32>,
      %swap3A_1600 = vector.shape_cast %swap3A_1599 : vector<1x1x16xf32> to vector<16xf32>
      %swap3A_1601 = vector.shape_cast %add3A_1319 : vector<16xf32> to vector<1x1x16xf32>
      tpu.vector_store %arg11[%swap3A_1596, %swap3A_1597, %swap3A_1598], %swap3A_1601 {add = true, strides = array<i32>} : memref<5x128x128xf32, #tpu.memory_space<vmem>>, vector<1x1x16xf32>,
      %add3A_1602 = arith.constant 96 : i32
      %add3A_1603 = arith.addi %add3A_1602, %scan3A_1284 : i32
      %swap3A_1604 = arith.constant 4 : i32
      %swap3A_1605 = arith.index_cast %swap3A_1604 : i32 to index
      %swap3A_1606 = arith.index_cast %add3A_1603 : i32 to index
      %swap3A_1607 = arith.constant 80 : index
      %swap3A_1608 = tpu.vector_load %arg11[%swap3A_1605, %swap3A_1606, %swap3A_1607] {strides = array<i32>} : memref<5x128x128xf32, #tpu.memory_space<vmem>>, vector<1x1x16xf32>,
      %swap3A_1609 = vector.shape_cast %swap3A_1608 : vector<1x1x16xf32> to vector<16xf32>
      %swap3A_1610 = vector.shape_cast %add3A_1326 : vector<16xf32> to vector<1x1x16xf32>
      tpu.vector_store %arg11[%swap3A_1605, %swap3A_1606, %swap3A_1607], %swap3A_1610 {add = true, strides = array<i32>} : memref<5x128x128xf32, #tpu.memory_space<vmem>>, vector<1x1x16xf32>,
      %add3A_1611 = arith.constant 96 : i32
      %add3A_1612 = arith.addi %add3A_1611, %scan3A_1284 : i32
      %swap3A_1613 = arith.constant 4 : i32
      %swap3A_1614 = arith.index_cast %swap3A_1613 : i32 to index
      %swap3A_1615 = arith.index_cast %add3A_1612 : i32 to index
      %swap3A_1616 = arith.constant 96 : index
      %swap3A_1617 = tpu.vector_load %arg11[%swap3A_1614, %swap3A_1615, %swap3A_1616] {strides = array<i32>} : memref<5x128x128xf32, #tpu.memory_space<vmem>>, vector<1x1x16xf32>,
      %swap3A_1618 = vector.shape_cast %swap3A_1617 : vector<1x1x16xf32> to vector<16xf32>
      %swap3A_1619 = vector.shape_cast %add3A_1333 : vector<16xf32> to vector<1x1x16xf32>
      tpu.vector_store %arg11[%swap3A_1614, %swap3A_1615, %swap3A_1616], %swap3A_1619 {add = true, strides = array<i32>} : memref<5x128x128xf32, #tpu.memory_space<vmem>>, vector<1x1x16xf32>,
      %add3A_1620 = arith.constant 96 : i32
      %add3A_1621 = arith.addi %add3A_1620, %scan3A_1284 : i32
      %swap3A_1622 = arith.constant 4 : i32
      %swap3A_1623 = arith.index_cast %swap3A_1622 : i32 to index
      %swap3A_1624 = arith.index_cast %add3A_1621 : i32 to index
      %swap3A_1625 = arith.constant 112 : index
      %swap3A_1626 = tpu.vector_load %arg11[%swap3A_1623, %swap3A_1624, %swap3A_1625] {strides = array<i32>} : memref<5x128x128xf32, #tpu.memory_space<vmem>>, vector<1x1x16xf32>,
      %swap3A_1627 = vector.shape_cast %swap3A_1626 : vector<1x1x16xf32> to vector<16xf32>
      %swap3A_1628 = vector.shape_cast %add3A_1340 : vector<16xf32> to vector<1x1x16xf32>
      tpu.vector_store %arg11[%swap3A_1623, %swap3A_1624, %swap3A_1625], %swap3A_1628 {add = true, strides = array<i32>} : memref<5x128x128xf32, #tpu.memory_space<vmem>>, vector<1x1x16xf32>,
    }
    %scan3A_1068 = arith.constant 32 : i32
    %add3A_1069 = arith.constant 128 : i32
    %add3A_1070 = arith.addi %mul3A_2, %add3A_1069 : i32
    %dma_start3A_1071 = arith.constant 4 : i32
    %dma_start3A_1072 = arith.constant 0 : i32
    %dma_start3A_1073 = arith.constant 0 : i32
    %dma_start3A_1074 = tpu.memref_slice %arg11[%dma_start3A_1071, %dma_start3A_1072, %dma_start3A_1073] : memref<5x128x128xf32, #tpu.memory_space<vmem>> -> memref<1x128x128xf32, #tpu.memory_space<vmem>>
    %dma_start3A_1075 = tpu.memref_squeeze %dma_start3A_1074 : memref<1x128x128xf32, #tpu.memory_space<vmem>> -> memref<128x128xf32, #tpu.memory_space<vmem>>
    %dma_start3A_1076 = tpu.memref_reshape %dma_start3A_1075 : memref<128x128xf32, #tpu.memory_space<vmem>> -> memref<4x32x128xf32, #tpu.memory_space<vmem>>
    %dma_start3A_1077 = arith.constant 0 : i32
    %dma_start3A_1078 = arith.constant 0 : i32
    %dma_start3A_1079 = tpu.memref_slice %arg6[%dma_start3A_1077, %add3A_1070, %dma_start3A_1078] : memref<4x8192x128xf32, #tpu.memory_space<hbm>> -> memref<4x32x128xf32, #tpu.memory_space<hbm>>
    %dma_start3A_1080 = arith.constant 0 : i32
    %dma_start3A_1081 = arith.constant 0 : i32
    %dma_start3A_1082 = tpu.memref_slice %arg6[%dma_start3A_1080, %add3A_1070, %dma_start3A_1081] : memref<4x8192x128xf32, #tpu.memory_space<hbm>> -> memref<4x32x128xf32, #tpu.memory_space<hbm>>
    %dma_start3A_1083 = arith.constant 0 : i32
    %dma_start3A_1084 = arith.constant 0 : i32
    %dma_start3A_1085 = tpu.memref_slice %arg11[%dma_start3A_1071, %dma_start3A_1083, %dma_start3A_1084] : memref<5x128x128xf32, #tpu.memory_space<vmem>> -> memref<1x128x128xf32, #tpu.memory_space<vmem>>
    %dma_start3A_1086 = tpu.memref_squeeze %dma_start3A_1085 : memref<1x128x128xf32, #tpu.memory_space<vmem>> -> memref<128x128xf32, #tpu.memory_space<vmem>>
    %dma_start3A_1087 = tpu.memref_reshape %dma_start3A_1086 : memref<128x128xf32, #tpu.memory_space<vmem>> -> memref<4x32x128xf32, #tpu.memory_space<vmem>>
    tpu.enqueue_dma source(%dma_start3A_1087 : memref<4x32x128xf32, #tpu.memory_space<vmem>>) target(%dma_start3A_1082 : memref<4x32x128xf32, #tpu.memory_space<hbm>>) target_semaphore(%arg23 : memref<!tpu.dma_semaphore, #tpu.memory_space<semaphore_mem>>)
    %dma_wait3A_1088 = arith.constant 5 : i32
    %dma_wait3A_1089 = arith.constant 0 : i32
    %dma_wait3A_1090 = arith.constant 0 : i32
    %dma_wait3A_1091 = arith.constant 0 : i32
    %dma_wait3A_1092 = tpu.memref_slice %arg11[%dma_wait3A_1089, %dma_wait3A_1090, %dma_wait3A_1091] : memref<5x128x128xf32, #tpu.memory_space<vmem>> -> memref<1x128x128xf32, #tpu.memory_space<vmem>>
    %dma_wait3A_1093 = tpu.memref_squeeze %dma_wait3A_1092 : memref<1x128x128xf32, #tpu.memory_space<vmem>> -> memref<128x128xf32, #tpu.memory_space<vmem>>
    %dma_wait3A_1094 = arith.constant 0 : i32
    %dma_wait3A_1095 = tpu.memref_slice %arg8[%dma_wait3A_1088, %dma_wait3A_1094] : memref<8x128xi32, #tpu.memory_space<vmem>> -> memref<1x128xi32, #tpu.memory_space<vmem>>
    %dma_wait3A_1096 = tpu.memref_squeeze %dma_wait3A_1095 : memref<1x128xi32, #tpu.memory_space<vmem>> -> memref<128xi32, #tpu.memory_space<vmem>>
    %dma_wait3A_1097 = arith.constant 0 : i32
    %dma_wait3A_1098 = arith.constant 0 : i32
    %dma_wait3A_1099 = tpu.memref_slice %arg3[%dma_wait3A_1097, %dma_wait3A_1098] : memref<100000x128xf32, #tpu.memory_space<hbm>> -> memref<100000x128xf32, #tpu.memory_space<hbm>>
    tpu.wait_indirect_dma semaphore(%arg14 : memref<!tpu.dma_semaphore, #tpu.memory_space<semaphore_mem>>) src(%dma_wait3A_1099 : memref<100000x128xf32, #tpu.memory_space<hbm>>) dst(%dma_wait3A_1093 : memref<128x128xf32, #tpu.memory_space<vmem>>)
    %scan3A_1100 = arith.constant 0 : i32
    %scan3A_1101 = arith.constant 0 : i32
    %scan3A_1102 = arith.constant 32 : i32
    %scan3A_1103 = arith.addi %scan3A_1101, %scan3A_1102 : i32
    %scan3A_1104 = arith.constant 1 : i32
    scf.for %scan3A_1284 = %scan3A_1101 to %scan3A_1103 step %scan3A_1104  : i32 {
      %add3A_1285 = arith.constant 160 : i32
      %add3A_1286 = arith.addi %add3A_1285, %scan3A_1284 : i32
      %get3A_1287 = arith.index_cast %add3A_1286 : i32 to index
      %get3A_1288 = arith.constant 0 : index
      %get3A_1289 = tpu.vector_load %arg10[%get3A_1287, %get3A_1288] {strides = array<i32>} : memref<256x128xf32, #tpu.memory_space<vmem>>, vector<1x16xf32>,
      %get3A_1290 = vector.shape_cast %get3A_1289 : vector<1x16xf32> to vector<16xf32>
      %add3A_1291 = arith.addf %get3A_1290, %get3A_783 : vector<16xf32>
      %add3A_1292 = arith.constant 160 : i32
      %add3A_1293 = arith.addi %add3A_1292, %scan3A_1284 : i32
      %get3A_1294 = arith.index_cast %add3A_1293 : i32 to index
      %get3A_1295 = arith.constant 16 : index
      %get3A_1296 = tpu.vector_load %arg10[%get3A_1294, %get3A_1295] {strides = array<i32>} : memref<256x128xf32, #tpu.memory_space<vmem>>, vector<1x16xf32>,
      %get3A_1297 = vector.shape_cast %get3A_1296 : vector<1x16xf32> to vector<16xf32>
      %add3A_1298 = arith.addf %get3A_1297, %get3A_786 : vector<16xf32>
      %add3A_1299 = arith.constant 160 : i32
      %add3A_1300 = arith.addi %add3A_1299, %scan3A_1284 : i32
      %get3A_1301 = arith.index_cast %add3A_1300 : i32 to index
      %get3A_1302 = arith.constant 32 : index
      %get3A_1303 = tpu.vector_load %arg10[%get3A_1301, %get3A_1302] {strides = array<i32>} : memref<256x128xf32, #tpu.memory_space<vmem>>, vector<1x16xf32>,
      %get3A_1304 = vector.shape_cast %get3A_1303 : vector<1x16xf32> to vector<16xf32>
      %add3A_1305 = arith.addf %get3A_1304, %get3A_789 : vector<16xf32>
      %add3A_1306 = arith.constant 160 : i32
      %add3A_1307 = arith.addi %add3A_1306, %scan3A_1284 : i32
      %get3A_1308 = arith.index_cast %add3A_1307 : i32 to index
      %get3A_1309 = arith.constant 48 : index
      %get3A_1310 = tpu.vector_load %arg10[%get3A_1308, %get3A_1309] {strides = array<i32>} : memref<256x128xf32, #tpu.memory_space<vmem>>, vector<1x16xf32>,
      %get3A_1311 = vector.shape_cast %get3A_1310 : vector<1x16xf32> to vector<16xf32>
      %add3A_1312 = arith.addf %get3A_1311, %get3A_792 : vector<16xf32>
      %add3A_1313 = arith.constant 160 : i32
      %add3A_1314 = arith.addi %add3A_1313, %scan3A_1284 : i32
      %get3A_1315 = arith.index_cast %add3A_1314 : i32 to index
      %get3A_1316 = arith.constant 64 : index
      %get3A_1317 = tpu.vector_load %arg10[%get3A_1315, %get3A_1316] {strides = array<i32>} : memref<256x128xf32, #tpu.memory_space<vmem>>, vector<1x16xf32>,
      %get3A_1318 = vector.shape_cast %get3A_1317 : vector<1x16xf32> to vector<16xf32>
      %add3A_1319 = arith.addf %get3A_1318, %get3A_795 : vector<16xf32>
      %add3A_1320 = arith.constant 160 : i32
      %add3A_1321 = arith.addi %add3A_1320, %scan3A_1284 : i32
      %get3A_1322 = arith.index_cast %add3A_1321 : i32 to index
      %get3A_1323 = arith.constant 80 : index
      %get3A_1324 = tpu.vector_load %arg10[%get3A_1322, %get3A_1323] {strides = array<i32>} : memref<256x128xf32, #tpu.memory_space<vmem>>, vector<1x16xf32>,
      %get3A_1325 = vector.shape_cast %get3A_1324 : vector<1x16xf32> to vector<16xf32>
      %add3A_1326 = arith.addf %get3A_1325, %get3A_798 : vector<16xf32>
      %add3A_1327 = arith.constant 160 : i32
      %add3A_1328 = arith.addi %add3A_1327, %scan3A_1284 : i32
      %get3A_1329 = arith.index_cast %add3A_1328 : i32 to index
      %get3A_1330 = arith.constant 96 : index
      %get3A_1331 = tpu.vector_load %arg10[%get3A_1329, %get3A_1330] {strides = array<i32>} : memref<256x128xf32, #tpu.memory_space<vmem>>, vector<1x16xf32>,
      %get3A_1332 = vector.shape_cast %get3A_1331 : vector<1x16xf32> to vector<16xf32>
      %add3A_1333 = arith.addf %get3A_1332, %get3A_801 : vector<16xf32>
      %add3A_1334 = arith.constant 160 : i32
      %add3A_1335 = arith.addi %add3A_1334, %scan3A_1284 : i32
      %get3A_1336 = arith.index_cast %add3A_1335 : i32 to index
      %get3A_1337 = arith.constant 112 : index
      %get3A_1338 = tpu.vector_load %arg10[%get3A_1336, %get3A_1337] {strides = array<i32>} : memref<256x128xf32, #tpu.memory_space<vmem>>, vector<1x16xf32>,
      %get3A_1339 = vector.shape_cast %get3A_1338 : vector<1x16xf32> to vector<16xf32>
      %add3A_1340 = arith.addf %get3A_1339, %get3A_804 : vector<16xf32>
      %add3A_1341 = arith.constant 0 : i32
      %add3A_1342 = arith.addi %add3A_1341, %scan3A_1284 : i32
      %swap3A_1343 = arith.constant 0 : i32
      %swap3A_1344 = arith.index_cast %swap3A_1343 : i32 to index
      %swap3A_1345 = arith.index_cast %add3A_1342 : i32 to index
      %swap3A_1346 = arith.constant 0 : index
      %swap3A_1347 = tpu.vector_load %arg11[%swap3A_1344, %swap3A_1345, %swap3A_1346] {strides = array<i32>} : memref<5x128x128xf32, #tpu.memory_space<vmem>>, vector<1x1x16xf32>,
      %swap3A_1348 = vector.shape_cast %swap3A_1347 : vector<1x1x16xf32> to vector<16xf32>
      %swap3A_1349 = vector.shape_cast %add3A_1291 : vector<16xf32> to vector<1x1x16xf32>
      tpu.vector_store %arg11[%swap3A_1344, %swap3A_1345, %swap3A_1346], %swap3A_1349 {add = true, strides = array<i32>} : memref<5x128x128xf32, #tpu.memory_space<vmem>>, vector<1x1x16xf32>,
      %add3A_1350 = arith.constant 0 : i32
      %add3A_1351 = arith.addi %add3A_1350, %scan3A_1284 : i32
      %swap3A_1352 = arith.constant 0 : i32
      %swap3A_1353 = arith.index_cast %swap3A_1352 : i32 to index
      %swap3A_1354 = arith.index_cast %add3A_1351 : i32 to index
      %swap3A_1355 = arith.constant 16 : index
      %swap3A_1356 = tpu.vector_load %arg11[%swap3A_1353, %swap3A_1354, %swap3A_1355] {strides = array<i32>} : memref<5x128x128xf32, #tpu.memory_space<vmem>>, vector<1x1x16xf32>,
      %swap3A_1357 = vector.shape_cast %swap3A_1356 : vector<1x1x16xf32> to vector<16xf32>
      %swap3A_1358 = vector.shape_cast %add3A_1298 : vector<16xf32> to vector<1x1x16xf32>
      tpu.vector_store %arg11[%swap3A_1353, %swap3A_1354, %swap3A_1355], %swap3A_1358 {add = true, strides = array<i32>} : memref<5x128x128xf32, #tpu.memory_space<vmem>>, vector<1x1x16xf32>,
      %add3A_1359 = arith.constant 0 : i32
      %add3A_1360 = arith.addi %add3A_1359, %scan3A_1284 : i32
      %swap3A_1361 = arith.constant 0 : i32
      %swap3A_1362 = arith.index_cast %swap3A_1361 : i32 to index
      %swap3A_1363 = arith.index_cast %add3A_1360 : i32 to index
      %swap3A_1364 = arith.constant 32 : index
      %swap3A_1365 = tpu.vector_load %arg11[%swap3A_1362, %swap3A_1363, %swap3A_1364] {strides = array<i32>} : memref<5x128x128xf32, #tpu.memory_space<vmem>>, vector<1x1x16xf32>,
      %swap3A_1366 = vector.shape_cast %swap3A_1365 : vector<1x1x16xf32> to vector<16xf32>
      %swap3A_1367 = vector.shape_cast %add3A_1305 : vector<16xf32> to vector<1x1x16xf32>
      tpu.vector_store %arg11[%swap3A_1362, %swap3A_1363, %swap3A_1364], %swap3A_1367 {add = true, strides = array<i32>} : memref<5x128x128xf32, #tpu.memory_space<vmem>>, vector<1x1x16xf32>,
      %add3A_1368 = arith.constant 0 : i32
      %add3A_1369 = arith.addi %add3A_1368, %scan3A_1284 : i32
      %swap3A_1370 = arith.constant 0 : i32
      %swap3A_1371 = arith.index_cast %swap3A_1370 : i32 to index
      %swap3A_1372 = arith.index_cast %add3A_1369 : i32 to index
      %swap3A_1373 = arith.constant 48 : index
      %swap3A_1374 = tpu.vector_load %arg11[%swap3A_1371, %swap3A_1372, %swap3A_1373] {strides = array<i32>} : memref<5x128x128xf32, #tpu.memory_space<vmem>>, vector<1x1x16xf32>,
      %swap3A_1375 = vector.shape_cast %swap3A_1374 : vector<1x1x16xf32> to vector<16xf32>
      %swap3A_1376 = vector.shape_cast %add3A_1312 : vector<16xf32> to vector<1x1x16xf32>
      tpu.vector_store %arg11[%swap3A_1371, %swap3A_1372, %swap3A_1373], %swap3A_1376 {add = true, strides = array<i32>} : memref<5x128x128xf32, #tpu.memory_space<vmem>>, vector<1x1x16xf32>,
      %add3A_1377 = arith.constant 0 : i32
      %add3A_1378 = arith.addi %add3A_1377, %scan3A_1284 : i32
      %swap3A_1379 = arith.constant 0 : i32
      %swap3A_1380 = arith.index_cast %swap3A_1379 : i32 to index
      %swap3A_1381 = arith.index_cast %add3A_1378 : i32 to index
      %swap3A_1382 = arith.constant 64 : index
      %swap3A_1383 = tpu.vector_load %arg11[%swap3A_1380, %swap3A_1381, %swap3A_1382] {strides = array<i32>} : memref<5x128x128xf32, #tpu.memory_space<vmem>>, vector<1x1x16xf32>,
      %swap3A_1384 = vector.shape_cast %swap3A_1383 : vector<1x1x16xf32> to vector<16xf32>
      %swap3A_1385 = vector.shape_cast %add3A_1319 : vector<16xf32> to vector<1x1x16xf32>
      tpu.vector_store %arg11[%swap3A_1380, %swap3A_1381, %swap3A_1382], %swap3A_1385 {add = true, strides = array<i32>} : memref<5x128x128xf32, #tpu.memory_space<vmem>>, vector<1x1x16xf32>,
      %add3A_1386 = arith.constant 0 : i32
      %add3A_1387 = arith.addi %add3A_1386, %scan3A_1284 : i32
      %swap3A_1388 = arith.constant 0 : i32
      %swap3A_1389 = arith.index_cast %swap3A_1388 : i32 to index
      %swap3A_1390 = arith.index_cast %add3A_1387 : i32 to index
      %swap3A_1391 = arith.constant 80 : index
      %swap3A_1392 = tpu.vector_load %arg11[%swap3A_1389, %swap3A_1390, %swap3A_1391] {strides = array<i32>} : memref<5x128x128xf32, #tpu.memory_space<vmem>>, vector<1x1x16xf32>,
      %swap3A_1393 = vector.shape_cast %swap3A_1392 : vector<1x1x16xf32> to vector<16xf32>
      %swap3A_1394 = vector.shape_cast %add3A_1326 : vector<16xf32> to vector<1x1x16xf32>
      tpu.vector_store %arg11[%swap3A_1389, %swap3A_1390, %swap3A_1391], %swap3A_1394 {add = true, strides = array<i32>} : memref<5x128x128xf32, #tpu.memory_space<vmem>>, vector<1x1x16xf32>,
      %add3A_1395 = arith.constant 0 : i32
      %add3A_1396 = arith.addi %add3A_1395, %scan3A_1284 : i32
      %swap3A_1397 = arith.constant 0 : i32
      %swap3A_1398 = arith.index_cast %swap3A_1397 : i32 to index
      %swap3A_1399 = arith.index_cast %add3A_1396 : i32 to index
      %swap3A_1400 = arith.constant 96 : index
      %swap3A_1401 = tpu.vector_load %arg11[%swap3A_1398, %swap3A_1399, %swap3A_1400] {strides = array<i32>} : memref<5x128x128xf32, #tpu.memory_space<vmem>>, vector<1x1x16xf32>,
      %swap3A_1402 = vector.shape_cast %swap3A_1401 : vector<1x1x16xf32> to vector<16xf32>
      %swap3A_1403 = vector.shape_cast %add3A_1333 : vector<16xf32> to vector<1x1x16xf32>
      tpu.vector_store %arg11[%swap3A_1398, %swap3A_1399, %swap3A_1400], %swap3A_1403 {add = true, strides = array<i32>} : memref<5x128x128xf32, #tpu.memory_space<vmem>>, vector<1x1x16xf32>,
      %add3A_1404 = arith.constant 0 : i32
      %add3A_1405 = arith.addi %add3A_1404, %scan3A_1284 : i32
      %swap3A_1406 = arith.constant 0 : i32
      %swap3A_1407 = arith.index_cast %swap3A_1406 : i32 to index
      %swap3A_1408 = arith.index_cast %add3A_1405 : i32 to index
      %swap3A_1409 = arith.constant 112 : index
      %swap3A_1410 = tpu.vector_load %arg11[%swap3A_1407, %swap3A_1408, %swap3A_1409] {strides = array<i32>} : memref<5x128x128xf32, #tpu.memory_space<vmem>>, vector<1x1x16xf32>,
      %swap3A_1411 = vector.shape_cast %swap3A_1410 : vector<1x1x16xf32> to vector<16xf32>
      %swap3A_1412 = vector.shape_cast %add3A_1340 : vector<16xf32> to vector<1x1x16xf32>
      tpu.vector_store %arg11[%swap3A_1407, %swap3A_1408, %swap3A_1409], %swap3A_1412 {add = true, strides = array<i32>} : memref<5x128x128xf32, #tpu.memory_space<vmem>>, vector<1x1x16xf32>,
      %add3A_1413 = arith.constant 32 : i32
      %add3A_1414 = arith.addi %add3A_1413, %scan3A_1284 : i32
      %swap3A_1415 = arith.constant 0 : i32
      %swap3A_1416 = arith.index_cast %swap3A_1415 : i32 to index
      %swap3A_1417 = arith.index_cast %add3A_1414 : i32 to index
      %swap3A_1418 = arith.constant 0 : index
      %swap3A_1419 = tpu.vector_load %arg11[%swap3A_1416, %swap3A_1417, %swap3A_1418] {strides = array<i32>} : memref<5x128x128xf32, #tpu.memory_space<vmem>>, vector<1x1x16xf32>,
      %swap3A_1420 = vector.shape_cast %swap3A_1419 : vector<1x1x16xf32> to vector<16xf32>
      %swap3A_1421 = vector.shape_cast %add3A_1291 : vector<16xf32> to vector<1x1x16xf32>
      tpu.vector_store %arg11[%swap3A_1416, %swap3A_1417, %swap3A_1418], %swap3A_1421 {add = true, strides = array<i32>} : memref<5x128x128xf32, #tpu.memory_space<vmem>>, vector<1x1x16xf32>,
      %add3A_1422 = arith.constant 32 : i32
      %add3A_1423 = arith.addi %add3A_1422, %scan3A_1284 : i32
      %swap3A_1424 = arith.constant 0 : i32
      %swap3A_1425 = arith.index_cast %swap3A_1424 : i32 to index
      %swap3A_1426 = arith.index_cast %add3A_1423 : i32 to index
      %swap3A_1427 = arith.constant 16 : index
      %swap3A_1428 = tpu.vector_load %arg11[%swap3A_1425, %swap3A_1426, %swap3A_1427] {strides = array<i32>} : memref<5x128x128xf32, #tpu.memory_space<vmem>>, vector<1x1x16xf32>,
      %swap3A_1429 = vector.shape_cast %swap3A_1428 : vector<1x1x16xf32> to vector<16xf32>
      %swap3A_1430 = vector.shape_cast %add3A_1298 : vector<16xf32> to vector<1x1x16xf32>
      tpu.vector_store %arg11[%swap3A_1425, %swap3A_1426, %swap3A_1427], %swap3A_1430 {add = true, strides = array<i32>} : memref<5x128x128xf32, #tpu.memory_space<vmem>>, vector<1x1x16xf32>,
      %add3A_1431 = arith.constant 32 : i32
      %add3A_1432 = arith.addi %add3A_1431, %scan3A_1284 : i32
      %swap3A_1433 = arith.constant 0 : i32
      %swap3A_1434 = arith.index_cast %swap3A_1433 : i32 to index
      %swap3A_1435 = arith.index_cast %add3A_1432 : i32 to index
      %swap3A_1436 = arith.constant 32 : index
      %swap3A_1437 = tpu.vector_load %arg11[%swap3A_1434, %swap3A_1435, %swap3A_1436] {strides = array<i32>} : memref<5x128x128xf32, #tpu.memory_space<vmem>>, vector<1x1x16xf32>,
      %swap3A_1438 = vector.shape_cast %swap3A_1437 : vector<1x1x16xf32> to vector<16xf32>
      %swap3A_1439 = vector.shape_cast %add3A_1305 : vector<16xf32> to vector<1x1x16xf32>
      tpu.vector_store %arg11[%swap3A_1434, %swap3A_1435, %swap3A_1436], %swap3A_1439 {add = true, strides = array<i32>} : memref<5x128x128xf32, #tpu.memory_space<vmem>>, vector<1x1x16xf32>,
      %add3A_1440 = arith.constant 32 : i32
      %add3A_1441 = arith.addi %add3A_1440, %scan3A_1284 : i32
      %swap3A_1442 = arith.constant 0 : i32
      %swap3A_1443 = arith.index_cast %swap3A_1442 : i32 to index
      %swap3A_1444 = arith.index_cast %add3A_1441 : i32 to index
      %swap3A_1445 = arith.constant 48 : index
      %swap3A_1446 = tpu.vector_load %arg11[%swap3A_1443, %swap3A_1444, %swap3A_1445] {strides = array<i32>} : memref<5x128x128xf32, #tpu.memory_space<vmem>>, vector<1x1x16xf32>,
      %swap3A_1447 = vector.shape_cast %swap3A_1446 : vector<1x1x16xf32> to vector<16xf32>
      %swap3A_1448 = vector.shape_cast %add3A_1312 : vector<16xf32> to vector<1x1x16xf32>
      tpu.vector_store %arg11[%swap3A_1443, %swap3A_1444, %swap3A_1445], %swap3A_1448 {add = true, strides = array<i32>} : memref<5x128x128xf32, #tpu.memory_space<vmem>>, vector<1x1x16xf32>,
      %add3A_1449 = arith.constant 32 : i32
      %add3A_1450 = arith.addi %add3A_1449, %scan3A_1284 : i32
      %swap3A_1451 = arith.constant 0 : i32
      %swap3A_1452 = arith.index_cast %swap3A_1451 : i32 to index
      %swap3A_1453 = arith.index_cast %add3A_1450 : i32 to index
      %swap3A_1454 = arith.constant 64 : index
      %swap3A_1455 = tpu.vector_load %arg11[%swap3A_1452, %swap3A_1453, %swap3A_1454] {strides = array<i32>} : memref<5x128x128xf32, #tpu.memory_space<vmem>>, vector<1x1x16xf32>,
      %swap3A_1456 = vector.shape_cast %swap3A_1455 : vector<1x1x16xf32> to vector<16xf32>
      %swap3A_1457 = vector.shape_cast %add3A_1319 : vector<16xf32> to vector<1x1x16xf32>
      tpu.vector_store %arg11[%swap3A_1452, %swap3A_1453, %swap3A_1454], %swap3A_1457 {add = true, strides = array<i32>} : memref<5x128x128xf32, #tpu.memory_space<vmem>>, vector<1x1x16xf32>,
      %add3A_1458 = arith.constant 32 : i32
      %add3A_1459 = arith.addi %add3A_1458, %scan3A_1284 : i32
      %swap3A_1460 = arith.constant 0 : i32
      %swap3A_1461 = arith.index_cast %swap3A_1460 : i32 to index
      %swap3A_1462 = arith.index_cast %add3A_1459 : i32 to index
      %swap3A_1463 = arith.constant 80 : index
      %swap3A_1464 = tpu.vector_load %arg11[%swap3A_1461, %swap3A_1462, %swap3A_1463] {strides = array<i32>} : memref<5x128x128xf32, #tpu.memory_space<vmem>>, vector<1x1x16xf32>,
      %swap3A_1465 = vector.shape_cast %swap3A_1464 : vector<1x1x16xf32> to vector<16xf32>
      %swap3A_1466 = vector.shape_cast %add3A_1326 : vector<16xf32> to vector<1x1x16xf32>
      tpu.vector_store %arg11[%swap3A_1461, %swap3A_1462, %swap3A_1463], %swap3A_1466 {add = true, strides = array<i32>} : memref<5x128x128xf32, #tpu.memory_space<vmem>>, vector<1x1x16xf32>,
      %add3A_1467 = arith.constant 32 : i32
      %add3A_1468 = arith.addi %add3A_1467, %scan3A_1284 : i32
      %swap3A_1469 = arith.constant 0 : i32
      %swap3A_1470 = arith.index_cast %swap3A_1469 : i32 to index
      %swap3A_1471 = arith.index_cast %add3A_1468 : i32 to index
      %swap3A_1472 = arith.constant 96 : index
      %swap3A_1473 = tpu.vector_load %arg11[%swap3A_1470, %swap3A_1471, %swap3A_1472] {strides = array<i32>} : memref<5x128x128xf32, #tpu.memory_space<vmem>>, vector<1x1x16xf32>,
      %swap3A_1474 = vector.shape_cast %swap3A_1473 : vector<1x1x16xf32> to vector<16xf32>
      %swap3A_1475 = vector.shape_cast %add3A_1333 : vector<16xf32> to vector<1x1x16xf32>
      tpu.vector_store %arg11[%swap3A_1470, %swap3A_1471, %swap3A_1472], %swap3A_1475 {add = true, strides = array<i32>} : memref<5x128x128xf32, #tpu.memory_space<vmem>>, vector<1x1x16xf32>,
      %add3A_1476 = arith.constant 32 : i32
      %add3A_1477 = arith.addi %add3A_1476, %scan3A_1284 : i32
      %swap3A_1478 = arith.constant 0 : i32
      %swap3A_1479 = arith.index_cast %swap3A_1478 : i32 to index
      %swap3A_1480 = arith.index_cast %add3A_1477 : i32 to index
      %swap3A_1481 = arith.constant 112 : index
      %swap3A_1482 = tpu.vector_load %arg11[%swap3A_1479, %swap3A_1480, %swap3A_1481] {strides = array<i32>} : memref<5x128x128xf32, #tpu.memory_space<vmem>>, vector<1x1x16xf32>,
      %swap3A_1483 = vector.shape_cast %swap3A_1482 : vector<1x1x16xf32> to vector<16xf32>
      %swap3A_1484 = vector.shape_cast %add3A_1340 : vector<16xf32> to vector<1x1x16xf32>
      tpu.vector_store %arg11[%swap3A_1479, %swap3A_1480, %swap3A_1481], %swap3A_1484 {add = true, strides = array<i32>} : memref<5x128x128xf32, #tpu.memory_space<vmem>>, vector<1x1x16xf32>,
      %add3A_1485 = arith.constant 64 : i32
      %add3A_1486 = arith.addi %add3A_1485, %scan3A_1284 : i32
      %swap3A_1487 = arith.constant 0 : i32
      %swap3A_1488 = arith.index_cast %swap3A_1487 : i32 to index
      %swap3A_1489 = arith.index_cast %add3A_1486 : i32 to index
      %swap3A_1490 = arith.constant 0 : index
      %swap3A_1491 = tpu.vector_load %arg11[%swap3A_1488, %swap3A_1489, %swap3A_1490] {strides = array<i32>} : memref<5x128x128xf32, #tpu.memory_space<vmem>>, vector<1x1x16xf32>,
      %swap3A_1492 = vector.shape_cast %swap3A_1491 : vector<1x1x16xf32> to vector<16xf32>
      %swap3A_1493 = vector.shape_cast %add3A_1291 : vector<16xf32> to vector<1x1x16xf32>
      tpu.vector_store %arg11[%swap3A_1488, %swap3A_1489, %swap3A_1490], %swap3A_1493 {add = true, strides = array<i32>} : memref<5x128x128xf32, #tpu.memory_space<vmem>>, vector<1x1x16xf32>,
      %add3A_1494 = arith.constant 64 : i32
      %add3A_1495 = arith.addi %add3A_1494, %scan3A_1284 : i32
      %swap3A_1496 = arith.constant 0 : i32
      %swap3A_1497 = arith.index_cast %swap3A_1496 : i32 to index
      %swap3A_1498 = arith.index_cast %add3A_1495 : i32 to index
      %swap3A_1499 = arith.constant 16 : index
      %swap3A_1500 = tpu.vector_load %arg11[%swap3A_1497, %swap3A_1498, %swap3A_1499] {strides = array<i32>} : memref<5x128x128xf32, #tpu.memory_space<vmem>>, vector<1x1x16xf32>,
      %swap3A_1501 = vector.shape_cast %swap3A_1500 : vector<1x1x16xf32> to vector<16xf32>
      %swap3A_1502 = vector.shape_cast %add3A_1298 : vector<16xf32> to vector<1x1x16xf32>
      tpu.vector_store %arg11[%swap3A_1497, %swap3A_1498, %swap3A_1499], %swap3A_1502 {add = true, strides = array<i32>} : memref<5x128x128xf32, #tpu.memory_space<vmem>>, vector<1x1x16xf32>,
      %add3A_1503 = arith.constant 64 : i32
      %add3A_1504 = arith.addi %add3A_1503, %scan3A_1284 : i32
      %swap3A_1505 = arith.constant 0 : i32
      %swap3A_1506 = arith.index_cast %swap3A_1505 : i32 to index
      %swap3A_1507 = arith.index_cast %add3A_1504 : i32 to index
      %swap3A_1508 = arith.constant 32 : index
      %swap3A_1509 = tpu.vector_load %arg11[%swap3A_1506, %swap3A_1507, %swap3A_1508] {strides = array<i32>} : memref<5x128x128xf32, #tpu.memory_space<vmem>>, vector<1x1x16xf32>,
      %swap3A_1510 = vector.shape_cast %swap3A_1509 : vector<1x1x16xf32> to vector<16xf32>
      %swap3A_1511 = vector.shape_cast %add3A_1305 : vector<16xf32> to vector<1x1x16xf32>
      tpu.vector_store %arg11[%swap3A_1506, %swap3A_1507, %swap3A_1508], %swap3A_1511 {add = true, strides = array<i32>} : memref<5x128x128xf32, #tpu.memory_space<vmem>>, vector<1x1x16xf32>,
      %add3A_1512 = arith.constant 64 : i32
      %add3A_1513 = arith.addi %add3A_1512, %scan3A_1284 : i32
      %swap3A_1514 = arith.constant 0 : i32
      %swap3A_1515 = arith.index_cast %swap3A_1514 : i32 to index
      %swap3A_1516 = arith.index_cast %add3A_1513 : i32 to index
      %swap3A_1517 = arith.constant 48 : index
      %swap3A_1518 = tpu.vector_load %arg11[%swap3A_1515, %swap3A_1516, %swap3A_1517] {strides = array<i32>} : memref<5x128x128xf32, #tpu.memory_space<vmem>>, vector<1x1x16xf32>,
      %swap3A_1519 = vector.shape_cast %swap3A_1518 : vector<1x1x16xf32> to vector<16xf32>
      %swap3A_1520 = vector.shape_cast %add3A_1312 : vector<16xf32> to vector<1x1x16xf32>
      tpu.vector_store %arg11[%swap3A_1515, %swap3A_1516, %swap3A_1517], %swap3A_1520 {add = true, strides = array<i32>} : memref<5x128x128xf32, #tpu.memory_space<vmem>>, vector<1x1x16xf32>,
      %add3A_1521 = arith.constant 64 : i32
      %add3A_1522 = arith.addi %add3A_1521, %scan3A_1284 : i32
      %swap3A_1523 = arith.constant 0 : i32
      %swap3A_1524 = arith.index_cast %swap3A_1523 : i32 to index
      %swap3A_1525 = arith.index_cast %add3A_1522 : i32 to index
      %swap3A_1526 = arith.constant 64 : index
      %swap3A_1527 = tpu.vector_load %arg11[%swap3A_1524, %swap3A_1525, %swap3A_1526] {strides = array<i32>} : memref<5x128x128xf32, #tpu.memory_space<vmem>>, vector<1x1x16xf32>,
      %swap3A_1528 = vector.shape_cast %swap3A_1527 : vector<1x1x16xf32> to vector<16xf32>
      %swap3A_1529 = vector.shape_cast %add3A_1319 : vector<16xf32> to vector<1x1x16xf32>
      tpu.vector_store %arg11[%swap3A_1524, %swap3A_1525, %swap3A_1526], %swap3A_1529 {add = true, strides = array<i32>} : memref<5x128x128xf32, #tpu.memory_space<vmem>>, vector<1x1x16xf32>,
      %add3A_1530 = arith.constant 64 : i32
      %add3A_1531 = arith.addi %add3A_1530, %scan3A_1284 : i32
      %swap3A_1532 = arith.constant 0 : i32
      %swap3A_1533 = arith.index_cast %swap3A_1532 : i32 to index
      %swap3A_1534 = arith.index_cast %add3A_1531 : i32 to index
      %swap3A_1535 = arith.constant 80 : index
      %swap3A_1536 = tpu.vector_load %arg11[%swap3A_1533, %swap3A_1534, %swap3A_1535] {strides = array<i32>} : memref<5x128x128xf32, #tpu.memory_space<vmem>>, vector<1x1x16xf32>,
      %swap3A_1537 = vector.shape_cast %swap3A_1536 : vector<1x1x16xf32> to vector<16xf32>
      %swap3A_1538 = vector.shape_cast %add3A_1326 : vector<16xf32> to vector<1x1x16xf32>
      tpu.vector_store %arg11[%swap3A_1533, %swap3A_1534, %swap3A_1535], %swap3A_1538 {add = true, strides = array<i32>} : memref<5x128x128xf32, #tpu.memory_space<vmem>>, vector<1x1x16xf32>,
      %add3A_1539 = arith.constant 64 : i32
      %add3A_1540 = arith.addi %add3A_1539, %scan3A_1284 : i32
      %swap3A_1541 = arith.constant 0 : i32
      %swap3A_1542 = arith.index_cast %swap3A_1541 : i32 to index
      %swap3A_1543 = arith.index_cast %add3A_1540 : i32 to index
      %swap3A_1544 = arith.constant 96 : index
      %swap3A_1545 = tpu.vector_load %arg11[%swap3A_1542, %swap3A_1543, %swap3A_1544] {strides = array<i32>} : memref<5x128x128xf32, #tpu.memory_space<vmem>>, vector<1x1x16xf32>,
      %swap3A_1546 = vector.shape_cast %swap3A_1545 : vector<1x1x16xf32> to vector<16xf32>
      %swap3A_1547 = vector.shape_cast %add3A_1333 : vector<16xf32> to vector<1x1x16xf32>
      tpu.vector_store %arg11[%swap3A_1542, %swap3A_1543, %swap3A_1544], %swap3A_1547 {add = true, strides = array<i32>} : memref<5x128x128xf32, #tpu.memory_space<vmem>>, vector<1x1x16xf32>,
      %add3A_1548 = arith.constant 64 : i32
      %add3A_1549 = arith.addi %add3A_1548, %scan3A_1284 : i32
      %swap3A_1550 = arith.constant 0 : i32
      %swap3A_1551 = arith.index_cast %swap3A_1550 : i32 to index
      %swap3A_1552 = arith.index_cast %add3A_1549 : i32 to index
      %swap3A_1553 = arith.constant 112 : index
      %swap3A_1554 = tpu.vector_load %arg11[%swap3A_1551, %swap3A_1552, %swap3A_1553] {strides = array<i32>} : memref<5x128x128xf32, #tpu.memory_space<vmem>>, vector<1x1x16xf32>,
      %swap3A_1555 = vector.shape_cast %swap3A_1554 : vector<1x1x16xf32> to vector<16xf32>
      %swap3A_1556 = vector.shape_cast %add3A_1340 : vector<16xf32> to vector<1x1x16xf32>
      tpu.vector_store %arg11[%swap3A_1551, %swap3A_1552, %swap3A_1553], %swap3A_1556 {add = true, strides = array<i32>} : memref<5x128x128xf32, #tpu.memory_space<vmem>>, vector<1x1x16xf32>,
      %add3A_1557 = arith.constant 96 : i32
      %add3A_1558 = arith.addi %add3A_1557, %scan3A_1284 : i32
      %swap3A_1559 = arith.constant 0 : i32
      %swap3A_1560 = arith.index_cast %swap3A_1559 : i32 to index
      %swap3A_1561 = arith.index_cast %add3A_1558 : i32 to index
      %swap3A_1562 = arith.constant 0 : index
      %swap3A_1563 = tpu.vector_load %arg11[%swap3A_1560, %swap3A_1561, %swap3A_1562] {strides = array<i32>} : memref<5x128x128xf32, #tpu.memory_space<vmem>>, vector<1x1x16xf32>,
      %swap3A_1564 = vector.shape_cast %swap3A_1563 : vector<1x1x16xf32> to vector<16xf32>
      %swap3A_1565 = vector.shape_cast %add3A_1291 : vector<16xf32> to vector<1x1x16xf32>
      tpu.vector_store %arg11[%swap3A_1560, %swap3A_1561, %swap3A_1562], %swap3A_1565 {add = true, strides = array<i32>} : memref<5x128x128xf32, #tpu.memory_space<vmem>>, vector<1x1x16xf32>,
      %add3A_1566 = arith.constant 96 : i32
      %add3A_1567 = arith.addi %add3A_1566, %scan3A_1284 : i32
      %swap3A_1568 = arith.constant 0 : i32
      %swap3A_1569 = arith.index_cast %swap3A_1568 : i32 to index
      %swap3A_1570 = arith.index_cast %add3A_1567 : i32 to index
      %swap3A_1571 = arith.constant 16 : index
      %swap3A_1572 = tpu.vector_load %arg11[%swap3A_1569, %swap3A_1570, %swap3A_1571] {strides = array<i32>} : memref<5x128x128xf32, #tpu.memory_space<vmem>>, vector<1x1x16xf32>,
      %swap3A_1573 = vector.shape_cast %swap3A_1572 : vector<1x1x16xf32> to vector<16xf32>
      %swap3A_1574 = vector.shape_cast %add3A_1298 : vector<16xf32> to vector<1x1x16xf32>
      tpu.vector_store %arg11[%swap3A_1569, %swap3A_1570, %swap3A_1571], %swap3A_1574 {add = true, strides = array<i32>} : memref<5x128x128xf32, #tpu.memory_space<vmem>>, vector<1x1x16xf32>,
      %add3A_1575 = arith.constant 96 : i32
      %add3A_1576 = arith.addi %add3A_1575, %scan3A_1284 : i32
      %swap3A_1577 = arith.constant 0 : i32
      %swap3A_1578 = arith.index_cast %swap3A_1577 : i32 to index
      %swap3A_1579 = arith.index_cast %add3A_1576 : i32 to index
      %swap3A_1580 = arith.constant 32 : index
      %swap3A_1581 = tpu.vector_load %arg11[%swap3A_1578, %swap3A_1579, %swap3A_1580] {strides = array<i32>} : memref<5x128x128xf32, #tpu.memory_space<vmem>>, vector<1x1x16xf32>,
      %swap3A_1582 = vector.shape_cast %swap3A_1581 : vector<1x1x16xf32> to vector<16xf32>
      %swap3A_1583 = vector.shape_cast %add3A_1305 : vector<16xf32> to vector<1x1x16xf32>
      tpu.vector_store %arg11[%swap3A_1578, %swap3A_1579, %swap3A_1580], %swap3A_1583 {add = true, strides = array<i32>} : memref<5x128x128xf32, #tpu.memory_space<vmem>>, vector<1x1x16xf32>,
      %add3A_1584 = arith.constant 96 : i32
      %add3A_1585 = arith.addi %add3A_1584, %scan3A_1284 : i32
      %swap3A_1586 = arith.constant 0 : i32
      %swap3A_1587 = arith.index_cast %swap3A_1586 : i32 to index
      %swap3A_1588 = arith.index_cast %add3A_1585 : i32 to index
      %swap3A_1589 = arith.constant 48 : index
      %swap3A_1590 = tpu.vector_load %arg11[%swap3A_1587, %swap3A_1588, %swap3A_1589] {strides = array<i32>} : memref<5x128x128xf32, #tpu.memory_space<vmem>>, vector<1x1x16xf32>,
      %swap3A_1591 = vector.shape_cast %swap3A_1590 : vector<1x1x16xf32> to vector<16xf32>
      %swap3A_1592 = vector.shape_cast %add3A_1312 : vector<16xf32> to vector<1x1x16xf32>
      tpu.vector_store %arg11[%swap3A_1587, %swap3A_1588, %swap3A_1589], %swap3A_1592 {add = true, strides = array<i32>} : memref<5x128x128xf32, #tpu.memory_space<vmem>>, vector<1x1x16xf32>,
      %add3A_1593 = arith.constant 96 : i32
      %add3A_1594 = arith.addi %add3A_1593, %scan3A_1284 : i32
      %swap3A_1595 = arith.constant 0 : i32
      %swap3A_1596 = arith.index_cast %swap3A_1595 : i32 to index
      %swap3A_1597 = arith.index_cast %add3A_1594 : i32 to index
      %swap3A_1598 = arith.constant 64 : index
      %swap3A_1599 = tpu.vector_load %arg11[%swap3A_1596, %swap3A_1597, %swap3A_1598] {strides = array<i32>} : memref<5x128x128xf32, #tpu.memory_space<vmem>>, vector<1x1x16xf32>,
      %swap3A_1600 = vector.shape_cast %swap3A_1599 : vector<1x1x16xf32> to vector<16xf32>
      %swap3A_1601 = vector.shape_cast %add3A_1319 : vector<16xf32> to vector<1x1x16xf32>
      tpu.vector_store %arg11[%swap3A_1596, %swap3A_1597, %swap3A_1598], %swap3A_1601 {add = true, strides = array<i32>} : memref<5x128x128xf32, #tpu.memory_space<vmem>>, vector<1x1x16xf32>,
      %add3A_1602 = arith.constant 96 : i32
      %add3A_1603 = arith.addi %add3A_1602, %scan3A_1284 : i32
      %swap3A_1604 = arith.constant 0 : i32
      %swap3A_1605 = arith.index_cast %swap3A_1604 : i32 to index
      %swap3A_1606 = arith.index_cast %add3A_1603 : i32 to index
      %swap3A_1607 = arith.constant 80 : index
      %swap3A_1608 = tpu.vector_load %arg11[%swap3A_1605, %swap3A_1606, %swap3A_1607] {strides = array<i32>} : memref<5x128x128xf32, #tpu.memory_space<vmem>>, vector<1x1x16xf32>,
      %swap3A_1609 = vector.shape_cast %swap3A_1608 : vector<1x1x16xf32> to vector<16xf32>
      %swap3A_1610 = vector.shape_cast %add3A_1326 : vector<16xf32> to vector<1x1x16xf32>
      tpu.vector_store %arg11[%swap3A_1605, %swap3A_1606, %swap3A_1607], %swap3A_1610 {add = true, strides = array<i32>} : memref<5x128x128xf32, #tpu.memory_space<vmem>>, vector<1x1x16xf32>,
      %add3A_1611 = arith.constant 96 : i32
      %add3A_1612 = arith.addi %add3A_1611, %scan3A_1284 : i32
      %swap3A_1613 = arith.constant 0 : i32
      %swap3A_1614 = arith.index_cast %swap3A_1613 : i32 to index
      %swap3A_1615 = arith.index_cast %add3A_1612 : i32 to index
      %swap3A_1616 = arith.constant 96 : index
      %swap3A_1617 = tpu.vector_load %arg11[%swap3A_1614, %swap3A_1615, %swap3A_1616] {strides = array<i32>} : memref<5x128x128xf32, #tpu.memory_space<vmem>>, vector<1x1x16xf32>,
      %swap3A_1618 = vector.shape_cast %swap3A_1617 : vector<1x1x16xf32> to vector<16xf32>
      %swap3A_1619 = vector.shape_cast %add3A_1333 : vector<16xf32> to vector<1x1x16xf32>
      tpu.vector_store %arg11[%swap3A_1614, %swap3A_1615, %swap3A_1616], %swap3A_1619 {add = true, strides = array<i32>} : memref<5x128x128xf32, #tpu.memory_space<vmem>>, vector<1x1x16xf32>,
      %add3A_1620 = arith.constant 96 : i32
      %add3A_1621 = arith.addi %add3A_1620, %scan3A_1284 : i32
      %swap3A_1622 = arith.constant 0 : i32
      %swap3A_1623 = arith.index_cast %swap3A_1622 : i32 to index
      %swap3A_1624 = arith.index_cast %add3A_1621 : i32 to index
      %swap3A_1625 = arith.constant 112 : index
      %swap3A_1626 = tpu.vector_load %arg11[%swap3A_1623, %swap3A_1624, %swap3A_1625] {strides = array<i32>} : memref<5x128x128xf32, #tpu.memory_space<vmem>>, vector<1x1x16xf32>,
      %swap3A_1627 = vector.shape_cast %swap3A_1626 : vector<1x1x16xf32> to vector<16xf32>
      %swap3A_1628 = vector.shape_cast %add3A_1340 : vector<16xf32> to vector<1x1x16xf32>
      tpu.vector_store %arg11[%swap3A_1623, %swap3A_1624, %swap3A_1625], %swap3A_1628 {add = true, strides = array<i32>} : memref<5x128x128xf32, #tpu.memory_space<vmem>>, vector<1x1x16xf32>,
    }
    %scan3A_1105 = arith.constant 32 : i32
    %add3A_1106 = arith.constant 160 : i32
    %add3A_1107 = arith.addi %mul3A_2, %add3A_1106 : i32
    %dma_start3A_1108 = arith.constant 0 : i32
    %dma_start3A_1109 = arith.constant 0 : i32
    %dma_start3A_1110 = arith.constant 0 : i32
    %dma_start3A_1111 = tpu.memref_slice %arg11[%dma_start3A_1108, %dma_start3A_1109, %dma_start3A_1110] : memref<5x128x128xf32, #tpu.memory_space<vmem>> -> memref<1x128x128xf32, #tpu.memory_space<vmem>>
    %dma_start3A_1112 = tpu.memref_squeeze %dma_start3A_1111 : memref<1x128x128xf32, #tpu.memory_space<vmem>> -> memref<128x128xf32, #tpu.memory_space<vmem>>
    %dma_start3A_1113 = tpu.memref_reshape %dma_start3A_1112 : memref<128x128xf32, #tpu.memory_space<vmem>> -> memref<4x32x128xf32, #tpu.memory_space<vmem>>
    %dma_start3A_1114 = arith.constant 0 : i32
    %dma_start3A_1115 = arith.constant 0 : i32
    %dma_start3A_1116 = tpu.memref_slice %arg6[%dma_start3A_1114, %add3A_1107, %dma_start3A_1115] : memref<4x8192x128xf32, #tpu.memory_space<hbm>> -> memref<4x32x128xf32, #tpu.memory_space<hbm>>
    %dma_start3A_1117 = arith.constant 0 : i32
    %dma_start3A_1118 = arith.constant 0 : i32
    %dma_start3A_1119 = tpu.memref_slice %arg6[%dma_start3A_1117, %add3A_1107, %dma_start3A_1118] : memref<4x8192x128xf32, #tpu.memory_space<hbm>> -> memref<4x32x128xf32, #tpu.memory_space<hbm>>
    %dma_start3A_1120 = arith.constant 0 : i32
    %dma_start3A_1121 = arith.constant 0 : i32
    %dma_start3A_1122 = tpu.memref_slice %arg11[%dma_start3A_1108, %dma_start3A_1120, %dma_start3A_1121] : memref<5x128x128xf32, #tpu.memory_space<vmem>> -> memref<1x128x128xf32, #tpu.memory_space<vmem>>
    %dma_start3A_1123 = tpu.memref_squeeze %dma_start3A_1122 : memref<1x128x128xf32, #tpu.memory_space<vmem>> -> memref<128x128xf32, #tpu.memory_space<vmem>>
    %dma_start3A_1124 = tpu.memref_reshape %dma_start3A_1123 : memref<128x128xf32, #tpu.memory_space<vmem>> -> memref<4x32x128xf32, #tpu.memory_space<vmem>>
    tpu.enqueue_dma source(%dma_start3A_1124 : memref<4x32x128xf32, #tpu.memory_space<vmem>>) target(%dma_start3A_1119 : memref<4x32x128xf32, #tpu.memory_space<hbm>>) target_semaphore(%arg19 : memref<!tpu.dma_semaphore, #tpu.memory_space<semaphore_mem>>)
    %dma_wait3A_1125 = arith.constant 6 : i32
    %dma_wait3A_1126 = arith.constant 1 : i32
    %dma_wait3A_1127 = arith.constant 0 : i32
    %dma_wait3A_1128 = arith.constant 0 : i32
    %dma_wait3A_1129 = tpu.memref_slice %arg11[%dma_wait3A_1126, %dma_wait3A_1127, %dma_wait3A_1128] : memref<5x128x128xf32, #tpu.memory_space<vmem>> -> memref<1x128x128xf32, #tpu.memory_space<vmem>>
    %dma_wait3A_1130 = tpu.memref_squeeze %dma_wait3A_1129 : memref<1x128x128xf32, #tpu.memory_space<vmem>> -> memref<128x128xf32, #tpu.memory_space<vmem>>
    %dma_wait3A_1131 = arith.constant 0 : i32
    %dma_wait3A_1132 = tpu.memref_slice %arg8[%dma_wait3A_1125, %dma_wait3A_1131] : memref<8x128xi32, #tpu.memory_space<vmem>> -> memref<1x128xi32, #tpu.memory_space<vmem>>
    %dma_wait3A_1133 = tpu.memref_squeeze %dma_wait3A_1132 : memref<1x128xi32, #tpu.memory_space<vmem>> -> memref<128xi32, #tpu.memory_space<vmem>>
    %dma_wait3A_1134 = arith.constant 0 : i32
    %dma_wait3A_1135 = arith.constant 0 : i32
    %dma_wait3A_1136 = tpu.memref_slice %arg3[%dma_wait3A_1134, %dma_wait3A_1135] : memref<100000x128xf32, #tpu.memory_space<hbm>> -> memref<100000x128xf32, #tpu.memory_space<hbm>>
    tpu.wait_indirect_dma semaphore(%arg15 : memref<!tpu.dma_semaphore, #tpu.memory_space<semaphore_mem>>) src(%dma_wait3A_1136 : memref<100000x128xf32, #tpu.memory_space<hbm>>) dst(%dma_wait3A_1130 : memref<128x128xf32, #tpu.memory_space<vmem>>)
    %scan3A_1137 = arith.constant 0 : i32
    %scan3A_1138 = arith.constant 0 : i32
    %scan3A_1139 = arith.constant 32 : i32
    %scan3A_1140 = arith.addi %scan3A_1138, %scan3A_1139 : i32
    %scan3A_1141 = arith.constant 1 : i32
    scf.for %scan3A_1284 = %scan3A_1138 to %scan3A_1140 step %scan3A_1141  : i32 {
      %add3A_1285 = arith.constant 192 : i32
      %add3A_1286 = arith.addi %add3A_1285, %scan3A_1284 : i32
      %get3A_1287 = arith.index_cast %add3A_1286 : i32 to index
      %get3A_1288 = arith.constant 0 : index
      %get3A_1289 = tpu.vector_load %arg10[%get3A_1287, %get3A_1288] {strides = array<i32>} : memref<256x128xf32, #tpu.memory_space<vmem>>, vector<1x16xf32>,
      %get3A_1290 = vector.shape_cast %get3A_1289 : vector<1x16xf32> to vector<16xf32>
      %add3A_1291 = arith.addf %get3A_1290, %get3A_783 : vector<16xf32>
      %add3A_1292 = arith.constant 192 : i32
      %add3A_1293 = arith.addi %add3A_1292, %scan3A_1284 : i32
      %get3A_1294 = arith.index_cast %add3A_1293 : i32 to index
      %get3A_1295 = arith.constant 16 : index
      %get3A_1296 = tpu.vector_load %arg10[%get3A_1294, %get3A_1295] {strides = array<i32>} : memref<256x128xf32, #tpu.memory_space<vmem>>, vector<1x16xf32>,
      %get3A_1297 = vector.shape_cast %get3A_1296 : vector<1x16xf32> to vector<16xf32>
      %add3A_1298 = arith.addf %get3A_1297, %get3A_786 : vector<16xf32>
      %add3A_1299 = arith.constant 192 : i32
      %add3A_1300 = arith.addi %add3A_1299, %scan3A_1284 : i32
      %get3A_1301 = arith.index_cast %add3A_1300 : i32 to index
      %get3A_1302 = arith.constant 32 : index
      %get3A_1303 = tpu.vector_load %arg10[%get3A_1301, %get3A_1302] {strides = array<i32>} : memref<256x128xf32, #tpu.memory_space<vmem>>, vector<1x16xf32>,
      %get3A_1304 = vector.shape_cast %get3A_1303 : vector<1x16xf32> to vector<16xf32>
      %add3A_1305 = arith.addf %get3A_1304, %get3A_789 : vector<16xf32>
      %add3A_1306 = arith.constant 192 : i32
      %add3A_1307 = arith.addi %add3A_1306, %scan3A_1284 : i32
      %get3A_1308 = arith.index_cast %add3A_1307 : i32 to index
      %get3A_1309 = arith.constant 48 : index
      %get3A_1310 = tpu.vector_load %arg10[%get3A_1308, %get3A_1309] {strides = array<i32>} : memref<256x128xf32, #tpu.memory_space<vmem>>, vector<1x16xf32>,
      %get3A_1311 = vector.shape_cast %get3A_1310 : vector<1x16xf32> to vector<16xf32>
      %add3A_1312 = arith.addf %get3A_1311, %get3A_792 : vector<16xf32>
      %add3A_1313 = arith.constant 192 : i32
      %add3A_1314 = arith.addi %add3A_1313, %scan3A_1284 : i32
      %get3A_1315 = arith.index_cast %add3A_1314 : i32 to index
      %get3A_1316 = arith.constant 64 : index
      %get3A_1317 = tpu.vector_load %arg10[%get3A_1315, %get3A_1316] {strides = array<i32>} : memref<256x128xf32, #tpu.memory_space<vmem>>, vector<1x16xf32>,
      %get3A_1318 = vector.shape_cast %get3A_1317 : vector<1x16xf32> to vector<16xf32>
      %add3A_1319 = arith.addf %get3A_1318, %get3A_795 : vector<16xf32>
      %add3A_1320 = arith.constant 192 : i32
      %add3A_1321 = arith.addi %add3A_1320, %scan3A_1284 : i32
      %get3A_1322 = arith.index_cast %add3A_1321 : i32 to index
      %get3A_1323 = arith.constant 80 : index
      %get3A_1324 = tpu.vector_load %arg10[%get3A_1322, %get3A_1323] {strides = array<i32>} : memref<256x128xf32, #tpu.memory_space<vmem>>, vector<1x16xf32>,
      %get3A_1325 = vector.shape_cast %get3A_1324 : vector<1x16xf32> to vector<16xf32>
      %add3A_1326 = arith.addf %get3A_1325, %get3A_798 : vector<16xf32>
      %add3A_1327 = arith.constant 192 : i32
      %add3A_1328 = arith.addi %add3A_1327, %scan3A_1284 : i32
      %get3A_1329 = arith.index_cast %add3A_1328 : i32 to index
      %get3A_1330 = arith.constant 96 : index
      %get3A_1331 = tpu.vector_load %arg10[%get3A_1329, %get3A_1330] {strides = array<i32>} : memref<256x128xf32, #tpu.memory_space<vmem>>, vector<1x16xf32>,
      %get3A_1332 = vector.shape_cast %get3A_1331 : vector<1x16xf32> to vector<16xf32>
      %add3A_1333 = arith.addf %get3A_1332, %get3A_801 : vector<16xf32>
      %add3A_1334 = arith.constant 192 : i32
      %add3A_1335 = arith.addi %add3A_1334, %scan3A_1284 : i32
      %get3A_1336 = arith.index_cast %add3A_1335 : i32 to index
      %get3A_1337 = arith.constant 112 : index
      %get3A_1338 = tpu.vector_load %arg10[%get3A_1336, %get3A_1337] {strides = array<i32>} : memref<256x128xf32, #tpu.memory_space<vmem>>, vector<1x16xf32>,
      %get3A_1339 = vector.shape_cast %get3A_1338 : vector<1x16xf32> to vector<16xf32>
      %add3A_1340 = arith.addf %get3A_1339, %get3A_804 : vector<16xf32>
      %add3A_1341 = arith.constant 0 : i32
      %add3A_1342 = arith.addi %add3A_1341, %scan3A_1284 : i32
      %swap3A_1343 = arith.constant 1 : i32
      %swap3A_1344 = arith.index_cast %swap3A_1343 : i32 to index
      %swap3A_1345 = arith.index_cast %add3A_1342 : i32 to index
      %swap3A_1346 = arith.constant 0 : index
      %swap3A_1347 = tpu.vector_load %arg11[%swap3A_1344, %swap3A_1345, %swap3A_1346] {strides = array<i32>} : memref<5x128x128xf32, #tpu.memory_space<vmem>>, vector<1x1x16xf32>,
      %swap3A_1348 = vector.shape_cast %swap3A_1347 : vector<1x1x16xf32> to vector<16xf32>
      %swap3A_1349 = vector.shape_cast %add3A_1291 : vector<16xf32> to vector<1x1x16xf32>
      tpu.vector_store %arg11[%swap3A_1344, %swap3A_1345, %swap3A_1346], %swap3A_1349 {add = true, strides = array<i32>} : memref<5x128x128xf32, #tpu.memory_space<vmem>>, vector<1x1x16xf32>,
      %add3A_1350 = arith.constant 0 : i32
      %add3A_1351 = arith.addi %add3A_1350, %scan3A_1284 : i32
      %swap3A_1352 = arith.constant 1 : i32
      %swap3A_1353 = arith.index_cast %swap3A_1352 : i32 to index
      %swap3A_1354 = arith.index_cast %add3A_1351 : i32 to index
      %swap3A_1355 = arith.constant 16 : index
      %swap3A_1356 = tpu.vector_load %arg11[%swap3A_1353, %swap3A_1354, %swap3A_1355] {strides = array<i32>} : memref<5x128x128xf32, #tpu.memory_space<vmem>>, vector<1x1x16xf32>,
      %swap3A_1357 = vector.shape_cast %swap3A_1356 : vector<1x1x16xf32> to vector<16xf32>
      %swap3A_1358 = vector.shape_cast %add3A_1298 : vector<16xf32> to vector<1x1x16xf32>
      tpu.vector_store %arg11[%swap3A_1353, %swap3A_1354, %swap3A_1355], %swap3A_1358 {add = true, strides = array<i32>} : memref<5x128x128xf32, #tpu.memory_space<vmem>>, vector<1x1x16xf32>,
      %add3A_1359 = arith.constant 0 : i32
      %add3A_1360 = arith.addi %add3A_1359, %scan3A_1284 : i32
      %swap3A_1361 = arith.constant 1 : i32
      %swap3A_1362 = arith.index_cast %swap3A_1361 : i32 to index
      %swap3A_1363 = arith.index_cast %add3A_1360 : i32 to index
      %swap3A_1364 = arith.constant 32 : index
      %swap3A_1365 = tpu.vector_load %arg11[%swap3A_1362, %swap3A_1363, %swap3A_1364] {strides = array<i32>} : memref<5x128x128xf32, #tpu.memory_space<vmem>>, vector<1x1x16xf32>,
      %swap3A_1366 = vector.shape_cast %swap3A_1365 : vector<1x1x16xf32> to vector<16xf32>
      %swap3A_1367 = vector.shape_cast %add3A_1305 : vector<16xf32> to vector<1x1x16xf32>
      tpu.vector_store %arg11[%swap3A_1362, %swap3A_1363, %swap3A_1364], %swap3A_1367 {add = true, strides = array<i32>} : memref<5x128x128xf32, #tpu.memory_space<vmem>>, vector<1x1x16xf32>,
      %add3A_1368 = arith.constant 0 : i32
      %add3A_1369 = arith.addi %add3A_1368, %scan3A_1284 : i32
      %swap3A_1370 = arith.constant 1 : i32
      %swap3A_1371 = arith.index_cast %swap3A_1370 : i32 to index
      %swap3A_1372 = arith.index_cast %add3A_1369 : i32 to index
      %swap3A_1373 = arith.constant 48 : index
      %swap3A_1374 = tpu.vector_load %arg11[%swap3A_1371, %swap3A_1372, %swap3A_1373] {strides = array<i32>} : memref<5x128x128xf32, #tpu.memory_space<vmem>>, vector<1x1x16xf32>,
      %swap3A_1375 = vector.shape_cast %swap3A_1374 : vector<1x1x16xf32> to vector<16xf32>
      %swap3A_1376 = vector.shape_cast %add3A_1312 : vector<16xf32> to vector<1x1x16xf32>
      tpu.vector_store %arg11[%swap3A_1371, %swap3A_1372, %swap3A_1373], %swap3A_1376 {add = true, strides = array<i32>} : memref<5x128x128xf32, #tpu.memory_space<vmem>>, vector<1x1x16xf32>,
      %add3A_1377 = arith.constant 0 : i32
      %add3A_1378 = arith.addi %add3A_1377, %scan3A_1284 : i32
      %swap3A_1379 = arith.constant 1 : i32
      %swap3A_1380 = arith.index_cast %swap3A_1379 : i32 to index
      %swap3A_1381 = arith.index_cast %add3A_1378 : i32 to index
      %swap3A_1382 = arith.constant 64 : index
      %swap3A_1383 = tpu.vector_load %arg11[%swap3A_1380, %swap3A_1381, %swap3A_1382] {strides = array<i32>} : memref<5x128x128xf32, #tpu.memory_space<vmem>>, vector<1x1x16xf32>,
      %swap3A_1384 = vector.shape_cast %swap3A_1383 : vector<1x1x16xf32> to vector<16xf32>
      %swap3A_1385 = vector.shape_cast %add3A_1319 : vector<16xf32> to vector<1x1x16xf32>
      tpu.vector_store %arg11[%swap3A_1380, %swap3A_1381, %swap3A_1382], %swap3A_1385 {add = true, strides = array<i32>} : memref<5x128x128xf32, #tpu.memory_space<vmem>>, vector<1x1x16xf32>,
      %add3A_1386 = arith.constant 0 : i32
      %add3A_1387 = arith.addi %add3A_1386, %scan3A_1284 : i32
      %swap3A_1388 = arith.constant 1 : i32
      %swap3A_1389 = arith.index_cast %swap3A_1388 : i32 to index
      %swap3A_1390 = arith.index_cast %add3A_1387 : i32 to index
      %swap3A_1391 = arith.constant 80 : index
      %swap3A_1392 = tpu.vector_load %arg11[%swap3A_1389, %swap3A_1390, %swap3A_1391] {strides = array<i32>} : memref<5x128x128xf32, #tpu.memory_space<vmem>>, vector<1x1x16xf32>,
      %swap3A_1393 = vector.shape_cast %swap3A_1392 : vector<1x1x16xf32> to vector<16xf32>
      %swap3A_1394 = vector.shape_cast %add3A_1326 : vector<16xf32> to vector<1x1x16xf32>
      tpu.vector_store %arg11[%swap3A_1389, %swap3A_1390, %swap3A_1391], %swap3A_1394 {add = true, strides = array<i32>} : memref<5x128x128xf32, #tpu.memory_space<vmem>>, vector<1x1x16xf32>,
      %add3A_1395 = arith.constant 0 : i32
      %add3A_1396 = arith.addi %add3A_1395, %scan3A_1284 : i32
      %swap3A_1397 = arith.constant 1 : i32
      %swap3A_1398 = arith.index_cast %swap3A_1397 : i32 to index
      %swap3A_1399 = arith.index_cast %add3A_1396 : i32 to index
      %swap3A_1400 = arith.constant 96 : index
      %swap3A_1401 = tpu.vector_load %arg11[%swap3A_1398, %swap3A_1399, %swap3A_1400] {strides = array<i32>} : memref<5x128x128xf32, #tpu.memory_space<vmem>>, vector<1x1x16xf32>,
      %swap3A_1402 = vector.shape_cast %swap3A_1401 : vector<1x1x16xf32> to vector<16xf32>
      %swap3A_1403 = vector.shape_cast %add3A_1333 : vector<16xf32> to vector<1x1x16xf32>
      tpu.vector_store %arg11[%swap3A_1398, %swap3A_1399, %swap3A_1400], %swap3A_1403 {add = true, strides = array<i32>} : memref<5x128x128xf32, #tpu.memory_space<vmem>>, vector<1x1x16xf32>,
      %add3A_1404 = arith.constant 0 : i32
      %add3A_1405 = arith.addi %add3A_1404, %scan3A_1284 : i32
      %swap3A_1406 = arith.constant 1 : i32
      %swap3A_1407 = arith.index_cast %swap3A_1406 : i32 to index
      %swap3A_1408 = arith.index_cast %add3A_1405 : i32 to index
      %swap3A_1409 = arith.constant 112 : index
      %swap3A_1410 = tpu.vector_load %arg11[%swap3A_1407, %swap3A_1408, %swap3A_1409] {strides = array<i32>} : memref<5x128x128xf32, #tpu.memory_space<vmem>>, vector<1x1x16xf32>,
      %swap3A_1411 = vector.shape_cast %swap3A_1410 : vector<1x1x16xf32> to vector<16xf32>
      %swap3A_1412 = vector.shape_cast %add3A_1340 : vector<16xf32> to vector<1x1x16xf32>
      tpu.vector_store %arg11[%swap3A_1407, %swap3A_1408, %swap3A_1409], %swap3A_1412 {add = true, strides = array<i32>} : memref<5x128x128xf32, #tpu.memory_space<vmem>>, vector<1x1x16xf32>,
      %add3A_1413 = arith.constant 32 : i32
      %add3A_1414 = arith.addi %add3A_1413, %scan3A_1284 : i32
      %swap3A_1415 = arith.constant 1 : i32
      %swap3A_1416 = arith.index_cast %swap3A_1415 : i32 to index
      %swap3A_1417 = arith.index_cast %add3A_1414 : i32 to index
      %swap3A_1418 = arith.constant 0 : index
      %swap3A_1419 = tpu.vector_load %arg11[%swap3A_1416, %swap3A_1417, %swap3A_1418] {strides = array<i32>} : memref<5x128x128xf32, #tpu.memory_space<vmem>>, vector<1x1x16xf32>,
      %swap3A_1420 = vector.shape_cast %swap3A_1419 : vector<1x1x16xf32> to vector<16xf32>
      %swap3A_1421 = vector.shape_cast %add3A_1291 : vector<16xf32> to vector<1x1x16xf32>
      tpu.vector_store %arg11[%swap3A_1416, %swap3A_1417, %swap3A_1418], %swap3A_1421 {add = true, strides = array<i32>} : memref<5x128x128xf32, #tpu.memory_space<vmem>>, vector<1x1x16xf32>,
      %add3A_1422 = arith.constant 32 : i32
      %add3A_1423 = arith.addi %add3A_1422, %scan3A_1284 : i32
      %swap3A_1424 = arith.constant 1 : i32
      %swap3A_1425 = arith.index_cast %swap3A_1424 : i32 to index
      %swap3A_1426 = arith.index_cast %add3A_1423 : i32 to index
      %swap3A_1427 = arith.constant 16 : index
      %swap3A_1428 = tpu.vector_load %arg11[%swap3A_1425, %swap3A_1426, %swap3A_1427] {strides = array<i32>} : memref<5x128x128xf32, #tpu.memory_space<vmem>>, vector<1x1x16xf32>,
      %swap3A_1429 = vector.shape_cast %swap3A_1428 : vector<1x1x16xf32> to vector<16xf32>
      %swap3A_1430 = vector.shape_cast %add3A_1298 : vector<16xf32> to vector<1x1x16xf32>
      tpu.vector_store %arg11[%swap3A_1425, %swap3A_1426, %swap3A_1427], %swap3A_1430 {add = true, strides = array<i32>} : memref<5x128x128xf32, #tpu.memory_space<vmem>>, vector<1x1x16xf32>,
      %add3A_1431 = arith.constant 32 : i32
      %add3A_1432 = arith.addi %add3A_1431, %scan3A_1284 : i32
      %swap3A_1433 = arith.constant 1 : i32
      %swap3A_1434 = arith.index_cast %swap3A_1433 : i32 to index
      %swap3A_1435 = arith.index_cast %add3A_1432 : i32 to index
      %swap3A_1436 = arith.constant 32 : index
      %swap3A_1437 = tpu.vector_load %arg11[%swap3A_1434, %swap3A_1435, %swap3A_1436] {strides = array<i32>} : memref<5x128x128xf32, #tpu.memory_space<vmem>>, vector<1x1x16xf32>,
      %swap3A_1438 = vector.shape_cast %swap3A_1437 : vector<1x1x16xf32> to vector<16xf32>
      %swap3A_1439 = vector.shape_cast %add3A_1305 : vector<16xf32> to vector<1x1x16xf32>
      tpu.vector_store %arg11[%swap3A_1434, %swap3A_1435, %swap3A_1436], %swap3A_1439 {add = true, strides = array<i32>} : memref<5x128x128xf32, #tpu.memory_space<vmem>>, vector<1x1x16xf32>,
      %add3A_1440 = arith.constant 32 : i32
      %add3A_1441 = arith.addi %add3A_1440, %scan3A_1284 : i32
      %swap3A_1442 = arith.constant 1 : i32
      %swap3A_1443 = arith.index_cast %swap3A_1442 : i32 to index
      %swap3A_1444 = arith.index_cast %add3A_1441 : i32 to index
      %swap3A_1445 = arith.constant 48 : index
      %swap3A_1446 = tpu.vector_load %arg11[%swap3A_1443, %swap3A_1444, %swap3A_1445] {strides = array<i32>} : memref<5x128x128xf32, #tpu.memory_space<vmem>>, vector<1x1x16xf32>,
      %swap3A_1447 = vector.shape_cast %swap3A_1446 : vector<1x1x16xf32> to vector<16xf32>
      %swap3A_1448 = vector.shape_cast %add3A_1312 : vector<16xf32> to vector<1x1x16xf32>
      tpu.vector_store %arg11[%swap3A_1443, %swap3A_1444, %swap3A_1445], %swap3A_1448 {add = true, strides = array<i32>} : memref<5x128x128xf32, #tpu.memory_space<vmem>>, vector<1x1x16xf32>,
      %add3A_1449 = arith.constant 32 : i32
      %add3A_1450 = arith.addi %add3A_1449, %scan3A_1284 : i32
      %swap3A_1451 = arith.constant 1 : i32
      %swap3A_1452 = arith.index_cast %swap3A_1451 : i32 to index
      %swap3A_1453 = arith.index_cast %add3A_1450 : i32 to index
      %swap3A_1454 = arith.constant 64 : index
      %swap3A_1455 = tpu.vector_load %arg11[%swap3A_1452, %swap3A_1453, %swap3A_1454] {strides = array<i32>} : memref<5x128x128xf32, #tpu.memory_space<vmem>>, vector<1x1x16xf32>,
      %swap3A_1456 = vector.shape_cast %swap3A_1455 : vector<1x1x16xf32> to vector<16xf32>
      %swap3A_1457 = vector.shape_cast %add3A_1319 : vector<16xf32> to vector<1x1x16xf32>
      tpu.vector_store %arg11[%swap3A_1452, %swap3A_1453, %swap3A_1454], %swap3A_1457 {add = true, strides = array<i32>} : memref<5x128x128xf32, #tpu.memory_space<vmem>>, vector<1x1x16xf32>,
      %add3A_1458 = arith.constant 32 : i32
      %add3A_1459 = arith.addi %add3A_1458, %scan3A_1284 : i32
      %swap3A_1460 = arith.constant 1 : i32
      %swap3A_1461 = arith.index_cast %swap3A_1460 : i32 to index
      %swap3A_1462 = arith.index_cast %add3A_1459 : i32 to index
      %swap3A_1463 = arith.constant 80 : index
      %swap3A_1464 = tpu.vector_load %arg11[%swap3A_1461, %swap3A_1462, %swap3A_1463] {strides = array<i32>} : memref<5x128x128xf32, #tpu.memory_space<vmem>>, vector<1x1x16xf32>,
      %swap3A_1465 = vector.shape_cast %swap3A_1464 : vector<1x1x16xf32> to vector<16xf32>
      %swap3A_1466 = vector.shape_cast %add3A_1326 : vector<16xf32> to vector<1x1x16xf32>
      tpu.vector_store %arg11[%swap3A_1461, %swap3A_1462, %swap3A_1463], %swap3A_1466 {add = true, strides = array<i32>} : memref<5x128x128xf32, #tpu.memory_space<vmem>>, vector<1x1x16xf32>,
      %add3A_1467 = arith.constant 32 : i32
      %add3A_1468 = arith.addi %add3A_1467, %scan3A_1284 : i32
      %swap3A_1469 = arith.constant 1 : i32
      %swap3A_1470 = arith.index_cast %swap3A_1469 : i32 to index
      %swap3A_1471 = arith.index_cast %add3A_1468 : i32 to index
      %swap3A_1472 = arith.constant 96 : index
      %swap3A_1473 = tpu.vector_load %arg11[%swap3A_1470, %swap3A_1471, %swap3A_1472] {strides = array<i32>} : memref<5x128x128xf32, #tpu.memory_space<vmem>>, vector<1x1x16xf32>,
      %swap3A_1474 = vector.shape_cast %swap3A_1473 : vector<1x1x16xf32> to vector<16xf32>
      %swap3A_1475 = vector.shape_cast %add3A_1333 : vector<16xf32> to vector<1x1x16xf32>
      tpu.vector_store %arg11[%swap3A_1470, %swap3A_1471, %swap3A_1472], %swap3A_1475 {add = true, strides = array<i32>} : memref<5x128x128xf32, #tpu.memory_space<vmem>>, vector<1x1x16xf32>,
      %add3A_1476 = arith.constant 32 : i32
      %add3A_1477 = arith.addi %add3A_1476, %scan3A_1284 : i32
      %swap3A_1478 = arith.constant 1 : i32
      %swap3A_1479 = arith.index_cast %swap3A_1478 : i32 to index
      %swap3A_1480 = arith.index_cast %add3A_1477 : i32 to index
      %swap3A_1481 = arith.constant 112 : index
      %swap3A_1482 = tpu.vector_load %arg11[%swap3A_1479, %swap3A_1480, %swap3A_1481] {strides = array<i32>} : memref<5x128x128xf32, #tpu.memory_space<vmem>>, vector<1x1x16xf32>,
      %swap3A_1483 = vector.shape_cast %swap3A_1482 : vector<1x1x16xf32> to vector<16xf32>
      %swap3A_1484 = vector.shape_cast %add3A_1340 : vector<16xf32> to vector<1x1x16xf32>
      tpu.vector_store %arg11[%swap3A_1479, %swap3A_1480, %swap3A_1481], %swap3A_1484 {add = true, strides = array<i32>} : memref<5x128x128xf32, #tpu.memory_space<vmem>>, vector<1x1x16xf32>,
      %add3A_1485 = arith.constant 64 : i32
      %add3A_1486 = arith.addi %add3A_1485, %scan3A_1284 : i32
      %swap3A_1487 = arith.constant 1 : i32
      %swap3A_1488 = arith.index_cast %swap3A_1487 : i32 to index
      %swap3A_1489 = arith.index_cast %add3A_1486 : i32 to index
      %swap3A_1490 = arith.constant 0 : index
      %swap3A_1491 = tpu.vector_load %arg11[%swap3A_1488, %swap3A_1489, %swap3A_1490] {strides = array<i32>} : memref<5x128x128xf32, #tpu.memory_space<vmem>>, vector<1x1x16xf32>,
      %swap3A_1492 = vector.shape_cast %swap3A_1491 : vector<1x1x16xf32> to vector<16xf32>
      %swap3A_1493 = vector.shape_cast %add3A_1291 : vector<16xf32> to vector<1x1x16xf32>
      tpu.vector_store %arg11[%swap3A_1488, %swap3A_1489, %swap3A_1490], %swap3A_1493 {add = true, strides = array<i32>} : memref<5x128x128xf32, #tpu.memory_space<vmem>>, vector<1x1x16xf32>,
      %add3A_1494 = arith.constant 64 : i32
      %add3A_1495 = arith.addi %add3A_1494, %scan3A_1284 : i32
      %swap3A_1496 = arith.constant 1 : i32
      %swap3A_1497 = arith.index_cast %swap3A_1496 : i32 to index
      %swap3A_1498 = arith.index_cast %add3A_1495 : i32 to index
      %swap3A_1499 = arith.constant 16 : index
      %swap3A_1500 = tpu.vector_load %arg11[%swap3A_1497, %swap3A_1498, %swap3A_1499] {strides = array<i32>} : memref<5x128x128xf32, #tpu.memory_space<vmem>>, vector<1x1x16xf32>,
      %swap3A_1501 = vector.shape_cast %swap3A_1500 : vector<1x1x16xf32> to vector<16xf32>
      %swap3A_1502 = vector.shape_cast %add3A_1298 : vector<16xf32> to vector<1x1x16xf32>
      tpu.vector_store %arg11[%swap3A_1497, %swap3A_1498, %swap3A_1499], %swap3A_1502 {add = true, strides = array<i32>} : memref<5x128x128xf32, #tpu.memory_space<vmem>>, vector<1x1x16xf32>,
      %add3A_1503 = arith.constant 64 : i32
      %add3A_1504 = arith.addi %add3A_1503, %scan3A_1284 : i32
      %swap3A_1505 = arith.constant 1 : i32
      %swap3A_1506 = arith.index_cast %swap3A_1505 : i32 to index
      %swap3A_1507 = arith.index_cast %add3A_1504 : i32 to index
      %swap3A_1508 = arith.constant 32 : index
      %swap3A_1509 = tpu.vector_load %arg11[%swap3A_1506, %swap3A_1507, %swap3A_1508] {strides = array<i32>} : memref<5x128x128xf32, #tpu.memory_space<vmem>>, vector<1x1x16xf32>,
      %swap3A_1510 = vector.shape_cast %swap3A_1509 : vector<1x1x16xf32> to vector<16xf32>
      %swap3A_1511 = vector.shape_cast %add3A_1305 : vector<16xf32> to vector<1x1x16xf32>
      tpu.vector_store %arg11[%swap3A_1506, %swap3A_1507, %swap3A_1508], %swap3A_1511 {add = true, strides = array<i32>} : memref<5x128x128xf32, #tpu.memory_space<vmem>>, vector<1x1x16xf32>,
      %add3A_1512 = arith.constant 64 : i32
      %add3A_1513 = arith.addi %add3A_1512, %scan3A_1284 : i32
      %swap3A_1514 = arith.constant 1 : i32
      %swap3A_1515 = arith.index_cast %swap3A_1514 : i32 to index
      %swap3A_1516 = arith.index_cast %add3A_1513 : i32 to index
      %swap3A_1517 = arith.constant 48 : index
      %swap3A_1518 = tpu.vector_load %arg11[%swap3A_1515, %swap3A_1516, %swap3A_1517] {strides = array<i32>} : memref<5x128x128xf32, #tpu.memory_space<vmem>>, vector<1x1x16xf32>,
      %swap3A_1519 = vector.shape_cast %swap3A_1518 : vector<1x1x16xf32> to vector<16xf32>
      %swap3A_1520 = vector.shape_cast %add3A_1312 : vector<16xf32> to vector<1x1x16xf32>
      tpu.vector_store %arg11[%swap3A_1515, %swap3A_1516, %swap3A_1517], %swap3A_1520 {add = true, strides = array<i32>} : memref<5x128x128xf32, #tpu.memory_space<vmem>>, vector<1x1x16xf32>,
      %add3A_1521 = arith.constant 64 : i32
      %add3A_1522 = arith.addi %add3A_1521, %scan3A_1284 : i32
      %swap3A_1523 = arith.constant 1 : i32
      %swap3A_1524 = arith.index_cast %swap3A_1523 : i32 to index
      %swap3A_1525 = arith.index_cast %add3A_1522 : i32 to index
      %swap3A_1526 = arith.constant 64 : index
      %swap3A_1527 = tpu.vector_load %arg11[%swap3A_1524, %swap3A_1525, %swap3A_1526] {strides = array<i32>} : memref<5x128x128xf32, #tpu.memory_space<vmem>>, vector<1x1x16xf32>,
      %swap3A_1528 = vector.shape_cast %swap3A_1527 : vector<1x1x16xf32> to vector<16xf32>
      %swap3A_1529 = vector.shape_cast %add3A_1319 : vector<16xf32> to vector<1x1x16xf32>
      tpu.vector_store %arg11[%swap3A_1524, %swap3A_1525, %swap3A_1526], %swap3A_1529 {add = true, strides = array<i32>} : memref<5x128x128xf32, #tpu.memory_space<vmem>>, vector<1x1x16xf32>,
      %add3A_1530 = arith.constant 64 : i32
      %add3A_1531 = arith.addi %add3A_1530, %scan3A_1284 : i32
      %swap3A_1532 = arith.constant 1 : i32
      %swap3A_1533 = arith.index_cast %swap3A_1532 : i32 to index
      %swap3A_1534 = arith.index_cast %add3A_1531 : i32 to index
      %swap3A_1535 = arith.constant 80 : index
      %swap3A_1536 = tpu.vector_load %arg11[%swap3A_1533, %swap3A_1534, %swap3A_1535] {strides = array<i32>} : memref<5x128x128xf32, #tpu.memory_space<vmem>>, vector<1x1x16xf32>,
      %swap3A_1537 = vector.shape_cast %swap3A_1536 : vector<1x1x16xf32> to vector<16xf32>
      %swap3A_1538 = vector.shape_cast %add3A_1326 : vector<16xf32> to vector<1x1x16xf32>
      tpu.vector_store %arg11[%swap3A_1533, %swap3A_1534, %swap3A_1535], %swap3A_1538 {add = true, strides = array<i32>} : memref<5x128x128xf32, #tpu.memory_space<vmem>>, vector<1x1x16xf32>,
      %add3A_1539 = arith.constant 64 : i32
      %add3A_1540 = arith.addi %add3A_1539, %scan3A_1284 : i32
      %swap3A_1541 = arith.constant 1 : i32
      %swap3A_1542 = arith.index_cast %swap3A_1541 : i32 to index
      %swap3A_1543 = arith.index_cast %add3A_1540 : i32 to index
      %swap3A_1544 = arith.constant 96 : index
      %swap3A_1545 = tpu.vector_load %arg11[%swap3A_1542, %swap3A_1543, %swap3A_1544] {strides = array<i32>} : memref<5x128x128xf32, #tpu.memory_space<vmem>>, vector<1x1x16xf32>,
      %swap3A_1546 = vector.shape_cast %swap3A_1545 : vector<1x1x16xf32> to vector<16xf32>
      %swap3A_1547 = vector.shape_cast %add3A_1333 : vector<16xf32> to vector<1x1x16xf32>
      tpu.vector_store %arg11[%swap3A_1542, %swap3A_1543, %swap3A_1544], %swap3A_1547 {add = true, strides = array<i32>} : memref<5x128x128xf32, #tpu.memory_space<vmem>>, vector<1x1x16xf32>,
      %add3A_1548 = arith.constant 64 : i32
      %add3A_1549 = arith.addi %add3A_1548, %scan3A_1284 : i32
      %swap3A_1550 = arith.constant 1 : i32
      %swap3A_1551 = arith.index_cast %swap3A_1550 : i32 to index
      %swap3A_1552 = arith.index_cast %add3A_1549 : i32 to index
      %swap3A_1553 = arith.constant 112 : index
      %swap3A_1554 = tpu.vector_load %arg11[%swap3A_1551, %swap3A_1552, %swap3A_1553] {strides = array<i32>} : memref<5x128x128xf32, #tpu.memory_space<vmem>>, vector<1x1x16xf32>,
      %swap3A_1555 = vector.shape_cast %swap3A_1554 : vector<1x1x16xf32> to vector<16xf32>
      %swap3A_1556 = vector.shape_cast %add3A_1340 : vector<16xf32> to vector<1x1x16xf32>
      tpu.vector_store %arg11[%swap3A_1551, %swap3A_1552, %swap3A_1553], %swap3A_1556 {add = true, strides = array<i32>} : memref<5x128x128xf32, #tpu.memory_space<vmem>>, vector<1x1x16xf32>,
      %add3A_1557 = arith.constant 96 : i32
      %add3A_1558 = arith.addi %add3A_1557, %scan3A_1284 : i32
      %swap3A_1559 = arith.constant 1 : i32
      %swap3A_1560 = arith.index_cast %swap3A_1559 : i32 to index
      %swap3A_1561 = arith.index_cast %add3A_1558 : i32 to index
      %swap3A_1562 = arith.constant 0 : index
      %swap3A_1563 = tpu.vector_load %arg11[%swap3A_1560, %swap3A_1561, %swap3A_1562] {strides = array<i32>} : memref<5x128x128xf32, #tpu.memory_space<vmem>>, vector<1x1x16xf32>,
      %swap3A_1564 = vector.shape_cast %swap3A_1563 : vector<1x1x16xf32> to vector<16xf32>
      %swap3A_1565 = vector.shape_cast %add3A_1291 : vector<16xf32> to vector<1x1x16xf32>
      tpu.vector_store %arg11[%swap3A_1560, %swap3A_1561, %swap3A_1562], %swap3A_1565 {add = true, strides = array<i32>} : memref<5x128x128xf32, #tpu.memory_space<vmem>>, vector<1x1x16xf32>,
      %add3A_1566 = arith.constant 96 : i32
      %add3A_1567 = arith.addi %add3A_1566, %scan3A_1284 : i32
      %swap3A_1568 = arith.constant 1 : i32
      %swap3A_1569 = arith.index_cast %swap3A_1568 : i32 to index
      %swap3A_1570 = arith.index_cast %add3A_1567 : i32 to index
      %swap3A_1571 = arith.constant 16 : index
      %swap3A_1572 = tpu.vector_load %arg11[%swap3A_1569, %swap3A_1570, %swap3A_1571] {strides = array<i32>} : memref<5x128x128xf32, #tpu.memory_space<vmem>>, vector<1x1x16xf32>,
      %swap3A_1573 = vector.shape_cast %swap3A_1572 : vector<1x1x16xf32> to vector<16xf32>
      %swap3A_1574 = vector.shape_cast %add3A_1298 : vector<16xf32> to vector<1x1x16xf32>
      tpu.vector_store %arg11[%swap3A_1569, %swap3A_1570, %swap3A_1571], %swap3A_1574 {add = true, strides = array<i32>} : memref<5x128x128xf32, #tpu.memory_space<vmem>>, vector<1x1x16xf32>,
      %add3A_1575 = arith.constant 96 : i32
      %add3A_1576 = arith.addi %add3A_1575, %scan3A_1284 : i32
      %swap3A_1577 = arith.constant 1 : i32
      %swap3A_1578 = arith.index_cast %swap3A_1577 : i32 to index
      %swap3A_1579 = arith.index_cast %add3A_1576 : i32 to index
      %swap3A_1580 = arith.constant 32 : index
      %swap3A_1581 = tpu.vector_load %arg11[%swap3A_1578, %swap3A_1579, %swap3A_1580] {strides = array<i32>} : memref<5x128x128xf32, #tpu.memory_space<vmem>>, vector<1x1x16xf32>,
      %swap3A_1582 = vector.shape_cast %swap3A_1581 : vector<1x1x16xf32> to vector<16xf32>
      %swap3A_1583 = vector.shape_cast %add3A_1305 : vector<16xf32> to vector<1x1x16xf32>
      tpu.vector_store %arg11[%swap3A_1578, %swap3A_1579, %swap3A_1580], %swap3A_1583 {add = true, strides = array<i32>} : memref<5x128x128xf32, #tpu.memory_space<vmem>>, vector<1x1x16xf32>,
      %add3A_1584 = arith.constant 96 : i32
      %add3A_1585 = arith.addi %add3A_1584, %scan3A_1284 : i32
      %swap3A_1586 = arith.constant 1 : i32
      %swap3A_1587 = arith.index_cast %swap3A_1586 : i32 to index
      %swap3A_1588 = arith.index_cast %add3A_1585 : i32 to index
      %swap3A_1589 = arith.constant 48 : index
      %swap3A_1590 = tpu.vector_load %arg11[%swap3A_1587, %swap3A_1588, %swap3A_1589] {strides = array<i32>} : memref<5x128x128xf32, #tpu.memory_space<vmem>>, vector<1x1x16xf32>,
      %swap3A_1591 = vector.shape_cast %swap3A_1590 : vector<1x1x16xf32> to vector<16xf32>
      %swap3A_1592 = vector.shape_cast %add3A_1312 : vector<16xf32> to vector<1x1x16xf32>
      tpu.vector_store %arg11[%swap3A_1587, %swap3A_1588, %swap3A_1589], %swap3A_1592 {add = true, strides = array<i32>} : memref<5x128x128xf32, #tpu.memory_space<vmem>>, vector<1x1x16xf32>,
      %add3A_1593 = arith.constant 96 : i32
      %add3A_1594 = arith.addi %add3A_1593, %scan3A_1284 : i32
      %swap3A_1595 = arith.constant 1 : i32
      %swap3A_1596 = arith.index_cast %swap3A_1595 : i32 to index
      %swap3A_1597 = arith.index_cast %add3A_1594 : i32 to index
      %swap3A_1598 = arith.constant 64 : index
      %swap3A_1599 = tpu.vector_load %arg11[%swap3A_1596, %swap3A_1597, %swap3A_1598] {strides = array<i32>} : memref<5x128x128xf32, #tpu.memory_space<vmem>>, vector<1x1x16xf32>,
      %swap3A_1600 = vector.shape_cast %swap3A_1599 : vector<1x1x16xf32> to vector<16xf32>
      %swap3A_1601 = vector.shape_cast %add3A_1319 : vector<16xf32> to vector<1x1x16xf32>
      tpu.vector_store %arg11[%swap3A_1596, %swap3A_1597, %swap3A_1598], %swap3A_1601 {add = true, strides = array<i32>} : memref<5x128x128xf32, #tpu.memory_space<vmem>>, vector<1x1x16xf32>,
      %add3A_1602 = arith.constant 96 : i32
      %add3A_1603 = arith.addi %add3A_1602, %scan3A_1284 : i32
      %swap3A_1604 = arith.constant 1 : i32
      %swap3A_1605 = arith.index_cast %swap3A_1604 : i32 to index
      %swap3A_1606 = arith.index_cast %add3A_1603 : i32 to index
      %swap3A_1607 = arith.constant 80 : index
      %swap3A_1608 = tpu.vector_load %arg11[%swap3A_1605, %swap3A_1606, %swap3A_1607] {strides = array<i32>} : memref<5x128x128xf32, #tpu.memory_space<vmem>>, vector<1x1x16xf32>,
      %swap3A_1609 = vector.shape_cast %swap3A_1608 : vector<1x1x16xf32> to vector<16xf32>
      %swap3A_1610 = vector.shape_cast %add3A_1326 : vector<16xf32> to vector<1x1x16xf32>
      tpu.vector_store %arg11[%swap3A_1605, %swap3A_1606, %swap3A_1607], %swap3A_1610 {add = true, strides = array<i32>} : memref<5x128x128xf32, #tpu.memory_space<vmem>>, vector<1x1x16xf32>,
      %add3A_1611 = arith.constant 96 : i32
      %add3A_1612 = arith.addi %add3A_1611, %scan3A_1284 : i32
      %swap3A_1613 = arith.constant 1 : i32
      %swap3A_1614 = arith.index_cast %swap3A_1613 : i32 to index
      %swap3A_1615 = arith.index_cast %add3A_1612 : i32 to index
      %swap3A_1616 = arith.constant 96 : index
      %swap3A_1617 = tpu.vector_load %arg11[%swap3A_1614, %swap3A_1615, %swap3A_1616] {strides = array<i32>} : memref<5x128x128xf32, #tpu.memory_space<vmem>>, vector<1x1x16xf32>,
      %swap3A_1618 = vector.shape_cast %swap3A_1617 : vector<1x1x16xf32> to vector<16xf32>
      %swap3A_1619 = vector.shape_cast %add3A_1333 : vector<16xf32> to vector<1x1x16xf32>
      tpu.vector_store %arg11[%swap3A_1614, %swap3A_1615, %swap3A_1616], %swap3A_1619 {add = true, strides = array<i32>} : memref<5x128x128xf32, #tpu.memory_space<vmem>>, vector<1x1x16xf32>,
      %add3A_1620 = arith.constant 96 : i32
      %add3A_1621 = arith.addi %add3A_1620, %scan3A_1284 : i32
      %swap3A_1622 = arith.constant 1 : i32
      %swap3A_1623 = arith.index_cast %swap3A_1622 : i32 to index
      %swap3A_1624 = arith.index_cast %add3A_1621 : i32 to index
      %swap3A_1625 = arith.constant 112 : index
      %swap3A_1626 = tpu.vector_load %arg11[%swap3A_1623, %swap3A_1624, %swap3A_1625] {strides = array<i32>} : memref<5x128x128xf32, #tpu.memory_space<vmem>>, vector<1x1x16xf32>,
      %swap3A_1627 = vector.shape_cast %swap3A_1626 : vector<1x1x16xf32> to vector<16xf32>
      %swap3A_1628 = vector.shape_cast %add3A_1340 : vector<16xf32> to vector<1x1x16xf32>
      tpu.vector_store %arg11[%swap3A_1623, %swap3A_1624, %swap3A_1625], %swap3A_1628 {add = true, strides = array<i32>} : memref<5x128x128xf32, #tpu.memory_space<vmem>>, vector<1x1x16xf32>,
    }
    %scan3A_1142 = arith.constant 32 : i32
    %add3A_1143 = arith.constant 192 : i32
    %add3A_1144 = arith.addi %mul3A_2, %add3A_1143 : i32
    %dma_start3A_1145 = arith.constant 1 : i32
    %dma_start3A_1146 = arith.constant 0 : i32
    %dma_start3A_1147 = arith.constant 0 : i32
    %dma_start3A_1148 = tpu.memref_slice %arg11[%dma_start3A_1145, %dma_start3A_1146, %dma_start3A_1147] : memref<5x128x128xf32, #tpu.memory_space<vmem>> -> memref<1x128x128xf32, #tpu.memory_space<vmem>>
    %dma_start3A_1149 = tpu.memref_squeeze %dma_start3A_1148 : memref<1x128x128xf32, #tpu.memory_space<vmem>> -> memref<128x128xf32, #tpu.memory_space<vmem>>
    %dma_start3A_1150 = tpu.memref_reshape %dma_start3A_1149 : memref<128x128xf32, #tpu.memory_space<vmem>> -> memref<4x32x128xf32, #tpu.memory_space<vmem>>
    %dma_start3A_1151 = arith.constant 0 : i32
    %dma_start3A_1152 = arith.constant 0 : i32
    %dma_start3A_1153 = tpu.memref_slice %arg6[%dma_start3A_1151, %add3A_1144, %dma_start3A_1152] : memref<4x8192x128xf32, #tpu.memory_space<hbm>> -> memref<4x32x128xf32, #tpu.memory_space<hbm>>
    %dma_start3A_1154 = arith.constant 0 : i32
    %dma_start3A_1155 = arith.constant 0 : i32
    %dma_start3A_1156 = tpu.memref_slice %arg6[%dma_start3A_1154, %add3A_1144, %dma_start3A_1155] : memref<4x8192x128xf32, #tpu.memory_space<hbm>> -> memref<4x32x128xf32, #tpu.memory_space<hbm>>
    %dma_start3A_1157 = arith.constant 0 : i32
    %dma_start3A_1158 = arith.constant 0 : i32
    %dma_start3A_1159 = tpu.memref_slice %arg11[%dma_start3A_1145, %dma_start3A_1157, %dma_start3A_1158] : memref<5x128x128xf32, #tpu.memory_space<vmem>> -> memref<1x128x128xf32, #tpu.memory_space<vmem>>
    %dma_start3A_1160 = tpu.memref_squeeze %dma_start3A_1159 : memref<1x128x128xf32, #tpu.memory_space<vmem>> -> memref<128x128xf32, #tpu.memory_space<vmem>>
    %dma_start3A_1161 = tpu.memref_reshape %dma_start3A_1160 : memref<128x128xf32, #tpu.memory_space<vmem>> -> memref<4x32x128xf32, #tpu.memory_space<vmem>>
    tpu.enqueue_dma source(%dma_start3A_1161 : memref<4x32x128xf32, #tpu.memory_space<vmem>>) target(%dma_start3A_1156 : memref<4x32x128xf32, #tpu.memory_space<hbm>>) target_semaphore(%arg20 : memref<!tpu.dma_semaphore, #tpu.memory_space<semaphore_mem>>)
    %dma_wait3A_1162 = arith.constant 7 : i32
    %dma_wait3A_1163 = arith.constant 2 : i32
    %dma_wait3A_1164 = arith.constant 0 : i32
    %dma_wait3A_1165 = arith.constant 0 : i32
    %dma_wait3A_1166 = tpu.memref_slice %arg11[%dma_wait3A_1163, %dma_wait3A_1164, %dma_wait3A_1165] : memref<5x128x128xf32, #tpu.memory_space<vmem>> -> memref<1x128x128xf32, #tpu.memory_space<vmem>>
    %dma_wait3A_1167 = tpu.memref_squeeze %dma_wait3A_1166 : memref<1x128x128xf32, #tpu.memory_space<vmem>> -> memref<128x128xf32, #tpu.memory_space<vmem>>
    %dma_wait3A_1168 = arith.constant 0 : i32
    %dma_wait3A_1169 = tpu.memref_slice %arg8[%dma_wait3A_1162, %dma_wait3A_1168] : memref<8x128xi32, #tpu.memory_space<vmem>> -> memref<1x128xi32, #tpu.memory_space<vmem>>
    %dma_wait3A_1170 = tpu.memref_squeeze %dma_wait3A_1169 : memref<1x128xi32, #tpu.memory_space<vmem>> -> memref<128xi32, #tpu.memory_space<vmem>>
    %dma_wait3A_1171 = arith.constant 0 : i32
    %dma_wait3A_1172 = arith.constant 0 : i32
    %dma_wait3A_1173 = tpu.memref_slice %arg3[%dma_wait3A_1171, %dma_wait3A_1172] : memref<100000x128xf32, #tpu.memory_space<hbm>> -> memref<100000x128xf32, #tpu.memory_space<hbm>>
    tpu.wait_indirect_dma semaphore(%arg16 : memref<!tpu.dma_semaphore, #tpu.memory_space<semaphore_mem>>) src(%dma_wait3A_1173 : memref<100000x128xf32, #tpu.memory_space<hbm>>) dst(%dma_wait3A_1167 : memref<128x128xf32, #tpu.memory_space<vmem>>)
    %scan3A_1174 = arith.constant 0 : i32
    %scan3A_1175 = arith.constant 0 : i32
    %scan3A_1176 = arith.constant 32 : i32
    %scan3A_1177 = arith.addi %scan3A_1175, %scan3A_1176 : i32
    %scan3A_1178 = arith.constant 1 : i32
    scf.for %scan3A_1284 = %scan3A_1175 to %scan3A_1177 step %scan3A_1178  : i32 {
      %add3A_1285 = arith.constant 224 : i32
      %add3A_1286 = arith.addi %add3A_1285, %scan3A_1284 : i32
      %get3A_1287 = arith.index_cast %add3A_1286 : i32 to index
      %get3A_1288 = arith.constant 0 : index
      %get3A_1289 = tpu.vector_load %arg10[%get3A_1287, %get3A_1288] {strides = array<i32>} : memref<256x128xf32, #tpu.memory_space<vmem>>, vector<1x16xf32>,
      %get3A_1290 = vector.shape_cast %get3A_1289 : vector<1x16xf32> to vector<16xf32>
      %add3A_1291 = arith.addf %get3A_1290, %get3A_783 : vector<16xf32>
      %add3A_1292 = arith.constant 224 : i32
      %add3A_1293 = arith.addi %add3A_1292, %scan3A_1284 : i32
      %get3A_1294 = arith.index_cast %add3A_1293 : i32 to index
      %get3A_1295 = arith.constant 16 : index
      %get3A_1296 = tpu.vector_load %arg10[%get3A_1294, %get3A_1295] {strides = array<i32>} : memref<256x128xf32, #tpu.memory_space<vmem>>, vector<1x16xf32>,
      %get3A_1297 = vector.shape_cast %get3A_1296 : vector<1x16xf32> to vector<16xf32>
      %add3A_1298 = arith.addf %get3A_1297, %get3A_786 : vector<16xf32>
      %add3A_1299 = arith.constant 224 : i32
      %add3A_1300 = arith.addi %add3A_1299, %scan3A_1284 : i32
      %get3A_1301 = arith.index_cast %add3A_1300 : i32 to index
      %get3A_1302 = arith.constant 32 : index
      %get3A_1303 = tpu.vector_load %arg10[%get3A_1301, %get3A_1302] {strides = array<i32>} : memref<256x128xf32, #tpu.memory_space<vmem>>, vector<1x16xf32>,
      %get3A_1304 = vector.shape_cast %get3A_1303 : vector<1x16xf32> to vector<16xf32>
      %add3A_1305 = arith.addf %get3A_1304, %get3A_789 : vector<16xf32>
      %add3A_1306 = arith.constant 224 : i32
      %add3A_1307 = arith.addi %add3A_1306, %scan3A_1284 : i32
      %get3A_1308 = arith.index_cast %add3A_1307 : i32 to index
      %get3A_1309 = arith.constant 48 : index
      %get3A_1310 = tpu.vector_load %arg10[%get3A_1308, %get3A_1309] {strides = array<i32>} : memref<256x128xf32, #tpu.memory_space<vmem>>, vector<1x16xf32>,
      %get3A_1311 = vector.shape_cast %get3A_1310 : vector<1x16xf32> to vector<16xf32>
      %add3A_1312 = arith.addf %get3A_1311, %get3A_792 : vector<16xf32>
      %add3A_1313 = arith.constant 224 : i32
      %add3A_1314 = arith.addi %add3A_1313, %scan3A_1284 : i32
      %get3A_1315 = arith.index_cast %add3A_1314 : i32 to index
      %get3A_1316 = arith.constant 64 : index
      %get3A_1317 = tpu.vector_load %arg10[%get3A_1315, %get3A_1316] {strides = array<i32>} : memref<256x128xf32, #tpu.memory_space<vmem>>, vector<1x16xf32>,
      %get3A_1318 = vector.shape_cast %get3A_1317 : vector<1x16xf32> to vector<16xf32>
      %add3A_1319 = arith.addf %get3A_1318, %get3A_795 : vector<16xf32>
      %add3A_1320 = arith.constant 224 : i32
      %add3A_1321 = arith.addi %add3A_1320, %scan3A_1284 : i32
      %get3A_1322 = arith.index_cast %add3A_1321 : i32 to index
      %get3A_1323 = arith.constant 80 : index
      %get3A_1324 = tpu.vector_load %arg10[%get3A_1322, %get3A_1323] {strides = array<i32>} : memref<256x128xf32, #tpu.memory_space<vmem>>, vector<1x16xf32>,
      %get3A_1325 = vector.shape_cast %get3A_1324 : vector<1x16xf32> to vector<16xf32>
      %add3A_1326 = arith.addf %get3A_1325, %get3A_798 : vector<16xf32>
      %add3A_1327 = arith.constant 224 : i32
      %add3A_1328 = arith.addi %add3A_1327, %scan3A_1284 : i32
      %get3A_1329 = arith.index_cast %add3A_1328 : i32 to index
      %get3A_1330 = arith.constant 96 : index
      %get3A_1331 = tpu.vector_load %arg10[%get3A_1329, %get3A_1330] {strides = array<i32>} : memref<256x128xf32, #tpu.memory_space<vmem>>, vector<1x16xf32>,
      %get3A_1332 = vector.shape_cast %get3A_1331 : vector<1x16xf32> to vector<16xf32>
      %add3A_1333 = arith.addf %get3A_1332, %get3A_801 : vector<16xf32>
      %add3A_1334 = arith.constant 224 : i32
      %add3A_1335 = arith.addi %add3A_1334, %scan3A_1284 : i32
      %get3A_1336 = arith.index_cast %add3A_1335 : i32 to index
      %get3A_1337 = arith.constant 112 : index
      %get3A_1338 = tpu.vector_load %arg10[%get3A_1336, %get3A_1337] {strides = array<i32>} : memref<256x128xf32, #tpu.memory_space<vmem>>, vector<1x16xf32>,
      %get3A_1339 = vector.shape_cast %get3A_1338 : vector<1x16xf32> to vector<16xf32>
      %add3A_1340 = arith.addf %get3A_1339, %get3A_804 : vector<16xf32>
      %add3A_1341 = arith.constant 0 : i32
      %add3A_1342 = arith.addi %add3A_1341, %scan3A_1284 : i32
      %swap3A_1343 = arith.constant 2 : i32
      %swap3A_1344 = arith.index_cast %swap3A_1343 : i32 to index
      %swap3A_1345 = arith.index_cast %add3A_1342 : i32 to index
      %swap3A_1346 = arith.constant 0 : index
      %swap3A_1347 = tpu.vector_load %arg11[%swap3A_1344, %swap3A_1345, %swap3A_1346] {strides = array<i32>} : memref<5x128x128xf32, #tpu.memory_space<vmem>>, vector<1x1x16xf32>,
      %swap3A_1348 = vector.shape_cast %swap3A_1347 : vector<1x1x16xf32> to vector<16xf32>
      %swap3A_1349 = vector.shape_cast %add3A_1291 : vector<16xf32> to vector<1x1x16xf32>
      tpu.vector_store %arg11[%swap3A_1344, %swap3A_1345, %swap3A_1346], %swap3A_1349 {add = true, strides = array<i32>} : memref<5x128x128xf32, #tpu.memory_space<vmem>>, vector<1x1x16xf32>,
      %add3A_1350 = arith.constant 0 : i32
      %add3A_1351 = arith.addi %add3A_1350, %scan3A_1284 : i32
      %swap3A_1352 = arith.constant 2 : i32
      %swap3A_1353 = arith.index_cast %swap3A_1352 : i32 to index
      %swap3A_1354 = arith.index_cast %add3A_1351 : i32 to index
      %swap3A_1355 = arith.constant 16 : index
      %swap3A_1356 = tpu.vector_load %arg11[%swap3A_1353, %swap3A_1354, %swap3A_1355] {strides = array<i32>} : memref<5x128x128xf32, #tpu.memory_space<vmem>>, vector<1x1x16xf32>,
      %swap3A_1357 = vector.shape_cast %swap3A_1356 : vector<1x1x16xf32> to vector<16xf32>
      %swap3A_1358 = vector.shape_cast %add3A_1298 : vector<16xf32> to vector<1x1x16xf32>
      tpu.vector_store %arg11[%swap3A_1353, %swap3A_1354, %swap3A_1355], %swap3A_1358 {add = true, strides = array<i32>} : memref<5x128x128xf32, #tpu.memory_space<vmem>>, vector<1x1x16xf32>,
      %add3A_1359 = arith.constant 0 : i32
      %add3A_1360 = arith.addi %add3A_1359, %scan3A_1284 : i32
      %swap3A_1361 = arith.constant 2 : i32
      %swap3A_1362 = arith.index_cast %swap3A_1361 : i32 to index
      %swap3A_1363 = arith.index_cast %add3A_1360 : i32 to index
      %swap3A_1364 = arith.constant 32 : index
      %swap3A_1365 = tpu.vector_load %arg11[%swap3A_1362, %swap3A_1363, %swap3A_1364] {strides = array<i32>} : memref<5x128x128xf32, #tpu.memory_space<vmem>>, vector<1x1x16xf32>,
      %swap3A_1366 = vector.shape_cast %swap3A_1365 : vector<1x1x16xf32> to vector<16xf32>
      %swap3A_1367 = vector.shape_cast %add3A_1305 : vector<16xf32> to vector<1x1x16xf32>
      tpu.vector_store %arg11[%swap3A_1362, %swap3A_1363, %swap3A_1364], %swap3A_1367 {add = true, strides = array<i32>} : memref<5x128x128xf32, #tpu.memory_space<vmem>>, vector<1x1x16xf32>,
      %add3A_1368 = arith.constant 0 : i32
      %add3A_1369 = arith.addi %add3A_1368, %scan3A_1284 : i32
      %swap3A_1370 = arith.constant 2 : i32
      %swap3A_1371 = arith.index_cast %swap3A_1370 : i32 to index
      %swap3A_1372 = arith.index_cast %add3A_1369 : i32 to index
      %swap3A_1373 = arith.constant 48 : index
      %swap3A_1374 = tpu.vector_load %arg11[%swap3A_1371, %swap3A_1372, %swap3A_1373] {strides = array<i32>} : memref<5x128x128xf32, #tpu.memory_space<vmem>>, vector<1x1x16xf32>,
      %swap3A_1375 = vector.shape_cast %swap3A_1374 : vector<1x1x16xf32> to vector<16xf32>
      %swap3A_1376 = vector.shape_cast %add3A_1312 : vector<16xf32> to vector<1x1x16xf32>
      tpu.vector_store %arg11[%swap3A_1371, %swap3A_1372, %swap3A_1373], %swap3A_1376 {add = true, strides = array<i32>} : memref<5x128x128xf32, #tpu.memory_space<vmem>>, vector<1x1x16xf32>,
      %add3A_1377 = arith.constant 0 : i32
      %add3A_1378 = arith.addi %add3A_1377, %scan3A_1284 : i32
      %swap3A_1379 = arith.constant 2 : i32
      %swap3A_1380 = arith.index_cast %swap3A_1379 : i32 to index
      %swap3A_1381 = arith.index_cast %add3A_1378 : i32 to index
      %swap3A_1382 = arith.constant 64 : index
      %swap3A_1383 = tpu.vector_load %arg11[%swap3A_1380, %swap3A_1381, %swap3A_1382] {strides = array<i32>} : memref<5x128x128xf32, #tpu.memory_space<vmem>>, vector<1x1x16xf32>,
      %swap3A_1384 = vector.shape_cast %swap3A_1383 : vector<1x1x16xf32> to vector<16xf32>
      %swap3A_1385 = vector.shape_cast %add3A_1319 : vector<16xf32> to vector<1x1x16xf32>
      tpu.vector_store %arg11[%swap3A_1380, %swap3A_1381, %swap3A_1382], %swap3A_1385 {add = true, strides = array<i32>} : memref<5x128x128xf32, #tpu.memory_space<vmem>>, vector<1x1x16xf32>,
      %add3A_1386 = arith.constant 0 : i32
      %add3A_1387 = arith.addi %add3A_1386, %scan3A_1284 : i32
      %swap3A_1388 = arith.constant 2 : i32
      %swap3A_1389 = arith.index_cast %swap3A_1388 : i32 to index
      %swap3A_1390 = arith.index_cast %add3A_1387 : i32 to index
      %swap3A_1391 = arith.constant 80 : index
      %swap3A_1392 = tpu.vector_load %arg11[%swap3A_1389, %swap3A_1390, %swap3A_1391] {strides = array<i32>} : memref<5x128x128xf32, #tpu.memory_space<vmem>>, vector<1x1x16xf32>,
      %swap3A_1393 = vector.shape_cast %swap3A_1392 : vector<1x1x16xf32> to vector<16xf32>
      %swap3A_1394 = vector.shape_cast %add3A_1326 : vector<16xf32> to vector<1x1x16xf32>
      tpu.vector_store %arg11[%swap3A_1389, %swap3A_1390, %swap3A_1391], %swap3A_1394 {add = true, strides = array<i32>} : memref<5x128x128xf32, #tpu.memory_space<vmem>>, vector<1x1x16xf32>,
      %add3A_1395 = arith.constant 0 : i32
      %add3A_1396 = arith.addi %add3A_1395, %scan3A_1284 : i32
      %swap3A_1397 = arith.constant 2 : i32
      %swap3A_1398 = arith.index_cast %swap3A_1397 : i32 to index
      %swap3A_1399 = arith.index_cast %add3A_1396 : i32 to index
      %swap3A_1400 = arith.constant 96 : index
      %swap3A_1401 = tpu.vector_load %arg11[%swap3A_1398, %swap3A_1399, %swap3A_1400] {strides = array<i32>} : memref<5x128x128xf32, #tpu.memory_space<vmem>>, vector<1x1x16xf32>,
      %swap3A_1402 = vector.shape_cast %swap3A_1401 : vector<1x1x16xf32> to vector<16xf32>
      %swap3A_1403 = vector.shape_cast %add3A_1333 : vector<16xf32> to vector<1x1x16xf32>
      tpu.vector_store %arg11[%swap3A_1398, %swap3A_1399, %swap3A_1400], %swap3A_1403 {add = true, strides = array<i32>} : memref<5x128x128xf32, #tpu.memory_space<vmem>>, vector<1x1x16xf32>,
      %add3A_1404 = arith.constant 0 : i32
      %add3A_1405 = arith.addi %add3A_1404, %scan3A_1284 : i32
      %swap3A_1406 = arith.constant 2 : i32
      %swap3A_1407 = arith.index_cast %swap3A_1406 : i32 to index
      %swap3A_1408 = arith.index_cast %add3A_1405 : i32 to index
      %swap3A_1409 = arith.constant 112 : index
      %swap3A_1410 = tpu.vector_load %arg11[%swap3A_1407, %swap3A_1408, %swap3A_1409] {strides = array<i32>} : memref<5x128x128xf32, #tpu.memory_space<vmem>>, vector<1x1x16xf32>,
      %swap3A_1411 = vector.shape_cast %swap3A_1410 : vector<1x1x16xf32> to vector<16xf32>
      %swap3A_1412 = vector.shape_cast %add3A_1340 : vector<16xf32> to vector<1x1x16xf32>
      tpu.vector_store %arg11[%swap3A_1407, %swap3A_1408, %swap3A_1409], %swap3A_1412 {add = true, strides = array<i32>} : memref<5x128x128xf32, #tpu.memory_space<vmem>>, vector<1x1x16xf32>,
      %add3A_1413 = arith.constant 32 : i32
      %add3A_1414 = arith.addi %add3A_1413, %scan3A_1284 : i32
      %swap3A_1415 = arith.constant 2 : i32
      %swap3A_1416 = arith.index_cast %swap3A_1415 : i32 to index
      %swap3A_1417 = arith.index_cast %add3A_1414 : i32 to index
      %swap3A_1418 = arith.constant 0 : index
      %swap3A_1419 = tpu.vector_load %arg11[%swap3A_1416, %swap3A_1417, %swap3A_1418] {strides = array<i32>} : memref<5x128x128xf32, #tpu.memory_space<vmem>>, vector<1x1x16xf32>,
      %swap3A_1420 = vector.shape_cast %swap3A_1419 : vector<1x1x16xf32> to vector<16xf32>
      %swap3A_1421 = vector.shape_cast %add3A_1291 : vector<16xf32> to vector<1x1x16xf32>
      tpu.vector_store %arg11[%swap3A_1416, %swap3A_1417, %swap3A_1418], %swap3A_1421 {add = true, strides = array<i32>} : memref<5x128x128xf32, #tpu.memory_space<vmem>>, vector<1x1x16xf32>,
      %add3A_1422 = arith.constant 32 : i32
      %add3A_1423 = arith.addi %add3A_1422, %scan3A_1284 : i32
      %swap3A_1424 = arith.constant 2 : i32
      %swap3A_1425 = arith.index_cast %swap3A_1424 : i32 to index
      %swap3A_1426 = arith.index_cast %add3A_1423 : i32 to index
      %swap3A_1427 = arith.constant 16 : index
      %swap3A_1428 = tpu.vector_load %arg11[%swap3A_1425, %swap3A_1426, %swap3A_1427] {strides = array<i32>} : memref<5x128x128xf32, #tpu.memory_space<vmem>>, vector<1x1x16xf32>,
      %swap3A_1429 = vector.shape_cast %swap3A_1428 : vector<1x1x16xf32> to vector<16xf32>
      %swap3A_1430 = vector.shape_cast %add3A_1298 : vector<16xf32> to vector<1x1x16xf32>
      tpu.vector_store %arg11[%swap3A_1425, %swap3A_1426, %swap3A_1427], %swap3A_1430 {add = true, strides = array<i32>} : memref<5x128x128xf32, #tpu.memory_space<vmem>>, vector<1x1x16xf32>,
      %add3A_1431 = arith.constant 32 : i32
      %add3A_1432 = arith.addi %add3A_1431, %scan3A_1284 : i32
      %swap3A_1433 = arith.constant 2 : i32
      %swap3A_1434 = arith.index_cast %swap3A_1433 : i32 to index
      %swap3A_1435 = arith.index_cast %add3A_1432 : i32 to index
      %swap3A_1436 = arith.constant 32 : index
      %swap3A_1437 = tpu.vector_load %arg11[%swap3A_1434, %swap3A_1435, %swap3A_1436] {strides = array<i32>} : memref<5x128x128xf32, #tpu.memory_space<vmem>>, vector<1x1x16xf32>,
      %swap3A_1438 = vector.shape_cast %swap3A_1437 : vector<1x1x16xf32> to vector<16xf32>
      %swap3A_1439 = vector.shape_cast %add3A_1305 : vector<16xf32> to vector<1x1x16xf32>
      tpu.vector_store %arg11[%swap3A_1434, %swap3A_1435, %swap3A_1436], %swap3A_1439 {add = true, strides = array<i32>} : memref<5x128x128xf32, #tpu.memory_space<vmem>>, vector<1x1x16xf32>,
      %add3A_1440 = arith.constant 32 : i32
      %add3A_1441 = arith.addi %add3A_1440, %scan3A_1284 : i32
      %swap3A_1442 = arith.constant 2 : i32
      %swap3A_1443 = arith.index_cast %swap3A_1442 : i32 to index
      %swap3A_1444 = arith.index_cast %add3A_1441 : i32 to index
      %swap3A_1445 = arith.constant 48 : index
      %swap3A_1446 = tpu.vector_load %arg11[%swap3A_1443, %swap3A_1444, %swap3A_1445] {strides = array<i32>} : memref<5x128x128xf32, #tpu.memory_space<vmem>>, vector<1x1x16xf32>,
      %swap3A_1447 = vector.shape_cast %swap3A_1446 : vector<1x1x16xf32> to vector<16xf32>
      %swap3A_1448 = vector.shape_cast %add3A_1312 : vector<16xf32> to vector<1x1x16xf32>
      tpu.vector_store %arg11[%swap3A_1443, %swap3A_1444, %swap3A_1445], %swap3A_1448 {add = true, strides = array<i32>} : memref<5x128x128xf32, #tpu.memory_space<vmem>>, vector<1x1x16xf32>,
      %add3A_1449 = arith.constant 32 : i32
      %add3A_1450 = arith.addi %add3A_1449, %scan3A_1284 : i32
      %swap3A_1451 = arith.constant 2 : i32
      %swap3A_1452 = arith.index_cast %swap3A_1451 : i32 to index
      %swap3A_1453 = arith.index_cast %add3A_1450 : i32 to index
      %swap3A_1454 = arith.constant 64 : index
      %swap3A_1455 = tpu.vector_load %arg11[%swap3A_1452, %swap3A_1453, %swap3A_1454] {strides = array<i32>} : memref<5x128x128xf32, #tpu.memory_space<vmem>>, vector<1x1x16xf32>,
      %swap3A_1456 = vector.shape_cast %swap3A_1455 : vector<1x1x16xf32> to vector<16xf32>
      %swap3A_1457 = vector.shape_cast %add3A_1319 : vector<16xf32> to vector<1x1x16xf32>
      tpu.vector_store %arg11[%swap3A_1452, %swap3A_1453, %swap3A_1454], %swap3A_1457 {add = true, strides = array<i32>} : memref<5x128x128xf32, #tpu.memory_space<vmem>>, vector<1x1x16xf32>,
      %add3A_1458 = arith.constant 32 : i32
      %add3A_1459 = arith.addi %add3A_1458, %scan3A_1284 : i32
      %swap3A_1460 = arith.constant 2 : i32
      %swap3A_1461 = arith.index_cast %swap3A_1460 : i32 to index
      %swap3A_1462 = arith.index_cast %add3A_1459 : i32 to index
      %swap3A_1463 = arith.constant 80 : index
      %swap3A_1464 = tpu.vector_load %arg11[%swap3A_1461, %swap3A_1462, %swap3A_1463] {strides = array<i32>} : memref<5x128x128xf32, #tpu.memory_space<vmem>>, vector<1x1x16xf32>,
      %swap3A_1465 = vector.shape_cast %swap3A_1464 : vector<1x1x16xf32> to vector<16xf32>
      %swap3A_1466 = vector.shape_cast %add3A_1326 : vector<16xf32> to vector<1x1x16xf32>
      tpu.vector_store %arg11[%swap3A_1461, %swap3A_1462, %swap3A_1463], %swap3A_1466 {add = true, strides = array<i32>} : memref<5x128x128xf32, #tpu.memory_space<vmem>>, vector<1x1x16xf32>,
      %add3A_1467 = arith.constant 32 : i32
      %add3A_1468 = arith.addi %add3A_1467, %scan3A_1284 : i32
      %swap3A_1469 = arith.constant 2 : i32
      %swap3A_1470 = arith.index_cast %swap3A_1469 : i32 to index
      %swap3A_1471 = arith.index_cast %add3A_1468 : i32 to index
      %swap3A_1472 = arith.constant 96 : index
      %swap3A_1473 = tpu.vector_load %arg11[%swap3A_1470, %swap3A_1471, %swap3A_1472] {strides = array<i32>} : memref<5x128x128xf32, #tpu.memory_space<vmem>>, vector<1x1x16xf32>,
      %swap3A_1474 = vector.shape_cast %swap3A_1473 : vector<1x1x16xf32> to vector<16xf32>
      %swap3A_1475 = vector.shape_cast %add3A_1333 : vector<16xf32> to vector<1x1x16xf32>
      tpu.vector_store %arg11[%swap3A_1470, %swap3A_1471, %swap3A_1472], %swap3A_1475 {add = true, strides = array<i32>} : memref<5x128x128xf32, #tpu.memory_space<vmem>>, vector<1x1x16xf32>,
      %add3A_1476 = arith.constant 32 : i32
      %add3A_1477 = arith.addi %add3A_1476, %scan3A_1284 : i32
      %swap3A_1478 = arith.constant 2 : i32
      %swap3A_1479 = arith.index_cast %swap3A_1478 : i32 to index
      %swap3A_1480 = arith.index_cast %add3A_1477 : i32 to index
      %swap3A_1481 = arith.constant 112 : index
      %swap3A_1482 = tpu.vector_load %arg11[%swap3A_1479, %swap3A_1480, %swap3A_1481] {strides = array<i32>} : memref<5x128x128xf32, #tpu.memory_space<vmem>>, vector<1x1x16xf32>,
      %swap3A_1483 = vector.shape_cast %swap3A_1482 : vector<1x1x16xf32> to vector<16xf32>
      %swap3A_1484 = vector.shape_cast %add3A_1340 : vector<16xf32> to vector<1x1x16xf32>
      tpu.vector_store %arg11[%swap3A_1479, %swap3A_1480, %swap3A_1481], %swap3A_1484 {add = true, strides = array<i32>} : memref<5x128x128xf32, #tpu.memory_space<vmem>>, vector<1x1x16xf32>,
      %add3A_1485 = arith.constant 64 : i32
      %add3A_1486 = arith.addi %add3A_1485, %scan3A_1284 : i32
      %swap3A_1487 = arith.constant 2 : i32
      %swap3A_1488 = arith.index_cast %swap3A_1487 : i32 to index
      %swap3A_1489 = arith.index_cast %add3A_1486 : i32 to index
      %swap3A_1490 = arith.constant 0 : index
      %swap3A_1491 = tpu.vector_load %arg11[%swap3A_1488, %swap3A_1489, %swap3A_1490] {strides = array<i32>} : memref<5x128x128xf32, #tpu.memory_space<vmem>>, vector<1x1x16xf32>,
      %swap3A_1492 = vector.shape_cast %swap3A_1491 : vector<1x1x16xf32> to vector<16xf32>
      %swap3A_1493 = vector.shape_cast %add3A_1291 : vector<16xf32> to vector<1x1x16xf32>
      tpu.vector_store %arg11[%swap3A_1488, %swap3A_1489, %swap3A_1490], %swap3A_1493 {add = true, strides = array<i32>} : memref<5x128x128xf32, #tpu.memory_space<vmem>>, vector<1x1x16xf32>,
      %add3A_1494 = arith.constant 64 : i32
      %add3A_1495 = arith.addi %add3A_1494, %scan3A_1284 : i32
      %swap3A_1496 = arith.constant 2 : i32
      %swap3A_1497 = arith.index_cast %swap3A_1496 : i32 to index
      %swap3A_1498 = arith.index_cast %add3A_1495 : i32 to index
      %swap3A_1499 = arith.constant 16 : index
      %swap3A_1500 = tpu.vector_load %arg11[%swap3A_1497, %swap3A_1498, %swap3A_1499] {strides = array<i32>} : memref<5x128x128xf32, #tpu.memory_space<vmem>>, vector<1x1x16xf32>,
      %swap3A_1501 = vector.shape_cast %swap3A_1500 : vector<1x1x16xf32> to vector<16xf32>
      %swap3A_1502 = vector.shape_cast %add3A_1298 : vector<16xf32> to vector<1x1x16xf32>
      tpu.vector_store %arg11[%swap3A_1497, %swap3A_1498, %swap3A_1499], %swap3A_1502 {add = true, strides = array<i32>} : memref<5x128x128xf32, #tpu.memory_space<vmem>>, vector<1x1x16xf32>,
      %add3A_1503 = arith.constant 64 : i32
      %add3A_1504 = arith.addi %add3A_1503, %scan3A_1284 : i32
      %swap3A_1505 = arith.constant 2 : i32
      %swap3A_1506 = arith.index_cast %swap3A_1505 : i32 to index
      %swap3A_1507 = arith.index_cast %add3A_1504 : i32 to index
      %swap3A_1508 = arith.constant 32 : index
      %swap3A_1509 = tpu.vector_load %arg11[%swap3A_1506, %swap3A_1507, %swap3A_1508] {strides = array<i32>} : memref<5x128x128xf32, #tpu.memory_space<vmem>>, vector<1x1x16xf32>,
      %swap3A_1510 = vector.shape_cast %swap3A_1509 : vector<1x1x16xf32> to vector<16xf32>
      %swap3A_1511 = vector.shape_cast %add3A_1305 : vector<16xf32> to vector<1x1x16xf32>
      tpu.vector_store %arg11[%swap3A_1506, %swap3A_1507, %swap3A_1508], %swap3A_1511 {add = true, strides = array<i32>} : memref<5x128x128xf32, #tpu.memory_space<vmem>>, vector<1x1x16xf32>,
      %add3A_1512 = arith.constant 64 : i32
      %add3A_1513 = arith.addi %add3A_1512, %scan3A_1284 : i32
      %swap3A_1514 = arith.constant 2 : i32
      %swap3A_1515 = arith.index_cast %swap3A_1514 : i32 to index
      %swap3A_1516 = arith.index_cast %add3A_1513 : i32 to index
      %swap3A_1517 = arith.constant 48 : index
      %swap3A_1518 = tpu.vector_load %arg11[%swap3A_1515, %swap3A_1516, %swap3A_1517] {strides = array<i32>} : memref<5x128x128xf32, #tpu.memory_space<vmem>>, vector<1x1x16xf32>,
      %swap3A_1519 = vector.shape_cast %swap3A_1518 : vector<1x1x16xf32> to vector<16xf32>
      %swap3A_1520 = vector.shape_cast %add3A_1312 : vector<16xf32> to vector<1x1x16xf32>
      tpu.vector_store %arg11[%swap3A_1515, %swap3A_1516, %swap3A_1517], %swap3A_1520 {add = true, strides = array<i32>} : memref<5x128x128xf32, #tpu.memory_space<vmem>>, vector<1x1x16xf32>,
      %add3A_1521 = arith.constant 64 : i32
      %add3A_1522 = arith.addi %add3A_1521, %scan3A_1284 : i32
      %swap3A_1523 = arith.constant 2 : i32
      %swap3A_1524 = arith.index_cast %swap3A_1523 : i32 to index
      %swap3A_1525 = arith.index_cast %add3A_1522 : i32 to index
      %swap3A_1526 = arith.constant 64 : index
      %swap3A_1527 = tpu.vector_load %arg11[%swap3A_1524, %swap3A_1525, %swap3A_1526] {strides = array<i32>} : memref<5x128x128xf32, #tpu.memory_space<vmem>>, vector<1x1x16xf32>,
      %swap3A_1528 = vector.shape_cast %swap3A_1527 : vector<1x1x16xf32> to vector<16xf32>
      %swap3A_1529 = vector.shape_cast %add3A_1319 : vector<16xf32> to vector<1x1x16xf32>
      tpu.vector_store %arg11[%swap3A_1524, %swap3A_1525, %swap3A_1526], %swap3A_1529 {add = true, strides = array<i32>} : memref<5x128x128xf32, #tpu.memory_space<vmem>>, vector<1x1x16xf32>,
      %add3A_1530 = arith.constant 64 : i32
      %add3A_1531 = arith.addi %add3A_1530, %scan3A_1284 : i32
      %swap3A_1532 = arith.constant 2 : i32
      %swap3A_1533 = arith.index_cast %swap3A_1532 : i32 to index
      %swap3A_1534 = arith.index_cast %add3A_1531 : i32 to index
      %swap3A_1535 = arith.constant 80 : index
      %swap3A_1536 = tpu.vector_load %arg11[%swap3A_1533, %swap3A_1534, %swap3A_1535] {strides = array<i32>} : memref<5x128x128xf32, #tpu.memory_space<vmem>>, vector<1x1x16xf32>,
      %swap3A_1537 = vector.shape_cast %swap3A_1536 : vector<1x1x16xf32> to vector<16xf32>
      %swap3A_1538 = vector.shape_cast %add3A_1326 : vector<16xf32> to vector<1x1x16xf32>
      tpu.vector_store %arg11[%swap3A_1533, %swap3A_1534, %swap3A_1535], %swap3A_1538 {add = true, strides = array<i32>} : memref<5x128x128xf32, #tpu.memory_space<vmem>>, vector<1x1x16xf32>,
      %add3A_1539 = arith.constant 64 : i32
      %add3A_1540 = arith.addi %add3A_1539, %scan3A_1284 : i32
      %swap3A_1541 = arith.constant 2 : i32
      %swap3A_1542 = arith.index_cast %swap3A_1541 : i32 to index
      %swap3A_1543 = arith.index_cast %add3A_1540 : i32 to index
      %swap3A_1544 = arith.constant 96 : index
      %swap3A_1545 = tpu.vector_load %arg11[%swap3A_1542, %swap3A_1543, %swap3A_1544] {strides = array<i32>} : memref<5x128x128xf32, #tpu.memory_space<vmem>>, vector<1x1x16xf32>,
      %swap3A_1546 = vector.shape_cast %swap3A_1545 : vector<1x1x16xf32> to vector<16xf32>
      %swap3A_1547 = vector.shape_cast %add3A_1333 : vector<16xf32> to vector<1x1x16xf32>
      tpu.vector_store %arg11[%swap3A_1542, %swap3A_1543, %swap3A_1544], %swap3A_1547 {add = true, strides = array<i32>} : memref<5x128x128xf32, #tpu.memory_space<vmem>>, vector<1x1x16xf32>,
      %add3A_1548 = arith.constant 64 : i32
      %add3A_1549 = arith.addi %add3A_1548, %scan3A_1284 : i32
      %swap3A_1550 = arith.constant 2 : i32
      %swap3A_1551 = arith.index_cast %swap3A_1550 : i32 to index
      %swap3A_1552 = arith.index_cast %add3A_1549 : i32 to index
      %swap3A_1553 = arith.constant 112 : index
      %swap3A_1554 = tpu.vector_load %arg11[%swap3A_1551, %swap3A_1552, %swap3A_1553] {strides = array<i32>} : memref<5x128x128xf32, #tpu.memory_space<vmem>>, vector<1x1x16xf32>,
      %swap3A_1555 = vector.shape_cast %swap3A_1554 : vector<1x1x16xf32> to vector<16xf32>
      %swap3A_1556 = vector.shape_cast %add3A_1340 : vector<16xf32> to vector<1x1x16xf32>
      tpu.vector_store %arg11[%swap3A_1551, %swap3A_1552, %swap3A_1553], %swap3A_1556 {add = true, strides = array<i32>} : memref<5x128x128xf32, #tpu.memory_space<vmem>>, vector<1x1x16xf32>,
      %add3A_1557 = arith.constant 96 : i32
      %add3A_1558 = arith.addi %add3A_1557, %scan3A_1284 : i32
      %swap3A_1559 = arith.constant 2 : i32
      %swap3A_1560 = arith.index_cast %swap3A_1559 : i32 to index
      %swap3A_1561 = arith.index_cast %add3A_1558 : i32 to index
      %swap3A_1562 = arith.constant 0 : index
      %swap3A_1563 = tpu.vector_load %arg11[%swap3A_1560, %swap3A_1561, %swap3A_1562] {strides = array<i32>} : memref<5x128x128xf32, #tpu.memory_space<vmem>>, vector<1x1x16xf32>,
      %swap3A_1564 = vector.shape_cast %swap3A_1563 : vector<1x1x16xf32> to vector<16xf32>
      %swap3A_1565 = vector.shape_cast %add3A_1291 : vector<16xf32> to vector<1x1x16xf32>
      tpu.vector_store %arg11[%swap3A_1560, %swap3A_1561, %swap3A_1562], %swap3A_1565 {add = true, strides = array<i32>} : memref<5x128x128xf32, #tpu.memory_space<vmem>>, vector<1x1x16xf32>,
      %add3A_1566 = arith.constant 96 : i32
      %add3A_1567 = arith.addi %add3A_1566, %scan3A_1284 : i32
      %swap3A_1568 = arith.constant 2 : i32
      %swap3A_1569 = arith.index_cast %swap3A_1568 : i32 to index
      %swap3A_1570 = arith.index_cast %add3A_1567 : i32 to index
      %swap3A_1571 = arith.constant 16 : index
      %swap3A_1572 = tpu.vector_load %arg11[%swap3A_1569, %swap3A_1570, %swap3A_1571] {strides = array<i32>} : memref<5x128x128xf32, #tpu.memory_space<vmem>>, vector<1x1x16xf32>,
      %swap3A_1573 = vector.shape_cast %swap3A_1572 : vector<1x1x16xf32> to vector<16xf32>
      %swap3A_1574 = vector.shape_cast %add3A_1298 : vector<16xf32> to vector<1x1x16xf32>
      tpu.vector_store %arg11[%swap3A_1569, %swap3A_1570, %swap3A_1571], %swap3A_1574 {add = true, strides = array<i32>} : memref<5x128x128xf32, #tpu.memory_space<vmem>>, vector<1x1x16xf32>,
      %add3A_1575 = arith.constant 96 : i32
      %add3A_1576 = arith.addi %add3A_1575, %scan3A_1284 : i32
      %swap3A_1577 = arith.constant 2 : i32
      %swap3A_1578 = arith.index_cast %swap3A_1577 : i32 to index
      %swap3A_1579 = arith.index_cast %add3A_1576 : i32 to index
      %swap3A_1580 = arith.constant 32 : index
      %swap3A_1581 = tpu.vector_load %arg11[%swap3A_1578, %swap3A_1579, %swap3A_1580] {strides = array<i32>} : memref<5x128x128xf32, #tpu.memory_space<vmem>>, vector<1x1x16xf32>,
      %swap3A_1582 = vector.shape_cast %swap3A_1581 : vector<1x1x16xf32> to vector<16xf32>
      %swap3A_1583 = vector.shape_cast %add3A_1305 : vector<16xf32> to vector<1x1x16xf32>
      tpu.vector_store %arg11[%swap3A_1578, %swap3A_1579, %swap3A_1580], %swap3A_1583 {add = true, strides = array<i32>} : memref<5x128x128xf32, #tpu.memory_space<vmem>>, vector<1x1x16xf32>,
      %add3A_1584 = arith.constant 96 : i32
      %add3A_1585 = arith.addi %add3A_1584, %scan3A_1284 : i32
      %swap3A_1586 = arith.constant 2 : i32
      %swap3A_1587 = arith.index_cast %swap3A_1586 : i32 to index
      %swap3A_1588 = arith.index_cast %add3A_1585 : i32 to index
      %swap3A_1589 = arith.constant 48 : index
      %swap3A_1590 = tpu.vector_load %arg11[%swap3A_1587, %swap3A_1588, %swap3A_1589] {strides = array<i32>} : memref<5x128x128xf32, #tpu.memory_space<vmem>>, vector<1x1x16xf32>,
      %swap3A_1591 = vector.shape_cast %swap3A_1590 : vector<1x1x16xf32> to vector<16xf32>
      %swap3A_1592 = vector.shape_cast %add3A_1312 : vector<16xf32> to vector<1x1x16xf32>
      tpu.vector_store %arg11[%swap3A_1587, %swap3A_1588, %swap3A_1589], %swap3A_1592 {add = true, strides = array<i32>} : memref<5x128x128xf32, #tpu.memory_space<vmem>>, vector<1x1x16xf32>,
      %add3A_1593 = arith.constant 96 : i32
      %add3A_1594 = arith.addi %add3A_1593, %scan3A_1284 : i32
      %swap3A_1595 = arith.constant 2 : i32
      %swap3A_1596 = arith.index_cast %swap3A_1595 : i32 to index
      %swap3A_1597 = arith.index_cast %add3A_1594 : i32 to index
      %swap3A_1598 = arith.constant 64 : index
      %swap3A_1599 = tpu.vector_load %arg11[%swap3A_1596, %swap3A_1597, %swap3A_1598] {strides = array<i32>} : memref<5x128x128xf32, #tpu.memory_space<vmem>>, vector<1x1x16xf32>,
      %swap3A_1600 = vector.shape_cast %swap3A_1599 : vector<1x1x16xf32> to vector<16xf32>
      %swap3A_1601 = vector.shape_cast %add3A_1319 : vector<16xf32> to vector<1x1x16xf32>
      tpu.vector_store %arg11[%swap3A_1596, %swap3A_1597, %swap3A_1598], %swap3A_1601 {add = true, strides = array<i32>} : memref<5x128x128xf32, #tpu.memory_space<vmem>>, vector<1x1x16xf32>,
      %add3A_1602 = arith.constant 96 : i32
      %add3A_1603 = arith.addi %add3A_1602, %scan3A_1284 : i32
      %swap3A_1604 = arith.constant 2 : i32
      %swap3A_1605 = arith.index_cast %swap3A_1604 : i32 to index
      %swap3A_1606 = arith.index_cast %add3A_1603 : i32 to index
      %swap3A_1607 = arith.constant 80 : index
      %swap3A_1608 = tpu.vector_load %arg11[%swap3A_1605, %swap3A_1606, %swap3A_1607] {strides = array<i32>} : memref<5x128x128xf32, #tpu.memory_space<vmem>>, vector<1x1x16xf32>,
      %swap3A_1609 = vector.shape_cast %swap3A_1608 : vector<1x1x16xf32> to vector<16xf32>
      %swap3A_1610 = vector.shape_cast %add3A_1326 : vector<16xf32> to vector<1x1x16xf32>
      tpu.vector_store %arg11[%swap3A_1605, %swap3A_1606, %swap3A_1607], %swap3A_1610 {add = true, strides = array<i32>} : memref<5x128x128xf32, #tpu.memory_space<vmem>>, vector<1x1x16xf32>,
      %add3A_1611 = arith.constant 96 : i32
      %add3A_1612 = arith.addi %add3A_1611, %scan3A_1284 : i32
      %swap3A_1613 = arith.constant 2 : i32
      %swap3A_1614 = arith.index_cast %swap3A_1613 : i32 to index
      %swap3A_1615 = arith.index_cast %add3A_1612 : i32 to index
      %swap3A_1616 = arith.constant 96 : index
      %swap3A_1617 = tpu.vector_load %arg11[%swap3A_1614, %swap3A_1615, %swap3A_1616] {strides = array<i32>} : memref<5x128x128xf32, #tpu.memory_space<vmem>>, vector<1x1x16xf32>,
      %swap3A_1618 = vector.shape_cast %swap3A_1617 : vector<1x1x16xf32> to vector<16xf32>
      %swap3A_1619 = vector.shape_cast %add3A_1333 : vector<16xf32> to vector<1x1x16xf32>
      tpu.vector_store %arg11[%swap3A_1614, %swap3A_1615, %swap3A_1616], %swap3A_1619 {add = true, strides = array<i32>} : memref<5x128x128xf32, #tpu.memory_space<vmem>>, vector<1x1x16xf32>,
      %add3A_1620 = arith.constant 96 : i32
      %add3A_1621 = arith.addi %add3A_1620, %scan3A_1284 : i32
      %swap3A_1622 = arith.constant 2 : i32
      %swap3A_1623 = arith.index_cast %swap3A_1622 : i32 to index
      %swap3A_1624 = arith.index_cast %add3A_1621 : i32 to index
      %swap3A_1625 = arith.constant 112 : index
      %swap3A_1626 = tpu.vector_load %arg11[%swap3A_1623, %swap3A_1624, %swap3A_1625] {strides = array<i32>} : memref<5x128x128xf32, #tpu.memory_space<vmem>>, vector<1x1x16xf32>,
      %swap3A_1627 = vector.shape_cast %swap3A_1626 : vector<1x1x16xf32> to vector<16xf32>
      %swap3A_1628 = vector.shape_cast %add3A_1340 : vector<16xf32> to vector<1x1x16xf32>
      tpu.vector_store %arg11[%swap3A_1623, %swap3A_1624, %swap3A_1625], %swap3A_1628 {add = true, strides = array<i32>} : memref<5x128x128xf32, #tpu.memory_space<vmem>>, vector<1x1x16xf32>,
    }
    %scan3A_1179 = arith.constant 32 : i32
    %add3A_1180 = arith.constant 224 : i32
    %add3A_1181 = arith.addi %mul3A_2, %add3A_1180 : i32
    %dma_start3A_1182 = arith.constant 2 : i32
    %dma_start3A_1183 = arith.constant 0 : i32
    %dma_start3A_1184 = arith.constant 0 : i32
    %dma_start3A_1185 = tpu.memref_slice %arg11[%dma_start3A_1182, %dma_start3A_1183, %dma_start3A_1184] : memref<5x128x128xf32, #tpu.memory_space<vmem>> -> memref<1x128x128xf32, #tpu.memory_space<vmem>>
    %dma_start3A_1186 = tpu.memref_squeeze %dma_start3A_1185 : memref<1x128x128xf32, #tpu.memory_space<vmem>> -> memref<128x128xf32, #tpu.memory_space<vmem>>
    %dma_start3A_1187 = tpu.memref_reshape %dma_start3A_1186 : memref<128x128xf32, #tpu.memory_space<vmem>> -> memref<4x32x128xf32, #tpu.memory_space<vmem>>
    %dma_start3A_1188 = arith.constant 0 : i32
    %dma_start3A_1189 = arith.constant 0 : i32
    %dma_start3A_1190 = tpu.memref_slice %arg6[%dma_start3A_1188, %add3A_1181, %dma_start3A_1189] : memref<4x8192x128xf32, #tpu.memory_space<hbm>> -> memref<4x32x128xf32, #tpu.memory_space<hbm>>
    %dma_start3A_1191 = arith.constant 0 : i32
    %dma_start3A_1192 = arith.constant 0 : i32
    %dma_start3A_1193 = tpu.memref_slice %arg6[%dma_start3A_1191, %add3A_1181, %dma_start3A_1192] : memref<4x8192x128xf32, #tpu.memory_space<hbm>> -> memref<4x32x128xf32, #tpu.memory_space<hbm>>
    %dma_start3A_1194 = arith.constant 0 : i32
    %dma_start3A_1195 = arith.constant 0 : i32
    %dma_start3A_1196 = tpu.memref_slice %arg11[%dma_start3A_1182, %dma_start3A_1194, %dma_start3A_1195] : memref<5x128x128xf32, #tpu.memory_space<vmem>> -> memref<1x128x128xf32, #tpu.memory_space<vmem>>
    %dma_start3A_1197 = tpu.memref_squeeze %dma_start3A_1196 : memref<1x128x128xf32, #tpu.memory_space<vmem>> -> memref<128x128xf32, #tpu.memory_space<vmem>>
    %dma_start3A_1198 = tpu.memref_reshape %dma_start3A_1197 : memref<128x128xf32, #tpu.memory_space<vmem>> -> memref<4x32x128xf32, #tpu.memory_space<vmem>>
    tpu.enqueue_dma source(%dma_start3A_1198 : memref<4x32x128xf32, #tpu.memory_space<vmem>>) target(%dma_start3A_1193 : memref<4x32x128xf32, #tpu.memory_space<hbm>>) target_semaphore(%arg21 : memref<!tpu.dma_semaphore, #tpu.memory_space<semaphore_mem>>)
    %dma_wait3A_1199 = arith.constant 0 : i32
    %dma_wait3A_1200 = arith.constant 0 : i32
    %dma_wait3A_1201 = arith.constant 0 : i32
    %dma_wait3A_1202 = tpu.memref_slice %arg11[%dma_wait3A_1199, %dma_wait3A_1200, %dma_wait3A_1201] : memref<5x128x128xf32, #tpu.memory_space<vmem>> -> memref<1x128x128xf32, #tpu.memory_space<vmem>>
    %dma_wait3A_1203 = tpu.memref_squeeze %dma_wait3A_1202 : memref<1x128x128xf32, #tpu.memory_space<vmem>> -> memref<128x128xf32, #tpu.memory_space<vmem>>
    %dma_wait3A_1204 = tpu.memref_reshape %dma_wait3A_1203 : memref<128x128xf32, #tpu.memory_space<vmem>> -> memref<4x32x128xf32, #tpu.memory_space<vmem>>
    %dma_wait3A_1205 = arith.constant 0 : i32
    %dma_wait3A_1206 = arith.constant 0 : i32
    %dma_wait3A_1207 = tpu.memref_slice %arg6[%dma_wait3A_1205, %add3A_1107, %dma_wait3A_1206] : memref<4x8192x128xf32, #tpu.memory_space<hbm>> -> memref<4x32x128xf32, #tpu.memory_space<hbm>>
    %dma_wait3A_1208 = arith.constant 0 : i32
    %dma_wait3A_1209 = arith.constant 0 : i32
    %dma_wait3A_1210 = tpu.memref_slice %arg6[%dma_wait3A_1208, %add3A_1107, %dma_wait3A_1209] : memref<4x8192x128xf32, #tpu.memory_space<hbm>> -> memref<4x32x128xf32, #tpu.memory_space<hbm>>
    %dma_wait3A_1211 = arith.constant 0 : i32
    %dma_wait3A_1212 = arith.constant 0 : i32
    %dma_wait3A_1213 = tpu.memref_slice %arg11[%dma_wait3A_1199, %dma_wait3A_1211, %dma_wait3A_1212] : memref<5x128x128xf32, #tpu.memory_space<vmem>> -> memref<1x128x128xf32, #tpu.memory_space<vmem>>
    %dma_wait3A_1214 = tpu.memref_squeeze %dma_wait3A_1213 : memref<1x128x128xf32, #tpu.memory_space<vmem>> -> memref<128x128xf32, #tpu.memory_space<vmem>>
    %dma_wait3A_1215 = tpu.memref_reshape %dma_wait3A_1214 : memref<128x128xf32, #tpu.memory_space<vmem>> -> memref<4x32x128xf32, #tpu.memory_space<vmem>>
    tpu.wait_dma2 semaphore(%arg19 : memref<!tpu.dma_semaphore, #tpu.memory_space<semaphore_mem>>) src(%dma_wait3A_1215 : memref<4x32x128xf32, #tpu.memory_space<vmem>>) dst(%dma_wait3A_1210 : memref<4x32x128xf32, #tpu.memory_space<hbm>>)
    %dma_wait3A_1216 = arith.constant 1 : i32
    %dma_wait3A_1217 = arith.constant 0 : i32
    %dma_wait3A_1218 = arith.constant 0 : i32
    %dma_wait3A_1219 = tpu.memref_slice %arg11[%dma_wait3A_1216, %dma_wait3A_1217, %dma_wait3A_1218] : memref<5x128x128xf32, #tpu.memory_space<vmem>> -> memref<1x128x128xf32, #tpu.memory_space<vmem>>
    %dma_wait3A_1220 = tpu.memref_squeeze %dma_wait3A_1219 : memref<1x128x128xf32, #tpu.memory_space<vmem>> -> memref<128x128xf32, #tpu.memory_space<vmem>>
    %dma_wait3A_1221 = tpu.memref_reshape %dma_wait3A_1220 : memref<128x128xf32, #tpu.memory_space<vmem>> -> memref<4x32x128xf32, #tpu.memory_space<vmem>>
    %dma_wait3A_1222 = arith.constant 0 : i32
    %dma_wait3A_1223 = arith.constant 0 : i32
    %dma_wait3A_1224 = tpu.memref_slice %arg6[%dma_wait3A_1222, %add3A_1144, %dma_wait3A_1223] : memref<4x8192x128xf32, #tpu.memory_space<hbm>> -> memref<4x32x128xf32, #tpu.memory_space<hbm>>
    %dma_wait3A_1225 = arith.constant 0 : i32
    %dma_wait3A_1226 = arith.constant 0 : i32
    %dma_wait3A_1227 = tpu.memref_slice %arg6[%dma_wait3A_1225, %add3A_1144, %dma_wait3A_1226] : memref<4x8192x128xf32, #tpu.memory_space<hbm>> -> memref<4x32x128xf32, #tpu.memory_space<hbm>>
    %dma_wait3A_1228 = arith.constant 0 : i32
    %dma_wait3A_1229 = arith.constant 0 : i32
    %dma_wait3A_1230 = tpu.memref_slice %arg11[%dma_wait3A_1216, %dma_wait3A_1228, %dma_wait3A_1229] : memref<5x128x128xf32, #tpu.memory_space<vmem>> -> memref<1x128x128xf32, #tpu.memory_space<vmem>>
    %dma_wait3A_1231 = tpu.memref_squeeze %dma_wait3A_1230 : memref<1x128x128xf32, #tpu.memory_space<vmem>> -> memref<128x128xf32, #tpu.memory_space<vmem>>
    %dma_wait3A_1232 = tpu.memref_reshape %dma_wait3A_1231 : memref<128x128xf32, #tpu.memory_space<vmem>> -> memref<4x32x128xf32, #tpu.memory_space<vmem>>
    tpu.wait_dma2 semaphore(%arg20 : memref<!tpu.dma_semaphore, #tpu.memory_space<semaphore_mem>>) src(%dma_wait3A_1232 : memref<4x32x128xf32, #tpu.memory_space<vmem>>) dst(%dma_wait3A_1227 : memref<4x32x128xf32, #tpu.memory_space<hbm>>)
    %dma_wait3A_1233 = arith.constant 2 : i32
    %dma_wait3A_1234 = arith.constant 0 : i32
    %dma_wait3A_1235 = arith.constant 0 : i32
    %dma_wait3A_1236 = tpu.memref_slice %arg11[%dma_wait3A_1233, %dma_wait3A_1234, %dma_wait3A_1235] : memref<5x128x128xf32, #tpu.memory_space<vmem>> -> memref<1x128x128xf32, #tpu.memory_space<vmem>>
    %dma_wait3A_1237 = tpu.memref_squeeze %dma_wait3A_1236 : memref<1x128x128xf32, #tpu.memory_space<vmem>> -> memref<128x128xf32, #tpu.memory_space<vmem>>
    %dma_wait3A_1238 = tpu.memref_reshape %dma_wait3A_1237 : memref<128x128xf32, #tpu.memory_space<vmem>> -> memref<4x32x128xf32, #tpu.memory_space<vmem>>
    %dma_wait3A_1239 = arith.constant 0 : i32
    %dma_wait3A_1240 = arith.constant 0 : i32
    %dma_wait3A_1241 = tpu.memref_slice %arg6[%dma_wait3A_1239, %add3A_1181, %dma_wait3A_1240] : memref<4x8192x128xf32, #tpu.memory_space<hbm>> -> memref<4x32x128xf32, #tpu.memory_space<hbm>>
    %dma_wait3A_1242 = arith.constant 0 : i32
    %dma_wait3A_1243 = arith.constant 0 : i32
    %dma_wait3A_1244 = tpu.memref_slice %arg6[%dma_wait3A_1242, %add3A_1181, %dma_wait3A_1243] : memref<4x8192x128xf32, #tpu.memory_space<hbm>> -> memref<4x32x128xf32, #tpu.memory_space<hbm>>
    %dma_wait3A_1245 = arith.constant 0 : i32
    %dma_wait3A_1246 = arith.constant 0 : i32
    %dma_wait3A_1247 = tpu.memref_slice %arg11[%dma_wait3A_1233, %dma_wait3A_1245, %dma_wait3A_1246] : memref<5x128x128xf32, #tpu.memory_space<vmem>> -> memref<1x128x128xf32, #tpu.memory_space<vmem>>
    %dma_wait3A_1248 = tpu.memref_squeeze %dma_wait3A_1247 : memref<1x128x128xf32, #tpu.memory_space<vmem>> -> memref<128x128xf32, #tpu.memory_space<vmem>>
    %dma_wait3A_1249 = tpu.memref_reshape %dma_wait3A_1248 : memref<128x128xf32, #tpu.memory_space<vmem>> -> memref<4x32x128xf32, #tpu.memory_space<vmem>>
    tpu.wait_dma2 semaphore(%arg21 : memref<!tpu.dma_semaphore, #tpu.memory_space<semaphore_mem>>) src(%dma_wait3A_1249 : memref<4x32x128xf32, #tpu.memory_space<vmem>>) dst(%dma_wait3A_1244 : memref<4x32x128xf32, #tpu.memory_space<hbm>>)
    %dma_wait3A_1250 = arith.constant 3 : i32
    %dma_wait3A_1251 = arith.constant 0 : i32
    %dma_wait3A_1252 = arith.constant 0 : i32
    %dma_wait3A_1253 = tpu.memref_slice %arg11[%dma_wait3A_1250, %dma_wait3A_1251, %dma_wait3A_1252] : memref<5x128x128xf32, #tpu.memory_space<vmem>> -> memref<1x128x128xf32, #tpu.memory_space<vmem>>
    %dma_wait3A_1254 = tpu.memref_squeeze %dma_wait3A_1253 : memref<1x128x128xf32, #tpu.memory_space<vmem>> -> memref<128x128xf32, #tpu.memory_space<vmem>>
    %dma_wait3A_1255 = tpu.memref_reshape %dma_wait3A_1254 : memref<128x128xf32, #tpu.memory_space<vmem>> -> memref<4x32x128xf32, #tpu.memory_space<vmem>>
    %dma_wait3A_1256 = arith.constant 0 : i32
    %dma_wait3A_1257 = arith.constant 0 : i32
    %dma_wait3A_1258 = tpu.memref_slice %arg6[%dma_wait3A_1256, %add3A_1004, %dma_wait3A_1257] : memref<4x8192x128xf32, #tpu.memory_space<hbm>> -> memref<4x32x128xf32, #tpu.memory_space<hbm>>
    %dma_wait3A_1259 = arith.constant 0 : i32
    %dma_wait3A_1260 = arith.constant 0 : i32
    %dma_wait3A_1261 = tpu.memref_slice %arg6[%dma_wait3A_1259, %add3A_1004, %dma_wait3A_1260] : memref<4x8192x128xf32, #tpu.memory_space<hbm>> -> memref<4x32x128xf32, #tpu.memory_space<hbm>>
    %dma_wait3A_1262 = arith.constant 0 : i32
    %dma_wait3A_1263 = arith.constant 0 : i32
    %dma_wait3A_1264 = tpu.memref_slice %arg11[%dma_wait3A_1250, %dma_wait3A_1262, %dma_wait3A_1263] : memref<5x128x128xf32, #tpu.memory_space<vmem>> -> memref<1x128x128xf32, #tpu.memory_space<vmem>>
    %dma_wait3A_1265 = tpu.memref_squeeze %dma_wait3A_1264 : memref<1x128x128xf32, #tpu.memory_space<vmem>> -> memref<128x128xf32, #tpu.memory_space<vmem>>
    %dma_wait3A_1266 = tpu.memref_reshape %dma_wait3A_1265 : memref<128x128xf32, #tpu.memory_space<vmem>> -> memref<4x32x128xf32, #tpu.memory_space<vmem>>
    tpu.wait_dma2 semaphore(%arg22 : memref<!tpu.dma_semaphore, #tpu.memory_space<semaphore_mem>>) src(%dma_wait3A_1266 : memref<4x32x128xf32, #tpu.memory_space<vmem>>) dst(%dma_wait3A_1261 : memref<4x32x128xf32, #tpu.memory_space<hbm>>)
    %dma_wait3A_1267 = arith.constant 4 : i32
    %dma_wait3A_1268 = arith.constant 0 : i32
    %dma_wait3A_1269 = arith.constant 0 : i32
    %dma_wait3A_1270 = tpu.memref_slice %arg11[%dma_wait3A_1267, %dma_wait3A_1268, %dma_wait3A_1269] : memref<5x128x128xf32, #tpu.memory_space<vmem>> -> memref<1x128x128xf32, #tpu.memory_space<vmem>>
    %dma_wait3A_1271 = tpu.memref_squeeze %dma_wait3A_1270 : memref<1x128x128xf32, #tpu.memory_space<vmem>> -> memref<128x128xf32, #tpu.memory_space<vmem>>
    %dma_wait3A_1272 = tpu.memref_reshape %dma_wait3A_1271 : memref<128x128xf32, #tpu.memory_space<vmem>> -> memref<4x32x128xf32, #tpu.memory_space<vmem>>
    %dma_wait3A_1273 = arith.constant 0 : i32
    %dma_wait3A_1274 = arith.constant 0 : i32
    %dma_wait3A_1275 = tpu.memref_slice %arg6[%dma_wait3A_1273, %add3A_1070, %dma_wait3A_1274] : memref<4x8192x128xf32, #tpu.memory_space<hbm>> -> memref<4x32x128xf32, #tpu.memory_space<hbm>>
    %dma_wait3A_1276 = arith.constant 0 : i32
    %dma_wait3A_1277 = arith.constant 0 : i32
    %dma_wait3A_1278 = tpu.memref_slice %arg6[%dma_wait3A_1276, %add3A_1070, %dma_wait3A_1277] : memref<4x8192x128xf32, #tpu.memory_space<hbm>> -> memref<4x32x128xf32, #tpu.memory_space<hbm>>
    %dma_wait3A_1279 = arith.constant 0 : i32
    %dma_wait3A_1280 = arith.constant 0 : i32
    %dma_wait3A_1281 = tpu.memref_slice %arg11[%dma_wait3A_1267, %dma_wait3A_1279, %dma_wait3A_1280] : memref<5x128x128xf32, #tpu.memory_space<vmem>> -> memref<1x128x128xf32, #tpu.memory_space<vmem>>
    %dma_wait3A_1282 = tpu.memref_squeeze %dma_wait3A_1281 : memref<1x128x128xf32, #tpu.memory_space<vmem>> -> memref<128x128xf32, #tpu.memory_space<vmem>>
    %dma_wait3A_1283 = tpu.memref_reshape %dma_wait3A_1282 : memref<128x128xf32, #tpu.memory_space<vmem>> -> memref<4x32x128xf32, #tpu.memory_space<vmem>>
    tpu.wait_dma2 semaphore(%arg23 : memref<!tpu.dma_semaphore, #tpu.memory_space<semaphore_mem>>) src(%dma_wait3A_1283 : memref<4x32x128xf32, #tpu.memory_space<vmem>>) dst(%dma_wait3A_1278 : memref<4x32x128xf32, #tpu.memory_space<hbm>>)
    return
  }
}

</mosaic_0001>

<sc_bundles>
// kernel: kernel.3.cloned.1.call-start
scs
__scs_entry_jumppad:
0x0: {  	(pc) =	sbr.rel $0x88, $3  }
0x1: {  	(tag) =	ssettag $0x0;
	lr =	simm.s32 $0x1  }
0x2: {  	[smem:$0x3F9D] =	sst lr;
	_ =	strace $0xD0000000  }
0x3: {  	_ = 	snop  }
0x4: {  	_ = 	snop  }
0x5: {  	_ = 	snop  }
0x6: {  	_ = 	snop  }
0x7: {  	_ = 	snop  }
__scs_overlays_trampoline_lowered:
0x8: {  	[smem:$0x3FAC] =	sst s0  }
0x9: {  	[smem:$0x3FAD] =	sst s1  }
0xa: {  	[smem:$0x3FAE] =	sst s2  }
0xb: {  	[smem:$0x3FAF] =	sst s3  }
0xc: {  	[smem:$0x3FB0] =	sst s4  }
0xd: {  	[smem:$0x3FB1] =	sst s5  }
0xe: {  	[smem:$0x3FB2] =	sst s6  }
0xf: {  	[smem:$0x3FB3] =	sst s7  }
0x10: {  	[smem:$0x3FB4] =	sst s8  }
0x11: {  	[smem:$0x3FB5] =	sst s9;
	s0 =	simm.s32 @!p0 $0x0  }
0x12: {  	s1 =	sld [smem:$0x3F9B];
	s0 =	simm.s32 @p0 $0x1  }
0x13: {  	[smem:$0x3FB6] =	sst s0;
	s0 =	simm.s32 @!p1 $0x0  }
0x14: {  	s2 =	sld [smem:$0x3F9A];
	s0 =	simm.s32 @p1 $0x1  }
0x15: {  	[smem:$0x3FB7] =	sst s0;
	s0 =	simm.s32 @!p2 $0x0  }
0x16: {  	s3 =	sld [smem:$0x3FDB];
	s0 =	simm.s32 @p2 $0x1  }
0x17: {  	s4 =	simm.s32 $0x1BF5;
	[smem:$0x3FB9] =	sst s0  }
0x18: {  	s0 =	sld [smem:$0x3F9C];
	_ =	swait.ge [sflag:s4], $0x0  }
0x19: {  	s7 =	sld [smem:$0x3F9D]  }
0x1a: {  	s8 =	sadd.s32 $0xFFFFE003, lr  }
0x1b: {  	s9 =	sadd.s32 $0xFFFFFEF7, lr;
	s5 =	simm.s32 $0xFFFFFFFF;
	p2 =	slt.u32 s8, $0xFFFFF086  }
0x1c: {  	p1 =	slt.u32 s9, $0xF7A;
	s5 =	simm.s32 @!p2 $0x0  }
0x1d: {  	s5 =	simm.s32 @p1 $0x1;
	p0 =	seq.s32 s7, s2  }
0x1e: {  	s7 =	smul.u32 @!p0 $0xF7A, s2;
	p2 =	seq.s32 @!p0 s5, $0x0  }
0x1f: {  	s9 =	smul.u32 $0xF7A, s1;
	s8 =	simm.s32 @!p0 $0x1BF5;
	p2 =	por !p2, p0  }
0x20: {  	[sflag:s8] =	ssyncset.s32 @!p0 $0xFFFFF086;
	s6 =	sadd.s32 @!p0 s3, s7;
	s7 =	simm.s32 @!p0 $0x108  }
0x21: {  	s3 =	sadd.s32 s3, s9;
	s6 =	sadd.s32 @!p0 $0x88, s6;
	s7 =	simm.s32 @p2 $0x1082  }
0x22: {  	[simem:s7], [sflag:s8] =	dma.local @!p0 [hbm:s6], $0xF7A  }
0x23: {  	s9 =	sor.u32 $0xD0000000, s2;
	s6 =	simm.s32 $0x108;
	_ =	swait.ge @!p0 [sflag:s8], $0x0  }
0x24: {  	s3 =	sadd.s32 $0x88, s3;
	s6 =	simm.s32 @!p1 $0x1082;
	[sflag:s4] =	ssyncset.s32 $0xFFFFF086  }
0x25: {  	[simem:s6], [sflag:s4] =	dma.local [hbm:s3], $0xF7A  }
0x26: {  	[smem:$0x3F9D] =	sst s1;
	(tag) =	ssettag s2;
	_ =	strace s9  }
0x27: {  	s1 =	sld [smem:$0x3FAD]  }
0x28: {  	s2 =	sld [smem:$0x3FAE]  }
0x29: {  	s4 =	sld [smem:$0x3FB0]  }
0x2a: {  	p0 =	seq.s32 s5, $0x0;
	s5 =	sld [smem:$0x3FB1]  }
0x2b: {  	s6 =	sld [smem:$0x3FB2]  }
0x2c: {  	s7 =	sld [smem:$0x3FB3]  }
0x2d: {  	s3 =	simm.s32 $0x108;
	s8 =	sld [smem:$0x3FB4]  }
0x2e: {  	s3 =	simm.s32 @!p0 $0x1082;
	s9 =	sld [smem:$0x3FB5]  }
0x2f: {  	lr =	sadd.s32 s0, s3;
	s0 =	sld [smem:$0x3FAC]  }
0x30: {  	s3 =	sld [smem:$0x3FAF]  }
0x31: {  	[smem:$0x3FB8] =	sst s10  }
0x32: {  	s10 =	sld [smem:$0x3FB6];
	_ =	sdelay $0x3  }
0x33: {  	p0 =	seq.s32 s10, $0x1;
	s10 =	sld [smem:$0x3FB8];
	_ =	sdelay $0x3  }
0x34: {  	[smem:$0x3FB8] =	sst s10  }
0x35: {  	s10 =	sld [smem:$0x3FB7];
	_ =	sdelay $0x3  }
0x36: {  	p1 =	seq.s32 s10, $0x1;
	s10 =	sld [smem:$0x3FB8];
	_ =	sdelay $0x3  }
0x37: {  	[smem:$0x3FB8] =	sst s10  }
0x38: {  	s10 =	sld [smem:$0x3FB9]  }
0x39: {  	_ = 	snop;
	(pc) =	sbr.ind lr, $3  }
0x3a: {  	_ = 	snop  }
0x3b: {  	_ = 	snop  }
0x3c: {  	p2 =	seq.s32 s10, $0x1;
	s10 =	sld [smem:$0x3FB8]  }
0x3d: {  	_ =	shalt  }
0x3e: {  	_ =	shalt  }
0x3f: {  	_ =	shalt  }
0x40: {  	_ =	shalt  }
0x41: {  	_ =	shalt  }
0x42: {  	_ =	shalt  }
0x43: {  	_ =	shalt  }
0x44: {  	_ =	shalt  }
0x45: {  	_ =	shalt  }
0x46: {  	_ =	shalt  }
0x47: {  	_ =	shalt  }
0x48: {  	_ =	shalt  }
0x49: {  	_ =	shalt  }
0x4a: {  	_ =	shalt  }
0x4b: {  	_ =	shalt  }
0x4c: {  	_ =	shalt  }
0x4d: {  	_ =	shalt  }
0x4e: {  	_ =	shalt  }
0x4f: {  	_ =	shalt  }
0x50: {  	_ =	shalt  }
0x51: {  	_ =	shalt  }
0x52: {  	_ =	shalt  }
0x53: {  	_ =	shalt  }
0x54: {  	_ =	shalt  }
0x55: {  	_ =	shalt  }
0x56: {  	_ =	shalt  }
0x57: {  	_ =	shalt  }
0x58: {  	_ =	shalt  }
0x59: {  	_ =	shalt  }
0x5a: {  	_ =	shalt  }
0x5b: {  	_ =	shalt  }
0x5c: {  	_ =	shalt  }
0x5d: {  	_ =	shalt  }
0x5e: {  	_ =	shalt  }
0x5f: {  	_ =	shalt  }
0x60: {  	_ =	shalt  }
0x61: {  	_ =	shalt  }
0x62: {  	_ =	shalt  }
0x63: {  	_ =	shalt  }
0x64: {  	_ =	shalt  }
0x65: {  	_ =	shalt  }
0x66: {  	_ =	shalt  }
0x67: {  	_ =	shalt  }
0x68: {  	_ =	shalt  }
0x69: {  	_ =	shalt  }
0x6a: {  	_ =	shalt  }
0x6b: {  	_ =	shalt  }
0x6c: {  	_ =	shalt  }
0x6d: {  	_ =	shalt  }
0x6e: {  	_ =	shalt  }
0x6f: {  	_ =	shalt  }
0x70: {  	_ =	shalt  }
0x71: {  	_ =	shalt  }
0x72: {  	_ =	shalt  }
0x73: {  	_ =	shalt  }
0x74: {  	_ =	shalt  }
0x75: {  	_ =	shalt  }
0x76: {  	_ =	shalt  }
0x77: {  	_ =	shalt  }
0x78: {  	_ =	shalt  }
0x79: {  	_ =	shalt  }
0x7a: {  	_ =	shalt  }
0x7b: {  	_ =	shalt  }
0x7c: {  	_ =	shalt  }
0x7d: {  	_ =	shalt  }
0x7e: {  	_ =	shalt  }
0x7f: {  	_ =	shalt  }
0x80: {  	_ =	shalt  }
0x81: {  	_ =	shalt  }
0x82: {  	_ =	shalt  }
0x83: {  	_ =	shalt  }
0x84: {  	_ =	shalt  }
0x85: {  	_ =	shalt  }
0x86: {  	_ =	shalt  }
0x87: {  	_ =	shalt  }
.Lfunc_end0:
.L_simem_size_0:
called_computation_lowered:
.L_overlay_start_0:
0x88: {  	s2 =	sld [smem:$0x3FD9]  }
0x89: {  	s3 =	sld [smem:$0x3FFE];
	_ =	sdelay $0x1  }
0x8a: {  	s1 =	srdreg.scid  }
0x8b: {  	s0 =	sand.u32 $0x1, s1  }
0x8c: {  	s18 =	sshll.u32 s0, $0xA;
	s2 =	sadd.s32 s3, s2  }
0x8d: {  	s2 =	sadd.s32 s2, s18  }
0x8e: {  	[smem:$0x3FC4] =	sst s2  }
0x8f: {  	_ = 	snop  }
0x90: {  	s2 =	sld [smem:$0x3FC9]  }
0x91: {  	s19 =	sld [smem:$0x3FC8]  }
0x92: {  	s4 =	sld [smem:$0x3FC7]  }
0x93: {  	s5 =	sld [smem:$0x3FC6]  }
0x94: {  	s6 =	sld [smem:$0x3FD0];
	(tm) =	ssettm $0x1  }
0x95: {  	s7 =	sld [smem:$0x3FFB];
	_ =	sdelay $0x3  }
0x96: {  	_ =	strace s7  }
0x97: {  	s7 =	sld [smem:$0x3FFC];
	_ =	sdelay $0x3  }
0x98: {  	_ =	strace s7  }
0x99: {  	s7 =	sld [smem:$0x3FFD];
	_ =	sdelay $0x3  }
0x9a: {  	_ =	strace s7  }
0x9b: {  	_ =	strace $0x8FFFFFFF  }
0x9c: {  	s20 =	sld [smem:$0x3FDB];
	_ =	sdelay $0x1  }
0x9d: {  	s8 =	simm.s32 $_scs_section_size  }
0x9e: {  	s9 =	simm.s32 $_size__tile_overlayer_lowered;
	s10 =	simm.s32 $_tile_overlayer_lowered  }
0x9f: {  	s23 =	simm.s32 $0x1BFF;
	s22 =	sshll.u32 s10, $0x1;
	s7 =	sadd.s32 s8, s20  }
0xa0: {  	s11 =	simm.s32 $0x0;
	s21 =	sshll.u32 s9, $0x1;
	s9 =	sadd.s32 s22, s7  }
0xa1: {  	[timem:s11], [sflag:s23] =	dma.local [hbm:s9], s21  }
0xa2: {  	_ =	swait.ge [sflag:s23], s21  }
0xa3: {  	s8 =	ssub.s32 $0x0, s21;
	[sflag:s23] =	ssyncset.done $0x0  }
0xa4: {  	[sflag:s23] =	ssyncadd.s32 s8;
	_ =	sdelay $0x1  }
0xa5: {  	s24 =	simm.s32 $0x1B8B  }
0xa6: {  	_ =	swait.ge [sflag:s24], $0x1  }
0xa7: {  	[sflag:s24] =	ssyncset.done $0x0  }
0xa8: {  	s25 =	simm.s32 $0x1B8E;
	[sflag:s24] =	ssyncadd.s32 $0xFFFFFFFF  }
0xa9: {  	s26 =	simm.s32 $execute0_lowered;
	[smem:$0x3FD2] =	sst s25  }
0xaa: {  	s8 =	sshll.u32 s26, $0x1;
	_ =	strace $0x80000046;
	[dreg:$0x1] =	wrdreg $0xFFFFFFFF  }
0xab: {  	s28 =	simm.s32 $_size_execute0_lowered;
	s7 =	sadd.s32 s7, s8;
	[dreg:$0x0] =	wrdreg $0x0  }
0xac: {  	s8 =	sshll.u32 s28, $0x1;
	[dreg:$0x2] =	wrdreg s7  }
0xad: {  	[dreg:$0x3] =	wrdreg s8  }
0xae: {  	[dreg:$0x4] =	wrdreg $0xC0  }
0xaf: {  	_ =	task [dreg:s11], $0x5FFFF  }
0xb0: {  	[dreg:$0x1] =	wrdreg $0xFFFFFFFF  }
0xb1: {  	[dreg:$0x0] =	wrdreg $0x60  }
0xb2: {  	[dreg:$0x2] =	wrdreg s2  }
0xb3: {  	[dreg:$0x3] =	wrdreg s19  }
0xb4: {  	[dreg:$0x4] =	wrdreg s4  }
0xb5: {  	[dreg:$0x5] =	wrdreg s5  }
0xb6: {  	[dreg:$0x6] =	wrdreg s6  }
0xb7: {  	[dreg:$0x7] =	wrdreg $0x9  }
0xb8: {  	_ =	task.clear_ibuf [dreg:s11], $0x8FFFF;
	_ =	strace $0x90000046  }
0xb9: {  	s29 =	simm.s32 $0x9;
	_ =	strace $0x80000048  }
0xba: {  	_ =	swait.ge [sflag:s29], $0x1  }
0xbb: {  	[sflag:s29] =	ssyncadd.s32 $0xFFFFFFFF  }
0xbc: {  	_ =	strace $0x90000048  }
0xbd: {  	_ =	sfence  }
0xbe: {  	s30 =	sld [smem:$0x0];
	_ =	sdelay $0x2  }
0xbf: {  	s31 =	sshll.u32 s1, $0xD;
	s1 =	sshrl.u32 s1, $0x2  }
0xc0: {  	s3 =	sand.u32 $0x4000, s31;
	s1 =	sadd.s32 s1, s30  }
0xc1: {  	s0 =	sor.u32 s3, s0;
	s1 =	sshll.u32 s1, $0x11  }
0xc2: {  	s0 =	sor.u32 s1, s0  }
0xc3: {  	s0 =	sadd.s32 $0x8F2B, s0  }
0xc4: {  	[sflag:s0] =	ssyncadd.remote.s32 $0x1  }
0xc5: {  	_ =	sfence.sel $0xFFFF  }
0xc6: {  	[dreg:$0x0] =	wrdreg $0xFFFFFFFF;
	(pc) =	sbr.abs _section_cstart, $3  }
0xc7: {  	[dreg:$0x1] =	wrdreg $0xFFFFFFFF  }
0xc8: {  	_ =	task.clear_ibuf [dreg:s11], $0x2FFFF;
	_ =	strace $0x9FFFFFFF  }
0xc9: {  	(tm) =	ssettm $0x7FFFFFFF  }
tec
execute0_lowered:
.L_overlay_start_1:
0x0: {  	(tag) =	ssettag $0x1  }
0x1: {  	s0 =	rddreg [dreg:$0x0]  }
0x2: {  	s1 =	rddreg [dreg:$0x1]  }
0x3: {  	s2 =	rddreg [dreg:$0x3]  }
0x4: {  	s3 =	rddreg [dreg:$0x4];
	s4 =	simm.s32 $0x0  }
0x5: {  	s5 =	srdreg.scid;
	s7 =	stileid.u32;
	s18 =	simm.s32 $0x1  }
0x6: {  	s19 =	simm.s32 $0x80;
	s21 =	simm.s32 $0x8880;
	s23 =	simm.s32 $0xC880  }
0x7: {  	s29 =	simm.s32 $0x2;
	s30 =	simm.s32 $0x3;
	s31 =	simm.s32 $0x1000  }
0x8: {  	s16 =	simm.s32 $0x4;
	s17 =	simm.s32 $0x8;
	s22 =	simm.s32 $0x5  }
0x9: {  	s20 =	simm.s32 $0xA;
	[smem:$0x7FF] =	sst s4;
	s5 =	sand.u32 $0x1, s5  }
0xa: {  	s7 =	sshll.u32 s7, $0x9;
	s6 =	ssub.s32 $0x2, s5;
	s5 =	sshll.u32 s5, $0x8  }
0xb: {  	s28 =	simm.s32 $0xC;
	_ =	strace $0x80000047;
	s5 =	sor.u32 s5, s7  }
0xc: {  	s8 =	sshrl.u32 s6, $0x1;
	s7 =	sshrl.u32 s5, $0x1;
	s5 =	sshll.u32 s5, $0x4  }
0xd: {  	s6 =	ssub.s32 s6, s8;
	s0 =	sadd.s32 s0, s7;
	s24 =	sadd.s32 s2, s5  }
0xe: {  	s7 =	sadd.s32 s3, s5;
	s15 =	smax.u32 s6, $0x1;
	s2 =	simm.s32 $0x18880  }
0xf: {  	s3 =	simm.s32 $0x6;
	s5 =	simm.s32 $0xB;
	[dreg:$0x6] =	wrdreg s0  }
0x10: {  	s6 =	simm.s32 $0x0;
	[dreg:$0x7] =	wrdreg s24;
	s25 =	sadd.s32 $0x200, s7  }
0x11: {  	s26 =	sadd.s32 $0x400, s7;
	s10 =	sadd.s32 $0x600, s7;
	s11 =	sadd.s32 $0x800, s7  }
0x12: {  	s12 =	sadd.s32 $0xA00, s7;
	s13 =	sadd.s32 $0xC00, s7;
	s14 =	sadd.s32 $0xE00, s7  }
0x13: {  	s0 =	simm.s32 $0x100000;
	s24 =	simm.s32 $0x9;
	[dreg:$0x8] =	wrdreg s25  }
0x14: {  	[dreg:$0x9] =	wrdreg s26;
	s25 =	simm.s32 $0x10880;
	s26 =	simm.s32 $0x7  }
.LBB2_1:
0x15: {  	s8 =	rddreg [dreg:$0x6]  }
0x16: {  	[tilespmem:s4], [sflag:$0x1] =	stream.linear.gather [hbm4b:s8+s4], $0x400, $0x38;
	[tilespmem:$0x1C880] =	vst v63  }
0x17: {  	s9 =	simm.s32 $0x880;
	s8 =	rddreg [dreg:$0x7]  }
0x18: {  	[tilespmem:s9], [sflag:$0x2] =	stream.linear.gather [hbm4b:s8+s4], $0x8000, $0x38;
	[tilespmem:$0x1C880] =	vst v63  }
0x19: {  	s8 =	rddreg [dreg:$0x2];
	s9 =	simm.s32 $0x800  }
0x1a: {  	[tilespmem:s9], [sflag:$0x2] =	stream.linear.gather [hbm4b:s8+s4], $0x80, $0x38;
	[tilespmem:$0x1C880] =	vst v63  }
0x1b: {  	_ =	swait.ge [sflag:s18], $0x400  }
0x1c: {  	[sflag:s18] =	ssyncset.done $0x0  }
0x1d: {  	[sflag:s18] =	ssyncadd.s32 $0xFFFFFC00  }
0x1e: {  	v0 =	vld [tilespmem:$0x0]  }
0x1f: {  	v1 =	vld [tilespmem:$0x10]  }
0x20: {  	v2 =	vld [tilespmem:$0x80]  }
0x21: {  	v3 =	vld [tilespmem:$0x90]  }
0x22: {  	v4 =	vld [tilespmem:$0x100]  }
0x23: {  	[tilespmem:$0x400] =	vst v0;
	v0 =	vld [tilespmem:$0x110]  }
0x24: {  	[tilespmem:$0x410] =	vst v1;
	v1 =	vld [tilespmem:$0x180]  }
0x25: {  	[tilespmem:$0x420] =	vst v2;
	v2 =	vld [tilespmem:$0x190]  }
0x26: {  	[tilespmem:$0x430] =	vst v3;
	v3 =	vld [tilespmem:$0x20]  }
0x27: {  	[tilespmem:$0x440] =	vst v4;
	v4 =	vld [tilespmem:$0x30]  }
0x28: {  	[tilespmem:$0x450] =	vst v0;
	v0 =	vld [tilespmem:$0xA0]  }
0x29: {  	[tilespmem:$0x460] =	vst v1;
	v1 =	vld [tilespmem:$0xB0]  }
0x2a: {  	[tilespmem:$0x470] =	vst v2;
	v2 =	vld [tilespmem:$0x120]  }
0x2b: {  	[tilespmem:$0x480] =	vst v3;
	v3 =	vld [tilespmem:$0x130]  }
0x2c: {  	[tilespmem:$0x490] =	vst v4;
	v4 =	vld [tilespmem:$0x1A0]  }
0x2d: {  	[tilespmem:$0x4A0] =	vst v0;
	v0 =	vld [tilespmem:$0x1B0]  }
0x2e: {  	[tilespmem:$0x4B0] =	vst v1;
	v1 =	vld [tilespmem:$0x40]  }
0x2f: {  	[tilespmem:$0x4C0] =	vst v2;
	v2 =	vld [tilespmem:$0x50]  }
0x30: {  	[tilespmem:$0x4D0] =	vst v3;
	v3 =	vld [tilespmem:$0xC0]  }
0x31: {  	[tilespmem:$0x4E0] =	vst v4;
	v4 =	vld [tilespmem:$0xD0]  }
0x32: {  	[tilespmem:$0x4F0] =	vst v0;
	v0 =	vld [tilespmem:$0x140]  }
0x33: {  	[tilespmem:$0x500] =	vst v1;
	v1 =	vld [tilespmem:$0x150]  }
0x34: {  	[tilespmem:$0x510] =	vst v2;
	v2 =	vld [tilespmem:$0x1C0]  }
0x35: {  	[tilespmem:$0x520] =	vst v3;
	v3 =	vld [tilespmem:$0x1D0]  }
0x36: {  	[tilespmem:$0x530] =	vst v4;
	v4 =	vld [tilespmem:$0x60]  }
0x37: {  	[tilespmem:$0x540] =	vst v0;
	v0 =	vld [tilespmem:$0x70]  }
0x38: {  	[tilespmem:$0x550] =	vst v1;
	v1 =	vld [tilespmem:$0xE0]  }
0x39: {  	[tilespmem:$0x560] =	vst v2;
	v2 =	vld [tilespmem:$0xF0]  }
0x3a: {  	[tilespmem:$0x570] =	vst v3;
	v3 =	vld [tilespmem:$0x160]  }
0x3b: {  	[tilespmem:$0x580] =	vst v4;
	v4 =	vld [tilespmem:$0x170]  }
0x3c: {  	[tilespmem:$0x590] =	vst v0;
	v0 =	vld [tilespmem:$0x1E0]  }
0x3d: {  	[tilespmem:$0x5A0] =	vst v1;
	v1 =	vld [tilespmem:$0x1F0]  }
0x3e: {  	[tilespmem:$0x5B0] =	vst v2;
	v2 =	vld [tilespmem:$0x200]  }
0x3f: {  	[tilespmem:$0x5C0] =	vst v3;
	v3 =	vld [tilespmem:$0x210]  }
0x40: {  	[tilespmem:$0x5D0] =	vst v4;
	v4 =	vld [tilespmem:$0x280]  }
0x41: {  	[tilespmem:$0x5E0] =	vst v0;
	v0 =	vld [tilespmem:$0x290]  }
0x42: {  	[tilespmem:$0x5F0] =	vst v1;
	v1 =	vld [tilespmem:$0x300]  }
0x43: {  	[tilespmem:$0x600] =	vst v2;
	v2 =	vld [tilespmem:$0x310]  }
0x44: {  	[tilespmem:$0x610] =	vst v3;
	v3 =	vld [tilespmem:$0x380]  }
0x45: {  	[tilespmem:$0x620] =	vst v4;
	v4 =	vld [tilespmem:$0x390]  }
0x46: {  	[tilespmem:$0x630] =	vst v0;
	v0 =	vld [tilespmem:$0x220]  }
0x47: {  	[tilespmem:$0x640] =	vst v1;
	v1 =	vld [tilespmem:$0x230]  }
0x48: {  	[tilespmem:$0x650] =	vst v2;
	v2 =	vld [tilespmem:$0x2A0]  }
0x49: {  	[tilespmem:$0x660] =	vst v3;
	v3 =	vld [tilespmem:$0x2B0]  }
0x4a: {  	[tilespmem:$0x670] =	vst v4;
	v4 =	vld [tilespmem:$0x320]  }
0x4b: {  	[tilespmem:$0x680] =	vst v0;
	v0 =	vld [tilespmem:$0x330]  }
0x4c: {  	[tilespmem:$0x690] =	vst v1;
	v1 =	vld [tilespmem:$0x3A0]  }
0x4d: {  	[tilespmem:$0x6A0] =	vst v2;
	v2 =	vld [tilespmem:$0x3B0]  }
0x4e: {  	[tilespmem:$0x6B0] =	vst v3;
	v3 =	vld [tilespmem:$0x240]  }
0x4f: {  	[tilespmem:$0x6C0] =	vst v4;
	v4 =	vld [tilespmem:$0x250]  }
0x50: {  	[tilespmem:$0x6D0] =	vst v0;
	v0 =	vld [tilespmem:$0x2C0]  }
0x51: {  	[tilespmem:$0x6E0] =	vst v1;
	v1 =	vld [tilespmem:$0x2D0]  }
0x52: {  	[tilespmem:$0x6F0] =	vst v2;
	v2 =	vld [tilespmem:$0x340]  }
0x53: {  	[tilespmem:$0x700] =	vst v3;
	v3 =	vld [tilespmem:$0x350]  }
0x54: {  	[tilespmem:$0x710] =	vst v4;
	v4 =	vld [tilespmem:$0x3C0]  }
0x55: {  	[tilespmem:$0x720] =	vst v0;
	v0 =	vld [tilespmem:$0x3D0]  }
0x56: {  	[tilespmem:$0x730] =	vst v1;
	v1 =	vld [tilespmem:$0x260]  }
0x57: {  	[tilespmem:$0x740] =	vst v2;
	v2 =	vld [tilespmem:$0x270]  }
0x58: {  	[tilespmem:$0x750] =	vst v3;
	v3 =	vld [tilespmem:$0x2E0]  }
0x59: {  	[tilespmem:$0x760] =	vst v4;
	v4 =	vld [tilespmem:$0x2F0]  }
0x5a: {  	[tilespmem:$0x770] =	vst v0;
	v0 =	vld [tilespmem:$0x360]  }
0x5b: {  	[tilespmem:$0x780] =	vst v1;
	v1 =	vld [tilespmem:$0x370]  }
0x5c: {  	[tilespmem:$0x790] =	vst v2;
	v2 =	vld [tilespmem:$0x3E0]  }
0x5d: {  	[tilespmem:$0x7A0] =	vst v3;
	v3 =	vld [tilespmem:$0x3F0]  }
0x5e: {  	[tilespmem:$0x7B0] =	vst v4  }
0x5f: {  	[tilespmem:$0x7C0] =	vst v0  }
0x60: {  	[tilespmem:$0x7D0] =	vst v1  }
0x61: {  	[tilespmem:$0x7E0] =	vst v2  }
0x62: {  	s9 =	simm.s32 $0x400;
	[tilespmem:$0x7F0] =	vst v3  }
0x63: {  	[tilespmem:s21], [sflag:$0x3] =	stream.indirect.gather [hbm4b:s1+s19], $0x80, s9, s19, $0xb8;
	[tilespmem:$0x1C880] =	vst v63  }
0x64: {  	s9 =	simm.s32 $0x480  }
0x65: {  	[tilespmem:s23], [sflag:$0x4] =	stream.indirect.gather [hbm4b:s1+s19], $0x80, s9, s19, $0xb8;
	[tilespmem:$0x1C880] =	vst v63  }
0x66: {  	s9 =	simm.s32 $0x500  }
0x67: {  	[tilespmem:s25], [sflag:$0x5] =	stream.indirect.gather [hbm4b:s1+s19], $0x80, s9, s19, $0xb8;
	[tilespmem:$0x1C880] =	vst v63  }
0x68: {  	s8 =	simm.s32 $0x580;
	s9 =	simm.s32 $0x14880  }
0x69: {  	[tilespmem:s9], [sflag:$0x6] =	stream.indirect.gather [hbm4b:s1+s19], $0x80, s8, s19, $0xb8;
	[tilespmem:$0x1C880] =	vst v63  }
0x6a: {  	_ =	swait.ge [sflag:s29], $0x8000  }
0x6b: {  	[sflag:s29] =	ssyncset.done $0x0  }
0x6c: {  	[sflag:s29] =	ssyncadd.s32 $0xFFFF8000  }
0x6d: {  	_ =	swait.ge [sflag:s29], $0x80  }
0x6e: {  	[sflag:s29] =	ssyncset.done $0x0  }
0x6f: {  	[sflag:s29] =	ssyncadd.s32 $0xFFFFFF80  }
0x70: {  	v6 =	vld [tilespmem:$0x800]  }
0x71: {  	v5 =	vld [tilespmem:$0x810]  }
0x72: {  	v4 =	vld [tilespmem:$0x820]  }
0x73: {  	v3 =	vld [tilespmem:$0x830]  }
0x74: {  	v2 =	vld [tilespmem:$0x840]  }
0x75: {  	v1 =	vld [tilespmem:$0x850]  }
0x76: {  	v0 =	vld [tilespmem:$0x860]  }
0x77: {  	v7 =	vld [tilespmem:$0x870];
	_ =	swait.ge [sflag:s30], $0x4000  }
0x78: {  	[sflag:s30] =	ssyncset.done $0x0  }
0x79: {  	s8 =	simm.s32 $0x0;
	s9 =	simm.s32 $0x200;
	[sflag:s30] =	ssyncadd.s32 $0xFFFFC000  }
.LBB2_2:
0x7a: {  	p0 =	sne.s32 s9, $0x3E00;
	v8 =	vld [tilespmem:s8+$0x8F0]  }
0x7b: {  	v9 =	vld [tilespmem:s8+$0x880]  }
0x7c: {  	v10 =	vld [tilespmem:s8+$0x890]  }
0x7d: {  	v11 =	vld [tilespmem:s8+$0x8A0]  }
0x7e: {  	v12 =	vld [tilespmem:s8+$0x8B0]  }
0x7f: {  	v13 =	vld [tilespmem:s8+$0x8C0];
	v8 =	vadd.f32 v8, v7  }
0x80: {  	v9 =	vadd.f32 v9, v6;
	v14 =	vld [tilespmem:s8+$0x8D0]  }
0x81: {  	v10 =	vadd.f32 v10, v5;
	[tilespmem:s8+$0xB8F0] =	vst.add.f32.msk $0xffff, v8  }
0x82: {  	v11 =	vadd.f32 v11, v4;
	v15 =	vld [tilespmem:s8+$0x8E0]  }
0x83: {  	v12 =	vadd.f32 v12, v3;
	[tilespmem:s8+$0x8880] =	vst.add.f32.msk $0xffff, v9  }
0x84: {  	v13 =	vadd.f32 v13, v2;
	[tilespmem:s8+$0x8890] =	vst.add.f32.msk $0xffff, v10  }
0x85: {  	v14 =	vadd.f32 v14, v1;
	[tilespmem:s8+$0x88A0] =	vst.add.f32.msk $0xffff, v11  }
0x86: {  	[tilespmem:s8+$0x88B0] =	vst.add.f32.msk $0xffff, v12  }
0x87: {  	v15 =	vadd.f32 v15, v0;
	[tilespmem:s8+$0x88C0] =	vst.add.f32.msk $0xffff, v13  }
0x88: {  	[tilespmem:s8+$0x88D0] =	vst.add.f32.msk $0xffff, v14  }
0x89: {  	[tilespmem:s8+$0x88E0] =	vst.add.f32.msk $0xffff, v15  }
0x8a: {  	[tilespmem:s8+$0x88F0] =	vst.add.f32.msk $0xffff, v8  }
0x8b: {  	[tilespmem:s8+$0x9880] =	vst.add.f32.msk $0xffff, v9  }
0x8c: {  	[tilespmem:s8+$0x9890] =	vst.add.f32.msk $0xffff, v10  }
0x8d: {  	[tilespmem:s8+$0x98A0] =	vst.add.f32.msk $0xffff, v11  }
0x8e: {  	[tilespmem:s8+$0x98B0] =	vst.add.f32.msk $0xffff, v12  }
0x8f: {  	[tilespmem:s8+$0x98C0] =	vst.add.f32.msk $0xffff, v13  }
0x90: {  	[tilespmem:s8+$0x98D0] =	vst.add.f32.msk $0xffff, v14  }
0x91: {  	[tilespmem:s8+$0x98E0] =	vst.add.f32.msk $0xffff, v15  }
0x92: {  	[tilespmem:s8+$0x98F0] =	vst.add.f32.msk $0xffff, v8  }
0x93: {  	[tilespmem:s8+$0xA880] =	vst.add.f32.msk $0xffff, v9  }
0x94: {  	[tilespmem:s8+$0xA890] =	vst.add.f32.msk $0xffff, v10  }
0x95: {  	[tilespmem:s8+$0xA8A0] =	vst.add.f32.msk $0xffff, v11  }
0x96: {  	[tilespmem:s8+$0xA8B0] =	vst.add.f32.msk $0xffff, v12  }
0x97: {  	[tilespmem:s8+$0xA8C0] =	vst.add.f32.msk $0xffff, v13  }
0x98: {  	[tilespmem:s8+$0xA8D0] =	vst.add.f32.msk $0xffff, v14  }
0x99: {  	[tilespmem:s8+$0xA8E0] =	vst.add.f32.msk $0xffff, v15  }
0x9a: {  	[tilespmem:s8+$0xA8F0] =	vst.add.f32.msk $0xffff, v8  }
0x9b: {  	[tilespmem:s8+$0xB880] =	vst.add.f32.msk $0xffff, v9  }
0x9c: {  	[tilespmem:s8+$0xB890] =	vst.add.f32.msk $0xffff, v10  }
.Ltmp0:
0x9d: {  	[tilespmem:s8+$0xB8A0] =	vst.add.f32.msk $0xffff, v11;
	(pc) =	sbr.rel @p0 .LBB2_2-.Ltmp0, $4  }
0x9e: {  	[tilespmem:s8+$0xB8B0] =	vst.add.f32.msk $0xffff, v12  }
0x9f: {  	[tilespmem:s8+$0xB8C0] =	vst.add.f32.msk $0xffff, v13  }
0xa0: {  	[tilespmem:s8+$0xB8D0] =	vst.add.f32.msk $0xffff, v14  }
0xa1: {  	[tilespmem:s8+$0xB8E0] =	vst.add.f32.msk $0xffff, v15;
	s8 =	sshra.s32 s9, $0x2;
	s9 =	sadd.s32 $0x200, s9  }
0xa2: {  	v8 =	vld [tilespmem:s8+$0x8F0]  }
0xa3: {  	v9 =	vld [tilespmem:s8+$0x880]  }
0xa4: {  	v10 =	vld [tilespmem:s8+$0x890]  }
0xa5: {  	v11 =	vld [tilespmem:s8+$0x8A0]  }
0xa6: {  	v12 =	vld [tilespmem:s8+$0x8B0]  }
0xa7: {  	v13 =	vld [tilespmem:s8+$0x8C0]  }
0xa8: {  	v14 =	vld [tilespmem:s8+$0x8D0];
	v8 =	vadd.f32 v8, v7  }
0xa9: {  	v15 =	vld [tilespmem:s8+$0x8E0];
	v9 =	vadd.f32 v9, v6  }
0xaa: {  	v10 =	vadd.f32 v10, v5;
	[tilespmem:s8+$0xB8F0] =	vst.add.f32.msk $0xffff, v8  }
0xab: {  	v11 =	vadd.f32 v11, v4;
	[tilespmem:s8+$0x8880] =	vst.add.f32.msk $0xffff, v9  }
0xac: {  	v12 =	vadd.f32 v12, v3;
	[tilespmem:s8+$0x8890] =	vst.add.f32.msk $0xffff, v10  }
0xad: {  	v13 =	vadd.f32 v13, v2;
	[tilespmem:s8+$0x88A0] =	vst.add.f32.msk $0xffff, v11  }
0xae: {  	v14 =	vadd.f32 v14, v1;
	[tilespmem:s8+$0x88B0] =	vst.add.f32.msk $0xffff, v12  }
0xaf: {  	v15 =	vadd.f32 v15, v0;
	[tilespmem:s8+$0x88C0] =	vst.add.f32.msk $0xffff, v13  }
0xb0: {  	[tilespmem:s8+$0x88D0] =	vst.add.f32.msk $0xffff, v14  }
0xb1: {  	[tilespmem:s8+$0x88E0] =	vst.add.f32.msk $0xffff, v15  }
0xb2: {  	[tilespmem:s8+$0x88F0] =	vst.add.f32.msk $0xffff, v8  }
0xb3: {  	[tilespmem:s8+$0x9880] =	vst.add.f32.msk $0xffff, v9  }
0xb4: {  	[tilespmem:s8+$0x9890] =	vst.add.f32.msk $0xffff, v10  }
0xb5: {  	[tilespmem:s8+$0x98A0] =	vst.add.f32.msk $0xffff, v11  }
0xb6: {  	[tilespmem:s8+$0x98B0] =	vst.add.f32.msk $0xffff, v12  }
0xb7: {  	[tilespmem:s8+$0x98C0] =	vst.add.f32.msk $0xffff, v13  }
0xb8: {  	[tilespmem:s8+$0x98D0] =	vst.add.f32.msk $0xffff, v14  }
0xb9: {  	[tilespmem:s8+$0x98E0] =	vst.add.f32.msk $0xffff, v15  }
0xba: {  	[tilespmem:s8+$0x98F0] =	vst.add.f32.msk $0xffff, v8  }
0xbb: {  	[tilespmem:s8+$0xA880] =	vst.add.f32.msk $0xffff, v9  }
0xbc: {  	[tilespmem:s8+$0xA890] =	vst.add.f32.msk $0xffff, v10  }
0xbd: {  	[tilespmem:s8+$0xA8A0] =	vst.add.f32.msk $0xffff, v11  }
0xbe: {  	[tilespmem:s8+$0xA8B0] =	vst.add.f32.msk $0xffff, v12  }
0xbf: {  	[tilespmem:s8+$0xA8C0] =	vst.add.f32.msk $0xffff, v13  }
0xc0: {  	[tilespmem:s8+$0xA8D0] =	vst.add.f32.msk $0xffff, v14  }
0xc1: {  	[tilespmem:s8+$0xA8E0] =	vst.add.f32.msk $0xffff, v15  }
0xc2: {  	[tilespmem:s8+$0xA8F0] =	vst.add.f32.msk $0xffff, v8  }
0xc3: {  	[tilespmem:s8+$0xB880] =	vst.add.f32.msk $0xffff, v9  }
0xc4: {  	[tilespmem:s8+$0xB890] =	vst.add.f32.msk $0xffff, v10  }
0xc5: {  	[tilespmem:s8+$0xB8A0] =	vst.add.f32.msk $0xffff, v11  }
0xc6: {  	[tilespmem:s8+$0xB8B0] =	vst.add.f32.msk $0xffff, v12  }
0xc7: {  	[tilespmem:s8+$0xB8C0] =	vst.add.f32.msk $0xffff, v13  }
0xc8: {  	[tilespmem:s8+$0xB8D0] =	vst.add.f32.msk $0xffff, v14  }
0xc9: {  	[tilespmem:s8+$0xB8E0] =	vst.add.f32.msk $0xffff, v15  }
0xca: {  	[hbm4b:s7+s31] =	stream.strided.scatter [tilespmem:s21], [sflag:$0x8], $0x4000, s0, s31, $0x38;
	[tilespmem:$0x1C880] =	vst v63  }
0xcb: {  	s9 =	simm.s32 $0x600  }
0xcc: {  	[tilespmem:s2], [sflag:$0x7] =	stream.indirect.gather [hbm4b:s1+s19], $0x80, s9, s19, $0xb8;
	[tilespmem:$0x1C880] =	vst v63  }
0xcd: {  	_ =	swait.ge [sflag:s16], $0x4000  }
0xce: {  	[sflag:s16] =	ssyncset.done $0x0  }
0xcf: {  	s8 =	simm.s32 $0x0;
	s9 =	simm.s32 $0x200;
	[sflag:s16] =	ssyncadd.s32 $0xFFFFC000  }
.LBB2_4:
0xd0: {  	p0 =	sne.s32 s9, $0x3E00;
	v8 =	vld [tilespmem:s8+$0x18F0]  }
0xd1: {  	v9 =	vld [tilespmem:s8+$0x1880]  }
0xd2: {  	v10 =	vld [tilespmem:s8+$0x1890]  }
0xd3: {  	v11 =	vld [tilespmem:s8+$0x18A0]  }
0xd4: {  	v12 =	vld [tilespmem:s8+$0x18B0]  }
0xd5: {  	v13 =	vld [tilespmem:s8+$0x18C0];
	v8 =	vadd.f32 v8, v7  }
0xd6: {  	v9 =	vadd.f32 v9, v6;
	v14 =	vld [tilespmem:s8+$0x18D0]  }
0xd7: {  	v10 =	vadd.f32 v10, v5;
	[tilespmem:s8+$0xF8F0] =	vst.add.f32.msk $0xffff, v8  }
0xd8: {  	v11 =	vadd.f32 v11, v4;
	v15 =	vld [tilespmem:s8+$0x18E0]  }
0xd9: {  	v12 =	vadd.f32 v12, v3;
	[tilespmem:s8+$0xC880] =	vst.add.f32.msk $0xffff, v9  }
0xda: {  	v13 =	vadd.f32 v13, v2;
	[tilespmem:s8+$0xC890] =	vst.add.f32.msk $0xffff, v10  }
0xdb: {  	v14 =	vadd.f32 v14, v1;
	[tilespmem:s8+$0xC8A0] =	vst.add.f32.msk $0xffff, v11  }
0xdc: {  	[tilespmem:s8+$0xC8B0] =	vst.add.f32.msk $0xffff, v12  }
0xdd: {  	v15 =	vadd.f32 v15, v0;
	[tilespmem:s8+$0xC8C0] =	vst.add.f32.msk $0xffff, v13  }
0xde: {  	[tilespmem:s8+$0xC8D0] =	vst.add.f32.msk $0xffff, v14  }
0xdf: {  	[tilespmem:s8+$0xC8E0] =	vst.add.f32.msk $0xffff, v15  }
0xe0: {  	[tilespmem:s8+$0xC8F0] =	vst.add.f32.msk $0xffff, v8  }
0xe1: {  	[tilespmem:s8+$0xD880] =	vst.add.f32.msk $0xffff, v9  }
0xe2: {  	[tilespmem:s8+$0xD890] =	vst.add.f32.msk $0xffff, v10  }
0xe3: {  	[tilespmem:s8+$0xD8A0] =	vst.add.f32.msk $0xffff, v11  }
0xe4: {  	[tilespmem:s8+$0xD8B0] =	vst.add.f32.msk $0xffff, v12  }
0xe5: {  	[tilespmem:s8+$0xD8C0] =	vst.add.f32.msk $0xffff, v13  }
0xe6: {  	[tilespmem:s8+$0xD8D0] =	vst.add.f32.msk $0xffff, v14  }
0xe7: {  	[tilespmem:s8+$0xD8E0] =	vst.add.f32.msk $0xffff, v15  }
0xe8: {  	[tilespmem:s8+$0xD8F0] =	vst.add.f32.msk $0xffff, v8  }
0xe9: {  	[tilespmem:s8+$0xE880] =	vst.add.f32.msk $0xffff, v9  }
0xea: {  	[tilespmem:s8+$0xE890] =	vst.add.f32.msk $0xffff, v10  }
0xeb: {  	[tilespmem:s8+$0xE8A0] =	vst.add.f32.msk $0xffff, v11  }
0xec: {  	[tilespmem:s8+$0xE8B0] =	vst.add.f32.msk $0xffff, v12  }
0xed: {  	[tilespmem:s8+$0xE8C0] =	vst.add.f32.msk $0xffff, v13  }
0xee: {  	[tilespmem:s8+$0xE8D0] =	vst.add.f32.msk $0xffff, v14  }
0xef: {  	[tilespmem:s8+$0xE8E0] =	vst.add.f32.msk $0xffff, v15  }
0xf0: {  	[tilespmem:s8+$0xE8F0] =	vst.add.f32.msk $0xffff, v8  }
0xf1: {  	[tilespmem:s8+$0xF880] =	vst.add.f32.msk $0xffff, v9  }
0xf2: {  	[tilespmem:s8+$0xF890] =	vst.add.f32.msk $0xffff, v10  }
.Ltmp1:
0xf3: {  	[tilespmem:s8+$0xF8A0] =	vst.add.f32.msk $0xffff, v11;
	(pc) =	sbr.rel @p0 .LBB2_4-.Ltmp1, $4  }
0xf4: {  	[tilespmem:s8+$0xF8B0] =	vst.add.f32.msk $0xffff, v12  }
0xf5: {  	[tilespmem:s8+$0xF8C0] =	vst.add.f32.msk $0xffff, v13  }
0xf6: {  	[tilespmem:s8+$0xF8D0] =	vst.add.f32.msk $0xffff, v14  }
0xf7: {  	[tilespmem:s8+$0xF8E0] =	vst.add.f32.msk $0xffff, v15;
	s8 =	sshra.s32 s9, $0x2;
	s9 =	sadd.s32 $0x200, s9  }
0xf8: {  	v8 =	vld [tilespmem:s8+$0x18F0]  }
0xf9: {  	v9 =	vld [tilespmem:s8+$0x1880]  }
0xfa: {  	v10 =	vld [tilespmem:s8+$0x1890]  }
0xfb: {  	v11 =	vld [tilespmem:s8+$0x18A0]  }
0xfc: {  	v12 =	vld [tilespmem:s8+$0x18B0]  }
0xfd: {  	v13 =	vld [tilespmem:s8+$0x18C0]  }
0xfe: {  	v14 =	vld [tilespmem:s8+$0x18D0];
	v8 =	vadd.f32 v8, v7  }
0xff: {  	v15 =	vld [tilespmem:s8+$0x18E0];
	v9 =	vadd.f32 v9, v6  }
0x100: {  	v10 =	vadd.f32 v10, v5;
	[tilespmem:s8+$0xF8F0] =	vst.add.f32.msk $0xffff, v8  }
0x101: {  	v11 =	vadd.f32 v11, v4;
	[tilespmem:s8+$0xC880] =	vst.add.f32.msk $0xffff, v9  }
0x102: {  	v12 =	vadd.f32 v12, v3;
	[tilespmem:s8+$0xC890] =	vst.add.f32.msk $0xffff, v10  }
0x103: {  	v13 =	vadd.f32 v13, v2;
	[tilespmem:s8+$0xC8A0] =	vst.add.f32.msk $0xffff, v11  }
0x104: {  	v14 =	vadd.f32 v14, v1;
	[tilespmem:s8+$0xC8B0] =	vst.add.f32.msk $0xffff, v12  }
0x105: {  	v15 =	vadd.f32 v15, v0;
	[tilespmem:s8+$0xC8C0] =	vst.add.f32.msk $0xffff, v13  }
0x106: {  	[tilespmem:s8+$0xC8D0] =	vst.add.f32.msk $0xffff, v14  }
0x107: {  	[tilespmem:s8+$0xC8E0] =	vst.add.f32.msk $0xffff, v15  }
0x108: {  	[tilespmem:s8+$0xC8F0] =	vst.add.f32.msk $0xffff, v8  }
0x109: {  	[tilespmem:s8+$0xD880] =	vst.add.f32.msk $0xffff, v9  }
0x10a: {  	[tilespmem:s8+$0xD890] =	vst.add.f32.msk $0xffff, v10  }
0x10b: {  	[tilespmem:s8+$0xD8A0] =	vst.add.f32.msk $0xffff, v11  }
0x10c: {  	[tilespmem:s8+$0xD8B0] =	vst.add.f32.msk $0xffff, v12  }
0x10d: {  	[tilespmem:s8+$0xD8C0] =	vst.add.f32.msk $0xffff, v13  }
0x10e: {  	[tilespmem:s8+$0xD8D0] =	vst.add.f32.msk $0xffff, v14  }
0x10f: {  	[tilespmem:s8+$0xD8E0] =	vst.add.f32.msk $0xffff, v15  }
0x110: {  	[tilespmem:s8+$0xD8F0] =	vst.add.f32.msk $0xffff, v8  }
0x111: {  	[tilespmem:s8+$0xE880] =	vst.add.f32.msk $0xffff, v9  }
0x112: {  	[tilespmem:s8+$0xE890] =	vst.add.f32.msk $0xffff, v10  }
0x113: {  	[tilespmem:s8+$0xE8A0] =	vst.add.f32.msk $0xffff, v11  }
0x114: {  	[tilespmem:s8+$0xE8B0] =	vst.add.f32.msk $0xffff, v12  }
0x115: {  	[tilespmem:s8+$0xE8C0] =	vst.add.f32.msk $0xffff, v13  }
0x116: {  	[tilespmem:s8+$0xE8D0] =	vst.add.f32.msk $0xffff, v14  }
0x117: {  	[tilespmem:s8+$0xE8E0] =	vst.add.f32.msk $0xffff, v15  }
0x118: {  	[tilespmem:s8+$0xE8F0] =	vst.add.f32.msk $0xffff, v8  }
0x119: {  	[tilespmem:s8+$0xF880] =	vst.add.f32.msk $0xffff, v9  }
0x11a: {  	[tilespmem:s8+$0xF890] =	vst.add.f32.msk $0xffff, v10  }
0x11b: {  	[tilespmem:s8+$0xF8A0] =	vst.add.f32.msk $0xffff, v11  }
0x11c: {  	[tilespmem:s8+$0xF8B0] =	vst.add.f32.msk $0xffff, v12  }
0x11d: {  	[tilespmem:s8+$0xF8C0] =	vst.add.f32.msk $0xffff, v13  }
0x11e: {  	[tilespmem:s8+$0xF8D0] =	vst.add.f32.msk $0xffff, v14  }
0x11f: {  	s9 =	rddreg [dreg:$0x8];
	[tilespmem:s8+$0xF8E0] =	vst.add.f32.msk $0xffff, v15  }
0x120: {  	[hbm4b:s9+s31] =	stream.strided.scatter [tilespmem:s23], [sflag:$0x9], $0x4000, s0, s31, $0x38;
	[tilespmem:$0x1C880] =	vst v63  }
0x121: {  	_ =	swait.ge [sflag:s17], $0x4000  }
0x122: {  	[sflag:s17] =	ssyncset.done $0x0  }
0x123: {  	s9 =	simm.s32 $0x680;
	[sflag:s17] =	ssyncadd.s32 $0xFFFFC000  }
0x124: {  	[tilespmem:s21], [sflag:$0x3] =	stream.indirect.gather [hbm4b:s1+s19], $0x80, s9, s19, $0xb8;
	[tilespmem:$0x1C880] =	vst v63  }
0x125: {  	_ =	swait.ge [sflag:s22], $0x4000  }
0x126: {  	[sflag:s22] =	ssyncset.done $0x0  }
0x127: {  	s8 =	simm.s32 $0x0;
	s9 =	simm.s32 $0x200;
	[sflag:s22] =	ssyncadd.s32 $0xFFFFC000  }
.LBB2_6:
0x128: {  	p0 =	sne.s32 s9, $0x3E00;
	v8 =	vld [tilespmem:s8+$0x28F0]  }
0x129: {  	v9 =	vld [tilespmem:s8+$0x2880]  }
0x12a: {  	v10 =	vld [tilespmem:s8+$0x2890]  }
0x12b: {  	v11 =	vld [tilespmem:s8+$0x28A0]  }
0x12c: {  	v12 =	vld [tilespmem:s8+$0x28B0]  }
0x12d: {  	v13 =	vld [tilespmem:s8+$0x28C0];
	v8 =	vadd.f32 v8, v7  }
0x12e: {  	v9 =	vadd.f32 v9, v6;
	v14 =	vld [tilespmem:s8+$0x28D0]  }
0x12f: {  	v10 =	vadd.f32 v10, v5;
	[tilespmem:s8+$0x138F0] =	vst.add.f32.msk $0xffff, v8  }
0x130: {  	v11 =	vadd.f32 v11, v4;
	v15 =	vld [tilespmem:s8+$0x28E0]  }
0x131: {  	v12 =	vadd.f32 v12, v3;
	[tilespmem:s8+$0x10880] =	vst.add.f32.msk $0xffff, v9  }
0x132: {  	v13 =	vadd.f32 v13, v2;
	[tilespmem:s8+$0x10890] =	vst.add.f32.msk $0xffff, v10  }
0x133: {  	v14 =	vadd.f32 v14, v1;
	[tilespmem:s8+$0x108A0] =	vst.add.f32.msk $0xffff, v11  }
0x134: {  	[tilespmem:s8+$0x108B0] =	vst.add.f32.msk $0xffff, v12  }
0x135: {  	v15 =	vadd.f32 v15, v0;
	[tilespmem:s8+$0x108C0] =	vst.add.f32.msk $0xffff, v13  }
0x136: {  	[tilespmem:s8+$0x108D0] =	vst.add.f32.msk $0xffff, v14  }
0x137: {  	[tilespmem:s8+$0x108E0] =	vst.add.f32.msk $0xffff, v15  }
0x138: {  	[tilespmem:s8+$0x108F0] =	vst.add.f32.msk $0xffff, v8  }
0x139: {  	[tilespmem:s8+$0x11880] =	vst.add.f32.msk $0xffff, v9  }
0x13a: {  	[tilespmem:s8+$0x11890] =	vst.add.f32.msk $0xffff, v10  }
0x13b: {  	[tilespmem:s8+$0x118A0] =	vst.add.f32.msk $0xffff, v11  }
0x13c: {  	[tilespmem:s8+$0x118B0] =	vst.add.f32.msk $0xffff, v12  }
0x13d: {  	[tilespmem:s8+$0x118C0] =	vst.add.f32.msk $0xffff, v13  }
0x13e: {  	[tilespmem:s8+$0x118D0] =	vst.add.f32.msk $0xffff, v14  }
0x13f: {  	[tilespmem:s8+$0x118E0] =	vst.add.f32.msk $0xffff, v15  }
0x140: {  	[tilespmem:s8+$0x118F0] =	vst.add.f32.msk $0xffff, v8  }
0x141: {  	[tilespmem:s8+$0x12880] =	vst.add.f32.msk $0xffff, v9  }
0x142: {  	[tilespmem:s8+$0x12890] =	vst.add.f32.msk $0xffff, v10  }
0x143: {  	[tilespmem:s8+$0x128A0] =	vst.add.f32.msk $0xffff, v11  }
0x144: {  	[tilespmem:s8+$0x128B0] =	vst.add.f32.msk $0xffff, v12  }
0x145: {  	[tilespmem:s8+$0x128C0] =	vst.add.f32.msk $0xffff, v13  }
0x146: {  	[tilespmem:s8+$0x128D0] =	vst.add.f32.msk $0xffff, v14  }
0x147: {  	[tilespmem:s8+$0x128E0] =	vst.add.f32.msk $0xffff, v15  }
0x148: {  	[tilespmem:s8+$0x128F0] =	vst.add.f32.msk $0xffff, v8  }
0x149: {  	[tilespmem:s8+$0x13880] =	vst.add.f32.msk $0xffff, v9  }
0x14a: {  	[tilespmem:s8+$0x13890] =	vst.add.f32.msk $0xffff, v10  }
.Ltmp2:
0x14b: {  	[tilespmem:s8+$0x138A0] =	vst.add.f32.msk $0xffff, v11;
	(pc) =	sbr.rel @p0 .LBB2_6-.Ltmp2, $4  }
0x14c: {  	[tilespmem:s8+$0x138B0] =	vst.add.f32.msk $0xffff, v12  }
0x14d: {  	[tilespmem:s8+$0x138C0] =	vst.add.f32.msk $0xffff, v13  }
0x14e: {  	[tilespmem:s8+$0x138D0] =	vst.add.f32.msk $0xffff, v14  }
0x14f: {  	[tilespmem:s8+$0x138E0] =	vst.add.f32.msk $0xffff, v15;
	s8 =	sshra.s32 s9, $0x2;
	s9 =	sadd.s32 $0x200, s9  }
0x150: {  	v8 =	vld [tilespmem:s8+$0x28F0]  }
0x151: {  	v9 =	vld [tilespmem:s8+$0x2880]  }
0x152: {  	v10 =	vld [tilespmem:s8+$0x2890]  }
0x153: {  	v11 =	vld [tilespmem:s8+$0x28A0]  }
0x154: {  	v12 =	vld [tilespmem:s8+$0x28B0]  }
0x155: {  	v13 =	vld [tilespmem:s8+$0x28C0]  }
0x156: {  	v14 =	vld [tilespmem:s8+$0x28D0];
	v8 =	vadd.f32 v8, v7  }
0x157: {  	v15 =	vld [tilespmem:s8+$0x28E0];
	v9 =	vadd.f32 v9, v6  }
0x158: {  	v10 =	vadd.f32 v10, v5;
	[tilespmem:s8+$0x138F0] =	vst.add.f32.msk $0xffff, v8  }
0x159: {  	v11 =	vadd.f32 v11, v4;
	[tilespmem:s8+$0x10880] =	vst.add.f32.msk $0xffff, v9  }
0x15a: {  	v12 =	vadd.f32 v12, v3;
	[tilespmem:s8+$0x10890] =	vst.add.f32.msk $0xffff, v10  }
0x15b: {  	v13 =	vadd.f32 v13, v2;
	[tilespmem:s8+$0x108A0] =	vst.add.f32.msk $0xffff, v11  }
0x15c: {  	v14 =	vadd.f32 v14, v1;
	[tilespmem:s8+$0x108B0] =	vst.add.f32.msk $0xffff, v12  }
0x15d: {  	v15 =	vadd.f32 v15, v0;
	[tilespmem:s8+$0x108C0] =	vst.add.f32.msk $0xffff, v13  }
0x15e: {  	[tilespmem:s8+$0x108D0] =	vst.add.f32.msk $0xffff, v14  }
0x15f: {  	[tilespmem:s8+$0x108E0] =	vst.add.f32.msk $0xffff, v15  }
0x160: {  	[tilespmem:s8+$0x108F0] =	vst.add.f32.msk $0xffff, v8  }
0x161: {  	[tilespmem:s8+$0x11880] =	vst.add.f32.msk $0xffff, v9  }
0x162: {  	[tilespmem:s8+$0x11890] =	vst.add.f32.msk $0xffff, v10  }
0x163: {  	[tilespmem:s8+$0x118A0] =	vst.add.f32.msk $0xffff, v11  }
0x164: {  	[tilespmem:s8+$0x118B0] =	vst.add.f32.msk $0xffff, v12  }
0x165: {  	[tilespmem:s8+$0x118C0] =	vst.add.f32.msk $0xffff, v13  }
0x166: {  	[tilespmem:s8+$0x118D0] =	vst.add.f32.msk $0xffff, v14  }
0x167: {  	[tilespmem:s8+$0x118E0] =	vst.add.f32.msk $0xffff, v15  }
0x168: {  	[tilespmem:s8+$0x118F0] =	vst.add.f32.msk $0xffff, v8  }
0x169: {  	[tilespmem:s8+$0x12880] =	vst.add.f32.msk $0xffff, v9  }
0x16a: {  	[tilespmem:s8+$0x12890] =	vst.add.f32.msk $0xffff, v10  }
0x16b: {  	[tilespmem:s8+$0x128A0] =	vst.add.f32.msk $0xffff, v11  }
0x16c: {  	[tilespmem:s8+$0x128B0] =	vst.add.f32.msk $0xffff, v12  }
0x16d: {  	[tilespmem:s8+$0x128C0] =	vst.add.f32.msk $0xffff, v13  }
0x16e: {  	[tilespmem:s8+$0x128D0] =	vst.add.f32.msk $0xffff, v14  }
0x16f: {  	[tilespmem:s8+$0x128E0] =	vst.add.f32.msk $0xffff, v15  }
0x170: {  	[tilespmem:s8+$0x128F0] =	vst.add.f32.msk $0xffff, v8  }
0x171: {  	[tilespmem:s8+$0x13880] =	vst.add.f32.msk $0xffff, v9  }
0x172: {  	[tilespmem:s8+$0x13890] =	vst.add.f32.msk $0xffff, v10  }
0x173: {  	[tilespmem:s8+$0x138A0] =	vst.add.f32.msk $0xffff, v11  }
0x174: {  	[tilespmem:s8+$0x138B0] =	vst.add.f32.msk $0xffff, v12  }
0x175: {  	[tilespmem:s8+$0x138C0] =	vst.add.f32.msk $0xffff, v13  }
0x176: {  	[tilespmem:s8+$0x138D0] =	vst.add.f32.msk $0xffff, v14  }
0x177: {  	s9 =	rddreg [dreg:$0x9];
	[tilespmem:s8+$0x138E0] =	vst.add.f32.msk $0xffff, v15  }
0x178: {  	[hbm4b:s9+s31] =	stream.strided.scatter [tilespmem:s25], [sflag:$0xA], $0x4000, s0, s31, $0x38;
	[tilespmem:$0x1C880] =	vst v63  }
0x179: {  	_ =	swait.ge [sflag:s24], $0x4000  }
0x17a: {  	[sflag:s24] =	ssyncset.done $0x0  }
0x17b: {  	s9 =	simm.s32 $0x700;
	[sflag:s24] =	ssyncadd.s32 $0xFFFFC000  }
0x17c: {  	[tilespmem:s23], [sflag:$0x4] =	stream.indirect.gather [hbm4b:s1+s19], $0x80, s9, s19, $0xb8;
	[tilespmem:$0x1C880] =	vst v63  }
0x17d: {  	_ =	swait.ge [sflag:s3], $0x4000  }
0x17e: {  	[sflag:s3] =	ssyncset.done $0x0  }
0x17f: {  	s8 =	simm.s32 $0x0;
	s9 =	simm.s32 $0x200;
	[sflag:s3] =	ssyncadd.s32 $0xFFFFC000  }
.LBB2_8:
0x180: {  	p0 =	sne.s32 s9, $0x3E00;
	v8 =	vld [tilespmem:s8+$0x38F0]  }
0x181: {  	v9 =	vld [tilespmem:s8+$0x3880]  }
0x182: {  	v10 =	vld [tilespmem:s8+$0x3890]  }
0x183: {  	v11 =	vld [tilespmem:s8+$0x38A0]  }
0x184: {  	v12 =	vld [tilespmem:s8+$0x38B0]  }
0x185: {  	v13 =	vld [tilespmem:s8+$0x38C0];
	v8 =	vadd.f32 v8, v7  }
0x186: {  	v9 =	vadd.f32 v9, v6;
	v14 =	vld [tilespmem:s8+$0x38D0]  }
0x187: {  	v10 =	vadd.f32 v10, v5;
	[tilespmem:s8+$0x178F0] =	vst.add.f32.msk $0xffff, v8  }
0x188: {  	v11 =	vadd.f32 v11, v4;
	v15 =	vld [tilespmem:s8+$0x38E0]  }
0x189: {  	v12 =	vadd.f32 v12, v3;
	[tilespmem:s8+$0x14880] =	vst.add.f32.msk $0xffff, v9  }
0x18a: {  	v13 =	vadd.f32 v13, v2;
	[tilespmem:s8+$0x14890] =	vst.add.f32.msk $0xffff, v10  }
0x18b: {  	v14 =	vadd.f32 v14, v1;
	[tilespmem:s8+$0x148A0] =	vst.add.f32.msk $0xffff, v11  }
0x18c: {  	[tilespmem:s8+$0x148B0] =	vst.add.f32.msk $0xffff, v12  }
0x18d: {  	v15 =	vadd.f32 v15, v0;
	[tilespmem:s8+$0x148C0] =	vst.add.f32.msk $0xffff, v13  }
0x18e: {  	[tilespmem:s8+$0x148D0] =	vst.add.f32.msk $0xffff, v14  }
0x18f: {  	[tilespmem:s8+$0x148E0] =	vst.add.f32.msk $0xffff, v15  }
0x190: {  	[tilespmem:s8+$0x148F0] =	vst.add.f32.msk $0xffff, v8  }
0x191: {  	[tilespmem:s8+$0x15880] =	vst.add.f32.msk $0xffff, v9  }
0x192: {  	[tilespmem:s8+$0x15890] =	vst.add.f32.msk $0xffff, v10  }
0x193: {  	[tilespmem:s8+$0x158A0] =	vst.add.f32.msk $0xffff, v11  }
0x194: {  	[tilespmem:s8+$0x158B0] =	vst.add.f32.msk $0xffff, v12  }
0x195: {  	[tilespmem:s8+$0x158C0] =	vst.add.f32.msk $0xffff, v13  }
0x196: {  	[tilespmem:s8+$0x158D0] =	vst.add.f32.msk $0xffff, v14  }
0x197: {  	[tilespmem:s8+$0x158E0] =	vst.add.f32.msk $0xffff, v15  }
0x198: {  	[tilespmem:s8+$0x158F0] =	vst.add.f32.msk $0xffff, v8  }
0x199: {  	[tilespmem:s8+$0x16880] =	vst.add.f32.msk $0xffff, v9  }
0x19a: {  	[tilespmem:s8+$0x16890] =	vst.add.f32.msk $0xffff, v10  }
0x19b: {  	[tilespmem:s8+$0x168A0] =	vst.add.f32.msk $0xffff, v11  }
0x19c: {  	[tilespmem:s8+$0x168B0] =	vst.add.f32.msk $0xffff, v12  }
0x19d: {  	[tilespmem:s8+$0x168C0] =	vst.add.f32.msk $0xffff, v13  }
0x19e: {  	[tilespmem:s8+$0x168D0] =	vst.add.f32.msk $0xffff, v14  }
0x19f: {  	[tilespmem:s8+$0x168E0] =	vst.add.f32.msk $0xffff, v15  }
0x1a0: {  	[tilespmem:s8+$0x168F0] =	vst.add.f32.msk $0xffff, v8  }
0x1a1: {  	[tilespmem:s8+$0x17880] =	vst.add.f32.msk $0xffff, v9  }
0x1a2: {  	[tilespmem:s8+$0x17890] =	vst.add.f32.msk $0xffff, v10  }
.Ltmp3:
0x1a3: {  	[tilespmem:s8+$0x178A0] =	vst.add.f32.msk $0xffff, v11;
	(pc) =	sbr.rel @p0 .LBB2_8-.Ltmp3, $4  }
0x1a4: {  	[tilespmem:s8+$0x178B0] =	vst.add.f32.msk $0xffff, v12  }
0x1a5: {  	[tilespmem:s8+$0x178C0] =	vst.add.f32.msk $0xffff, v13  }
0x1a6: {  	[tilespmem:s8+$0x178D0] =	vst.add.f32.msk $0xffff, v14  }
0x1a7: {  	[tilespmem:s8+$0x178E0] =	vst.add.f32.msk $0xffff, v15;
	s8 =	sshra.s32 s9, $0x2;
	s9 =	sadd.s32 $0x200, s9  }
0x1a8: {  	v8 =	vld [tilespmem:s8+$0x38F0]  }
0x1a9: {  	v9 =	vld [tilespmem:s8+$0x3880]  }
0x1aa: {  	v10 =	vld [tilespmem:s8+$0x3890]  }
0x1ab: {  	v11 =	vld [tilespmem:s8+$0x38A0]  }
0x1ac: {  	v12 =	vld [tilespmem:s8+$0x38B0]  }
0x1ad: {  	v13 =	vld [tilespmem:s8+$0x38C0]  }
0x1ae: {  	v14 =	vld [tilespmem:s8+$0x38D0];
	v8 =	vadd.f32 v8, v7  }
0x1af: {  	v15 =	vld [tilespmem:s8+$0x38E0];
	v9 =	vadd.f32 v9, v6  }
0x1b0: {  	v10 =	vadd.f32 v10, v5;
	[tilespmem:s8+$0x178F0] =	vst.add.f32.msk $0xffff, v8  }
0x1b1: {  	v11 =	vadd.f32 v11, v4;
	[tilespmem:s8+$0x14880] =	vst.add.f32.msk $0xffff, v9  }
0x1b2: {  	v12 =	vadd.f32 v12, v3;
	[tilespmem:s8+$0x14890] =	vst.add.f32.msk $0xffff, v10  }
0x1b3: {  	v13 =	vadd.f32 v13, v2;
	[tilespmem:s8+$0x148A0] =	vst.add.f32.msk $0xffff, v11  }
0x1b4: {  	v14 =	vadd.f32 v14, v1;
	[tilespmem:s8+$0x148B0] =	vst.add.f32.msk $0xffff, v12  }
0x1b5: {  	v15 =	vadd.f32 v15, v0;
	[tilespmem:s8+$0x148C0] =	vst.add.f32.msk $0xffff, v13  }
0x1b6: {  	[tilespmem:s8+$0x148D0] =	vst.add.f32.msk $0xffff, v14  }
0x1b7: {  	[tilespmem:s8+$0x148E0] =	vst.add.f32.msk $0xffff, v15  }
0x1b8: {  	[tilespmem:s8+$0x148F0] =	vst.add.f32.msk $0xffff, v8  }
0x1b9: {  	[tilespmem:s8+$0x15880] =	vst.add.f32.msk $0xffff, v9  }
0x1ba: {  	[tilespmem:s8+$0x15890] =	vst.add.f32.msk $0xffff, v10  }
0x1bb: {  	[tilespmem:s8+$0x158A0] =	vst.add.f32.msk $0xffff, v11  }
0x1bc: {  	[tilespmem:s8+$0x158B0] =	vst.add.f32.msk $0xffff, v12  }
0x1bd: {  	[tilespmem:s8+$0x158C0] =	vst.add.f32.msk $0xffff, v13  }
0x1be: {  	[tilespmem:s8+$0x158D0] =	vst.add.f32.msk $0xffff, v14  }
0x1bf: {  	[tilespmem:s8+$0x158E0] =	vst.add.f32.msk $0xffff, v15  }
0x1c0: {  	[tilespmem:s8+$0x158F0] =	vst.add.f32.msk $0xffff, v8  }
0x1c1: {  	[tilespmem:s8+$0x16880] =	vst.add.f32.msk $0xffff, v9  }
0x1c2: {  	[tilespmem:s8+$0x16890] =	vst.add.f32.msk $0xffff, v10  }
0x1c3: {  	[tilespmem:s8+$0x168A0] =	vst.add.f32.msk $0xffff, v11  }
0x1c4: {  	[tilespmem:s8+$0x168B0] =	vst.add.f32.msk $0xffff, v12  }
0x1c5: {  	[tilespmem:s8+$0x168C0] =	vst.add.f32.msk $0xffff, v13  }
0x1c6: {  	[tilespmem:s8+$0x168D0] =	vst.add.f32.msk $0xffff, v14  }
0x1c7: {  	[tilespmem:s8+$0x168E0] =	vst.add.f32.msk $0xffff, v15  }
0x1c8: {  	[tilespmem:s8+$0x168F0] =	vst.add.f32.msk $0xffff, v8  }
0x1c9: {  	[tilespmem:s8+$0x17880] =	vst.add.f32.msk $0xffff, v9  }
0x1ca: {  	[tilespmem:s8+$0x17890] =	vst.add.f32.msk $0xffff, v10  }
0x1cb: {  	[tilespmem:s8+$0x178A0] =	vst.add.f32.msk $0xffff, v11  }
0x1cc: {  	[tilespmem:s8+$0x178B0] =	vst.add.f32.msk $0xffff, v12  }
0x1cd: {  	[tilespmem:s8+$0x178C0] =	vst.add.f32.msk $0xffff, v13  }
0x1ce: {  	[tilespmem:s8+$0x178D0] =	vst.add.f32.msk $0xffff, v14  }
0x1cf: {  	s9 =	simm.s32 $0x14880;
	[tilespmem:s8+$0x178E0] =	vst.add.f32.msk $0xffff, v15  }
0x1d0: {  	[hbm4b:s10+s31] =	stream.strided.scatter [tilespmem:s9], [sflag:$0xB], $0x4000, s0, s31, $0x38;
	[tilespmem:$0x1C880] =	vst v63  }
0x1d1: {  	_ =	swait.ge [sflag:s20], $0x4000  }
0x1d2: {  	[sflag:s20] =	ssyncset.done $0x0  }
0x1d3: {  	s9 =	simm.s32 $0x780;
	[sflag:s20] =	ssyncadd.s32 $0xFFFFC000  }
0x1d4: {  	[tilespmem:s25], [sflag:$0x5] =	stream.indirect.gather [hbm4b:s1+s19], $0x80, s9, s19, $0xb8;
	[tilespmem:$0x1C880] =	vst v63  }
0x1d5: {  	_ =	swait.ge [sflag:s26], $0x4000  }
0x1d6: {  	[sflag:s26] =	ssyncset.done $0x0  }
0x1d7: {  	s8 =	simm.s32 $0x0;
	s9 =	simm.s32 $0x200;
	[sflag:s26] =	ssyncadd.s32 $0xFFFFC000  }
.LBB2_10:
0x1d8: {  	p0 =	sne.s32 s9, $0x3E00;
	v8 =	vld [tilespmem:s8+$0x48F0]  }
0x1d9: {  	v9 =	vld [tilespmem:s8+$0x4880]  }
0x1da: {  	v10 =	vld [tilespmem:s8+$0x4890]  }
0x1db: {  	v11 =	vld [tilespmem:s8+$0x48A0]  }
0x1dc: {  	v12 =	vld [tilespmem:s8+$0x48B0]  }
0x1dd: {  	v13 =	vld [tilespmem:s8+$0x48C0];
	v8 =	vadd.f32 v8, v7  }
0x1de: {  	v9 =	vadd.f32 v9, v6;
	v14 =	vld [tilespmem:s8+$0x48D0]  }
0x1df: {  	v10 =	vadd.f32 v10, v5;
	[tilespmem:s8+$0x1B8F0] =	vst.add.f32.msk $0xffff, v8  }
0x1e0: {  	v11 =	vadd.f32 v11, v4;
	v15 =	vld [tilespmem:s8+$0x48E0]  }
0x1e1: {  	v12 =	vadd.f32 v12, v3;
	[tilespmem:s8+$0x18880] =	vst.add.f32.msk $0xffff, v9  }
0x1e2: {  	v13 =	vadd.f32 v13, v2;
	[tilespmem:s8+$0x18890] =	vst.add.f32.msk $0xffff, v10  }
0x1e3: {  	v14 =	vadd.f32 v14, v1;
	[tilespmem:s8+$0x188A0] =	vst.add.f32.msk $0xffff, v11  }
0x1e4: {  	[tilespmem:s8+$0x188B0] =	vst.add.f32.msk $0xffff, v12  }
0x1e5: {  	v15 =	vadd.f32 v15, v0;
	[tilespmem:s8+$0x188C0] =	vst.add.f32.msk $0xffff, v13  }
0x1e6: {  	[tilespmem:s8+$0x188D0] =	vst.add.f32.msk $0xffff, v14  }
0x1e7: {  	[tilespmem:s8+$0x188E0] =	vst.add.f32.msk $0xffff, v15  }
0x1e8: {  	[tilespmem:s8+$0x188F0] =	vst.add.f32.msk $0xffff, v8  }
0x1e9: {  	[tilespmem:s8+$0x19880] =	vst.add.f32.msk $0xffff, v9  }
0x1ea: {  	[tilespmem:s8+$0x19890] =	vst.add.f32.msk $0xffff, v10  }
0x1eb: {  	[tilespmem:s8+$0x198A0] =	vst.add.f32.msk $0xffff, v11  }
0x1ec: {  	[tilespmem:s8+$0x198B0] =	vst.add.f32.msk $0xffff, v12  }
0x1ed: {  	[tilespmem:s8+$0x198C0] =	vst.add.f32.msk $0xffff, v13  }
0x1ee: {  	[tilespmem:s8+$0x198D0] =	vst.add.f32.msk $0xffff, v14  }
0x1ef: {  	[tilespmem:s8+$0x198E0] =	vst.add.f32.msk $0xffff, v15  }
0x1f0: {  	[tilespmem:s8+$0x198F0] =	vst.add.f32.msk $0xffff, v8  }
0x1f1: {  	[tilespmem:s8+$0x1A880] =	vst.add.f32.msk $0xffff, v9  }
0x1f2: {  	[tilespmem:s8+$0x1A890] =	vst.add.f32.msk $0xffff, v10  }
0x1f3: {  	[tilespmem:s8+$0x1A8A0] =	vst.add.f32.msk $0xffff, v11  }
0x1f4: {  	[tilespmem:s8+$0x1A8B0] =	vst.add.f32.msk $0xffff, v12  }
0x1f5: {  	[tilespmem:s8+$0x1A8C0] =	vst.add.f32.msk $0xffff, v13  }
0x1f6: {  	[tilespmem:s8+$0x1A8D0] =	vst.add.f32.msk $0xffff, v14  }
0x1f7: {  	[tilespmem:s8+$0x1A8E0] =	vst.add.f32.msk $0xffff, v15  }
0x1f8: {  	[tilespmem:s8+$0x1A8F0] =	vst.add.f32.msk $0xffff, v8  }
0x1f9: {  	[tilespmem:s8+$0x1B880] =	vst.add.f32.msk $0xffff, v9  }
0x1fa: {  	[tilespmem:s8+$0x1B890] =	vst.add.f32.msk $0xffff, v10  }
.Ltmp4:
0x1fb: {  	[tilespmem:s8+$0x1B8A0] =	vst.add.f32.msk $0xffff, v11;
	(pc) =	sbr.rel @p0 .LBB2_10-.Ltmp4, $4  }
0x1fc: {  	[tilespmem:s8+$0x1B8B0] =	vst.add.f32.msk $0xffff, v12  }
0x1fd: {  	[tilespmem:s8+$0x1B8C0] =	vst.add.f32.msk $0xffff, v13  }
0x1fe: {  	[tilespmem:s8+$0x1B8D0] =	vst.add.f32.msk $0xffff, v14  }
0x1ff: {  	[tilespmem:s8+$0x1B8E0] =	vst.add.f32.msk $0xffff, v15;
	s8 =	sshra.s32 s9, $0x2;
	s9 =	sadd.s32 $0x200, s9  }
0x200: {  	v8 =	vld [tilespmem:s8+$0x48F0]  }
0x201: {  	v9 =	vld [tilespmem:s8+$0x4880]  }
0x202: {  	v10 =	vld [tilespmem:s8+$0x4890]  }
0x203: {  	v11 =	vld [tilespmem:s8+$0x48A0]  }
0x204: {  	v12 =	vld [tilespmem:s8+$0x48B0]  }
0x205: {  	v13 =	vld [tilespmem:s8+$0x48C0]  }
0x206: {  	v14 =	vld [tilespmem:s8+$0x48D0];
	v8 =	vadd.f32 v8, v7  }
0x207: {  	v15 =	vld [tilespmem:s8+$0x48E0];
	v9 =	vadd.f32 v9, v6  }
0x208: {  	v10 =	vadd.f32 v10, v5;
	[tilespmem:s8+$0x1B8F0] =	vst.add.f32.msk $0xffff, v8  }
0x209: {  	v11 =	vadd.f32 v11, v4;
	[tilespmem:s8+$0x18880] =	vst.add.f32.msk $0xffff, v9  }
0x20a: {  	v12 =	vadd.f32 v12, v3;
	[tilespmem:s8+$0x18890] =	vst.add.f32.msk $0xffff, v10  }
0x20b: {  	v13 =	vadd.f32 v13, v2;
	[tilespmem:s8+$0x188A0] =	vst.add.f32.msk $0xffff, v11  }
0x20c: {  	v14 =	vadd.f32 v14, v1;
	[tilespmem:s8+$0x188B0] =	vst.add.f32.msk $0xffff, v12  }
0x20d: {  	v15 =	vadd.f32 v15, v0;
	[tilespmem:s8+$0x188C0] =	vst.add.f32.msk $0xffff, v13  }
0x20e: {  	[tilespmem:s8+$0x188D0] =	vst.add.f32.msk $0xffff, v14  }
0x20f: {  	[tilespmem:s8+$0x188E0] =	vst.add.f32.msk $0xffff, v15  }
0x210: {  	[tilespmem:s8+$0x188F0] =	vst.add.f32.msk $0xffff, v8  }
0x211: {  	[tilespmem:s8+$0x19880] =	vst.add.f32.msk $0xffff, v9  }
0x212: {  	[tilespmem:s8+$0x19890] =	vst.add.f32.msk $0xffff, v10  }
0x213: {  	[tilespmem:s8+$0x198A0] =	vst.add.f32.msk $0xffff, v11  }
0x214: {  	[tilespmem:s8+$0x198B0] =	vst.add.f32.msk $0xffff, v12  }
0x215: {  	[tilespmem:s8+$0x198C0] =	vst.add.f32.msk $0xffff, v13  }
0x216: {  	[tilespmem:s8+$0x198D0] =	vst.add.f32.msk $0xffff, v14  }
0x217: {  	[tilespmem:s8+$0x198E0] =	vst.add.f32.msk $0xffff, v15  }
0x218: {  	[tilespmem:s8+$0x198F0] =	vst.add.f32.msk $0xffff, v8  }
0x219: {  	[tilespmem:s8+$0x1A880] =	vst.add.f32.msk $0xffff, v9  }
0x21a: {  	[tilespmem:s8+$0x1A890] =	vst.add.f32.msk $0xffff, v10  }
0x21b: {  	[tilespmem:s8+$0x1A8A0] =	vst.add.f32.msk $0xffff, v11  }
0x21c: {  	[tilespmem:s8+$0x1A8B0] =	vst.add.f32.msk $0xffff, v12  }
0x21d: {  	[tilespmem:s8+$0x1A8C0] =	vst.add.f32.msk $0xffff, v13  }
0x21e: {  	[tilespmem:s8+$0x1A8D0] =	vst.add.f32.msk $0xffff, v14  }
0x21f: {  	[tilespmem:s8+$0x1A8E0] =	vst.add.f32.msk $0xffff, v15  }
0x220: {  	[tilespmem:s8+$0x1A8F0] =	vst.add.f32.msk $0xffff, v8  }
0x221: {  	[tilespmem:s8+$0x1B880] =	vst.add.f32.msk $0xffff, v9  }
0x222: {  	[tilespmem:s8+$0x1B890] =	vst.add.f32.msk $0xffff, v10  }
0x223: {  	[tilespmem:s8+$0x1B8A0] =	vst.add.f32.msk $0xffff, v11  }
0x224: {  	[tilespmem:s8+$0x1B8B0] =	vst.add.f32.msk $0xffff, v12  }
0x225: {  	[tilespmem:s8+$0x1B8C0] =	vst.add.f32.msk $0xffff, v13  }
0x226: {  	[tilespmem:s8+$0x1B8D0] =	vst.add.f32.msk $0xffff, v14  }
0x227: {  	[tilespmem:s8+$0x1B8E0] =	vst.add.f32.msk $0xffff, v15  }
0x228: {  	[hbm4b:s11+s31] =	stream.strided.scatter [tilespmem:s2], [sflag:$0xC], $0x4000, s0, s31, $0x38;
	[tilespmem:$0x1C880] =	vst v63  }
0x229: {  	_ =	swait.ge [sflag:s30], $0x4000  }
0x22a: {  	[sflag:s30] =	ssyncset.done $0x0  }
0x22b: {  	s9 =	simm.s32 $0x200;
	s8 =	simm.s32 $0x0;
	[sflag:s30] =	ssyncadd.s32 $0xFFFFC000  }
.LBB2_12:
0x22c: {  	p0 =	sne.s32 s9, $0x3E00;
	v8 =	vld [tilespmem:s8+$0x58F0]  }
0x22d: {  	v9 =	vld [tilespmem:s8+$0x5880]  }
0x22e: {  	v10 =	vld [tilespmem:s8+$0x5890]  }
0x22f: {  	v11 =	vld [tilespmem:s8+$0x58A0]  }
0x230: {  	v12 =	vld [tilespmem:s8+$0x58B0]  }
0x231: {  	v13 =	vld [tilespmem:s8+$0x58C0];
	v8 =	vadd.f32 v8, v7  }
0x232: {  	v9 =	vadd.f32 v9, v6;
	v14 =	vld [tilespmem:s8+$0x58D0]  }
0x233: {  	v10 =	vadd.f32 v10, v5;
	[tilespmem:s8+$0xB8F0] =	vst.add.f32.msk $0xffff, v8  }
0x234: {  	v11 =	vadd.f32 v11, v4;
	v15 =	vld [tilespmem:s8+$0x58E0]  }
0x235: {  	v12 =	vadd.f32 v12, v3;
	[tilespmem:s8+$0x8880] =	vst.add.f32.msk $0xffff, v9  }
0x236: {  	v13 =	vadd.f32 v13, v2;
	[tilespmem:s8+$0x8890] =	vst.add.f32.msk $0xffff, v10  }
0x237: {  	v14 =	vadd.f32 v14, v1;
	[tilespmem:s8+$0x88A0] =	vst.add.f32.msk $0xffff, v11  }
0x238: {  	[tilespmem:s8+$0x88B0] =	vst.add.f32.msk $0xffff, v12  }
0x239: {  	v15 =	vadd.f32 v15, v0;
	[tilespmem:s8+$0x88C0] =	vst.add.f32.msk $0xffff, v13  }
0x23a: {  	[tilespmem:s8+$0x88D0] =	vst.add.f32.msk $0xffff, v14  }
0x23b: {  	[tilespmem:s8+$0x88E0] =	vst.add.f32.msk $0xffff, v15  }
0x23c: {  	[tilespmem:s8+$0x88F0] =	vst.add.f32.msk $0xffff, v8  }
0x23d: {  	[tilespmem:s8+$0x9880] =	vst.add.f32.msk $0xffff, v9  }
0x23e: {  	[tilespmem:s8+$0x9890] =	vst.add.f32.msk $0xffff, v10  }
0x23f: {  	[tilespmem:s8+$0x98A0] =	vst.add.f32.msk $0xffff, v11  }
0x240: {  	[tilespmem:s8+$0x98B0] =	vst.add.f32.msk $0xffff, v12  }
0x241: {  	[tilespmem:s8+$0x98C0] =	vst.add.f32.msk $0xffff, v13  }
0x242: {  	[tilespmem:s8+$0x98D0] =	vst.add.f32.msk $0xffff, v14  }
0x243: {  	[tilespmem:s8+$0x98E0] =	vst.add.f32.msk $0xffff, v15  }
0x244: {  	[tilespmem:s8+$0x98F0] =	vst.add.f32.msk $0xffff, v8  }
0x245: {  	[tilespmem:s8+$0xA880] =	vst.add.f32.msk $0xffff, v9  }
0x246: {  	[tilespmem:s8+$0xA890] =	vst.add.f32.msk $0xffff, v10  }
0x247: {  	[tilespmem:s8+$0xA8A0] =	vst.add.f32.msk $0xffff, v11  }
0x248: {  	[tilespmem:s8+$0xA8B0] =	vst.add.f32.msk $0xffff, v12  }
0x249: {  	[tilespmem:s8+$0xA8C0] =	vst.add.f32.msk $0xffff, v13  }
0x24a: {  	[tilespmem:s8+$0xA8D0] =	vst.add.f32.msk $0xffff, v14  }
0x24b: {  	[tilespmem:s8+$0xA8E0] =	vst.add.f32.msk $0xffff, v15  }
0x24c: {  	[tilespmem:s8+$0xA8F0] =	vst.add.f32.msk $0xffff, v8  }
0x24d: {  	[tilespmem:s8+$0xB880] =	vst.add.f32.msk $0xffff, v9  }
0x24e: {  	[tilespmem:s8+$0xB890] =	vst.add.f32.msk $0xffff, v10  }
.Ltmp5:
0x24f: {  	[tilespmem:s8+$0xB8A0] =	vst.add.f32.msk $0xffff, v11;
	(pc) =	sbr.rel @p0 .LBB2_12-.Ltmp5, $4  }
0x250: {  	[tilespmem:s8+$0xB8B0] =	vst.add.f32.msk $0xffff, v12  }
0x251: {  	[tilespmem:s8+$0xB8C0] =	vst.add.f32.msk $0xffff, v13  }
0x252: {  	[tilespmem:s8+$0xB8D0] =	vst.add.f32.msk $0xffff, v14  }
0x253: {  	[tilespmem:s8+$0xB8E0] =	vst.add.f32.msk $0xffff, v15;
	s8 =	sshra.s32 s9, $0x2;
	s9 =	sadd.s32 $0x200, s9  }
0x254: {  	v8 =	vld [tilespmem:s8+$0x58F0]  }
0x255: {  	v9 =	vld [tilespmem:s8+$0x5880]  }
0x256: {  	v10 =	vld [tilespmem:s8+$0x5890]  }
0x257: {  	v11 =	vld [tilespmem:s8+$0x58A0]  }
0x258: {  	v12 =	vld [tilespmem:s8+$0x58B0]  }
0x259: {  	v13 =	vld [tilespmem:s8+$0x58C0]  }
0x25a: {  	v14 =	vld [tilespmem:s8+$0x58D0];
	v8 =	vadd.f32 v8, v7  }
0x25b: {  	v15 =	vld [tilespmem:s8+$0x58E0];
	v9 =	vadd.f32 v9, v6  }
0x25c: {  	v10 =	vadd.f32 v10, v5;
	[tilespmem:s8+$0xB8F0] =	vst.add.f32.msk $0xffff, v8  }
0x25d: {  	v11 =	vadd.f32 v11, v4;
	[tilespmem:s8+$0x8880] =	vst.add.f32.msk $0xffff, v9  }
0x25e: {  	v12 =	vadd.f32 v12, v3;
	[tilespmem:s8+$0x8890] =	vst.add.f32.msk $0xffff, v10  }
0x25f: {  	v13 =	vadd.f32 v13, v2;
	[tilespmem:s8+$0x88A0] =	vst.add.f32.msk $0xffff, v11  }
0x260: {  	v14 =	vadd.f32 v14, v1;
	[tilespmem:s8+$0x88B0] =	vst.add.f32.msk $0xffff, v12  }
0x261: {  	v15 =	vadd.f32 v15, v0;
	[tilespmem:s8+$0x88C0] =	vst.add.f32.msk $0xffff, v13  }
0x262: {  	[tilespmem:s8+$0x88D0] =	vst.add.f32.msk $0xffff, v14  }
0x263: {  	[tilespmem:s8+$0x88E0] =	vst.add.f32.msk $0xffff, v15  }
0x264: {  	[tilespmem:s8+$0x88F0] =	vst.add.f32.msk $0xffff, v8  }
0x265: {  	[tilespmem:s8+$0x9880] =	vst.add.f32.msk $0xffff, v9  }
0x266: {  	[tilespmem:s8+$0x9890] =	vst.add.f32.msk $0xffff, v10  }
0x267: {  	[tilespmem:s8+$0x98A0] =	vst.add.f32.msk $0xffff, v11  }
0x268: {  	[tilespmem:s8+$0x98B0] =	vst.add.f32.msk $0xffff, v12  }
0x269: {  	[tilespmem:s8+$0x98C0] =	vst.add.f32.msk $0xffff, v13  }
0x26a: {  	[tilespmem:s8+$0x98D0] =	vst.add.f32.msk $0xffff, v14  }
0x26b: {  	[tilespmem:s8+$0x98E0] =	vst.add.f32.msk $0xffff, v15  }
0x26c: {  	[tilespmem:s8+$0x98F0] =	vst.add.f32.msk $0xffff, v8  }
0x26d: {  	[tilespmem:s8+$0xA880] =	vst.add.f32.msk $0xffff, v9  }
0x26e: {  	[tilespmem:s8+$0xA890] =	vst.add.f32.msk $0xffff, v10  }
0x26f: {  	[tilespmem:s8+$0xA8A0] =	vst.add.f32.msk $0xffff, v11  }
0x270: {  	[tilespmem:s8+$0xA8B0] =	vst.add.f32.msk $0xffff, v12  }
0x271: {  	[tilespmem:s8+$0xA8C0] =	vst.add.f32.msk $0xffff, v13  }
0x272: {  	[tilespmem:s8+$0xA8D0] =	vst.add.f32.msk $0xffff, v14  }
0x273: {  	[tilespmem:s8+$0xA8E0] =	vst.add.f32.msk $0xffff, v15  }
0x274: {  	[tilespmem:s8+$0xA8F0] =	vst.add.f32.msk $0xffff, v8  }
0x275: {  	[tilespmem:s8+$0xB880] =	vst.add.f32.msk $0xffff, v9  }
0x276: {  	[tilespmem:s8+$0xB890] =	vst.add.f32.msk $0xffff, v10  }
0x277: {  	[tilespmem:s8+$0xB8A0] =	vst.add.f32.msk $0xffff, v11  }
0x278: {  	[tilespmem:s8+$0xB8B0] =	vst.add.f32.msk $0xffff, v12  }
0x279: {  	[tilespmem:s8+$0xB8C0] =	vst.add.f32.msk $0xffff, v13  }
0x27a: {  	[tilespmem:s8+$0xB8D0] =	vst.add.f32.msk $0xffff, v14  }
0x27b: {  	[tilespmem:s8+$0xB8E0] =	vst.add.f32.msk $0xffff, v15  }
0x27c: {  	[hbm4b:s12+s31] =	stream.strided.scatter [tilespmem:s21], [sflag:$0x8], $0x4000, s0, s31, $0x38;
	[tilespmem:$0x1C880] =	vst v63  }
0x27d: {  	_ =	swait.ge [sflag:s16], $0x4000  }
0x27e: {  	[sflag:s16] =	ssyncset.done $0x0  }
0x27f: {  	s9 =	simm.s32 $0x200;
	s8 =	simm.s32 $0x0;
	[sflag:s16] =	ssyncadd.s32 $0xFFFFC000  }
.LBB2_14:
0x280: {  	p0 =	sne.s32 s9, $0x3E00;
	v8 =	vld [tilespmem:s8+$0x68F0]  }
0x281: {  	v9 =	vld [tilespmem:s8+$0x6880]  }
0x282: {  	v10 =	vld [tilespmem:s8+$0x6890]  }
0x283: {  	v11 =	vld [tilespmem:s8+$0x68A0]  }
0x284: {  	v12 =	vld [tilespmem:s8+$0x68B0]  }
0x285: {  	v13 =	vld [tilespmem:s8+$0x68C0];
	v8 =	vadd.f32 v8, v7  }
0x286: {  	v9 =	vadd.f32 v9, v6;
	v14 =	vld [tilespmem:s8+$0x68D0]  }
0x287: {  	v10 =	vadd.f32 v10, v5;
	[tilespmem:s8+$0xF8F0] =	vst.add.f32.msk $0xffff, v8  }
0x288: {  	v11 =	vadd.f32 v11, v4;
	v15 =	vld [tilespmem:s8+$0x68E0]  }
0x289: {  	v12 =	vadd.f32 v12, v3;
	[tilespmem:s8+$0xC880] =	vst.add.f32.msk $0xffff, v9  }
0x28a: {  	v13 =	vadd.f32 v13, v2;
	[tilespmem:s8+$0xC890] =	vst.add.f32.msk $0xffff, v10  }
0x28b: {  	v14 =	vadd.f32 v14, v1;
	[tilespmem:s8+$0xC8A0] =	vst.add.f32.msk $0xffff, v11  }
0x28c: {  	[tilespmem:s8+$0xC8B0] =	vst.add.f32.msk $0xffff, v12  }
0x28d: {  	v15 =	vadd.f32 v15, v0;
	[tilespmem:s8+$0xC8C0] =	vst.add.f32.msk $0xffff, v13  }
0x28e: {  	[tilespmem:s8+$0xC8D0] =	vst.add.f32.msk $0xffff, v14  }
0x28f: {  	[tilespmem:s8+$0xC8E0] =	vst.add.f32.msk $0xffff, v15  }
0x290: {  	[tilespmem:s8+$0xC8F0] =	vst.add.f32.msk $0xffff, v8  }
0x291: {  	[tilespmem:s8+$0xD880] =	vst.add.f32.msk $0xffff, v9  }
0x292: {  	[tilespmem:s8+$0xD890] =	vst.add.f32.msk $0xffff, v10  }
0x293: {  	[tilespmem:s8+$0xD8A0] =	vst.add.f32.msk $0xffff, v11  }
0x294: {  	[tilespmem:s8+$0xD8B0] =	vst.add.f32.msk $0xffff, v12  }
0x295: {  	[tilespmem:s8+$0xD8C0] =	vst.add.f32.msk $0xffff, v13  }
0x296: {  	[tilespmem:s8+$0xD8D0] =	vst.add.f32.msk $0xffff, v14  }
0x297: {  	[tilespmem:s8+$0xD8E0] =	vst.add.f32.msk $0xffff, v15  }
0x298: {  	[tilespmem:s8+$0xD8F0] =	vst.add.f32.msk $0xffff, v8  }
0x299: {  	[tilespmem:s8+$0xE880] =	vst.add.f32.msk $0xffff, v9  }
0x29a: {  	[tilespmem:s8+$0xE890] =	vst.add.f32.msk $0xffff, v10  }
0x29b: {  	[tilespmem:s8+$0xE8A0] =	vst.add.f32.msk $0xffff, v11  }
0x29c: {  	[tilespmem:s8+$0xE8B0] =	vst.add.f32.msk $0xffff, v12  }
0x29d: {  	[tilespmem:s8+$0xE8C0] =	vst.add.f32.msk $0xffff, v13  }
0x29e: {  	[tilespmem:s8+$0xE8D0] =	vst.add.f32.msk $0xffff, v14  }
0x29f: {  	[tilespmem:s8+$0xE8E0] =	vst.add.f32.msk $0xffff, v15  }
0x2a0: {  	[tilespmem:s8+$0xE8F0] =	vst.add.f32.msk $0xffff, v8  }
0x2a1: {  	[tilespmem:s8+$0xF880] =	vst.add.f32.msk $0xffff, v9  }
0x2a2: {  	[tilespmem:s8+$0xF890] =	vst.add.f32.msk $0xffff, v10  }
.Ltmp6:
0x2a3: {  	[tilespmem:s8+$0xF8A0] =	vst.add.f32.msk $0xffff, v11;
	(pc) =	sbr.rel @p0 .LBB2_14-.Ltmp6, $4  }
0x2a4: {  	[tilespmem:s8+$0xF8B0] =	vst.add.f32.msk $0xffff, v12  }
0x2a5: {  	[tilespmem:s8+$0xF8C0] =	vst.add.f32.msk $0xffff, v13  }
0x2a6: {  	[tilespmem:s8+$0xF8D0] =	vst.add.f32.msk $0xffff, v14  }
0x2a7: {  	[tilespmem:s8+$0xF8E0] =	vst.add.f32.msk $0xffff, v15;
	s8 =	sshra.s32 s9, $0x2;
	s9 =	sadd.s32 $0x200, s9  }
0x2a8: {  	v8 =	vld [tilespmem:s8+$0x68F0]  }
0x2a9: {  	v9 =	vld [tilespmem:s8+$0x6880]  }
0x2aa: {  	v10 =	vld [tilespmem:s8+$0x6890]  }
0x2ab: {  	v11 =	vld [tilespmem:s8+$0x68A0]  }
0x2ac: {  	v12 =	vld [tilespmem:s8+$0x68B0]  }
0x2ad: {  	v13 =	vld [tilespmem:s8+$0x68C0]  }
0x2ae: {  	v14 =	vld [tilespmem:s8+$0x68D0];
	v8 =	vadd.f32 v8, v7  }
0x2af: {  	v15 =	vld [tilespmem:s8+$0x68E0];
	v9 =	vadd.f32 v9, v6  }
0x2b0: {  	v10 =	vadd.f32 v10, v5;
	[tilespmem:s8+$0xF8F0] =	vst.add.f32.msk $0xffff, v8  }
0x2b1: {  	v11 =	vadd.f32 v11, v4;
	[tilespmem:s8+$0xC880] =	vst.add.f32.msk $0xffff, v9  }
0x2b2: {  	v12 =	vadd.f32 v12, v3;
	[tilespmem:s8+$0xC890] =	vst.add.f32.msk $0xffff, v10  }
0x2b3: {  	v13 =	vadd.f32 v13, v2;
	[tilespmem:s8+$0xC8A0] =	vst.add.f32.msk $0xffff, v11  }
0x2b4: {  	v14 =	vadd.f32 v14, v1;
	[tilespmem:s8+$0xC8B0] =	vst.add.f32.msk $0xffff, v12  }
0x2b5: {  	v15 =	vadd.f32 v15, v0;
	[tilespmem:s8+$0xC8C0] =	vst.add.f32.msk $0xffff, v13  }
0x2b6: {  	[tilespmem:s8+$0xC8D0] =	vst.add.f32.msk $0xffff, v14  }
0x2b7: {  	[tilespmem:s8+$0xC8E0] =	vst.add.f32.msk $0xffff, v15  }
0x2b8: {  	[tilespmem:s8+$0xC8F0] =	vst.add.f32.msk $0xffff, v8  }
0x2b9: {  	[tilespmem:s8+$0xD880] =	vst.add.f32.msk $0xffff, v9  }
0x2ba: {  	[tilespmem:s8+$0xD890] =	vst.add.f32.msk $0xffff, v10  }
0x2bb: {  	[tilespmem:s8+$0xD8A0] =	vst.add.f32.msk $0xffff, v11  }
0x2bc: {  	[tilespmem:s8+$0xD8B0] =	vst.add.f32.msk $0xffff, v12  }
0x2bd: {  	[tilespmem:s8+$0xD8C0] =	vst.add.f32.msk $0xffff, v13  }
0x2be: {  	[tilespmem:s8+$0xD8D0] =	vst.add.f32.msk $0xffff, v14  }
0x2bf: {  	[tilespmem:s8+$0xD8E0] =	vst.add.f32.msk $0xffff, v15  }
0x2c0: {  	[tilespmem:s8+$0xD8F0] =	vst.add.f32.msk $0xffff, v8  }
0x2c1: {  	[tilespmem:s8+$0xE880] =	vst.add.f32.msk $0xffff, v9  }
0x2c2: {  	[tilespmem:s8+$0xE890] =	vst.add.f32.msk $0xffff, v10  }
0x2c3: {  	[tilespmem:s8+$0xE8A0] =	vst.add.f32.msk $0xffff, v11  }
0x2c4: {  	[tilespmem:s8+$0xE8B0] =	vst.add.f32.msk $0xffff, v12  }
0x2c5: {  	[tilespmem:s8+$0xE8C0] =	vst.add.f32.msk $0xffff, v13  }
0x2c6: {  	[tilespmem:s8+$0xE8D0] =	vst.add.f32.msk $0xffff, v14  }
0x2c7: {  	[tilespmem:s8+$0xE8E0] =	vst.add.f32.msk $0xffff, v15  }
0x2c8: {  	[tilespmem:s8+$0xE8F0] =	vst.add.f32.msk $0xffff, v8  }
0x2c9: {  	[tilespmem:s8+$0xF880] =	vst.add.f32.msk $0xffff, v9  }
0x2ca: {  	[tilespmem:s8+$0xF890] =	vst.add.f32.msk $0xffff, v10  }
0x2cb: {  	[tilespmem:s8+$0xF8A0] =	vst.add.f32.msk $0xffff, v11  }
0x2cc: {  	[tilespmem:s8+$0xF8B0] =	vst.add.f32.msk $0xffff, v12  }
0x2cd: {  	[tilespmem:s8+$0xF8C0] =	vst.add.f32.msk $0xffff, v13  }
0x2ce: {  	[tilespmem:s8+$0xF8D0] =	vst.add.f32.msk $0xffff, v14  }
0x2cf: {  	[tilespmem:s8+$0xF8E0] =	vst.add.f32.msk $0xffff, v15  }
0x2d0: {  	[hbm4b:s13+s31] =	stream.strided.scatter [tilespmem:s23], [sflag:$0x9], $0x4000, s0, s31, $0x38;
	[tilespmem:$0x1C880] =	vst v63  }
0x2d1: {  	_ =	swait.ge [sflag:s22], $0x4000  }
0x2d2: {  	[sflag:s22] =	ssyncset.done $0x0  }
0x2d3: {  	s9 =	simm.s32 $0x200;
	s8 =	simm.s32 $0x0;
	[sflag:s22] =	ssyncadd.s32 $0xFFFFC000  }
.LBB2_16:
0x2d4: {  	p0 =	sne.s32 s9, $0x3E00;
	v8 =	vld [tilespmem:s8+$0x78F0]  }
0x2d5: {  	v9 =	vld [tilespmem:s8+$0x7880]  }
0x2d6: {  	v10 =	vld [tilespmem:s8+$0x7890]  }
0x2d7: {  	v11 =	vld [tilespmem:s8+$0x78A0]  }
0x2d8: {  	v12 =	vld [tilespmem:s8+$0x78B0]  }
0x2d9: {  	v13 =	vld [tilespmem:s8+$0x78C0];
	v8 =	vadd.f32 v8, v7  }
0x2da: {  	v9 =	vadd.f32 v9, v6;
	v14 =	vld [tilespmem:s8+$0x78D0]  }
0x2db: {  	v10 =	vadd.f32 v10, v5;
	[tilespmem:s8+$0x138F0] =	vst.add.f32.msk $0xffff, v8  }
0x2dc: {  	v11 =	vadd.f32 v11, v4;
	v15 =	vld [tilespmem:s8+$0x78E0]  }
0x2dd: {  	v12 =	vadd.f32 v12, v3;
	[tilespmem:s8+$0x10880] =	vst.add.f32.msk $0xffff, v9  }
0x2de: {  	v13 =	vadd.f32 v13, v2;
	[tilespmem:s8+$0x10890] =	vst.add.f32.msk $0xffff, v10  }
0x2df: {  	v14 =	vadd.f32 v14, v1;
	[tilespmem:s8+$0x108A0] =	vst.add.f32.msk $0xffff, v11  }
0x2e0: {  	[tilespmem:s8+$0x108B0] =	vst.add.f32.msk $0xffff, v12  }
0x2e1: {  	v15 =	vadd.f32 v15, v0;
	[tilespmem:s8+$0x108C0] =	vst.add.f32.msk $0xffff, v13  }
0x2e2: {  	[tilespmem:s8+$0x108D0] =	vst.add.f32.msk $0xffff, v14  }
0x2e3: {  	[tilespmem:s8+$0x108E0] =	vst.add.f32.msk $0xffff, v15  }
0x2e4: {  	[tilespmem:s8+$0x108F0] =	vst.add.f32.msk $0xffff, v8  }
0x2e5: {  	[tilespmem:s8+$0x11880] =	vst.add.f32.msk $0xffff, v9  }
0x2e6: {  	[tilespmem:s8+$0x11890] =	vst.add.f32.msk $0xffff, v10  }
0x2e7: {  	[tilespmem:s8+$0x118A0] =	vst.add.f32.msk $0xffff, v11  }
0x2e8: {  	[tilespmem:s8+$0x118B0] =	vst.add.f32.msk $0xffff, v12  }
0x2e9: {  	[tilespmem:s8+$0x118C0] =	vst.add.f32.msk $0xffff, v13  }
0x2ea: {  	[tilespmem:s8+$0x118D0] =	vst.add.f32.msk $0xffff, v14  }
0x2eb: {  	[tilespmem:s8+$0x118E0] =	vst.add.f32.msk $0xffff, v15  }
0x2ec: {  	[tilespmem:s8+$0x118F0] =	vst.add.f32.msk $0xffff, v8  }
0x2ed: {  	[tilespmem:s8+$0x12880] =	vst.add.f32.msk $0xffff, v9  }
0x2ee: {  	[tilespmem:s8+$0x12890] =	vst.add.f32.msk $0xffff, v10  }
0x2ef: {  	[tilespmem:s8+$0x128A0] =	vst.add.f32.msk $0xffff, v11  }
0x2f0: {  	[tilespmem:s8+$0x128B0] =	vst.add.f32.msk $0xffff, v12  }
0x2f1: {  	[tilespmem:s8+$0x128C0] =	vst.add.f32.msk $0xffff, v13  }
0x2f2: {  	[tilespmem:s8+$0x128D0] =	vst.add.f32.msk $0xffff, v14  }
0x2f3: {  	[tilespmem:s8+$0x128E0] =	vst.add.f32.msk $0xffff, v15  }
0x2f4: {  	[tilespmem:s8+$0x128F0] =	vst.add.f32.msk $0xffff, v8  }
0x2f5: {  	[tilespmem:s8+$0x13880] =	vst.add.f32.msk $0xffff, v9  }
0x2f6: {  	[tilespmem:s8+$0x13890] =	vst.add.f32.msk $0xffff, v10  }
.Ltmp7:
0x2f7: {  	[tilespmem:s8+$0x138A0] =	vst.add.f32.msk $0xffff, v11;
	(pc) =	sbr.rel @p0 .LBB2_16-.Ltmp7, $4  }
0x2f8: {  	[tilespmem:s8+$0x138B0] =	vst.add.f32.msk $0xffff, v12  }
0x2f9: {  	[tilespmem:s8+$0x138C0] =	vst.add.f32.msk $0xffff, v13  }
0x2fa: {  	[tilespmem:s8+$0x138D0] =	vst.add.f32.msk $0xffff, v14  }
0x2fb: {  	[tilespmem:s8+$0x138E0] =	vst.add.f32.msk $0xffff, v15;
	s8 =	sshra.s32 s9, $0x2;
	s9 =	sadd.s32 $0x200, s9  }
0x2fc: {  	v8 =	vld [tilespmem:s8+$0x78F0]  }
0x2fd: {  	v9 =	vld [tilespmem:s8+$0x7880]  }
0x2fe: {  	v10 =	vld [tilespmem:s8+$0x7890]  }
0x2ff: {  	v11 =	vld [tilespmem:s8+$0x78A0]  }
0x300: {  	v12 =	vld [tilespmem:s8+$0x78B0]  }
0x301: {  	v13 =	vld [tilespmem:s8+$0x78C0]  }
0x302: {  	v62 =	vld [tilespmem:s8+$0x78D0];
	v7 =	vadd.f32 v8, v7  }
0x303: {  	v63 =	vld [tilespmem:s8+$0x78E0];
	v6 =	vadd.f32 v9, v6  }
0x304: {  	v5 =	vadd.f32 v10, v5;
	[tilespmem:s8+$0x138F0] =	vst.add.f32.msk $0xffff, v7  }
0x305: {  	v4 =	vadd.f32 v11, v4;
	[tilespmem:s8+$0x10880] =	vst.add.f32.msk $0xffff, v6  }
0x306: {  	v3 =	vadd.f32 v12, v3;
	[tilespmem:s8+$0x10890] =	vst.add.f32.msk $0xffff, v5  }
0x307: {  	v2 =	vadd.f32 v13, v2;
	[tilespmem:s8+$0x108A0] =	vst.add.f32.msk $0xffff, v4  }
0x308: {  	v1 =	vadd.f32 v62, v1;
	[tilespmem:s8+$0x108B0] =	vst.add.f32.msk $0xffff, v3  }
0x309: {  	v0 =	vadd.f32 v63, v0;
	[tilespmem:s8+$0x108C0] =	vst.add.f32.msk $0xffff, v2  }
0x30a: {  	[tilespmem:s8+$0x108D0] =	vst.add.f32.msk $0xffff, v1  }
0x30b: {  	[tilespmem:s8+$0x108E0] =	vst.add.f32.msk $0xffff, v0  }
0x30c: {  	[tilespmem:s8+$0x108F0] =	vst.add.f32.msk $0xffff, v7  }
0x30d: {  	[tilespmem:s8+$0x11880] =	vst.add.f32.msk $0xffff, v6  }
0x30e: {  	[tilespmem:s8+$0x11890] =	vst.add.f32.msk $0xffff, v5  }
0x30f: {  	[tilespmem:s8+$0x118A0] =	vst.add.f32.msk $0xffff, v4  }
0x310: {  	[tilespmem:s8+$0x118B0] =	vst.add.f32.msk $0xffff, v3  }
0x311: {  	[tilespmem:s8+$0x118C0] =	vst.add.f32.msk $0xffff, v2  }
0x312: {  	[tilespmem:s8+$0x118D0] =	vst.add.f32.msk $0xffff, v1  }
0x313: {  	[tilespmem:s8+$0x118E0] =	vst.add.f32.msk $0xffff, v0  }
0x314: {  	[tilespmem:s8+$0x118F0] =	vst.add.f32.msk $0xffff, v7  }
0x315: {  	[tilespmem:s8+$0x12880] =	vst.add.f32.msk $0xffff, v6  }
0x316: {  	[tilespmem:s8+$0x12890] =	vst.add.f32.msk $0xffff, v5  }
0x317: {  	[tilespmem:s8+$0x128A0] =	vst.add.f32.msk $0xffff, v4  }
0x318: {  	[tilespmem:s8+$0x128B0] =	vst.add.f32.msk $0xffff, v3  }
0x319: {  	[tilespmem:s8+$0x128C0] =	vst.add.f32.msk $0xffff, v2  }
0x31a: {  	[tilespmem:s8+$0x128D0] =	vst.add.f32.msk $0xffff, v1  }
0x31b: {  	[tilespmem:s8+$0x128E0] =	vst.add.f32.msk $0xffff, v0  }
0x31c: {  	[tilespmem:s8+$0x128F0] =	vst.add.f32.msk $0xffff, v7  }
0x31d: {  	[tilespmem:s8+$0x13880] =	vst.add.f32.msk $0xffff, v6  }
0x31e: {  	[tilespmem:s8+$0x13890] =	vst.add.f32.msk $0xffff, v5  }
0x31f: {  	[tilespmem:s8+$0x138A0] =	vst.add.f32.msk $0xffff, v4  }
0x320: {  	[tilespmem:s8+$0x138B0] =	vst.add.f32.msk $0xffff, v3  }
0x321: {  	[tilespmem:s8+$0x138C0] =	vst.add.f32.msk $0xffff, v2  }
0x322: {  	[tilespmem:s8+$0x138D0] =	vst.add.f32.msk $0xffff, v1  }
0x323: {  	[tilespmem:s8+$0x138E0] =	vst.add.f32.msk $0xffff, v0  }
0x324: {  	[hbm4b:s14+s31] =	stream.strided.scatter [tilespmem:s25], [sflag:$0xA], $0x4000, s0, s31, $0x38;
	[tilespmem:$0x1C880] =	vst v63  }
0x325: {  	_ =	swait.ge [sflag:s17], $0x4000  }
0x326: {  	[sflag:s17] =	ssyncset.done $0x0  }
0x327: {  	[sflag:s17] =	ssyncadd.s32 $0xFFFFC000  }
0x328: {  	_ =	swait.ge [sflag:s24], $0x4000  }
0x329: {  	[sflag:s24] =	ssyncset.done $0x0  }
0x32a: {  	[sflag:s24] =	ssyncadd.s32 $0xFFFFC000  }
0x32b: {  	_ =	swait.ge [sflag:s20], $0x4000  }
0x32c: {  	[sflag:s20] =	ssyncset.done $0x0  }
0x32d: {  	s6 =	sadd.s32 $0x1, s6;
	[sflag:s20] =	ssyncadd.s32 $0xFFFFC000  }
0x32e: {  	p0 =	sne.s32 s6, s15;
	_ =	swait.ge [sflag:s5], $0x4000  }
.Ltmp8:
0x32f: {  	[sflag:s5] =	ssyncset.done $0x0;
	(pc) =	sbr.rel @p0 .LBB2_1-.Ltmp8, $4  }
0x330: {  	[sflag:s5] =	ssyncadd.s32 $0xFFFFC000  }
0x331: {  	_ =	swait.ge [sflag:s28], $0x4000  }
0x332: {  	[sflag:s28] =	ssyncset.done $0x0  }
0x333: {  	[sflag:s28] =	ssyncadd.s32 $0xFFFFC000  }
0x334: {  	_ =	sfence.sel $0x180000  }
0x335: {  	[bflag:$0x0] =	sbarrier.arrive $0xFFFF  }
0x336: {  	_ =	strace $0x90000047  }
0x337: {  	s0 =	stileid.u32;
	[bflag:$0x2] =	sbarrier.arrive $0xFFFF  }
0x338: {  	p0 =	sne.s32 s0, $0x0;
	s0 =	rddreg [dreg:$0x5]  }
0x339: {  	s0 =	sadd.s32 @!p0 $0x100000, s0  }
0x33a: {  	[sflag:s0] =	ssyncadd.tile.s32 @!p0 $0x1;
	_ =	shalt  }
.Lfunc_end2:
_tile_overlayer_lowered:
.L_overlay_start_2:
0x33b: {  	(tag) =	ssettag $0x2  }
0x33c: {  	s0 =	rddreg [dreg:$0x0];
	s2 =	stileid.u32  }
0x33d: {  	s1 =	rddreg [dreg:$0x1];
	p0 =	sne.s32 s2, $0x0  }
0x33e: {  	s3 =	rddreg [dreg:$0x2];
	[bflag:$0x3] =	sbarrier.arrive $0xFFFF;
	s2 =	simm.s32 @!p0 $0x1C0D  }
0x33f: {  	[timem:s3], [sflag:s2] =	dma.local @!p0 [hbm:s0], s1  }
0x340: {  	s0 =	simm.s32 @!p0 $0xD  }
0x341: {  	_ =	swait.ge @!p0 [sflag:s0], s1  }
0x342: {  	s1 =	ssub.s32 @!p0 $0x0, s1;
	[sflag:s0] =	ssyncset.done @!p0 $0x0  }
0x343: {  	[sflag:s0] =	ssyncadd.s32 @!p0 s1  }
0x344: {  	[bflag:$0x3] =	sbarrier.arrive $0xFFFF  }
0x345: {  	_ =	shalt  }

</sc_bundles>
